<compile_context>
chip_gen: v7x
topology: tpu7x:2x2x1
jax: 0.10.2.dev20260603
libtpu: 0.0.44.dev20260713+nightly
codegen_flags: <defaults>
</compile_context>

<pallas_src>
import functools

import jax
import jax.numpy as jnp
import numpy as np
from jax import lax
from jax.experimental import pallas as pl
from jax.experimental.pallas import tpu as pltpu
from jax.experimental.pallas import tpu_sc as plsc

_VOCAB = 50257
_COMPRESSED = 38697
_M = 100003
_NUM_HEADS = 8
_ORDERS = (2, 3)
_DIM = 16

_B, _S = 4, 4096
_NW = 32
_POS_PER_W = (_B * _S) // _NW
_ROWS_PER_W = _POS_PER_W * 16
_ROW_PAD = _S + 8
_TOK_COPY = _POS_PER_W + 8
_C1 = (1 << 25) % _M
_INV_M = np.float32(1.0) / np.float32(_M)


def _combo_params():
    out = []
    for oi, n in enumerate(_ORDERS):
        rng = np.random.RandomState(42 + n)
        coeffs = rng.randint(1, _M, size=(_NUM_HEADS, n))
        seeds = rng.randint(0, _M, size=(_NUM_HEADS,))
        for h in range(_NUM_HEADS):
            c3 = [0] * (3 - n) + [int(v) for v in coeffs[h]]
            out.append((c3, int(seeds[h])))
    return out


_COMBOS = _combo_params()
_I16 = np.int32(16)


def _hash_vec(xs, c3, seed):
    lo = None
    hi = None
    for c, x in zip(c3, xs):
        if c == 0:
            continue
        a, b = c >> 16, c & 0xFFFF
        t = x * np.int32(b)
        r = t & np.int32(0xFFFF)
        q = lax.shift_right_logical(t, _I16)
        term = q + x if a else q
        lo = r if lo is None else lo + r
        hi = term if hi is None else hi + term
    hi = hi + lax.shift_right_logical(lo, _I16)
    lo = lo & np.int32(0xFFFF)
    lo = lo ^ np.int32(seed & 0xFFFF)
    if seed >> 16:
        hi = hi ^ np.int32(1)
    u = lax.shift_right_logical(hi, np.int32(9))
    v = hi & np.int32(511)
    s = u * np.int32(_C1) + lax.shift_left(v, _I16) + lo
    qe = (s.astype(jnp.float32) * _INV_M).astype(jnp.int32)
    r = s - qe * np.int32(_M)
    r = jnp.where(r < 0, r + np.int32(_M), r)
    return jnp.where(r >= np.int32(_M), r - np.int32(_M), r)


def _sc_body(tok_hbm, h0_hbm, h1_hbm, out_hbm, tok_v, idx0_v, idx1_v,
             buf0_v, buf1_v, pack_v, sem):
    wid = lax.axis_index("s") * np.int32(2) + lax.axis_index("c")
    b = wid // np.int32(8)
    s0 = (wid % np.int32(8)) * np.int32(_POS_PER_W)

    pltpu.sync_copy(tok_hbm.at[pl.ds(b * np.int32(_ROW_PAD) + s0, _TOK_COPY)],
                    tok_v.at[pl.ds(0, _TOK_COPY)])

    def _compress(_, off):
        sl = pl.ds(off, 16)
        x = tok_v[sl]
        tok_v[sl] = jnp.where(x >= np.int32(_COMPRESSED),
                              x - np.int32(_COMPRESSED), x)
        return off + np.int32(16)

    lax.fori_loop(0, (_TOK_COPY + 8) // 16, _compress, np.int32(0))

    iota = lax.iota(jnp.int32, 16)

    def _hash_chunk(_, p0):
        xm2 = plsc.load_gather(tok_v, [iota + p0])
        xm1 = plsc.load_gather(tok_v, [iota + (p0 + np.int32(1))])
        x0 = plsc.load_gather(tok_v, [iota + (p0 + np.int32(2))])
        xs = (xm2, xm1, x0)
        p = p0 + iota
        srow = lax.shift_right_logical(p, np.int32(3))
        colbase = lax.shift_left(p & np.int32(7), np.int32(3))
        for t, (c3, seed) in enumerate(_COMBOS):
            idx_v = idx0_v if t < 8 else idx1_v
            plsc.store_scatter(idx_v, [srow, colbase + np.int32(t & 7)],
                               _hash_vec(xs, c3, seed))
        return p0 + _I16

    lax.fori_loop(0, _POS_PER_W // 16, _hash_chunk, np.int32(0))

    out_base = wid * np.int32(_ROWS_PER_W * _DIM)
    s16 = lax.shift_left(iota & np.int32(7), np.int32(4))

    def _fire(j, slot):
        pltpu.async_copy(h0_hbm.at[idx0_v.at[j]], buf0_v.at[slot], sem)
        pltpu.async_copy(h1_hbm.at[idx1_v.at[j]], buf1_v.at[slot], sem)

    _fire(np.int32(0), np.int32(0))
    _fire(np.int32(1), np.int32(1))

    def _group(_, j):
        slot = j & np.int32(1)
        b0 = buf0_v.at[slot]
        b1 = buf1_v.at[slot]
        pltpu.make_async_copy(h0_hbm.at[idx0_v.at[j]], b0, sem).wait()
        pltpu.make_async_copy(h1_hbm.at[idx1_v.at[j]], b1, sem).wait()
        for h, bh in ((0, b0), (1, b1)):
            for i0 in range(4):
                rows = iota + np.int32(i0 * 16)
                pbase = (lax.shift_left(lax.shift_right_logical(
                    rows, np.int32(3)), np.int32(8))
                    + np.int32(h * 128)
                    + lax.shift_left(rows & np.int32(7), np.int32(4)))
                for d in range(16):
                    vals = plsc.load_gather(bh, [rows, s16 + np.int32(d)])
                    plsc.store_scatter(pack_v, [pbase + np.int32(d)], vals)
        jn = j + np.int32(2)

        @pl.when(jn < np.int32(64))
        def _():
            _fire(jn, slot)

        pltpu.sync_copy(
            pack_v, out_hbm.at[pl.ds(out_base + j * np.int32(2048), 2048)])
        return j + np.int32(1)

    lax.fori_loop(0, 64, _group, np.int32(0))


_sc_lookup = functools.partial(
    pl.kernel,
    out_type=jax.ShapeDtypeStruct((_B * _S * 16 * _DIM,), jnp.float32),
    mesh=plsc.VectorSubcoreMesh(core_axis_name="c", subcore_axis_name="s"),
    scratch_types=[
        pltpu.VMEM((_TOK_COPY + 8,), jnp.int32),
        pltpu.VMEM((64, 64), jnp.int32),
        pltpu.VMEM((64, 64), jnp.int32),
        pltpu.VMEM((2, 64, 128), jnp.float32),
        pltpu.VMEM((2, 64, 128), jnp.float32),
        pltpu.VMEM((2048,), jnp.float32),
        pltpu.SemaphoreType.DMA,
    ],
    compiler_params=pltpu.CompilerParams(needs_layout_passes=False,
                                         use_tc_tiling_on_sc=True),
)(_sc_body)


def kernel(token_ids, tables):
    tok32 = token_ids.astype(jnp.int32)
    tok_pad = jnp.pad(tok32, ((0, 0), (2, _ROW_PAD - _S - 2))).reshape(-1)
    b2 = jnp.transpose(tables, (0, 2, 1)).reshape(
        len(_ORDERS) * _NUM_HEADS * _DIM, _M)
    h0 = b2[:8 * _DIM].T
    h1 = b2[8 * _DIM:].T
    out = _sc_lookup(tok_pad, h0, h1)
    return out.reshape(_B, _S, 16 * _DIM)

# --- scband reference (transcript-rebuilt; emitter-appended) ---
"""Pipeline reference for scband-engram-embedding-72155450573344 (READ-ONLY COPY).

The authoritative reference and input builder live on the scoring server;
editing this copy changes nothing except your own understanding.
"""

import jax
jax.config.update("jax_enable_x64", True)
import jax.numpy as jnp
import numpy as np

VOCAB = 50257
COMPRESSED = 38697
TABLE_SIZE = 100003
NUM_HEADS = 8
ORDERS = [2, 3]
DIM_PER = 16  # embedding_dim 256 / (2 orders * 8 heads)


def _hash_params(n):
    rng = np.random.RandomState(42 + n)
    coeffs = jnp.asarray(rng.randint(1, TABLE_SIZE, size=(NUM_HEADS, n)), dtype=jnp.int64)
    seeds = jnp.asarray(rng.randint(0, TABLE_SIZE, size=(NUM_HEADS,)), dtype=jnp.int64)
    return coeffs, seeds

HASH_PARAMS = {n: _hash_params(n) for n in ORDERS}


def setup_inputs(seed: int = 0):
    key = jax.random.key(seed)
    k1, k2 = jax.random.split(key)
    token_ids = jax.random.randint(k1, (4, 4096), 0, VOCAB, dtype=jnp.int64)
    # 16 embedding tables (one per (order, head)), nn.Embedding default init ~ N(0,1)
    tables = jax.random.normal(k2, (len(ORDERS) * NUM_HEADS, TABLE_SIZE, DIM_PER), dtype=jnp.float32)
    return {"token_ids": token_ids, "tables": tables}


def reference(token_ids, tables):
    # TokenizerCompression: projection[t] = t % compressed_size, applied via gather
    proj = jnp.arange(VOCAB, dtype=jnp.int64) % COMPRESSED
    comp = jnp.take(proj, token_ids, axis=0)
    batch, seq_len = comp.shape
    outs = []
    for oi, n in enumerate(ORDERS):
        coeffs, seeds = HASH_PARAMS[n]
        # suffix n-grams with left zero-padding
        padded = jnp.pad(comp, ((0, 0), (n - 1, 0)), constant_values=0)
        ngrams = jnp.stack([padded[:, i:i + seq_len] for i in range(n)], axis=-1)  # (B, S, n)
        # multiplicative-XOR hash: ((sum_i c_i * x_i) ^ seed) % M
        weighted = (ngrams[:, :, None, :] * coeffs[None, None, :, :]).sum(axis=-1)  # (B, S, H)
        hashed = jnp.bitwise_xor(weighted, seeds[None, None, :]) % TABLE_SIZE
        for k in range(NUM_HEADS):
            head_idx = hashed[:, :, k]
            outs.append(jnp.take(tables[oi * NUM_HEADS + k], head_idx, axis=0))
    return jnp.concatenate(outs, axis=-1)

if __name__ == "__main__":
    import jax
    _d = setup_inputs()
    print(jax.jit(kernel)(*tuple(_d.values())))

</pallas_src>

<mosaic_0001>
#map = affine_map<(d0, d1) -> (0)>
#map1 = affine_map<(d0, d1) -> (0, 0)>
module attributes {stable_mosaic.version = 14 : i64} {
  func.func @_sc_body(%arg0: i32, %arg1: i32, %arg2: memref<16416xi32, #tpu.memory_space<hbm>>, %arg3: memref<100003x128xf32, #tpu.memory_space<hbm>>, %arg4: memref<100003x128xf32, #tpu.memory_space<hbm>>, %arg5: memref<4194304xf32, #tpu.memory_space<hbm>>, %arg6: memref<528xi32, #tpu.memory_space<vmem>>, %arg7: memref<64x64xi32, #tpu.memory_space<vmem>>, %arg8: memref<64x64xi32, #tpu.memory_space<vmem>>, %arg9: memref<2x64x128xf32, #tpu.memory_space<vmem>>, %arg10: memref<2x64x128xf32, #tpu.memory_space<vmem>>, %arg11: memref<2048xf32, #tpu.memory_space<vmem>>, %arg12: memref<!tpu.dma_semaphore, #tpu.memory_space<semaphore_mem>>) attributes {dimension_semantics = [#tpu.dimension_semantics<core_parallel>, #tpu.dimension_semantics<subcore_parallel>], iteration_bounds = array<i64: 2, 16>, scalar_prefetch = 0 : i64, scratch_operands = 7 : i64, tpu.core_type = #tpu.core_type<sc_vector_subcore>, window_params = [{transform_indices = #map}, {transform_indices = #map1}, {transform_indices = #map1}, {transform_indices = #map}]} {
    %mul3A = arith.constant 2 : i32
    %mul3A_0 = arith.muli %arg1, %mul3A : i32
    %add3A = arith.addi %mul3A_0, %arg0 : i32
    %jit3A = arith.constant 8 : i32
    %div3A = arith.divsi %add3A, %jit3A : i32
    %sign3A = arith.constant 0 : i32
    %sign3A_1 = arith.cmpi sgt, %add3A, %sign3A : i32
    %sign3A_2 = arith.extui %sign3A_1 : i1 to i32
    %sign3A_3 = arith.constant 0 : i32
    %sign3A_4 = arith.cmpi slt, %add3A, %sign3A_3 : i32
    %sign3A_5 = arith.extui %sign3A_4 : i1 to i32
    %sign3A_6 = arith.subi %sign3A_2, %sign3A_5 : i32
    %sign3A_7 = arith.constant 0 : i32
    %sign3A_8 = arith.cmpi sgt, %jit3A, %sign3A_7 : i32
    %sign3A_9 = arith.extui %sign3A_8 : i1 to i32
    %sign3A_10 = arith.constant 0 : i32
    %sign3A_11 = arith.cmpi slt, %jit3A, %sign3A_10 : i32
    %sign3A_12 = arith.extui %sign3A_11 : i1 to i32
    %sign3A_13 = arith.subi %sign3A_9, %sign3A_12 : i32
    %ne3A = arith.cmpi ne, %sign3A_6, %sign3A_13 : i32
    %rem3A = arith.remsi %add3A, %jit3A : i32
    %ne3A_14 = arith.constant 0 : i32
    %ne3A_15 = arith.cmpi ne, %rem3A, %ne3A_14 : i32
    %and3A = arith.andi %ne3A, %ne3A_15 : i1
    %sub3A = arith.constant 1 : i32
    %sub3A_16 = arith.subi %div3A, %sub3A : i32
    %select_n3A = arith.select %and3A, %sub3A_16, %div3A : i32
    %jit3A_17 = arith.constant 8 : i32
    %eq3A = arith.constant 0 : i32
    %eq3A_18 = arith.cmpi eq, %jit3A_17, %eq3A : i32
    %jit3A_19 = arith.constant 1 : i32
    %select_n3A_20 = arith.select %eq3A_18, %jit3A_19, %jit3A_17 : i32
    %rem3A_21 = arith.remsi %add3A, %select_n3A_20 : i32
    %ne3A_22 = arith.constant 0 : i32
    %ne3A_23 = arith.cmpi ne, %rem3A_21, %ne3A_22 : i32
    %lt3A = arith.constant 0 : i32
    %lt3A_24 = arith.cmpi slt, %rem3A_21, %lt3A : i32
    %lt3A_25 = arith.constant 0 : i32
    %lt3A_26 = arith.cmpi slt, %select_n3A_20, %lt3A_25 : i32
    %ne3A_27 = arith.xori %lt3A_24, %lt3A_26 : i1
    %and3A_28 = arith.andi %ne3A_27, %ne3A_23 : i1
    %add3A_29 = arith.addi %rem3A_21, %select_n3A_20 : i32
    %select_n3A_30 = arith.select %and3A_28, %add3A_29, %rem3A_21 : i32
    %mul3A_31 = arith.constant 512 : i32
    %mul3A_32 = arith.muli %select_n3A_30, %mul3A_31 : i32
    %mul3A_33 = arith.constant 4104 : i32
    %mul3A_34 = arith.muli %select_n3A, %mul3A_33 : i32
    %add3A_35 = arith.addi %mul3A_34, %mul3A_32 : i32
    "tpu.region"() ({
      %run_scoped3A = tpu.sem_alloc : memref<!tpu.dma_semaphore, #tpu.memory_space<semaphore_mem>>
      %dma_start3A_110 = arith.constant 0 : i32
      %dma_start3A_111 = tpu.memref_slice %arg6[%dma_start3A_110] : memref<528xi32, #tpu.memory_space<vmem>> -> memref<520xi32, #tpu.memory_space<vmem>>
      %dma_start3A_112 = tpu.memref_slice %arg2[%add3A_35] : memref<16416xi32, #tpu.memory_space<hbm>> -> memref<520xi32, #tpu.memory_space<hbm>>
      %dma_start3A_113 = arith.constant 0 : i32
      %dma_start3A_114 = tpu.memref_slice %arg6[%dma_start3A_113] : memref<528xi32, #tpu.memory_space<vmem>> -> memref<520xi32, #tpu.memory_space<vmem>>
      %dma_start3A_115 = tpu.memref_slice %arg2[%add3A_35] : memref<16416xi32, #tpu.memory_space<hbm>> -> memref<520xi32, #tpu.memory_space<hbm>>
      tpu.enqueue_dma source(%dma_start3A_115 : memref<520xi32, #tpu.memory_space<hbm>>) target(%dma_start3A_114 : memref<520xi32, #tpu.memory_space<vmem>>) target_semaphore(%run_scoped3A : memref<!tpu.dma_semaphore, #tpu.memory_space<semaphore_mem>>)
      %dma_wait3A = arith.constant 0 : i32
      %dma_wait3A_116 = tpu.memref_slice %arg6[%dma_wait3A] : memref<528xi32, #tpu.memory_space<vmem>> -> memref<520xi32, #tpu.memory_space<vmem>>
      %dma_wait3A_117 = tpu.memref_slice %arg2[%add3A_35] : memref<16416xi32, #tpu.memory_space<hbm>> -> memref<520xi32, #tpu.memory_space<hbm>>
      %dma_wait3A_118 = arith.constant 0 : i32
      %dma_wait3A_119 = tpu.memref_slice %arg6[%dma_wait3A_118] : memref<528xi32, #tpu.memory_space<vmem>> -> memref<520xi32, #tpu.memory_space<vmem>>
      %dma_wait3A_120 = tpu.memref_slice %arg2[%add3A_35] : memref<16416xi32, #tpu.memory_space<hbm>> -> memref<520xi32, #tpu.memory_space<hbm>>
      tpu.wait_dma2 semaphore(%run_scoped3A : memref<!tpu.dma_semaphore, #tpu.memory_space<semaphore_mem>>) src(%dma_wait3A_120 : memref<520xi32, #tpu.memory_space<hbm>>) dst(%dma_wait3A_119 : memref<520xi32, #tpu.memory_space<vmem>>)
      tpu.yield
    }) : () -> ()
    %scan3A = arith.constant 0 : i32
    %scan3A_36 = arith.constant 0 : i32
    %scan3A_37 = arith.constant 33 : i32
    %scan3A_38 = arith.addi %scan3A_36, %scan3A_37 : i32
    %scan3A_39 = arith.constant 1 : i32
    %scan3A_40 = scf.for %scan3A_110 = %scan3A_36 to %scan3A_38 step %scan3A_39 iter_args(%scan3A_111 = %scan3A) -> (i32)  : i32 {
      %get3A = arith.index_cast %scan3A_111 : i32 to index
      %get3A_112 = tpu.vector_load %arg6[%get3A] {strides = array<i32>} : memref<528xi32, #tpu.memory_space<vmem>>, vector<16xi32>,
      %ge3A = arith.constant 38697 : i32
      %ge3A_113 = vector.broadcast %ge3A : i32 to vector<16xi32>
      %ge3A_114 = arith.cmpi sge, %get3A_112, %ge3A_113 : vector<16xi32>
      %sub3A_115 = arith.constant 38697 : i32
      %sub3A_116 = vector.broadcast %sub3A_115 : i32 to vector<16xi32>
      %sub3A_117 = arith.subi %get3A_112, %sub3A_116 : vector<16xi32>
      %select_n3A_118 = arith.select %ge3A_114, %sub3A_117, %get3A_112 : vector<16xi1>, vector<16xi32>
      %swap3A = arith.index_cast %scan3A_111 : i32 to index
      %swap3A_119 = tpu.vector_load %arg6[%swap3A] {strides = array<i32>} : memref<528xi32, #tpu.memory_space<vmem>>, vector<16xi32>,
      tpu.vector_store %arg6[%swap3A], %select_n3A_118 {strides = array<i32>} : memref<528xi32, #tpu.memory_space<vmem>>, vector<16xi32>,
      %add3A_120 = arith.constant 16 : i32
      %add3A_121 = arith.addi %scan3A_111, %add3A_120 : i32
      scf.yield %add3A_121 : i32
    }
    %scan3A_41 = arith.constant 33 : i32
    %iota3A = tpu.iota {dimensions = array<i32: 0>} : vector<16xi32>
    %scan3A_42 = arith.constant 0 : i32
    %scan3A_43 = arith.constant 0 : i32
    %scan3A_44 = arith.constant 32 : i32
    %scan3A_45 = arith.addi %scan3A_43, %scan3A_44 : i32
    %scan3A_46 = arith.constant 1 : i32
    %scan3A_47 = scf.for %scan3A_110 = %scan3A_43 to %scan3A_45 step %scan3A_46 iter_args(%scan3A_111 = %scan3A_42) -> (i32)  : i32 {
      %add3A_112 = vector.broadcast %scan3A_111 : i32 to vector<16xi32>
      %add3A_113 = arith.addi %iota3A, %add3A_112 : vector<16xi32>
      %gather3A = tpu.vector_load_idx %arg6[%add3A_113] : memref<528xi32, #tpu.memory_space<vmem>>[vector<16xi32>], vector<16xi32>,
      %add3A_114 = arith.constant 1 : i32
      %add3A_115 = arith.addi %scan3A_111, %add3A_114 : i32
      %add3A_116 = vector.broadcast %add3A_115 : i32 to vector<16xi32>
      %add3A_117 = arith.addi %iota3A, %add3A_116 : vector<16xi32>
      %gather3A_118 = tpu.vector_load_idx %arg6[%add3A_117] : memref<528xi32, #tpu.memory_space<vmem>>[vector<16xi32>], vector<16xi32>,
      %add3A_119 = arith.constant 2 : i32
      %add3A_120 = arith.addi %scan3A_111, %add3A_119 : i32
      %add3A_121 = vector.broadcast %add3A_120 : i32 to vector<16xi32>
      %add3A_122 = arith.addi %iota3A, %add3A_121 : vector<16xi32>
      %gather3A_123 = tpu.vector_load_idx %arg6[%add3A_122] : memref<528xi32, #tpu.memory_space<vmem>>[vector<16xi32>], vector<16xi32>,
      %add3A_124 = vector.broadcast %scan3A_111 : i32 to vector<16xi32>
      %add3A_125 = arith.addi %add3A_124, %iota3A : vector<16xi32>
      %shift_right_logical3A = arith.constant 3 : i32
      %shift_right_logical3A_126 = vector.broadcast %shift_right_logical3A : i32 to vector<16xi32>
      %shift_right_logical3A_127 = arith.shrui %add3A_125, %shift_right_logical3A_126 : vector<16xi32>
      %and3A_128 = arith.constant 7 : i32
      %and3A_129 = vector.broadcast %and3A_128 : i32 to vector<16xi32>
      %and3A_130 = arith.andi %add3A_125, %and3A_129 : vector<16xi32>
      %shift_left3A_131 = arith.constant 3 : i32
      %shift_left3A_132 = vector.broadcast %shift_left3A_131 : i32 to vector<16xi32>
      %shift_left3A_133 = arith.shli %and3A_130, %shift_left3A_132 : vector<16xi32>
      %add3A_134 = arith.constant 0 : i32
      %add3A_135 = vector.broadcast %add3A_134 : i32 to vector<16xi32>
      %add3A_136 = arith.addi %shift_left3A_133, %add3A_135 : vector<16xi32>
      %mul3A_137 = arith.constant 14101 : i32
      %mul3A_138 = vector.broadcast %mul3A_137 : i32 to vector<16xi32>
      %mul3A_139 = arith.muli %gather3A_118, %mul3A_138 : vector<16xi32>
      %and3A_140 = arith.constant 65535 : i32
      %and3A_141 = vector.broadcast %and3A_140 : i32 to vector<16xi32>
      %and3A_142 = arith.andi %mul3A_139, %and3A_141 : vector<16xi32>
      %shift_right_logical3A_143 = arith.constant 16 : i32
      %shift_right_logical3A_144 = vector.broadcast %shift_right_logical3A_143 : i32 to vector<16xi32>
      %shift_right_logical3A_145 = arith.shrui %mul3A_139, %shift_right_logical3A_144 : vector<16xi32>
      %mul3A_146 = arith.constant 3492 : i32
      %mul3A_147 = vector.broadcast %mul3A_146 : i32 to vector<16xi32>
      %mul3A_148 = arith.muli %gather3A_123, %mul3A_147 : vector<16xi32>
      %and3A_149 = arith.constant 65535 : i32
      %and3A_150 = vector.broadcast %and3A_149 : i32 to vector<16xi32>
      %and3A_151 = arith.andi %mul3A_148, %and3A_150 : vector<16xi32>
      %shift_right_logical3A_152 = arith.constant 16 : i32
      %shift_right_logical3A_153 = vector.broadcast %shift_right_logical3A_152 : i32 to vector<16xi32>
      %shift_right_logical3A_154 = arith.shrui %mul3A_148, %shift_right_logical3A_153 : vector<16xi32>
      %add3A_155 = arith.addi %shift_right_logical3A_154, %gather3A_123 : vector<16xi32>
      %add3A_156 = arith.addi %and3A_142, %and3A_151 : vector<16xi32>
      %add3A_157 = arith.addi %shift_right_logical3A_145, %add3A_155 : vector<16xi32>
      %shift_right_logical3A_158 = arith.constant 16 : i32
      %shift_right_logical3A_159 = vector.broadcast %shift_right_logical3A_158 : i32 to vector<16xi32>
      %shift_right_logical3A_160 = arith.shrui %add3A_156, %shift_right_logical3A_159 : vector<16xi32>
      %add3A_161 = arith.addi %add3A_157, %shift_right_logical3A_160 : vector<16xi32>
      %and3A_162 = arith.constant 65535 : i32
      %and3A_163 = vector.broadcast %and3A_162 : i32 to vector<16xi32>
      %and3A_164 = arith.andi %add3A_156, %and3A_163 : vector<16xi32>
      %xor3A = arith.constant 23661 : i32
      %xor3A_165 = vector.broadcast %xor3A : i32 to vector<16xi32>
      %xor3A_166 = arith.xori %and3A_164, %xor3A_165 : vector<16xi32>
      %xor3A_167 = arith.constant 1 : i32
      %xor3A_168 = vector.broadcast %xor3A_167 : i32 to vector<16xi32>
      %xor3A_169 = arith.xori %add3A_161, %xor3A_168 : vector<16xi32>
      %shift_right_logical3A_170 = arith.constant 9 : i32
      %shift_right_logical3A_171 = vector.broadcast %shift_right_logical3A_170 : i32 to vector<16xi32>
      %shift_right_logical3A_172 = arith.shrui %xor3A_169, %shift_right_logical3A_171 : vector<16xi32>
      %and3A_173 = arith.constant 511 : i32
      %and3A_174 = vector.broadcast %and3A_173 : i32 to vector<16xi32>
      %and3A_175 = arith.andi %xor3A_169, %and3A_174 : vector<16xi32>
      %mul3A_176 = arith.constant 53427 : i32
      %mul3A_177 = vector.broadcast %mul3A_176 : i32 to vector<16xi32>
      %mul3A_178 = arith.muli %shift_right_logical3A_172, %mul3A_177 : vector<16xi32>
      %shift_left3A_179 = arith.constant 16 : i32
      %shift_left3A_180 = vector.broadcast %shift_left3A_179 : i32 to vector<16xi32>
      %shift_left3A_181 = arith.shli %and3A_175, %shift_left3A_180 : vector<16xi32>
      %add3A_182 = arith.addi %mul3A_178, %shift_left3A_181 : vector<16xi32>
      %add3A_183 = arith.addi %add3A_182, %xor3A_166 : vector<16xi32>
      %convert_element_type3A = arith.sitofp %add3A_183 : vector<16xi32> to vector<16xf32>
      %mul3A_184 = arith.constant 9.999700e-06 : f32
      %mul3A_185 = vector.broadcast %mul3A_184 : f32 to vector<16xf32>
      %mul3A_186 = arith.mulf %convert_element_type3A, %mul3A_185 : vector<16xf32>
      %convert_element_type3A_187 = arith.fptosi %mul3A_186 : vector<16xf32> to vector<16xi32>
      %mul3A_188 = arith.constant 100003 : i32
      %mul3A_189 = vector.broadcast %mul3A_188 : i32 to vector<16xi32>
      %mul3A_190 = arith.muli %convert_element_type3A_187, %mul3A_189 : vector<16xi32>
      %sub3A_191 = arith.subi %add3A_183, %mul3A_190 : vector<16xi32>
      %lt3A_192 = arith.constant 0 : i32
      %lt3A_193 = vector.broadcast %lt3A_192 : i32 to vector<16xi32>
      %lt3A_194 = arith.cmpi slt, %sub3A_191, %lt3A_193 : vector<16xi32>
      %add3A_195 = arith.constant 100003 : i32
      %add3A_196 = vector.broadcast %add3A_195 : i32 to vector<16xi32>
      %add3A_197 = arith.addi %sub3A_191, %add3A_196 : vector<16xi32>
      %select_n3A_198 = arith.select %lt3A_194, %add3A_197, %sub3A_191 : vector<16xi1>, vector<16xi32>
      %ge3A = arith.constant 100003 : i32
      %ge3A_199 = vector.broadcast %ge3A : i32 to vector<16xi32>
      %ge3A_200 = arith.cmpi sge, %select_n3A_198, %ge3A_199 : vector<16xi32>
      %sub3A_201 = arith.constant 100003 : i32
      %sub3A_202 = vector.broadcast %sub3A_201 : i32 to vector<16xi32>
      %sub3A_203 = arith.subi %select_n3A_198, %sub3A_202 : vector<16xi32>
      %select_n3A_204 = arith.select %ge3A_200, %sub3A_203, %select_n3A_198 : vector<16xi1>, vector<16xi32>
      tpu.vector_store_idx %arg7[%shift_right_logical3A_127, %add3A_136], %select_n3A_204 : memref<64x64xi32, #tpu.memory_space<vmem>>[vector<16xi32>, vector<16xi32>], vector<16xi32>,
      %add3A_205 = arith.constant 1 : i32
      %add3A_206 = vector.broadcast %add3A_205 : i32 to vector<16xi32>
      %add3A_207 = arith.addi %shift_left3A_133, %add3A_206 : vector<16xi32>
      %mul3A_208 = arith.constant 25774 : i32
      %mul3A_209 = vector.broadcast %mul3A_208 : i32 to vector<16xi32>
      %mul3A_210 = arith.muli %gather3A_118, %mul3A_209 : vector<16xi32>
      %and3A_211 = arith.constant 65535 : i32
      %and3A_212 = vector.broadcast %and3A_211 : i32 to vector<16xi32>
      %and3A_213 = arith.andi %mul3A_210, %and3A_212 : vector<16xi32>
      %shift_right_logical3A_214 = arith.constant 16 : i32
      %shift_right_logical3A_215 = vector.broadcast %shift_right_logical3A_214 : i32 to vector<16xi32>
      %shift_right_logical3A_216 = arith.shrui %mul3A_210, %shift_right_logical3A_215 : vector<16xi32>
      %mul3A_217 = arith.constant 49724 : i32
      %mul3A_218 = vector.broadcast %mul3A_217 : i32 to vector<16xi32>
      %mul3A_219 = arith.muli %gather3A_123, %mul3A_218 : vector<16xi32>
      %and3A_220 = arith.constant 65535 : i32
      %and3A_221 = vector.broadcast %and3A_220 : i32 to vector<16xi32>
      %and3A_222 = arith.andi %mul3A_219, %and3A_221 : vector<16xi32>
      %shift_right_logical3A_223 = arith.constant 16 : i32
      %shift_right_logical3A_224 = vector.broadcast %shift_right_logical3A_223 : i32 to vector<16xi32>
      %shift_right_logical3A_225 = arith.shrui %mul3A_219, %shift_right_logical3A_224 : vector<16xi32>
      %add3A_226 = arith.addi %and3A_213, %and3A_222 : vector<16xi32>
      %add3A_227 = arith.addi %shift_right_logical3A_216, %shift_right_logical3A_225 : vector<16xi32>
      %shift_right_logical3A_228 = arith.constant 16 : i32
      %shift_right_logical3A_229 = vector.broadcast %shift_right_logical3A_228 : i32 to vector<16xi32>
      %shift_right_logical3A_230 = arith.shrui %add3A_226, %shift_right_logical3A_229 : vector<16xi32>
      %add3A_231 = arith.addi %add3A_227, %shift_right_logical3A_230 : vector<16xi32>
      %and3A_232 = arith.constant 65535 : i32
      %and3A_233 = vector.broadcast %and3A_232 : i32 to vector<16xi32>
      %and3A_234 = arith.andi %add3A_226, %and3A_233 : vector<16xi32>
      %xor3A_235 = arith.constant 7925 : i32
      %xor3A_236 = vector.broadcast %xor3A_235 : i32 to vector<16xi32>
      %xor3A_237 = arith.xori %and3A_234, %xor3A_236 : vector<16xi32>
      %xor3A_238 = arith.constant 1 : i32
      %xor3A_239 = vector.broadcast %xor3A_238 : i32 to vector<16xi32>
      %xor3A_240 = arith.xori %add3A_231, %xor3A_239 : vector<16xi32>
      %shift_right_logical3A_241 = arith.constant 9 : i32
      %shift_right_logical3A_242 = vector.broadcast %shift_right_logical3A_241 : i32 to vector<16xi32>
      %shift_right_logical3A_243 = arith.shrui %xor3A_240, %shift_right_logical3A_242 : vector<16xi32>
      %and3A_244 = arith.constant 511 : i32
      %and3A_245 = vector.broadcast %and3A_244 : i32 to vector<16xi32>
      %and3A_246 = arith.andi %xor3A_240, %and3A_245 : vector<16xi32>
      %mul3A_247 = arith.constant 53427 : i32
      %mul3A_248 = vector.broadcast %mul3A_247 : i32 to vector<16xi32>
      %mul3A_249 = arith.muli %shift_right_logical3A_243, %mul3A_248 : vector<16xi32>
      %shift_left3A_250 = arith.constant 16 : i32
      %shift_left3A_251 = vector.broadcast %shift_left3A_250 : i32 to vector<16xi32>
      %shift_left3A_252 = arith.shli %and3A_246, %shift_left3A_251 : vector<16xi32>
      %add3A_253 = arith.addi %mul3A_249, %shift_left3A_252 : vector<16xi32>
      %add3A_254 = arith.addi %add3A_253, %xor3A_237 : vector<16xi32>
      %convert_element_type3A_255 = arith.sitofp %add3A_254 : vector<16xi32> to vector<16xf32>
      %mul3A_256 = arith.constant 9.999700e-06 : f32
      %mul3A_257 = vector.broadcast %mul3A_256 : f32 to vector<16xf32>
      %mul3A_258 = arith.mulf %convert_element_type3A_255, %mul3A_257 : vector<16xf32>
      %convert_element_type3A_259 = arith.fptosi %mul3A_258 : vector<16xf32> to vector<16xi32>
      %mul3A_260 = arith.constant 100003 : i32
      %mul3A_261 = vector.broadcast %mul3A_260 : i32 to vector<16xi32>
      %mul3A_262 = arith.muli %convert_element_type3A_259, %mul3A_261 : vector<16xi32>
      %sub3A_263 = arith.subi %add3A_254, %mul3A_262 : vector<16xi32>
      %lt3A_264 = arith.constant 0 : i32
      %lt3A_265 = vector.broadcast %lt3A_264 : i32 to vector<16xi32>
      %lt3A_266 = arith.cmpi slt, %sub3A_263, %lt3A_265 : vector<16xi32>
      %add3A_267 = arith.constant 100003 : i32
      %add3A_268 = vector.broadcast %add3A_267 : i32 to vector<16xi32>
      %add3A_269 = arith.addi %sub3A_263, %add3A_268 : vector<16xi32>
      %select_n3A_270 = arith.select %lt3A_266, %add3A_269, %sub3A_263 : vector<16xi1>, vector<16xi32>
      %ge3A_271 = arith.constant 100003 : i32
      %ge3A_272 = vector.broadcast %ge3A_271 : i32 to vector<16xi32>
      %ge3A_273 = arith.cmpi sge, %select_n3A_270, %ge3A_272 : vector<16xi32>
      %sub3A_274 = arith.constant 100003 : i32
      %sub3A_275 = vector.broadcast %sub3A_274 : i32 to vector<16xi32>
      %sub3A_276 = arith.subi %select_n3A_270, %sub3A_275 : vector<16xi32>
      %select_n3A_277 = arith.select %ge3A_273, %sub3A_276, %select_n3A_270 : vector<16xi1>, vector<16xi32>
      tpu.vector_store_idx %arg7[%shift_right_logical3A_127, %add3A_207], %select_n3A_277 : memref<64x64xi32, #tpu.memory_space<vmem>>[vector<16xi32>, vector<16xi32>], vector<16xi32>,
      %add3A_278 = arith.constant 2 : i32
      %add3A_279 = vector.broadcast %add3A_278 : i32 to vector<16xi32>
      %add3A_280 = arith.addi %shift_left3A_133, %add3A_279 : vector<16xi32>
      %mul3A_281 = arith.constant 53124 : i32
      %mul3A_282 = vector.broadcast %mul3A_281 : i32 to vector<16xi32>
      %mul3A_283 = arith.muli %gather3A_118, %mul3A_282 : vector<16xi32>
      %and3A_284 = arith.constant 65535 : i32
      %and3A_285 = vector.broadcast %and3A_284 : i32 to vector<16xi32>
      %and3A_286 = arith.andi %mul3A_283, %and3A_285 : vector<16xi32>
      %shift_right_logical3A_287 = arith.constant 16 : i32
      %shift_right_logical3A_288 = vector.broadcast %shift_right_logical3A_287 : i32 to vector<16xi32>
      %shift_right_logical3A_289 = arith.shrui %mul3A_283, %shift_right_logical3A_288 : vector<16xi32>
      %mul3A_290 = arith.constant 4181 : i32
      %mul3A_291 = vector.broadcast %mul3A_290 : i32 to vector<16xi32>
      %mul3A_292 = arith.muli %gather3A_123, %mul3A_291 : vector<16xi32>
      %and3A_293 = arith.constant 65535 : i32
      %and3A_294 = vector.broadcast %and3A_293 : i32 to vector<16xi32>
      %and3A_295 = arith.andi %mul3A_292, %and3A_294 : vector<16xi32>
      %shift_right_logical3A_296 = arith.constant 16 : i32
      %shift_right_logical3A_297 = vector.broadcast %shift_right_logical3A_296 : i32 to vector<16xi32>
      %shift_right_logical3A_298 = arith.shrui %mul3A_292, %shift_right_logical3A_297 : vector<16xi32>
      %add3A_299 = arith.addi %and3A_286, %and3A_295 : vector<16xi32>
      %add3A_300 = arith.addi %shift_right_logical3A_289, %shift_right_logical3A_298 : vector<16xi32>
      %shift_right_logical3A_301 = arith.constant 16 : i32
      %shift_right_logical3A_302 = vector.broadcast %shift_right_logical3A_301 : i32 to vector<16xi32>
      %shift_right_logical3A_303 = arith.shrui %add3A_299, %shift_right_logical3A_302 : vector<16xi32>
      %add3A_304 = arith.addi %add3A_300, %shift_right_logical3A_303 : vector<16xi32>
      %and3A_305 = arith.constant 65535 : i32
      %and3A_306 = vector.broadcast %and3A_305 : i32 to vector<16xi32>
      %and3A_307 = arith.andi %add3A_299, %and3A_306 : vector<16xi32>
      %xor3A_308 = arith.constant 43620 : i32
      %xor3A_309 = vector.broadcast %xor3A_308 : i32 to vector<16xi32>
      %xor3A_310 = arith.xori %and3A_307, %xor3A_309 : vector<16xi32>
      %shift_right_logical3A_311 = arith.constant 9 : i32
      %shift_right_logical3A_312 = vector.broadcast %shift_right_logical3A_311 : i32 to vector<16xi32>
      %shift_right_logical3A_313 = arith.shrui %add3A_304, %shift_right_logical3A_312 : vector<16xi32>
      %and3A_314 = arith.constant 511 : i32
      %and3A_315 = vector.broadcast %and3A_314 : i32 to vector<16xi32>
      %and3A_316 = arith.andi %add3A_304, %and3A_315 : vector<16xi32>
      %mul3A_317 = arith.constant 53427 : i32
      %mul3A_318 = vector.broadcast %mul3A_317 : i32 to vector<16xi32>
      %mul3A_319 = arith.muli %shift_right_logical3A_313, %mul3A_318 : vector<16xi32>
      %shift_left3A_320 = arith.constant 16 : i32
      %shift_left3A_321 = vector.broadcast %shift_left3A_320 : i32 to vector<16xi32>
      %shift_left3A_322 = arith.shli %and3A_316, %shift_left3A_321 : vector<16xi32>
      %add3A_323 = arith.addi %mul3A_319, %shift_left3A_322 : vector<16xi32>
      %add3A_324 = arith.addi %add3A_323, %xor3A_310 : vector<16xi32>
      %convert_element_type3A_325 = arith.sitofp %add3A_324 : vector<16xi32> to vector<16xf32>
      %mul3A_326 = arith.constant 9.999700e-06 : f32
      %mul3A_327 = vector.broadcast %mul3A_326 : f32 to vector<16xf32>
      %mul3A_328 = arith.mulf %convert_element_type3A_325, %mul3A_327 : vector<16xf32>
      %convert_element_type3A_329 = arith.fptosi %mul3A_328 : vector<16xf32> to vector<16xi32>
      %mul3A_330 = arith.constant 100003 : i32
      %mul3A_331 = vector.broadcast %mul3A_330 : i32 to vector<16xi32>
      %mul3A_332 = arith.muli %convert_element_type3A_329, %mul3A_331 : vector<16xi32>
      %sub3A_333 = arith.subi %add3A_324, %mul3A_332 : vector<16xi32>
      %lt3A_334 = arith.constant 0 : i32
      %lt3A_335 = vector.broadcast %lt3A_334 : i32 to vector<16xi32>
      %lt3A_336 = arith.cmpi slt, %sub3A_333, %lt3A_335 : vector<16xi32>
      %add3A_337 = arith.constant 100003 : i32
      %add3A_338 = vector.broadcast %add3A_337 : i32 to vector<16xi32>
      %add3A_339 = arith.addi %sub3A_333, %add3A_338 : vector<16xi32>
      %select_n3A_340 = arith.select %lt3A_336, %add3A_339, %sub3A_333 : vector<16xi1>, vector<16xi32>
      %ge3A_341 = arith.constant 100003 : i32
      %ge3A_342 = vector.broadcast %ge3A_341 : i32 to vector<16xi32>
      %ge3A_343 = arith.cmpi sge, %select_n3A_340, %ge3A_342 : vector<16xi32>
      %sub3A_344 = arith.constant 100003 : i32
      %sub3A_345 = vector.broadcast %sub3A_344 : i32 to vector<16xi32>
      %sub3A_346 = arith.subi %select_n3A_340, %sub3A_345 : vector<16xi32>
      %select_n3A_347 = arith.select %ge3A_343, %sub3A_346, %select_n3A_340 : vector<16xi1>, vector<16xi32>
      tpu.vector_store_idx %arg7[%shift_right_logical3A_127, %add3A_280], %select_n3A_347 : memref<64x64xi32, #tpu.memory_space<vmem>>[vector<16xi32>, vector<16xi32>], vector<16xi32>,
      %add3A_348 = arith.constant 3 : i32
      %add3A_349 = vector.broadcast %add3A_348 : i32 to vector<16xi32>
      %add3A_350 = arith.addi %shift_left3A_133, %add3A_349 : vector<16xi32>
      %mul3A_351 = arith.constant 19184 : i32
      %mul3A_352 = vector.broadcast %mul3A_351 : i32 to vector<16xi32>
      %mul3A_353 = arith.muli %gather3A_118, %mul3A_352 : vector<16xi32>
      %and3A_354 = arith.constant 65535 : i32
      %and3A_355 = vector.broadcast %and3A_354 : i32 to vector<16xi32>
      %and3A_356 = arith.andi %mul3A_353, %and3A_355 : vector<16xi32>
      %shift_right_logical3A_357 = arith.constant 16 : i32
      %shift_right_logical3A_358 = vector.broadcast %shift_right_logical3A_357 : i32 to vector<16xi32>
      %shift_right_logical3A_359 = arith.shrui %mul3A_353, %shift_right_logical3A_358 : vector<16xi32>
      %add3A_360 = arith.addi %shift_right_logical3A_359, %gather3A_118 : vector<16xi32>
      %mul3A_361 = arith.constant 3051 : i32
      %mul3A_362 = vector.broadcast %mul3A_361 : i32 to vector<16xi32>
      %mul3A_363 = arith.muli %gather3A_123, %mul3A_362 : vector<16xi32>
      %and3A_364 = arith.constant 65535 : i32
      %and3A_365 = vector.broadcast %and3A_364 : i32 to vector<16xi32>
      %and3A_366 = arith.andi %mul3A_363, %and3A_365 : vector<16xi32>
      %shift_right_logical3A_367 = arith.constant 16 : i32
      %shift_right_logical3A_368 = vector.broadcast %shift_right_logical3A_367 : i32 to vector<16xi32>
      %shift_right_logical3A_369 = arith.shrui %mul3A_363, %shift_right_logical3A_368 : vector<16xi32>
      %add3A_370 = arith.addi %shift_right_logical3A_369, %gather3A_123 : vector<16xi32>
      %add3A_371 = arith.addi %and3A_356, %and3A_366 : vector<16xi32>
      %add3A_372 = arith.addi %add3A_360, %add3A_370 : vector<16xi32>
      %shift_right_logical3A_373 = arith.constant 16 : i32
      %shift_right_logical3A_374 = vector.broadcast %shift_right_logical3A_373 : i32 to vector<16xi32>
      %shift_right_logical3A_375 = arith.shrui %add3A_371, %shift_right_logical3A_374 : vector<16xi32>
      %add3A_376 = arith.addi %add3A_372, %shift_right_logical3A_375 : vector<16xi32>
      %and3A_377 = arith.constant 65535 : i32
      %and3A_378 = vector.broadcast %and3A_377 : i32 to vector<16xi32>
      %and3A_379 = arith.andi %add3A_371, %and3A_378 : vector<16xi32>
      %xor3A_380 = arith.constant 37365 : i32
      %xor3A_381 = vector.broadcast %xor3A_380 : i32 to vector<16xi32>
      %xor3A_382 = arith.xori %and3A_379, %xor3A_381 : vector<16xi32>
      %shift_right_logical3A_383 = arith.constant 9 : i32
      %shift_right_logical3A_384 = vector.broadcast %shift_right_logical3A_383 : i32 to vector<16xi32>
      %shift_right_logical3A_385 = arith.shrui %add3A_376, %shift_right_logical3A_384 : vector<16xi32>
      %and3A_386 = arith.constant 511 : i32
      %and3A_387 = vector.broadcast %and3A_386 : i32 to vector<16xi32>
      %and3A_388 = arith.andi %add3A_376, %and3A_387 : vector<16xi32>
      %mul3A_389 = arith.constant 53427 : i32
      %mul3A_390 = vector.broadcast %mul3A_389 : i32 to vector<16xi32>
      %mul3A_391 = arith.muli %shift_right_logical3A_385, %mul3A_390 : vector<16xi32>
      %shift_left3A_392 = arith.constant 16 : i32
      %shift_left3A_393 = vector.broadcast %shift_left3A_392 : i32 to vector<16xi32>
      %shift_left3A_394 = arith.shli %and3A_388, %shift_left3A_393 : vector<16xi32>
      %add3A_395 = arith.addi %mul3A_391, %shift_left3A_394 : vector<16xi32>
      %add3A_396 = arith.addi %add3A_395, %xor3A_382 : vector<16xi32>
      %convert_element_type3A_397 = arith.sitofp %add3A_396 : vector<16xi32> to vector<16xf32>
      %mul3A_398 = arith.constant 9.999700e-06 : f32
      %mul3A_399 = vector.broadcast %mul3A_398 : f32 to vector<16xf32>
      %mul3A_400 = arith.mulf %convert_element_type3A_397, %mul3A_399 : vector<16xf32>
      %convert_element_type3A_401 = arith.fptosi %mul3A_400 : vector<16xf32> to vector<16xi32>
      %mul3A_402 = arith.constant 100003 : i32
      %mul3A_403 = vector.broadcast %mul3A_402 : i32 to vector<16xi32>
      %mul3A_404 = arith.muli %convert_element_type3A_401, %mul3A_403 : vector<16xi32>
      %sub3A_405 = arith.subi %add3A_396, %mul3A_404 : vector<16xi32>
      %lt3A_406 = arith.constant 0 : i32
      %lt3A_407 = vector.broadcast %lt3A_406 : i32 to vector<16xi32>
      %lt3A_408 = arith.cmpi slt, %sub3A_405, %lt3A_407 : vector<16xi32>
      %add3A_409 = arith.constant 100003 : i32
      %add3A_410 = vector.broadcast %add3A_409 : i32 to vector<16xi32>
      %add3A_411 = arith.addi %sub3A_405, %add3A_410 : vector<16xi32>
      %select_n3A_412 = arith.select %lt3A_408, %add3A_411, %sub3A_405 : vector<16xi1>, vector<16xi32>
      %ge3A_413 = arith.constant 100003 : i32
      %ge3A_414 = vector.broadcast %ge3A_413 : i32 to vector<16xi32>
      %ge3A_415 = arith.cmpi sge, %select_n3A_412, %ge3A_414 : vector<16xi32>
      %sub3A_416 = arith.constant 100003 : i32
      %sub3A_417 = vector.broadcast %sub3A_416 : i32 to vector<16xi32>
      %sub3A_418 = arith.subi %select_n3A_412, %sub3A_417 : vector<16xi32>
      %select_n3A_419 = arith.select %ge3A_415, %sub3A_418, %select_n3A_412 : vector<16xi1>, vector<16xi32>
      tpu.vector_store_idx %arg7[%shift_right_logical3A_127, %add3A_350], %select_n3A_419 : memref<64x64xi32, #tpu.memory_space<vmem>>[vector<16xi32>, vector<16xi32>], vector<16xi32>,
      %add3A_420 = arith.constant 4 : i32
      %add3A_421 = vector.broadcast %add3A_420 : i32 to vector<16xi32>
      %add3A_422 = arith.addi %shift_left3A_133, %add3A_421 : vector<16xi32>
      %mul3A_423 = arith.constant 41081 : i32
      %mul3A_424 = vector.broadcast %mul3A_423 : i32 to vector<16xi32>
      %mul3A_425 = arith.muli %gather3A_118, %mul3A_424 : vector<16xi32>
      %and3A_426 = arith.constant 65535 : i32
      %and3A_427 = vector.broadcast %and3A_426 : i32 to vector<16xi32>
      %and3A_428 = arith.andi %mul3A_425, %and3A_427 : vector<16xi32>
      %shift_right_logical3A_429 = arith.constant 16 : i32
      %shift_right_logical3A_430 = vector.broadcast %shift_right_logical3A_429 : i32 to vector<16xi32>
      %shift_right_logical3A_431 = arith.shrui %mul3A_425, %shift_right_logical3A_430 : vector<16xi32>
      %mul3A_432 = arith.constant 48280 : i32
      %mul3A_433 = vector.broadcast %mul3A_432 : i32 to vector<16xi32>
      %mul3A_434 = arith.muli %gather3A_123, %mul3A_433 : vector<16xi32>
      %and3A_435 = arith.constant 65535 : i32
      %and3A_436 = vector.broadcast %and3A_435 : i32 to vector<16xi32>
      %and3A_437 = arith.andi %mul3A_434, %and3A_436 : vector<16xi32>
      %shift_right_logical3A_438 = arith.constant 16 : i32
      %shift_right_logical3A_439 = vector.broadcast %shift_right_logical3A_438 : i32 to vector<16xi32>
      %shift_right_logical3A_440 = arith.shrui %mul3A_434, %shift_right_logical3A_439 : vector<16xi32>
      %add3A_441 = arith.addi %and3A_428, %and3A_437 : vector<16xi32>
      %add3A_442 = arith.addi %shift_right_logical3A_431, %shift_right_logical3A_440 : vector<16xi32>
      %shift_right_logical3A_443 = arith.constant 16 : i32
      %shift_right_logical3A_444 = vector.broadcast %shift_right_logical3A_443 : i32 to vector<16xi32>
      %shift_right_logical3A_445 = arith.shrui %add3A_441, %shift_right_logical3A_444 : vector<16xi32>
      %add3A_446 = arith.addi %add3A_442, %shift_right_logical3A_445 : vector<16xi32>
      %and3A_447 = arith.constant 65535 : i32
      %and3A_448 = vector.broadcast %and3A_447 : i32 to vector<16xi32>
      %and3A_449 = arith.andi %add3A_441, %and3A_448 : vector<16xi32>
      %xor3A_450 = arith.constant 43065 : i32
      %xor3A_451 = vector.broadcast %xor3A_450 : i32 to vector<16xi32>
      %xor3A_452 = arith.xori %and3A_449, %xor3A_451 : vector<16xi32>
      %shift_right_logical3A_453 = arith.constant 9 : i32
      %shift_right_logical3A_454 = vector.broadcast %shift_right_logical3A_453 : i32 to vector<16xi32>
      %shift_right_logical3A_455 = arith.shrui %add3A_446, %shift_right_logical3A_454 : vector<16xi32>
      %and3A_456 = arith.constant 511 : i32
      %and3A_457 = vector.broadcast %and3A_456 : i32 to vector<16xi32>
      %and3A_458 = arith.andi %add3A_446, %and3A_457 : vector<16xi32>
      %mul3A_459 = arith.constant 53427 : i32
      %mul3A_460 = vector.broadcast %mul3A_459 : i32 to vector<16xi32>
      %mul3A_461 = arith.muli %shift_right_logical3A_455, %mul3A_460 : vector<16xi32>
      %shift_left3A_462 = arith.constant 16 : i32
      %shift_left3A_463 = vector.broadcast %shift_left3A_462 : i32 to vector<16xi32>
      %shift_left3A_464 = arith.shli %and3A_458, %shift_left3A_463 : vector<16xi32>
      %add3A_465 = arith.addi %mul3A_461, %shift_left3A_464 : vector<16xi32>
      %add3A_466 = arith.addi %add3A_465, %xor3A_452 : vector<16xi32>
      %convert_element_type3A_467 = arith.sitofp %add3A_466 : vector<16xi32> to vector<16xf32>
      %mul3A_468 = arith.constant 9.999700e-06 : f32
      %mul3A_469 = vector.broadcast %mul3A_468 : f32 to vector<16xf32>
      %mul3A_470 = arith.mulf %convert_element_type3A_467, %mul3A_469 : vector<16xf32>
      %convert_element_type3A_471 = arith.fptosi %mul3A_470 : vector<16xf32> to vector<16xi32>
      %mul3A_472 = arith.constant 100003 : i32
      %mul3A_473 = vector.broadcast %mul3A_472 : i32 to vector<16xi32>
      %mul3A_474 = arith.muli %convert_element_type3A_471, %mul3A_473 : vector<16xi32>
      %sub3A_475 = arith.subi %add3A_466, %mul3A_474 : vector<16xi32>
      %lt3A_476 = arith.constant 0 : i32
      %lt3A_477 = vector.broadcast %lt3A_476 : i32 to vector<16xi32>
      %lt3A_478 = arith.cmpi slt, %sub3A_475, %lt3A_477 : vector<16xi32>
      %add3A_479 = arith.constant 100003 : i32
      %add3A_480 = vector.broadcast %add3A_479 : i32 to vector<16xi32>
      %add3A_481 = arith.addi %sub3A_475, %add3A_480 : vector<16xi32>
      %select_n3A_482 = arith.select %lt3A_478, %add3A_481, %sub3A_475 : vector<16xi1>, vector<16xi32>
      %ge3A_483 = arith.constant 100003 : i32
      %ge3A_484 = vector.broadcast %ge3A_483 : i32 to vector<16xi32>
      %ge3A_485 = arith.cmpi sge, %select_n3A_482, %ge3A_484 : vector<16xi32>
      %sub3A_486 = arith.constant 100003 : i32
      %sub3A_487 = vector.broadcast %sub3A_486 : i32 to vector<16xi32>
      %sub3A_488 = arith.subi %select_n3A_482, %sub3A_487 : vector<16xi32>
      %select_n3A_489 = arith.select %ge3A_485, %sub3A_488, %select_n3A_482 : vector<16xi1>, vector<16xi32>
      tpu.vector_store_idx %arg7[%shift_right_logical3A_127, %add3A_422], %select_n3A_489 : memref<64x64xi32, #tpu.memory_space<vmem>>[vector<16xi32>, vector<16xi32>], vector<16xi32>,
      %add3A_490 = arith.constant 5 : i32
      %add3A_491 = vector.broadcast %add3A_490 : i32 to vector<16xi32>
      %add3A_492 = arith.addi %shift_left3A_133, %add3A_491 : vector<16xi32>
      %mul3A_493 = arith.constant 64407 : i32
      %mul3A_494 = vector.broadcast %mul3A_493 : i32 to vector<16xi32>
      %mul3A_495 = arith.muli %gather3A_118, %mul3A_494 : vector<16xi32>
      %and3A_496 = arith.constant 65535 : i32
      %and3A_497 = vector.broadcast %and3A_496 : i32 to vector<16xi32>
      %and3A_498 = arith.andi %mul3A_495, %and3A_497 : vector<16xi32>
      %shift_right_logical3A_499 = arith.constant 16 : i32
      %shift_right_logical3A_500 = vector.broadcast %shift_right_logical3A_499 : i32 to vector<16xi32>
      %shift_right_logical3A_501 = arith.shrui %mul3A_495, %shift_right_logical3A_500 : vector<16xi32>
      %mul3A_502 = arith.constant 63172 : i32
      %mul3A_503 = vector.broadcast %mul3A_502 : i32 to vector<16xi32>
      %mul3A_504 = arith.muli %gather3A_123, %mul3A_503 : vector<16xi32>
      %and3A_505 = arith.constant 65535 : i32
      %and3A_506 = vector.broadcast %and3A_505 : i32 to vector<16xi32>
      %and3A_507 = arith.andi %mul3A_504, %and3A_506 : vector<16xi32>
      %shift_right_logical3A_508 = arith.constant 16 : i32
      %shift_right_logical3A_509 = vector.broadcast %shift_right_logical3A_508 : i32 to vector<16xi32>
      %shift_right_logical3A_510 = arith.shrui %mul3A_504, %shift_right_logical3A_509 : vector<16xi32>
      %add3A_511 = arith.addi %and3A_498, %and3A_507 : vector<16xi32>
      %add3A_512 = arith.addi %shift_right_logical3A_501, %shift_right_logical3A_510 : vector<16xi32>
      %shift_right_logical3A_513 = arith.constant 16 : i32
      %shift_right_logical3A_514 = vector.broadcast %shift_right_logical3A_513 : i32 to vector<16xi32>
      %shift_right_logical3A_515 = arith.shrui %add3A_511, %shift_right_logical3A_514 : vector<16xi32>
      %add3A_516 = arith.addi %add3A_512, %shift_right_logical3A_515 : vector<16xi32>
      %and3A_517 = arith.constant 65535 : i32
      %and3A_518 = vector.broadcast %and3A_517 : i32 to vector<16xi32>
      %and3A_519 = arith.andi %add3A_511, %and3A_518 : vector<16xi32>
      %xor3A_520 = arith.constant 17422 : i32
      %xor3A_521 = vector.broadcast %xor3A_520 : i32 to vector<16xi32>
      %xor3A_522 = arith.xori %and3A_519, %xor3A_521 : vector<16xi32>
      %xor3A_523 = arith.constant 1 : i32
      %xor3A_524 = vector.broadcast %xor3A_523 : i32 to vector<16xi32>
      %xor3A_525 = arith.xori %add3A_516, %xor3A_524 : vector<16xi32>
      %shift_right_logical3A_526 = arith.constant 9 : i32
      %shift_right_logical3A_527 = vector.broadcast %shift_right_logical3A_526 : i32 to vector<16xi32>
      %shift_right_logical3A_528 = arith.shrui %xor3A_525, %shift_right_logical3A_527 : vector<16xi32>
      %and3A_529 = arith.constant 511 : i32
      %and3A_530 = vector.broadcast %and3A_529 : i32 to vector<16xi32>
      %and3A_531 = arith.andi %xor3A_525, %and3A_530 : vector<16xi32>
      %mul3A_532 = arith.constant 53427 : i32
      %mul3A_533 = vector.broadcast %mul3A_532 : i32 to vector<16xi32>
      %mul3A_534 = arith.muli %shift_right_logical3A_528, %mul3A_533 : vector<16xi32>
      %shift_left3A_535 = arith.constant 16 : i32
      %shift_left3A_536 = vector.broadcast %shift_left3A_535 : i32 to vector<16xi32>
      %shift_left3A_537 = arith.shli %and3A_531, %shift_left3A_536 : vector<16xi32>
      %add3A_538 = arith.addi %mul3A_534, %shift_left3A_537 : vector<16xi32>
      %add3A_539 = arith.addi %add3A_538, %xor3A_522 : vector<16xi32>
      %convert_element_type3A_540 = arith.sitofp %add3A_539 : vector<16xi32> to vector<16xf32>
      %mul3A_541 = arith.constant 9.999700e-06 : f32
      %mul3A_542 = vector.broadcast %mul3A_541 : f32 to vector<16xf32>
      %mul3A_543 = arith.mulf %convert_element_type3A_540, %mul3A_542 : vector<16xf32>
      %convert_element_type3A_544 = arith.fptosi %mul3A_543 : vector<16xf32> to vector<16xi32>
      %mul3A_545 = arith.constant 100003 : i32
      %mul3A_546 = vector.broadcast %mul3A_545 : i32 to vector<16xi32>
      %mul3A_547 = arith.muli %convert_element_type3A_544, %mul3A_546 : vector<16xi32>
      %sub3A_548 = arith.subi %add3A_539, %mul3A_547 : vector<16xi32>
      %lt3A_549 = arith.constant 0 : i32
      %lt3A_550 = vector.broadcast %lt3A_549 : i32 to vector<16xi32>
      %lt3A_551 = arith.cmpi slt, %sub3A_548, %lt3A_550 : vector<16xi32>
      %add3A_552 = arith.constant 100003 : i32
      %add3A_553 = vector.broadcast %add3A_552 : i32 to vector<16xi32>
      %add3A_554 = arith.addi %sub3A_548, %add3A_553 : vector<16xi32>
      %select_n3A_555 = arith.select %lt3A_551, %add3A_554, %sub3A_548 : vector<16xi1>, vector<16xi32>
      %ge3A_556 = arith.constant 100003 : i32
      %ge3A_557 = vector.broadcast %ge3A_556 : i32 to vector<16xi32>
      %ge3A_558 = arith.cmpi sge, %select_n3A_555, %ge3A_557 : vector<16xi32>
      %sub3A_559 = arith.constant 100003 : i32
      %sub3A_560 = vector.broadcast %sub3A_559 : i32 to vector<16xi32>
      %sub3A_561 = arith.subi %select_n3A_555, %sub3A_560 : vector<16xi32>
      %select_n3A_562 = arith.select %ge3A_558, %sub3A_561, %select_n3A_555 : vector<16xi1>, vector<16xi32>
      tpu.vector_store_idx %arg7[%shift_right_logical3A_127, %add3A_492], %select_n3A_562 : memref<64x64xi32, #tpu.memory_space<vmem>>[vector<16xi32>, vector<16xi32>], vector<16xi32>,
      %add3A_563 = arith.constant 6 : i32
      %add3A_564 = vector.broadcast %add3A_563 : i32 to vector<16xi32>
      %add3A_565 = arith.addi %shift_left3A_133, %add3A_564 : vector<16xi32>
      %mul3A_566 = arith.constant 11976 : i32
      %mul3A_567 = vector.broadcast %mul3A_566 : i32 to vector<16xi32>
      %mul3A_568 = arith.muli %gather3A_118, %mul3A_567 : vector<16xi32>
      %and3A_569 = arith.constant 65535 : i32
      %and3A_570 = vector.broadcast %and3A_569 : i32 to vector<16xi32>
      %and3A_571 = arith.andi %mul3A_568, %and3A_570 : vector<16xi32>
      %shift_right_logical3A_572 = arith.constant 16 : i32
      %shift_right_logical3A_573 = vector.broadcast %shift_right_logical3A_572 : i32 to vector<16xi32>
      %shift_right_logical3A_574 = arith.shrui %mul3A_568, %shift_right_logical3A_573 : vector<16xi32>
      %mul3A_575 = arith.constant 16964 : i32
      %mul3A_576 = vector.broadcast %mul3A_575 : i32 to vector<16xi32>
      %mul3A_577 = arith.muli %gather3A_123, %mul3A_576 : vector<16xi32>
      %and3A_578 = arith.constant 65535 : i32
      %and3A_579 = vector.broadcast %and3A_578 : i32 to vector<16xi32>
      %and3A_580 = arith.andi %mul3A_577, %and3A_579 : vector<16xi32>
      %shift_right_logical3A_581 = arith.constant 16 : i32
      %shift_right_logical3A_582 = vector.broadcast %shift_right_logical3A_581 : i32 to vector<16xi32>
      %shift_right_logical3A_583 = arith.shrui %mul3A_577, %shift_right_logical3A_582 : vector<16xi32>
      %add3A_584 = arith.addi %and3A_571, %and3A_580 : vector<16xi32>
      %add3A_585 = arith.addi %shift_right_logical3A_574, %shift_right_logical3A_583 : vector<16xi32>
      %shift_right_logical3A_586 = arith.constant 16 : i32
      %shift_right_logical3A_587 = vector.broadcast %shift_right_logical3A_586 : i32 to vector<16xi32>
      %shift_right_logical3A_588 = arith.shrui %add3A_584, %shift_right_logical3A_587 : vector<16xi32>
      %add3A_589 = arith.addi %add3A_585, %shift_right_logical3A_588 : vector<16xi32>
      %and3A_590 = arith.constant 65535 : i32
      %and3A_591 = vector.broadcast %and3A_590 : i32 to vector<16xi32>
      %and3A_592 = arith.andi %add3A_584, %and3A_591 : vector<16xi32>
      %xor3A_593 = arith.constant 14456 : i32
      %xor3A_594 = vector.broadcast %xor3A_593 : i32 to vector<16xi32>
      %xor3A_595 = arith.xori %and3A_592, %xor3A_594 : vector<16xi32>
      %shift_right_logical3A_596 = arith.constant 9 : i32
      %shift_right_logical3A_597 = vector.broadcast %shift_right_logical3A_596 : i32 to vector<16xi32>
      %shift_right_logical3A_598 = arith.shrui %add3A_589, %shift_right_logical3A_597 : vector<16xi32>
      %and3A_599 = arith.constant 511 : i32
      %and3A_600 = vector.broadcast %and3A_599 : i32 to vector<16xi32>
      %and3A_601 = arith.andi %add3A_589, %and3A_600 : vector<16xi32>
      %mul3A_602 = arith.constant 53427 : i32
      %mul3A_603 = vector.broadcast %mul3A_602 : i32 to vector<16xi32>
      %mul3A_604 = arith.muli %shift_right_logical3A_598, %mul3A_603 : vector<16xi32>
      %shift_left3A_605 = arith.constant 16 : i32
      %shift_left3A_606 = vector.broadcast %shift_left3A_605 : i32 to vector<16xi32>
      %shift_left3A_607 = arith.shli %and3A_601, %shift_left3A_606 : vector<16xi32>
      %add3A_608 = arith.addi %mul3A_604, %shift_left3A_607 : vector<16xi32>
      %add3A_609 = arith.addi %add3A_608, %xor3A_595 : vector<16xi32>
      %convert_element_type3A_610 = arith.sitofp %add3A_609 : vector<16xi32> to vector<16xf32>
      %mul3A_611 = arith.constant 9.999700e-06 : f32
      %mul3A_612 = vector.broadcast %mul3A_611 : f32 to vector<16xf32>
      %mul3A_613 = arith.mulf %convert_element_type3A_610, %mul3A_612 : vector<16xf32>
      %convert_element_type3A_614 = arith.fptosi %mul3A_613 : vector<16xf32> to vector<16xi32>
      %mul3A_615 = arith.constant 100003 : i32
      %mul3A_616 = vector.broadcast %mul3A_615 : i32 to vector<16xi32>
      %mul3A_617 = arith.muli %convert_element_type3A_614, %mul3A_616 : vector<16xi32>
      %sub3A_618 = arith.subi %add3A_609, %mul3A_617 : vector<16xi32>
      %lt3A_619 = arith.constant 0 : i32
      %lt3A_620 = vector.broadcast %lt3A_619 : i32 to vector<16xi32>
      %lt3A_621 = arith.cmpi slt, %sub3A_618, %lt3A_620 : vector<16xi32>
      %add3A_622 = arith.constant 100003 : i32
      %add3A_623 = vector.broadcast %add3A_622 : i32 to vector<16xi32>
      %add3A_624 = arith.addi %sub3A_618, %add3A_623 : vector<16xi32>
      %select_n3A_625 = arith.select %lt3A_621, %add3A_624, %sub3A_618 : vector<16xi1>, vector<16xi32>
      %ge3A_626 = arith.constant 100003 : i32
      %ge3A_627 = vector.broadcast %ge3A_626 : i32 to vector<16xi32>
      %ge3A_628 = arith.cmpi sge, %select_n3A_625, %ge3A_627 : vector<16xi32>
      %sub3A_629 = arith.constant 100003 : i32
      %sub3A_630 = vector.broadcast %sub3A_629 : i32 to vector<16xi32>
      %sub3A_631 = arith.subi %select_n3A_625, %sub3A_630 : vector<16xi32>
      %select_n3A_632 = arith.select %ge3A_628, %sub3A_631, %select_n3A_625 : vector<16xi1>, vector<16xi32>
      tpu.vector_store_idx %arg7[%shift_right_logical3A_127, %add3A_565], %select_n3A_632 : memref<64x64xi32, #tpu.memory_space<vmem>>[vector<16xi32>, vector<16xi32>], vector<16xi32>,
      %add3A_633 = arith.constant 7 : i32
      %add3A_634 = vector.broadcast %add3A_633 : i32 to vector<16xi32>
      %add3A_635 = arith.addi %shift_left3A_133, %add3A_634 : vector<16xi32>
      %mul3A_636 = arith.constant 18660 : i32
      %mul3A_637 = vector.broadcast %mul3A_636 : i32 to vector<16xi32>
      %mul3A_638 = arith.muli %gather3A_118, %mul3A_637 : vector<16xi32>
      %and3A_639 = arith.constant 65535 : i32
      %and3A_640 = vector.broadcast %and3A_639 : i32 to vector<16xi32>
      %and3A_641 = arith.andi %mul3A_638, %and3A_640 : vector<16xi32>
      %shift_right_logical3A_642 = arith.constant 16 : i32
      %shift_right_logical3A_643 = vector.broadcast %shift_right_logical3A_642 : i32 to vector<16xi32>
      %shift_right_logical3A_644 = arith.shrui %mul3A_638, %shift_right_logical3A_643 : vector<16xi32>
      %add3A_645 = arith.addi %shift_right_logical3A_644, %gather3A_118 : vector<16xi32>
      %mul3A_646 = arith.constant 3047 : i32
      %mul3A_647 = vector.broadcast %mul3A_646 : i32 to vector<16xi32>
      %mul3A_648 = arith.muli %gather3A_123, %mul3A_647 : vector<16xi32>
      %and3A_649 = arith.constant 65535 : i32
      %and3A_650 = vector.broadcast %and3A_649 : i32 to vector<16xi32>
      %and3A_651 = arith.andi %mul3A_648, %and3A_650 : vector<16xi32>
      %shift_right_logical3A_652 = arith.constant 16 : i32
      %shift_right_logical3A_653 = vector.broadcast %shift_right_logical3A_652 : i32 to vector<16xi32>
      %shift_right_logical3A_654 = arith.shrui %mul3A_648, %shift_right_logical3A_653 : vector<16xi32>
      %add3A_655 = arith.addi %shift_right_logical3A_654, %gather3A_123 : vector<16xi32>
      %add3A_656 = arith.addi %and3A_641, %and3A_651 : vector<16xi32>
      %add3A_657 = arith.addi %add3A_645, %add3A_655 : vector<16xi32>
      %shift_right_logical3A_658 = arith.constant 16 : i32
      %shift_right_logical3A_659 = vector.broadcast %shift_right_logical3A_658 : i32 to vector<16xi32>
      %shift_right_logical3A_660 = arith.shrui %add3A_656, %shift_right_logical3A_659 : vector<16xi32>
      %add3A_661 = arith.addi %add3A_657, %shift_right_logical3A_660 : vector<16xi32>
      %and3A_662 = arith.constant 65535 : i32
      %and3A_663 = vector.broadcast %and3A_662 : i32 to vector<16xi32>
      %and3A_664 = arith.andi %add3A_656, %and3A_663 : vector<16xi32>
      %xor3A_665 = arith.constant 58276 : i32
      %xor3A_666 = vector.broadcast %xor3A_665 : i32 to vector<16xi32>
      %xor3A_667 = arith.xori %and3A_664, %xor3A_666 : vector<16xi32>
      %shift_right_logical3A_668 = arith.constant 9 : i32
      %shift_right_logical3A_669 = vector.broadcast %shift_right_logical3A_668 : i32 to vector<16xi32>
      %shift_right_logical3A_670 = arith.shrui %add3A_661, %shift_right_logical3A_669 : vector<16xi32>
      %and3A_671 = arith.constant 511 : i32
      %and3A_672 = vector.broadcast %and3A_671 : i32 to vector<16xi32>
      %and3A_673 = arith.andi %add3A_661, %and3A_672 : vector<16xi32>
      %mul3A_674 = arith.constant 53427 : i32
      %mul3A_675 = vector.broadcast %mul3A_674 : i32 to vector<16xi32>
      %mul3A_676 = arith.muli %shift_right_logical3A_670, %mul3A_675 : vector<16xi32>
      %shift_left3A_677 = arith.constant 16 : i32
      %shift_left3A_678 = vector.broadcast %shift_left3A_677 : i32 to vector<16xi32>
      %shift_left3A_679 = arith.shli %and3A_673, %shift_left3A_678 : vector<16xi32>
      %add3A_680 = arith.addi %mul3A_676, %shift_left3A_679 : vector<16xi32>
      %add3A_681 = arith.addi %add3A_680, %xor3A_667 : vector<16xi32>
      %convert_element_type3A_682 = arith.sitofp %add3A_681 : vector<16xi32> to vector<16xf32>
      %mul3A_683 = arith.constant 9.999700e-06 : f32
      %mul3A_684 = vector.broadcast %mul3A_683 : f32 to vector<16xf32>
      %mul3A_685 = arith.mulf %convert_element_type3A_682, %mul3A_684 : vector<16xf32>
      %convert_element_type3A_686 = arith.fptosi %mul3A_685 : vector<16xf32> to vector<16xi32>
      %mul3A_687 = arith.constant 100003 : i32
      %mul3A_688 = vector.broadcast %mul3A_687 : i32 to vector<16xi32>
      %mul3A_689 = arith.muli %convert_element_type3A_686, %mul3A_688 : vector<16xi32>
      %sub3A_690 = arith.subi %add3A_681, %mul3A_689 : vector<16xi32>
      %lt3A_691 = arith.constant 0 : i32
      %lt3A_692 = vector.broadcast %lt3A_691 : i32 to vector<16xi32>
      %lt3A_693 = arith.cmpi slt, %sub3A_690, %lt3A_692 : vector<16xi32>
      %add3A_694 = arith.constant 100003 : i32
      %add3A_695 = vector.broadcast %add3A_694 : i32 to vector<16xi32>
      %add3A_696 = arith.addi %sub3A_690, %add3A_695 : vector<16xi32>
      %select_n3A_697 = arith.select %lt3A_693, %add3A_696, %sub3A_690 : vector<16xi1>, vector<16xi32>
      %ge3A_698 = arith.constant 100003 : i32
      %ge3A_699 = vector.broadcast %ge3A_698 : i32 to vector<16xi32>
      %ge3A_700 = arith.cmpi sge, %select_n3A_697, %ge3A_699 : vector<16xi32>
      %sub3A_701 = arith.constant 100003 : i32
      %sub3A_702 = vector.broadcast %sub3A_701 : i32 to vector<16xi32>
      %sub3A_703 = arith.subi %select_n3A_697, %sub3A_702 : vector<16xi32>
      %select_n3A_704 = arith.select %ge3A_700, %sub3A_703, %select_n3A_697 : vector<16xi1>, vector<16xi32>
      tpu.vector_store_idx %arg7[%shift_right_logical3A_127, %add3A_635], %select_n3A_704 : memref<64x64xi32, #tpu.memory_space<vmem>>[vector<16xi32>, vector<16xi32>], vector<16xi32>,
      %add3A_705 = arith.constant 0 : i32
      %add3A_706 = vector.broadcast %add3A_705 : i32 to vector<16xi32>
      %add3A_707 = arith.addi %shift_left3A_133, %add3A_706 : vector<16xi32>
      %mul3A_708 = arith.constant 6559 : i32
      %mul3A_709 = vector.broadcast %mul3A_708 : i32 to vector<16xi32>
      %mul3A_710 = arith.muli %gather3A, %mul3A_709 : vector<16xi32>
      %and3A_711 = arith.constant 65535 : i32
      %and3A_712 = vector.broadcast %and3A_711 : i32 to vector<16xi32>
      %and3A_713 = arith.andi %mul3A_710, %and3A_712 : vector<16xi32>
      %shift_right_logical3A_714 = arith.constant 16 : i32
      %shift_right_logical3A_715 = vector.broadcast %shift_right_logical3A_714 : i32 to vector<16xi32>
      %shift_right_logical3A_716 = arith.shrui %mul3A_710, %shift_right_logical3A_715 : vector<16xi32>
      %mul3A_717 = arith.constant 63108 : i32
      %mul3A_718 = vector.broadcast %mul3A_717 : i32 to vector<16xi32>
      %mul3A_719 = arith.muli %gather3A_118, %mul3A_718 : vector<16xi32>
      %and3A_720 = arith.constant 65535 : i32
      %and3A_721 = vector.broadcast %and3A_720 : i32 to vector<16xi32>
      %and3A_722 = arith.andi %mul3A_719, %and3A_721 : vector<16xi32>
      %shift_right_logical3A_723 = arith.constant 16 : i32
      %shift_right_logical3A_724 = vector.broadcast %shift_right_logical3A_723 : i32 to vector<16xi32>
      %shift_right_logical3A_725 = arith.shrui %mul3A_719, %shift_right_logical3A_724 : vector<16xi32>
      %add3A_726 = arith.addi %and3A_713, %and3A_722 : vector<16xi32>
      %add3A_727 = arith.addi %shift_right_logical3A_716, %shift_right_logical3A_725 : vector<16xi32>
      %mul3A_728 = arith.constant 6013 : i32
      %mul3A_729 = vector.broadcast %mul3A_728 : i32 to vector<16xi32>
      %mul3A_730 = arith.muli %gather3A_123, %mul3A_729 : vector<16xi32>
      %and3A_731 = arith.constant 65535 : i32
      %and3A_732 = vector.broadcast %and3A_731 : i32 to vector<16xi32>
      %and3A_733 = arith.andi %mul3A_730, %and3A_732 : vector<16xi32>
      %shift_right_logical3A_734 = arith.constant 16 : i32
      %shift_right_logical3A_735 = vector.broadcast %shift_right_logical3A_734 : i32 to vector<16xi32>
      %shift_right_logical3A_736 = arith.shrui %mul3A_730, %shift_right_logical3A_735 : vector<16xi32>
      %add3A_737 = arith.addi %add3A_726, %and3A_733 : vector<16xi32>
      %add3A_738 = arith.addi %add3A_727, %shift_right_logical3A_736 : vector<16xi32>
      %shift_right_logical3A_739 = arith.constant 16 : i32
      %shift_right_logical3A_740 = vector.broadcast %shift_right_logical3A_739 : i32 to vector<16xi32>
      %shift_right_logical3A_741 = arith.shrui %add3A_737, %shift_right_logical3A_740 : vector<16xi32>
      %add3A_742 = arith.addi %add3A_738, %shift_right_logical3A_741 : vector<16xi32>
      %and3A_743 = arith.constant 65535 : i32
      %and3A_744 = vector.broadcast %and3A_743 : i32 to vector<16xi32>
      %and3A_745 = arith.andi %add3A_737, %and3A_744 : vector<16xi32>
      %xor3A_746 = arith.constant 35998 : i32
      %xor3A_747 = vector.broadcast %xor3A_746 : i32 to vector<16xi32>
      %xor3A_748 = arith.xori %and3A_745, %xor3A_747 : vector<16xi32>
      %shift_right_logical3A_749 = arith.constant 9 : i32
      %shift_right_logical3A_750 = vector.broadcast %shift_right_logical3A_749 : i32 to vector<16xi32>
      %shift_right_logical3A_751 = arith.shrui %add3A_742, %shift_right_logical3A_750 : vector<16xi32>
      %and3A_752 = arith.constant 511 : i32
      %and3A_753 = vector.broadcast %and3A_752 : i32 to vector<16xi32>
      %and3A_754 = arith.andi %add3A_742, %and3A_753 : vector<16xi32>
      %mul3A_755 = arith.constant 53427 : i32
      %mul3A_756 = vector.broadcast %mul3A_755 : i32 to vector<16xi32>
      %mul3A_757 = arith.muli %shift_right_logical3A_751, %mul3A_756 : vector<16xi32>
      %shift_left3A_758 = arith.constant 16 : i32
      %shift_left3A_759 = vector.broadcast %shift_left3A_758 : i32 to vector<16xi32>
      %shift_left3A_760 = arith.shli %and3A_754, %shift_left3A_759 : vector<16xi32>
      %add3A_761 = arith.addi %mul3A_757, %shift_left3A_760 : vector<16xi32>
      %add3A_762 = arith.addi %add3A_761, %xor3A_748 : vector<16xi32>
      %convert_element_type3A_763 = arith.sitofp %add3A_762 : vector<16xi32> to vector<16xf32>
      %mul3A_764 = arith.constant 9.999700e-06 : f32
      %mul3A_765 = vector.broadcast %mul3A_764 : f32 to vector<16xf32>
      %mul3A_766 = arith.mulf %convert_element_type3A_763, %mul3A_765 : vector<16xf32>
      %convert_element_type3A_767 = arith.fptosi %mul3A_766 : vector<16xf32> to vector<16xi32>
      %mul3A_768 = arith.constant 100003 : i32
      %mul3A_769 = vector.broadcast %mul3A_768 : i32 to vector<16xi32>
      %mul3A_770 = arith.muli %convert_element_type3A_767, %mul3A_769 : vector<16xi32>
      %sub3A_771 = arith.subi %add3A_762, %mul3A_770 : vector<16xi32>
      %lt3A_772 = arith.constant 0 : i32
      %lt3A_773 = vector.broadcast %lt3A_772 : i32 to vector<16xi32>
      %lt3A_774 = arith.cmpi slt, %sub3A_771, %lt3A_773 : vector<16xi32>
      %add3A_775 = arith.constant 100003 : i32
      %add3A_776 = vector.broadcast %add3A_775 : i32 to vector<16xi32>
      %add3A_777 = arith.addi %sub3A_771, %add3A_776 : vector<16xi32>
      %select_n3A_778 = arith.select %lt3A_774, %add3A_777, %sub3A_771 : vector<16xi1>, vector<16xi32>
      %ge3A_779 = arith.constant 100003 : i32
      %ge3A_780 = vector.broadcast %ge3A_779 : i32 to vector<16xi32>
      %ge3A_781 = arith.cmpi sge, %select_n3A_778, %ge3A_780 : vector<16xi32>
      %sub3A_782 = arith.constant 100003 : i32
      %sub3A_783 = vector.broadcast %sub3A_782 : i32 to vector<16xi32>
      %sub3A_784 = arith.subi %select_n3A_778, %sub3A_783 : vector<16xi32>
      %select_n3A_785 = arith.select %ge3A_781, %sub3A_784, %select_n3A_778 : vector<16xi1>, vector<16xi32>
      tpu.vector_store_idx %arg8[%shift_right_logical3A_127, %add3A_707], %select_n3A_785 : memref<64x64xi32, #tpu.memory_space<vmem>>[vector<16xi32>, vector<16xi32>], vector<16xi32>,
      %add3A_786 = arith.constant 1 : i32
      %add3A_787 = vector.broadcast %add3A_786 : i32 to vector<16xi32>
      %add3A_788 = arith.addi %shift_left3A_133, %add3A_787 : vector<16xi32>
      %mul3A_789 = arith.constant 60961 : i32
      %mul3A_790 = vector.broadcast %mul3A_789 : i32 to vector<16xi32>
      %mul3A_791 = arith.muli %gather3A, %mul3A_790 : vector<16xi32>
      %and3A_792 = arith.constant 65535 : i32
      %and3A_793 = vector.broadcast %and3A_792 : i32 to vector<16xi32>
      %and3A_794 = arith.andi %mul3A_791, %and3A_793 : vector<16xi32>
      %shift_right_logical3A_795 = arith.constant 16 : i32
      %shift_right_logical3A_796 = vector.broadcast %shift_right_logical3A_795 : i32 to vector<16xi32>
      %shift_right_logical3A_797 = arith.shrui %mul3A_791, %shift_right_logical3A_796 : vector<16xi32>
      %mul3A_798 = arith.constant 12896 : i32
      %mul3A_799 = vector.broadcast %mul3A_798 : i32 to vector<16xi32>
      %mul3A_800 = arith.muli %gather3A_118, %mul3A_799 : vector<16xi32>
      %and3A_801 = arith.constant 65535 : i32
      %and3A_802 = vector.broadcast %and3A_801 : i32 to vector<16xi32>
      %and3A_803 = arith.andi %mul3A_800, %and3A_802 : vector<16xi32>
      %shift_right_logical3A_804 = arith.constant 16 : i32
      %shift_right_logical3A_805 = vector.broadcast %shift_right_logical3A_804 : i32 to vector<16xi32>
      %shift_right_logical3A_806 = arith.shrui %mul3A_800, %shift_right_logical3A_805 : vector<16xi32>
      %add3A_807 = arith.addi %and3A_794, %and3A_803 : vector<16xi32>
      %add3A_808 = arith.addi %shift_right_logical3A_797, %shift_right_logical3A_806 : vector<16xi32>
      %mul3A_809 = arith.constant 16318 : i32
      %mul3A_810 = vector.broadcast %mul3A_809 : i32 to vector<16xi32>
      %mul3A_811 = arith.muli %gather3A_123, %mul3A_810 : vector<16xi32>
      %and3A_812 = arith.constant 65535 : i32
      %and3A_813 = vector.broadcast %and3A_812 : i32 to vector<16xi32>
      %and3A_814 = arith.andi %mul3A_811, %and3A_813 : vector<16xi32>
      %shift_right_logical3A_815 = arith.constant 16 : i32
      %shift_right_logical3A_816 = vector.broadcast %shift_right_logical3A_815 : i32 to vector<16xi32>
      %shift_right_logical3A_817 = arith.shrui %mul3A_811, %shift_right_logical3A_816 : vector<16xi32>
      %add3A_818 = arith.addi %shift_right_logical3A_817, %gather3A_123 : vector<16xi32>
      %add3A_819 = arith.addi %add3A_807, %and3A_814 : vector<16xi32>
      %add3A_820 = arith.addi %add3A_808, %add3A_818 : vector<16xi32>
      %shift_right_logical3A_821 = arith.constant 16 : i32
      %shift_right_logical3A_822 = vector.broadcast %shift_right_logical3A_821 : i32 to vector<16xi32>
      %shift_right_logical3A_823 = arith.shrui %add3A_819, %shift_right_logical3A_822 : vector<16xi32>
      %add3A_824 = arith.addi %add3A_820, %shift_right_logical3A_823 : vector<16xi32>
      %and3A_825 = arith.constant 65535 : i32
      %and3A_826 = vector.broadcast %and3A_825 : i32 to vector<16xi32>
      %and3A_827 = arith.andi %add3A_819, %and3A_826 : vector<16xi32>
      %xor3A_828 = arith.constant 12088 : i32
      %xor3A_829 = vector.broadcast %xor3A_828 : i32 to vector<16xi32>
      %xor3A_830 = arith.xori %and3A_827, %xor3A_829 : vector<16xi32>
      %shift_right_logical3A_831 = arith.constant 9 : i32
      %shift_right_logical3A_832 = vector.broadcast %shift_right_logical3A_831 : i32 to vector<16xi32>
      %shift_right_logical3A_833 = arith.shrui %add3A_824, %shift_right_logical3A_832 : vector<16xi32>
      %and3A_834 = arith.constant 511 : i32
      %and3A_835 = vector.broadcast %and3A_834 : i32 to vector<16xi32>
      %and3A_836 = arith.andi %add3A_824, %and3A_835 : vector<16xi32>
      %mul3A_837 = arith.constant 53427 : i32
      %mul3A_838 = vector.broadcast %mul3A_837 : i32 to vector<16xi32>
      %mul3A_839 = arith.muli %shift_right_logical3A_833, %mul3A_838 : vector<16xi32>
      %shift_left3A_840 = arith.constant 16 : i32
      %shift_left3A_841 = vector.broadcast %shift_left3A_840 : i32 to vector<16xi32>
      %shift_left3A_842 = arith.shli %and3A_836, %shift_left3A_841 : vector<16xi32>
      %add3A_843 = arith.addi %mul3A_839, %shift_left3A_842 : vector<16xi32>
      %add3A_844 = arith.addi %add3A_843, %xor3A_830 : vector<16xi32>
      %convert_element_type3A_845 = arith.sitofp %add3A_844 : vector<16xi32> to vector<16xf32>
      %mul3A_846 = arith.constant 9.999700e-06 : f32
      %mul3A_847 = vector.broadcast %mul3A_846 : f32 to vector<16xf32>
      %mul3A_848 = arith.mulf %convert_element_type3A_845, %mul3A_847 : vector<16xf32>
      %convert_element_type3A_849 = arith.fptosi %mul3A_848 : vector<16xf32> to vector<16xi32>
      %mul3A_850 = arith.constant 100003 : i32
      %mul3A_851 = vector.broadcast %mul3A_850 : i32 to vector<16xi32>
      %mul3A_852 = arith.muli %convert_element_type3A_849, %mul3A_851 : vector<16xi32>
      %sub3A_853 = arith.subi %add3A_844, %mul3A_852 : vector<16xi32>
      %lt3A_854 = arith.constant 0 : i32
      %lt3A_855 = vector.broadcast %lt3A_854 : i32 to vector<16xi32>
      %lt3A_856 = arith.cmpi slt, %sub3A_853, %lt3A_855 : vector<16xi32>
      %add3A_857 = arith.constant 100003 : i32
      %add3A_858 = vector.broadcast %add3A_857 : i32 to vector<16xi32>
      %add3A_859 = arith.addi %sub3A_853, %add3A_858 : vector<16xi32>
      %select_n3A_860 = arith.select %lt3A_856, %add3A_859, %sub3A_853 : vector<16xi1>, vector<16xi32>
      %ge3A_861 = arith.constant 100003 : i32
      %ge3A_862 = vector.broadcast %ge3A_861 : i32 to vector<16xi32>
      %ge3A_863 = arith.cmpi sge, %select_n3A_860, %ge3A_862 : vector<16xi32>
      %sub3A_864 = arith.constant 100003 : i32
      %sub3A_865 = vector.broadcast %sub3A_864 : i32 to vector<16xi32>
      %sub3A_866 = arith.subi %select_n3A_860, %sub3A_865 : vector<16xi32>
      %select_n3A_867 = arith.select %ge3A_863, %sub3A_866, %select_n3A_860 : vector<16xi1>, vector<16xi32>
      tpu.vector_store_idx %arg8[%shift_right_logical3A_127, %add3A_788], %select_n3A_867 : memref<64x64xi32, #tpu.memory_space<vmem>>[vector<16xi32>, vector<16xi32>], vector<16xi32>,
      %add3A_868 = arith.constant 2 : i32
      %add3A_869 = vector.broadcast %add3A_868 : i32 to vector<16xi32>
      %add3A_870 = arith.addi %shift_left3A_133, %add3A_869 : vector<16xi32>
      %mul3A_871 = arith.constant 32470 : i32
      %mul3A_872 = vector.broadcast %mul3A_871 : i32 to vector<16xi32>
      %mul3A_873 = arith.muli %gather3A, %mul3A_872 : vector<16xi32>
      %and3A_874 = arith.constant 65535 : i32
      %and3A_875 = vector.broadcast %and3A_874 : i32 to vector<16xi32>
      %and3A_876 = arith.andi %mul3A_873, %and3A_875 : vector<16xi32>
      %shift_right_logical3A_877 = arith.constant 16 : i32
      %shift_right_logical3A_878 = vector.broadcast %shift_right_logical3A_877 : i32 to vector<16xi32>
      %shift_right_logical3A_879 = arith.shrui %mul3A_873, %shift_right_logical3A_878 : vector<16xi32>
      %mul3A_880 = arith.constant 49316 : i32
      %mul3A_881 = vector.broadcast %mul3A_880 : i32 to vector<16xi32>
      %mul3A_882 = arith.muli %gather3A_118, %mul3A_881 : vector<16xi32>
      %and3A_883 = arith.constant 65535 : i32
      %and3A_884 = vector.broadcast %and3A_883 : i32 to vector<16xi32>
      %and3A_885 = arith.andi %mul3A_882, %and3A_884 : vector<16xi32>
      %shift_right_logical3A_886 = arith.constant 16 : i32
      %shift_right_logical3A_887 = vector.broadcast %shift_right_logical3A_886 : i32 to vector<16xi32>
      %shift_right_logical3A_888 = arith.shrui %mul3A_882, %shift_right_logical3A_887 : vector<16xi32>
      %add3A_889 = arith.addi %and3A_876, %and3A_885 : vector<16xi32>
      %add3A_890 = arith.addi %shift_right_logical3A_879, %shift_right_logical3A_888 : vector<16xi32>
      %mul3A_891 = arith.constant 36473 : i32
      %mul3A_892 = vector.broadcast %mul3A_891 : i32 to vector<16xi32>
      %mul3A_893 = arith.muli %gather3A_123, %mul3A_892 : vector<16xi32>
      %and3A_894 = arith.constant 65535 : i32
      %and3A_895 = vector.broadcast %and3A_894 : i32 to vector<16xi32>
      %and3A_896 = arith.andi %mul3A_893, %and3A_895 : vector<16xi32>
      %shift_right_logical3A_897 = arith.constant 16 : i32
      %shift_right_logical3A_898 = vector.broadcast %shift_right_logical3A_897 : i32 to vector<16xi32>
      %shift_right_logical3A_899 = arith.shrui %mul3A_893, %shift_right_logical3A_898 : vector<16xi32>
      %add3A_900 = arith.addi %add3A_889, %and3A_896 : vector<16xi32>
      %add3A_901 = arith.addi %add3A_890, %shift_right_logical3A_899 : vector<16xi32>
      %shift_right_logical3A_902 = arith.constant 16 : i32
      %shift_right_logical3A_903 = vector.broadcast %shift_right_logical3A_902 : i32 to vector<16xi32>
      %shift_right_logical3A_904 = arith.shrui %add3A_900, %shift_right_logical3A_903 : vector<16xi32>
      %add3A_905 = arith.addi %add3A_901, %shift_right_logical3A_904 : vector<16xi32>
      %and3A_906 = arith.constant 65535 : i32
      %and3A_907 = vector.broadcast %and3A_906 : i32 to vector<16xi32>
      %and3A_908 = arith.andi %add3A_900, %and3A_907 : vector<16xi32>
      %xor3A_909 = arith.constant 41450 : i32
      %xor3A_910 = vector.broadcast %xor3A_909 : i32 to vector<16xi32>
      %xor3A_911 = arith.xori %and3A_908, %xor3A_910 : vector<16xi32>
      %shift_right_logical3A_912 = arith.constant 9 : i32
      %shift_right_logical3A_913 = vector.broadcast %shift_right_logical3A_912 : i32 to vector<16xi32>
      %shift_right_logical3A_914 = arith.shrui %add3A_905, %shift_right_logical3A_913 : vector<16xi32>
      %and3A_915 = arith.constant 511 : i32
      %and3A_916 = vector.broadcast %and3A_915 : i32 to vector<16xi32>
      %and3A_917 = arith.andi %add3A_905, %and3A_916 : vector<16xi32>
      %mul3A_918 = arith.constant 53427 : i32
      %mul3A_919 = vector.broadcast %mul3A_918 : i32 to vector<16xi32>
      %mul3A_920 = arith.muli %shift_right_logical3A_914, %mul3A_919 : vector<16xi32>
      %shift_left3A_921 = arith.constant 16 : i32
      %shift_left3A_922 = vector.broadcast %shift_left3A_921 : i32 to vector<16xi32>
      %shift_left3A_923 = arith.shli %and3A_917, %shift_left3A_922 : vector<16xi32>
      %add3A_924 = arith.addi %mul3A_920, %shift_left3A_923 : vector<16xi32>
      %add3A_925 = arith.addi %add3A_924, %xor3A_911 : vector<16xi32>
      %convert_element_type3A_926 = arith.sitofp %add3A_925 : vector<16xi32> to vector<16xf32>
      %mul3A_927 = arith.constant 9.999700e-06 : f32
      %mul3A_928 = vector.broadcast %mul3A_927 : f32 to vector<16xf32>
      %mul3A_929 = arith.mulf %convert_element_type3A_926, %mul3A_928 : vector<16xf32>
      %convert_element_type3A_930 = arith.fptosi %mul3A_929 : vector<16xf32> to vector<16xi32>
      %mul3A_931 = arith.constant 100003 : i32
      %mul3A_932 = vector.broadcast %mul3A_931 : i32 to vector<16xi32>
      %mul3A_933 = arith.muli %convert_element_type3A_930, %mul3A_932 : vector<16xi32>
      %sub3A_934 = arith.subi %add3A_925, %mul3A_933 : vector<16xi32>
      %lt3A_935 = arith.constant 0 : i32
      %lt3A_936 = vector.broadcast %lt3A_935 : i32 to vector<16xi32>
      %lt3A_937 = arith.cmpi slt, %sub3A_934, %lt3A_936 : vector<16xi32>
      %add3A_938 = arith.constant 100003 : i32
      %add3A_939 = vector.broadcast %add3A_938 : i32 to vector<16xi32>
      %add3A_940 = arith.addi %sub3A_934, %add3A_939 : vector<16xi32>
      %select_n3A_941 = arith.select %lt3A_937, %add3A_940, %sub3A_934 : vector<16xi1>, vector<16xi32>
      %ge3A_942 = arith.constant 100003 : i32
      %ge3A_943 = vector.broadcast %ge3A_942 : i32 to vector<16xi32>
      %ge3A_944 = arith.cmpi sge, %select_n3A_941, %ge3A_943 : vector<16xi32>
      %sub3A_945 = arith.constant 100003 : i32
      %sub3A_946 = vector.broadcast %sub3A_945 : i32 to vector<16xi32>
      %sub3A_947 = arith.subi %select_n3A_941, %sub3A_946 : vector<16xi32>
      %select_n3A_948 = arith.select %ge3A_944, %sub3A_947, %select_n3A_941 : vector<16xi1>, vector<16xi32>
      tpu.vector_store_idx %arg8[%shift_right_logical3A_127, %add3A_870], %select_n3A_948 : memref<64x64xi32, #tpu.memory_space<vmem>>[vector<16xi32>, vector<16xi32>], vector<16xi32>,
      %add3A_949 = arith.constant 3 : i32
      %add3A_950 = vector.broadcast %add3A_949 : i32 to vector<16xi32>
      %add3A_951 = arith.addi %shift_left3A_133, %add3A_950 : vector<16xi32>
      %mul3A_952 = arith.constant 49730 : i32
      %mul3A_953 = vector.broadcast %mul3A_952 : i32 to vector<16xi32>
      %mul3A_954 = arith.muli %gather3A, %mul3A_953 : vector<16xi32>
      %and3A_955 = arith.constant 65535 : i32
      %and3A_956 = vector.broadcast %and3A_955 : i32 to vector<16xi32>
      %and3A_957 = arith.andi %mul3A_954, %and3A_956 : vector<16xi32>
      %shift_right_logical3A_958 = arith.constant 16 : i32
      %shift_right_logical3A_959 = vector.broadcast %shift_right_logical3A_958 : i32 to vector<16xi32>
      %shift_right_logical3A_960 = arith.shrui %mul3A_954, %shift_right_logical3A_959 : vector<16xi32>
      %mul3A_961 = arith.constant 46390 : i32
      %mul3A_962 = vector.broadcast %mul3A_961 : i32 to vector<16xi32>
      %mul3A_963 = arith.muli %gather3A_118, %mul3A_962 : vector<16xi32>
      %and3A_964 = arith.constant 65535 : i32
      %and3A_965 = vector.broadcast %and3A_964 : i32 to vector<16xi32>
      %and3A_966 = arith.andi %mul3A_963, %and3A_965 : vector<16xi32>
      %shift_right_logical3A_967 = arith.constant 16 : i32
      %shift_right_logical3A_968 = vector.broadcast %shift_right_logical3A_967 : i32 to vector<16xi32>
      %shift_right_logical3A_969 = arith.shrui %mul3A_963, %shift_right_logical3A_968 : vector<16xi32>
      %add3A_970 = arith.addi %and3A_957, %and3A_966 : vector<16xi32>
      %add3A_971 = arith.addi %shift_right_logical3A_960, %shift_right_logical3A_969 : vector<16xi32>
      %mul3A_972 = arith.constant 62010 : i32
      %mul3A_973 = vector.broadcast %mul3A_972 : i32 to vector<16xi32>
      %mul3A_974 = arith.muli %gather3A_123, %mul3A_973 : vector<16xi32>
      %and3A_975 = arith.constant 65535 : i32
      %and3A_976 = vector.broadcast %and3A_975 : i32 to vector<16xi32>
      %and3A_977 = arith.andi %mul3A_974, %and3A_976 : vector<16xi32>
      %shift_right_logical3A_978 = arith.constant 16 : i32
      %shift_right_logical3A_979 = vector.broadcast %shift_right_logical3A_978 : i32 to vector<16xi32>
      %shift_right_logical3A_980 = arith.shrui %mul3A_974, %shift_right_logical3A_979 : vector<16xi32>
      %add3A_981 = arith.addi %add3A_970, %and3A_977 : vector<16xi32>
      %add3A_982 = arith.addi %add3A_971, %shift_right_logical3A_980 : vector<16xi32>
      %shift_right_logical3A_983 = arith.constant 16 : i32
      %shift_right_logical3A_984 = vector.broadcast %shift_right_logical3A_983 : i32 to vector<16xi32>
      %shift_right_logical3A_985 = arith.shrui %add3A_981, %shift_right_logical3A_984 : vector<16xi32>
      %add3A_986 = arith.addi %add3A_982, %shift_right_logical3A_985 : vector<16xi32>
      %and3A_987 = arith.constant 65535 : i32
      %and3A_988 = vector.broadcast %and3A_987 : i32 to vector<16xi32>
      %and3A_989 = arith.andi %add3A_981, %and3A_988 : vector<16xi32>
      %xor3A_990 = arith.constant 56356 : i32
      %xor3A_991 = vector.broadcast %xor3A_990 : i32 to vector<16xi32>
      %xor3A_992 = arith.xori %and3A_989, %xor3A_991 : vector<16xi32>
      %shift_right_logical3A_993 = arith.constant 9 : i32
      %shift_right_logical3A_994 = vector.broadcast %shift_right_logical3A_993 : i32 to vector<16xi32>
      %shift_right_logical3A_995 = arith.shrui %add3A_986, %shift_right_logical3A_994 : vector<16xi32>
      %and3A_996 = arith.constant 511 : i32
      %and3A_997 = vector.broadcast %and3A_996 : i32 to vector<16xi32>
      %and3A_998 = arith.andi %add3A_986, %and3A_997 : vector<16xi32>
      %mul3A_999 = arith.constant 53427 : i32
      %mul3A_1000 = vector.broadcast %mul3A_999 : i32 to vector<16xi32>
      %mul3A_1001 = arith.muli %shift_right_logical3A_995, %mul3A_1000 : vector<16xi32>
      %shift_left3A_1002 = arith.constant 16 : i32
      %shift_left3A_1003 = vector.broadcast %shift_left3A_1002 : i32 to vector<16xi32>
      %shift_left3A_1004 = arith.shli %and3A_998, %shift_left3A_1003 : vector<16xi32>
      %add3A_1005 = arith.addi %mul3A_1001, %shift_left3A_1004 : vector<16xi32>
      %add3A_1006 = arith.addi %add3A_1005, %xor3A_992 : vector<16xi32>
      %convert_element_type3A_1007 = arith.sitofp %add3A_1006 : vector<16xi32> to vector<16xf32>
      %mul3A_1008 = arith.constant 9.999700e-06 : f32
      %mul3A_1009 = vector.broadcast %mul3A_1008 : f32 to vector<16xf32>
      %mul3A_1010 = arith.mulf %convert_element_type3A_1007, %mul3A_1009 : vector<16xf32>
      %convert_element_type3A_1011 = arith.fptosi %mul3A_1010 : vector<16xf32> to vector<16xi32>
      %mul3A_1012 = arith.constant 100003 : i32
      %mul3A_1013 = vector.broadcast %mul3A_1012 : i32 to vector<16xi32>
      %mul3A_1014 = arith.muli %convert_element_type3A_1011, %mul3A_1013 : vector<16xi32>
      %sub3A_1015 = arith.subi %add3A_1006, %mul3A_1014 : vector<16xi32>
      %lt3A_1016 = arith.constant 0 : i32
      %lt3A_1017 = vector.broadcast %lt3A_1016 : i32 to vector<16xi32>
      %lt3A_1018 = arith.cmpi slt, %sub3A_1015, %lt3A_1017 : vector<16xi32>
      %add3A_1019 = arith.constant 100003 : i32
      %add3A_1020 = vector.broadcast %add3A_1019 : i32 to vector<16xi32>
      %add3A_1021 = arith.addi %sub3A_1015, %add3A_1020 : vector<16xi32>
      %select_n3A_1022 = arith.select %lt3A_1018, %add3A_1021, %sub3A_1015 : vector<16xi1>, vector<16xi32>
      %ge3A_1023 = arith.constant 100003 : i32
      %ge3A_1024 = vector.broadcast %ge3A_1023 : i32 to vector<16xi32>
      %ge3A_1025 = arith.cmpi sge, %select_n3A_1022, %ge3A_1024 : vector<16xi32>
      %sub3A_1026 = arith.constant 100003 : i32
      %sub3A_1027 = vector.broadcast %sub3A_1026 : i32 to vector<16xi32>
      %sub3A_1028 = arith.subi %select_n3A_1022, %sub3A_1027 : vector<16xi32>
      %select_n3A_1029 = arith.select %ge3A_1025, %sub3A_1028, %select_n3A_1022 : vector<16xi1>, vector<16xi32>
      tpu.vector_store_idx %arg8[%shift_right_logical3A_127, %add3A_951], %select_n3A_1029 : memref<64x64xi32, #tpu.memory_space<vmem>>[vector<16xi32>, vector<16xi32>], vector<16xi32>,
      %add3A_1030 = arith.constant 4 : i32
      %add3A_1031 = vector.broadcast %add3A_1030 : i32 to vector<16xi32>
      %add3A_1032 = arith.addi %shift_left3A_133, %add3A_1031 : vector<16xi32>
      %mul3A_1033 = arith.constant 8055 : i32
      %mul3A_1034 = vector.broadcast %mul3A_1033 : i32 to vector<16xi32>
      %mul3A_1035 = arith.muli %gather3A, %mul3A_1034 : vector<16xi32>
      %and3A_1036 = arith.constant 65535 : i32
      %and3A_1037 = vector.broadcast %and3A_1036 : i32 to vector<16xi32>
      %and3A_1038 = arith.andi %mul3A_1035, %and3A_1037 : vector<16xi32>
      %shift_right_logical3A_1039 = arith.constant 16 : i32
      %shift_right_logical3A_1040 = vector.broadcast %shift_right_logical3A_1039 : i32 to vector<16xi32>
      %shift_right_logical3A_1041 = arith.shrui %mul3A_1035, %shift_right_logical3A_1040 : vector<16xi32>
      %add3A_1042 = arith.addi %shift_right_logical3A_1041, %gather3A : vector<16xi32>
      %mul3A_1043 = arith.constant 48585 : i32
      %mul3A_1044 = vector.broadcast %mul3A_1043 : i32 to vector<16xi32>
      %mul3A_1045 = arith.muli %gather3A_118, %mul3A_1044 : vector<16xi32>
      %and3A_1046 = arith.constant 65535 : i32
      %and3A_1047 = vector.broadcast %and3A_1046 : i32 to vector<16xi32>
      %and3A_1048 = arith.andi %mul3A_1045, %and3A_1047 : vector<16xi32>
      %shift_right_logical3A_1049 = arith.constant 16 : i32
      %shift_right_logical3A_1050 = vector.broadcast %shift_right_logical3A_1049 : i32 to vector<16xi32>
      %shift_right_logical3A_1051 = arith.shrui %mul3A_1045, %shift_right_logical3A_1050 : vector<16xi32>
      %add3A_1052 = arith.addi %and3A_1038, %and3A_1048 : vector<16xi32>
      %add3A_1053 = arith.addi %add3A_1042, %shift_right_logical3A_1051 : vector<16xi32>
      %mul3A_1054 = arith.constant 48943 : i32
      %mul3A_1055 = vector.broadcast %mul3A_1054 : i32 to vector<16xi32>
      %mul3A_1056 = arith.muli %gather3A_123, %mul3A_1055 : vector<16xi32>
      %and3A_1057 = arith.constant 65535 : i32
      %and3A_1058 = vector.broadcast %and3A_1057 : i32 to vector<16xi32>
      %and3A_1059 = arith.andi %mul3A_1056, %and3A_1058 : vector<16xi32>
      %shift_right_logical3A_1060 = arith.constant 16 : i32
      %shift_right_logical3A_1061 = vector.broadcast %shift_right_logical3A_1060 : i32 to vector<16xi32>
      %shift_right_logical3A_1062 = arith.shrui %mul3A_1056, %shift_right_logical3A_1061 : vector<16xi32>
      %add3A_1063 = arith.addi %add3A_1052, %and3A_1059 : vector<16xi32>
      %add3A_1064 = arith.addi %add3A_1053, %shift_right_logical3A_1062 : vector<16xi32>
      %shift_right_logical3A_1065 = arith.constant 16 : i32
      %shift_right_logical3A_1066 = vector.broadcast %shift_right_logical3A_1065 : i32 to vector<16xi32>
      %shift_right_logical3A_1067 = arith.shrui %add3A_1063, %shift_right_logical3A_1066 : vector<16xi32>
      %add3A_1068 = arith.addi %add3A_1064, %shift_right_logical3A_1067 : vector<16xi32>
      %and3A_1069 = arith.constant 65535 : i32
      %and3A_1070 = vector.broadcast %and3A_1069 : i32 to vector<16xi32>
      %and3A_1071 = arith.andi %add3A_1063, %and3A_1070 : vector<16xi32>
      %xor3A_1072 = arith.constant 62239 : i32
      %xor3A_1073 = vector.broadcast %xor3A_1072 : i32 to vector<16xi32>
      %xor3A_1074 = arith.xori %and3A_1071, %xor3A_1073 : vector<16xi32>
      %shift_right_logical3A_1075 = arith.constant 9 : i32
      %shift_right_logical3A_1076 = vector.broadcast %shift_right_logical3A_1075 : i32 to vector<16xi32>
      %shift_right_logical3A_1077 = arith.shrui %add3A_1068, %shift_right_logical3A_1076 : vector<16xi32>
      %and3A_1078 = arith.constant 511 : i32
      %and3A_1079 = vector.broadcast %and3A_1078 : i32 to vector<16xi32>
      %and3A_1080 = arith.andi %add3A_1068, %and3A_1079 : vector<16xi32>
      %mul3A_1081 = arith.constant 53427 : i32
      %mul3A_1082 = vector.broadcast %mul3A_1081 : i32 to vector<16xi32>
      %mul3A_1083 = arith.muli %shift_right_logical3A_1077, %mul3A_1082 : vector<16xi32>
      %shift_left3A_1084 = arith.constant 16 : i32
      %shift_left3A_1085 = vector.broadcast %shift_left3A_1084 : i32 to vector<16xi32>
      %shift_left3A_1086 = arith.shli %and3A_1080, %shift_left3A_1085 : vector<16xi32>
      %add3A_1087 = arith.addi %mul3A_1083, %shift_left3A_1086 : vector<16xi32>
      %add3A_1088 = arith.addi %add3A_1087, %xor3A_1074 : vector<16xi32>
      %convert_element_type3A_1089 = arith.sitofp %add3A_1088 : vector<16xi32> to vector<16xf32>
      %mul3A_1090 = arith.constant 9.999700e-06 : f32
      %mul3A_1091 = vector.broadcast %mul3A_1090 : f32 to vector<16xf32>
      %mul3A_1092 = arith.mulf %convert_element_type3A_1089, %mul3A_1091 : vector<16xf32>
      %convert_element_type3A_1093 = arith.fptosi %mul3A_1092 : vector<16xf32> to vector<16xi32>
      %mul3A_1094 = arith.constant 100003 : i32
      %mul3A_1095 = vector.broadcast %mul3A_1094 : i32 to vector<16xi32>
      %mul3A_1096 = arith.muli %convert_element_type3A_1093, %mul3A_1095 : vector<16xi32>
      %sub3A_1097 = arith.subi %add3A_1088, %mul3A_1096 : vector<16xi32>
      %lt3A_1098 = arith.constant 0 : i32
      %lt3A_1099 = vector.broadcast %lt3A_1098 : i32 to vector<16xi32>
      %lt3A_1100 = arith.cmpi slt, %sub3A_1097, %lt3A_1099 : vector<16xi32>
      %add3A_1101 = arith.constant 100003 : i32
      %add3A_1102 = vector.broadcast %add3A_1101 : i32 to vector<16xi32>
      %add3A_1103 = arith.addi %sub3A_1097, %add3A_1102 : vector<16xi32>
      %select_n3A_1104 = arith.select %lt3A_1100, %add3A_1103, %sub3A_1097 : vector<16xi1>, vector<16xi32>
      %ge3A_1105 = arith.constant 100003 : i32
      %ge3A_1106 = vector.broadcast %ge3A_1105 : i32 to vector<16xi32>
      %ge3A_1107 = arith.cmpi sge, %select_n3A_1104, %ge3A_1106 : vector<16xi32>
      %sub3A_1108 = arith.constant 100003 : i32
      %sub3A_1109 = vector.broadcast %sub3A_1108 : i32 to vector<16xi32>
      %sub3A_1110 = arith.subi %select_n3A_1104, %sub3A_1109 : vector<16xi32>
      %select_n3A_1111 = arith.select %ge3A_1107, %sub3A_1110, %select_n3A_1104 : vector<16xi1>, vector<16xi32>
      tpu.vector_store_idx %arg8[%shift_right_logical3A_127, %add3A_1032], %select_n3A_1111 : memref<64x64xi32, #tpu.memory_space<vmem>>[vector<16xi32>, vector<16xi32>], vector<16xi32>,
      %add3A_1112 = arith.constant 5 : i32
      %add3A_1113 = vector.broadcast %add3A_1112 : i32 to vector<16xi32>
      %add3A_1114 = arith.addi %shift_left3A_133, %add3A_1113 : vector<16xi32>
      %mul3A_1115 = arith.constant 7350 : i32
      %mul3A_1116 = vector.broadcast %mul3A_1115 : i32 to vector<16xi32>
      %mul3A_1117 = arith.muli %gather3A, %mul3A_1116 : vector<16xi32>
      %and3A_1118 = arith.constant 65535 : i32
      %and3A_1119 = vector.broadcast %and3A_1118 : i32 to vector<16xi32>
      %and3A_1120 = arith.andi %mul3A_1117, %and3A_1119 : vector<16xi32>
      %shift_right_logical3A_1121 = arith.constant 16 : i32
      %shift_right_logical3A_1122 = vector.broadcast %shift_right_logical3A_1121 : i32 to vector<16xi32>
      %shift_right_logical3A_1123 = arith.shrui %mul3A_1117, %shift_right_logical3A_1122 : vector<16xi32>
      %add3A_1124 = arith.addi %shift_right_logical3A_1123, %gather3A : vector<16xi32>
      %mul3A_1125 = arith.constant 49037 : i32
      %mul3A_1126 = vector.broadcast %mul3A_1125 : i32 to vector<16xi32>
      %mul3A_1127 = arith.muli %gather3A_118, %mul3A_1126 : vector<16xi32>
      %and3A_1128 = arith.constant 65535 : i32
      %and3A_1129 = vector.broadcast %and3A_1128 : i32 to vector<16xi32>
      %and3A_1130 = arith.andi %mul3A_1127, %and3A_1129 : vector<16xi32>
      %shift_right_logical3A_1131 = arith.constant 16 : i32
      %shift_right_logical3A_1132 = vector.broadcast %shift_right_logical3A_1131 : i32 to vector<16xi32>
      %shift_right_logical3A_1133 = arith.shrui %mul3A_1127, %shift_right_logical3A_1132 : vector<16xi32>
      %add3A_1134 = arith.addi %and3A_1120, %and3A_1130 : vector<16xi32>
      %add3A_1135 = arith.addi %add3A_1124, %shift_right_logical3A_1133 : vector<16xi32>
      %mul3A_1136 = arith.constant 15741 : i32
      %mul3A_1137 = vector.broadcast %mul3A_1136 : i32 to vector<16xi32>
      %mul3A_1138 = arith.muli %gather3A_123, %mul3A_1137 : vector<16xi32>
      %and3A_1139 = arith.constant 65535 : i32
      %and3A_1140 = vector.broadcast %and3A_1139 : i32 to vector<16xi32>
      %and3A_1141 = arith.andi %mul3A_1138, %and3A_1140 : vector<16xi32>
      %shift_right_logical3A_1142 = arith.constant 16 : i32
      %shift_right_logical3A_1143 = vector.broadcast %shift_right_logical3A_1142 : i32 to vector<16xi32>
      %shift_right_logical3A_1144 = arith.shrui %mul3A_1138, %shift_right_logical3A_1143 : vector<16xi32>
      %add3A_1145 = arith.addi %add3A_1134, %and3A_1141 : vector<16xi32>
      %add3A_1146 = arith.addi %add3A_1135, %shift_right_logical3A_1144 : vector<16xi32>
      %shift_right_logical3A_1147 = arith.constant 16 : i32
      %shift_right_logical3A_1148 = vector.broadcast %shift_right_logical3A_1147 : i32 to vector<16xi32>
      %shift_right_logical3A_1149 = arith.shrui %add3A_1145, %shift_right_logical3A_1148 : vector<16xi32>
      %add3A_1150 = arith.addi %add3A_1146, %shift_right_logical3A_1149 : vector<16xi32>
      %and3A_1151 = arith.constant 65535 : i32
      %and3A_1152 = vector.broadcast %and3A_1151 : i32 to vector<16xi32>
      %and3A_1153 = arith.andi %add3A_1145, %and3A_1152 : vector<16xi32>
      %xor3A_1154 = arith.constant 29270 : i32
      %xor3A_1155 = vector.broadcast %xor3A_1154 : i32 to vector<16xi32>
      %xor3A_1156 = arith.xori %and3A_1153, %xor3A_1155 : vector<16xi32>
      %xor3A_1157 = arith.constant 1 : i32
      %xor3A_1158 = vector.broadcast %xor3A_1157 : i32 to vector<16xi32>
      %xor3A_1159 = arith.xori %add3A_1150, %xor3A_1158 : vector<16xi32>
      %shift_right_logical3A_1160 = arith.constant 9 : i32
      %shift_right_logical3A_1161 = vector.broadcast %shift_right_logical3A_1160 : i32 to vector<16xi32>
      %shift_right_logical3A_1162 = arith.shrui %xor3A_1159, %shift_right_logical3A_1161 : vector<16xi32>
      %and3A_1163 = arith.constant 511 : i32
      %and3A_1164 = vector.broadcast %and3A_1163 : i32 to vector<16xi32>
      %and3A_1165 = arith.andi %xor3A_1159, %and3A_1164 : vector<16xi32>
      %mul3A_1166 = arith.constant 53427 : i32
      %mul3A_1167 = vector.broadcast %mul3A_1166 : i32 to vector<16xi32>
      %mul3A_1168 = arith.muli %shift_right_logical3A_1162, %mul3A_1167 : vector<16xi32>
      %shift_left3A_1169 = arith.constant 16 : i32
      %shift_left3A_1170 = vector.broadcast %shift_left3A_1169 : i32 to vector<16xi32>
      %shift_left3A_1171 = arith.shli %and3A_1165, %shift_left3A_1170 : vector<16xi32>
      %add3A_1172 = arith.addi %mul3A_1168, %shift_left3A_1171 : vector<16xi32>
      %add3A_1173 = arith.addi %add3A_1172, %xor3A_1156 : vector<16xi32>
      %convert_element_type3A_1174 = arith.sitofp %add3A_1173 : vector<16xi32> to vector<16xf32>
      %mul3A_1175 = arith.constant 9.999700e-06 : f32
      %mul3A_1176 = vector.broadcast %mul3A_1175 : f32 to vector<16xf32>
      %mul3A_1177 = arith.mulf %convert_element_type3A_1174, %mul3A_1176 : vector<16xf32>
      %convert_element_type3A_1178 = arith.fptosi %mul3A_1177 : vector<16xf32> to vector<16xi32>
      %mul3A_1179 = arith.constant 100003 : i32
      %mul3A_1180 = vector.broadcast %mul3A_1179 : i32 to vector<16xi32>
      %mul3A_1181 = arith.muli %convert_element_type3A_1178, %mul3A_1180 : vector<16xi32>
      %sub3A_1182 = arith.subi %add3A_1173, %mul3A_1181 : vector<16xi32>
      %lt3A_1183 = arith.constant 0 : i32
      %lt3A_1184 = vector.broadcast %lt3A_1183 : i32 to vector<16xi32>
      %lt3A_1185 = arith.cmpi slt, %sub3A_1182, %lt3A_1184 : vector<16xi32>
      %add3A_1186 = arith.constant 100003 : i32
      %add3A_1187 = vector.broadcast %add3A_1186 : i32 to vector<16xi32>
      %add3A_1188 = arith.addi %sub3A_1182, %add3A_1187 : vector<16xi32>
      %select_n3A_1189 = arith.select %lt3A_1185, %add3A_1188, %sub3A_1182 : vector<16xi1>, vector<16xi32>
      %ge3A_1190 = arith.constant 100003 : i32
      %ge3A_1191 = vector.broadcast %ge3A_1190 : i32 to vector<16xi32>
      %ge3A_1192 = arith.cmpi sge, %select_n3A_1189, %ge3A_1191 : vector<16xi32>
      %sub3A_1193 = arith.constant 100003 : i32
      %sub3A_1194 = vector.broadcast %sub3A_1193 : i32 to vector<16xi32>
      %sub3A_1195 = arith.subi %select_n3A_1189, %sub3A_1194 : vector<16xi32>
      %select_n3A_1196 = arith.select %ge3A_1192, %sub3A_1195, %select_n3A_1189 : vector<16xi1>, vector<16xi32>
      tpu.vector_store_idx %arg8[%shift_right_logical3A_127, %add3A_1114], %select_n3A_1196 : memref<64x64xi32, #tpu.memory_space<vmem>>[vector<16xi32>, vector<16xi32>], vector<16xi32>,
      %add3A_1197 = arith.constant 6 : i32
      %add3A_1198 = vector.broadcast %add3A_1197 : i32 to vector<16xi32>
      %add3A_1199 = arith.addi %shift_left3A_133, %add3A_1198 : vector<16xi32>
      %mul3A_1200 = arith.constant 59417 : i32
      %mul3A_1201 = vector.broadcast %mul3A_1200 : i32 to vector<16xi32>
      %mul3A_1202 = arith.muli %gather3A, %mul3A_1201 : vector<16xi32>
      %and3A_1203 = arith.constant 65535 : i32
      %and3A_1204 = vector.broadcast %and3A_1203 : i32 to vector<16xi32>
      %and3A_1205 = arith.andi %mul3A_1202, %and3A_1204 : vector<16xi32>
      %shift_right_logical3A_1206 = arith.constant 16 : i32
      %shift_right_logical3A_1207 = vector.broadcast %shift_right_logical3A_1206 : i32 to vector<16xi32>
      %shift_right_logical3A_1208 = arith.shrui %mul3A_1202, %shift_right_logical3A_1207 : vector<16xi32>
      %mul3A_1209 = arith.constant 55565 : i32
      %mul3A_1210 = vector.broadcast %mul3A_1209 : i32 to vector<16xi32>
      %mul3A_1211 = arith.muli %gather3A_118, %mul3A_1210 : vector<16xi32>
      %and3A_1212 = arith.constant 65535 : i32
      %and3A_1213 = vector.broadcast %and3A_1212 : i32 to vector<16xi32>
      %and3A_1214 = arith.andi %mul3A_1211, %and3A_1213 : vector<16xi32>
      %shift_right_logical3A_1215 = arith.constant 16 : i32
      %shift_right_logical3A_1216 = vector.broadcast %shift_right_logical3A_1215 : i32 to vector<16xi32>
      %shift_right_logical3A_1217 = arith.shrui %mul3A_1211, %shift_right_logical3A_1216 : vector<16xi32>
      %add3A_1218 = arith.addi %and3A_1205, %and3A_1214 : vector<16xi32>
      %add3A_1219 = arith.addi %shift_right_logical3A_1208, %shift_right_logical3A_1217 : vector<16xi32>
      %mul3A_1220 = arith.constant 35858 : i32
      %mul3A_1221 = vector.broadcast %mul3A_1220 : i32 to vector<16xi32>
      %mul3A_1222 = arith.muli %gather3A_123, %mul3A_1221 : vector<16xi32>
      %and3A_1223 = arith.constant 65535 : i32
      %and3A_1224 = vector.broadcast %and3A_1223 : i32 to vector<16xi32>
      %and3A_1225 = arith.andi %mul3A_1222, %and3A_1224 : vector<16xi32>
      %shift_right_logical3A_1226 = arith.constant 16 : i32
      %shift_right_logical3A_1227 = vector.broadcast %shift_right_logical3A_1226 : i32 to vector<16xi32>
      %shift_right_logical3A_1228 = arith.shrui %mul3A_1222, %shift_right_logical3A_1227 : vector<16xi32>
      %add3A_1229 = arith.addi %add3A_1218, %and3A_1225 : vector<16xi32>
      %add3A_1230 = arith.addi %add3A_1219, %shift_right_logical3A_1228 : vector<16xi32>
      %shift_right_logical3A_1231 = arith.constant 16 : i32
      %shift_right_logical3A_1232 = vector.broadcast %shift_right_logical3A_1231 : i32 to vector<16xi32>
      %shift_right_logical3A_1233 = arith.shrui %add3A_1229, %shift_right_logical3A_1232 : vector<16xi32>
      %add3A_1234 = arith.addi %add3A_1230, %shift_right_logical3A_1233 : vector<16xi32>
      %and3A_1235 = arith.constant 65535 : i32
      %and3A_1236 = vector.broadcast %and3A_1235 : i32 to vector<16xi32>
      %and3A_1237 = arith.andi %add3A_1229, %and3A_1236 : vector<16xi32>
      %xor3A_1238 = arith.constant 44729 : i32
      %xor3A_1239 = vector.broadcast %xor3A_1238 : i32 to vector<16xi32>
      %xor3A_1240 = arith.xori %and3A_1237, %xor3A_1239 : vector<16xi32>
      %shift_right_logical3A_1241 = arith.constant 9 : i32
      %shift_right_logical3A_1242 = vector.broadcast %shift_right_logical3A_1241 : i32 to vector<16xi32>
      %shift_right_logical3A_1243 = arith.shrui %add3A_1234, %shift_right_logical3A_1242 : vector<16xi32>
      %and3A_1244 = arith.constant 511 : i32
      %and3A_1245 = vector.broadcast %and3A_1244 : i32 to vector<16xi32>
      %and3A_1246 = arith.andi %add3A_1234, %and3A_1245 : vector<16xi32>
      %mul3A_1247 = arith.constant 53427 : i32
      %mul3A_1248 = vector.broadcast %mul3A_1247 : i32 to vector<16xi32>
      %mul3A_1249 = arith.muli %shift_right_logical3A_1243, %mul3A_1248 : vector<16xi32>
      %shift_left3A_1250 = arith.constant 16 : i32
      %shift_left3A_1251 = vector.broadcast %shift_left3A_1250 : i32 to vector<16xi32>
      %shift_left3A_1252 = arith.shli %and3A_1246, %shift_left3A_1251 : vector<16xi32>
      %add3A_1253 = arith.addi %mul3A_1249, %shift_left3A_1252 : vector<16xi32>
      %add3A_1254 = arith.addi %add3A_1253, %xor3A_1240 : vector<16xi32>
      %convert_element_type3A_1255 = arith.sitofp %add3A_1254 : vector<16xi32> to vector<16xf32>
      %mul3A_1256 = arith.constant 9.999700e-06 : f32
      %mul3A_1257 = vector.broadcast %mul3A_1256 : f32 to vector<16xf32>
      %mul3A_1258 = arith.mulf %convert_element_type3A_1255, %mul3A_1257 : vector<16xf32>
      %convert_element_type3A_1259 = arith.fptosi %mul3A_1258 : vector<16xf32> to vector<16xi32>
      %mul3A_1260 = arith.constant 100003 : i32
      %mul3A_1261 = vector.broadcast %mul3A_1260 : i32 to vector<16xi32>
      %mul3A_1262 = arith.muli %convert_element_type3A_1259, %mul3A_1261 : vector<16xi32>
      %sub3A_1263 = arith.subi %add3A_1254, %mul3A_1262 : vector<16xi32>
      %lt3A_1264 = arith.constant 0 : i32
      %lt3A_1265 = vector.broadcast %lt3A_1264 : i32 to vector<16xi32>
      %lt3A_1266 = arith.cmpi slt, %sub3A_1263, %lt3A_1265 : vector<16xi32>
      %add3A_1267 = arith.constant 100003 : i32
      %add3A_1268 = vector.broadcast %add3A_1267 : i32 to vector<16xi32>
      %add3A_1269 = arith.addi %sub3A_1263, %add3A_1268 : vector<16xi32>
      %select_n3A_1270 = arith.select %lt3A_1266, %add3A_1269, %sub3A_1263 : vector<16xi1>, vector<16xi32>
      %ge3A_1271 = arith.constant 100003 : i32
      %ge3A_1272 = vector.broadcast %ge3A_1271 : i32 to vector<16xi32>
      %ge3A_1273 = arith.cmpi sge, %select_n3A_1270, %ge3A_1272 : vector<16xi32>
      %sub3A_1274 = arith.constant 100003 : i32
      %sub3A_1275 = vector.broadcast %sub3A_1274 : i32 to vector<16xi32>
      %sub3A_1276 = arith.subi %select_n3A_1270, %sub3A_1275 : vector<16xi32>
      %select_n3A_1277 = arith.select %ge3A_1273, %sub3A_1276, %select_n3A_1270 : vector<16xi1>, vector<16xi32>
      tpu.vector_store_idx %arg8[%shift_right_logical3A_127, %add3A_1199], %select_n3A_1277 : memref<64x64xi32, #tpu.memory_space<vmem>>[vector<16xi32>, vector<16xi32>], vector<16xi32>,
      %add3A_1278 = arith.constant 7 : i32
      %add3A_1279 = vector.broadcast %add3A_1278 : i32 to vector<16xi32>
      %add3A_1280 = arith.addi %shift_left3A_133, %add3A_1279 : vector<16xi32>
      %mul3A_1281 = arith.constant 35303 : i32
      %mul3A_1282 = vector.broadcast %mul3A_1281 : i32 to vector<16xi32>
      %mul3A_1283 = arith.muli %gather3A, %mul3A_1282 : vector<16xi32>
      %and3A_1284 = arith.constant 65535 : i32
      %and3A_1285 = vector.broadcast %and3A_1284 : i32 to vector<16xi32>
      %and3A_1286 = arith.andi %mul3A_1283, %and3A_1285 : vector<16xi32>
      %shift_right_logical3A_1287 = arith.constant 16 : i32
      %shift_right_logical3A_1288 = vector.broadcast %shift_right_logical3A_1287 : i32 to vector<16xi32>
      %shift_right_logical3A_1289 = arith.shrui %mul3A_1283, %shift_right_logical3A_1288 : vector<16xi32>
      %mul3A_1290 = arith.constant 57541 : i32
      %mul3A_1291 = vector.broadcast %mul3A_1290 : i32 to vector<16xi32>
      %mul3A_1292 = arith.muli %gather3A_118, %mul3A_1291 : vector<16xi32>
      %and3A_1293 = arith.constant 65535 : i32
      %and3A_1294 = vector.broadcast %and3A_1293 : i32 to vector<16xi32>
      %and3A_1295 = arith.andi %mul3A_1292, %and3A_1294 : vector<16xi32>
      %shift_right_logical3A_1296 = arith.constant 16 : i32
      %shift_right_logical3A_1297 = vector.broadcast %shift_right_logical3A_1296 : i32 to vector<16xi32>
      %shift_right_logical3A_1298 = arith.shrui %mul3A_1292, %shift_right_logical3A_1297 : vector<16xi32>
      %add3A_1299 = arith.addi %and3A_1286, %and3A_1295 : vector<16xi32>
      %add3A_1300 = arith.addi %shift_right_logical3A_1289, %shift_right_logical3A_1298 : vector<16xi32>
      %mul3A_1301 = arith.constant 23167 : i32
      %mul3A_1302 = vector.broadcast %mul3A_1301 : i32 to vector<16xi32>
      %mul3A_1303 = arith.muli %gather3A_123, %mul3A_1302 : vector<16xi32>
      %and3A_1304 = arith.constant 65535 : i32
      %and3A_1305 = vector.broadcast %and3A_1304 : i32 to vector<16xi32>
      %and3A_1306 = arith.andi %mul3A_1303, %and3A_1305 : vector<16xi32>
      %shift_right_logical3A_1307 = arith.constant 16 : i32
      %shift_right_logical3A_1308 = vector.broadcast %shift_right_logical3A_1307 : i32 to vector<16xi32>
      %shift_right_logical3A_1309 = arith.shrui %mul3A_1303, %shift_right_logical3A_1308 : vector<16xi32>
      %add3A_1310 = arith.addi %shift_right_logical3A_1309, %gather3A_123 : vector<16xi32>
      %add3A_1311 = arith.addi %add3A_1299, %and3A_1306 : vector<16xi32>
      %add3A_1312 = arith.addi %add3A_1300, %add3A_1310 : vector<16xi32>
      %shift_right_logical3A_1313 = arith.constant 16 : i32
      %shift_right_logical3A_1314 = vector.broadcast %shift_right_logical3A_1313 : i32 to vector<16xi32>
      %shift_right_logical3A_1315 = arith.shrui %add3A_1311, %shift_right_logical3A_1314 : vector<16xi32>
      %add3A_1316 = arith.addi %add3A_1312, %shift_right_logical3A_1315 : vector<16xi32>
      %and3A_1317 = arith.constant 65535 : i32
      %and3A_1318 = vector.broadcast %and3A_1317 : i32 to vector<16xi32>
      %and3A_1319 = arith.andi %add3A_1311, %and3A_1318 : vector<16xi32>
      %xor3A_1320 = arith.constant 15549 : i32
      %xor3A_1321 = vector.broadcast %xor3A_1320 : i32 to vector<16xi32>
      %xor3A_1322 = arith.xori %and3A_1319, %xor3A_1321 : vector<16xi32>
      %shift_right_logical3A_1323 = arith.constant 9 : i32
      %shift_right_logical3A_1324 = vector.broadcast %shift_right_logical3A_1323 : i32 to vector<16xi32>
      %shift_right_logical3A_1325 = arith.shrui %add3A_1316, %shift_right_logical3A_1324 : vector<16xi32>
      %and3A_1326 = arith.constant 511 : i32
      %and3A_1327 = vector.broadcast %and3A_1326 : i32 to vector<16xi32>
      %and3A_1328 = arith.andi %add3A_1316, %and3A_1327 : vector<16xi32>
      %mul3A_1329 = arith.constant 53427 : i32
      %mul3A_1330 = vector.broadcast %mul3A_1329 : i32 to vector<16xi32>
      %mul3A_1331 = arith.muli %shift_right_logical3A_1325, %mul3A_1330 : vector<16xi32>
      %shift_left3A_1332 = arith.constant 16 : i32
      %shift_left3A_1333 = vector.broadcast %shift_left3A_1332 : i32 to vector<16xi32>
      %shift_left3A_1334 = arith.shli %and3A_1328, %shift_left3A_1333 : vector<16xi32>
      %add3A_1335 = arith.addi %mul3A_1331, %shift_left3A_1334 : vector<16xi32>
      %add3A_1336 = arith.addi %add3A_1335, %xor3A_1322 : vector<16xi32>
      %convert_element_type3A_1337 = arith.sitofp %add3A_1336 : vector<16xi32> to vector<16xf32>
      %mul3A_1338 = arith.constant 9.999700e-06 : f32
      %mul3A_1339 = vector.broadcast %mul3A_1338 : f32 to vector<16xf32>
      %mul3A_1340 = arith.mulf %convert_element_type3A_1337, %mul3A_1339 : vector<16xf32>
      %convert_element_type3A_1341 = arith.fptosi %mul3A_1340 : vector<16xf32> to vector<16xi32>
      %mul3A_1342 = arith.constant 100003 : i32
      %mul3A_1343 = vector.broadcast %mul3A_1342 : i32 to vector<16xi32>
      %mul3A_1344 = arith.muli %convert_element_type3A_1341, %mul3A_1343 : vector<16xi32>
      %sub3A_1345 = arith.subi %add3A_1336, %mul3A_1344 : vector<16xi32>
      %lt3A_1346 = arith.constant 0 : i32
      %lt3A_1347 = vector.broadcast %lt3A_1346 : i32 to vector<16xi32>
      %lt3A_1348 = arith.cmpi slt, %sub3A_1345, %lt3A_1347 : vector<16xi32>
      %add3A_1349 = arith.constant 100003 : i32
      %add3A_1350 = vector.broadcast %add3A_1349 : i32 to vector<16xi32>
      %add3A_1351 = arith.addi %sub3A_1345, %add3A_1350 : vector<16xi32>
      %select_n3A_1352 = arith.select %lt3A_1348, %add3A_1351, %sub3A_1345 : vector<16xi1>, vector<16xi32>
      %ge3A_1353 = arith.constant 100003 : i32
      %ge3A_1354 = vector.broadcast %ge3A_1353 : i32 to vector<16xi32>
      %ge3A_1355 = arith.cmpi sge, %select_n3A_1352, %ge3A_1354 : vector<16xi32>
      %sub3A_1356 = arith.constant 100003 : i32
      %sub3A_1357 = vector.broadcast %sub3A_1356 : i32 to vector<16xi32>
      %sub3A_1358 = arith.subi %select_n3A_1352, %sub3A_1357 : vector<16xi32>
      %select_n3A_1359 = arith.select %ge3A_1355, %sub3A_1358, %select_n3A_1352 : vector<16xi1>, vector<16xi32>
      tpu.vector_store_idx %arg8[%shift_right_logical3A_127, %add3A_1280], %select_n3A_1359 : memref<64x64xi32, #tpu.memory_space<vmem>>[vector<16xi32>, vector<16xi32>], vector<16xi32>,
      %add3A_1360 = arith.constant 16 : i32
      %add3A_1361 = arith.addi %scan3A_111, %add3A_1360 : i32
      scf.yield %add3A_1361 : i32
    }
    %scan3A_48 = arith.constant 32 : i32
    %mul3A_49 = arith.constant 131072 : i32
    %mul3A_50 = arith.muli %add3A, %mul3A_49 : i32
    %and3A_51 = arith.constant 7 : i32
    %and3A_52 = vector.broadcast %and3A_51 : i32 to vector<16xi32>
    %and3A_53 = arith.andi %iota3A, %and3A_52 : vector<16xi32>
    %shift_left3A = arith.constant 4 : i32
    %shift_left3A_54 = vector.broadcast %shift_left3A : i32 to vector<16xi32>
    %shift_left3A_55 = arith.shli %and3A_53, %shift_left3A_54 : vector<16xi32>
    %dma_start3A = arith.constant 0 : i32
    %dma_start3A_56 = arith.constant 0 : i32
    %dma_start3A_57 = arith.constant 0 : i32
    %dma_start3A_58 = arith.constant 0 : i32
    %dma_start3A_59 = tpu.memref_slice %arg9[%dma_start3A_56, %dma_start3A_57, %dma_start3A_58] : memref<2x64x128xf32, #tpu.memory_space<vmem>> -> memref<1x64x128xf32, #tpu.memory_space<vmem>>
    %dma_start3A_60 = tpu.memref_squeeze %dma_start3A_59 : memref<1x64x128xf32, #tpu.memory_space<vmem>> -> memref<64x128xf32, #tpu.memory_space<vmem>>
    %dma_start3A_61 = arith.constant 0 : i32
    %dma_start3A_62 = tpu.memref_slice %arg7[%dma_start3A, %dma_start3A_61] : memref<64x64xi32, #tpu.memory_space<vmem>> -> memref<1x64xi32, #tpu.memory_space<vmem>>
    %dma_start3A_63 = tpu.memref_squeeze %dma_start3A_62 : memref<1x64xi32, #tpu.memory_space<vmem>> -> memref<64xi32, #tpu.memory_space<vmem>>
    %dma_start3A_64 = arith.constant 0 : i32
    %dma_start3A_65 = arith.constant 0 : i32
    %dma_start3A_66 = tpu.memref_slice %arg3[%dma_start3A_64, %dma_start3A_65] : memref<100003x128xf32, #tpu.memory_space<hbm>> -> memref<100003x128xf32, #tpu.memory_space<hbm>>
    tpu.enqueue_indirect_dma source(%dma_start3A_66 : memref<100003x128xf32, #tpu.memory_space<hbm>>) target(%dma_start3A_60 : memref<64x128xf32, #tpu.memory_space<vmem>>) offsets(%dma_start3A_63 : memref<64xi32, #tpu.memory_space<vmem>>) semaphore(%arg12 : memref<!tpu.dma_semaphore, #tpu.memory_space<semaphore_mem>>)
    %dma_start3A_67 = arith.constant 0 : i32
    %dma_start3A_68 = arith.constant 0 : i32
    %dma_start3A_69 = arith.constant 0 : i32
    %dma_start3A_70 = arith.constant 0 : i32
    %dma_start3A_71 = tpu.memref_slice %arg10[%dma_start3A_68, %dma_start3A_69, %dma_start3A_70] : memref<2x64x128xf32, #tpu.memory_space<vmem>> -> memref<1x64x128xf32, #tpu.memory_space<vmem>>
    %dma_start3A_72 = tpu.memref_squeeze %dma_start3A_71 : memref<1x64x128xf32, #tpu.memory_space<vmem>> -> memref<64x128xf32, #tpu.memory_space<vmem>>
    %dma_start3A_73 = arith.constant 0 : i32
    %dma_start3A_74 = tpu.memref_slice %arg8[%dma_start3A_67, %dma_start3A_73] : memref<64x64xi32, #tpu.memory_space<vmem>> -> memref<1x64xi32, #tpu.memory_space<vmem>>
    %dma_start3A_75 = tpu.memref_squeeze %dma_start3A_74 : memref<1x64xi32, #tpu.memory_space<vmem>> -> memref<64xi32, #tpu.memory_space<vmem>>
    %dma_start3A_76 = arith.constant 0 : i32
    %dma_start3A_77 = arith.constant 0 : i32
    %dma_start3A_78 = tpu.memref_slice %arg4[%dma_start3A_76, %dma_start3A_77] : memref<100003x128xf32, #tpu.memory_space<hbm>> -> memref<100003x128xf32, #tpu.memory_space<hbm>>
    tpu.enqueue_indirect_dma source(%dma_start3A_78 : memref<100003x128xf32, #tpu.memory_space<hbm>>) target(%dma_start3A_72 : memref<64x128xf32, #tpu.memory_space<vmem>>) offsets(%dma_start3A_75 : memref<64xi32, #tpu.memory_space<vmem>>) semaphore(%arg12 : memref<!tpu.dma_semaphore, #tpu.memory_space<semaphore_mem>>)
    %dma_start3A_79 = arith.constant 1 : i32
    %dma_start3A_80 = arith.constant 1 : i32
    %dma_start3A_81 = arith.constant 0 : i32
    %dma_start3A_82 = arith.constant 0 : i32
    %dma_start3A_83 = tpu.memref_slice %arg9[%dma_start3A_80, %dma_start3A_81, %dma_start3A_82] : memref<2x64x128xf32, #tpu.memory_space<vmem>> -> memref<1x64x128xf32, #tpu.memory_space<vmem>>
    %dma_start3A_84 = tpu.memref_squeeze %dma_start3A_83 : memref<1x64x128xf32, #tpu.memory_space<vmem>> -> memref<64x128xf32, #tpu.memory_space<vmem>>
    %dma_start3A_85 = arith.constant 0 : i32
    %dma_start3A_86 = tpu.memref_slice %arg7[%dma_start3A_79, %dma_start3A_85] : memref<64x64xi32, #tpu.memory_space<vmem>> -> memref<1x64xi32, #tpu.memory_space<vmem>>
    %dma_start3A_87 = tpu.memref_squeeze %dma_start3A_86 : memref<1x64xi32, #tpu.memory_space<vmem>> -> memref<64xi32, #tpu.memory_space<vmem>>
    %dma_start3A_88 = arith.constant 0 : i32
    %dma_start3A_89 = arith.constant 0 : i32
    %dma_start3A_90 = tpu.memref_slice %arg3[%dma_start3A_88, %dma_start3A_89] : memref<100003x128xf32, #tpu.memory_space<hbm>> -> memref<100003x128xf32, #tpu.memory_space<hbm>>
    tpu.enqueue_indirect_dma source(%dma_start3A_90 : memref<100003x128xf32, #tpu.memory_space<hbm>>) target(%dma_start3A_84 : memref<64x128xf32, #tpu.memory_space<vmem>>) offsets(%dma_start3A_87 : memref<64xi32, #tpu.memory_space<vmem>>) semaphore(%arg12 : memref<!tpu.dma_semaphore, #tpu.memory_space<semaphore_mem>>)
    %dma_start3A_91 = arith.constant 1 : i32
    %dma_start3A_92 = arith.constant 1 : i32
    %dma_start3A_93 = arith.constant 0 : i32
    %dma_start3A_94 = arith.constant 0 : i32
    %dma_start3A_95 = tpu.memref_slice %arg10[%dma_start3A_92, %dma_start3A_93, %dma_start3A_94] : memref<2x64x128xf32, #tpu.memory_space<vmem>> -> memref<1x64x128xf32, #tpu.memory_space<vmem>>
    %dma_start3A_96 = tpu.memref_squeeze %dma_start3A_95 : memref<1x64x128xf32, #tpu.memory_space<vmem>> -> memref<64x128xf32, #tpu.memory_space<vmem>>
    %dma_start3A_97 = arith.constant 0 : i32
    %dma_start3A_98 = tpu.memref_slice %arg8[%dma_start3A_91, %dma_start3A_97] : memref<64x64xi32, #tpu.memory_space<vmem>> -> memref<1x64xi32, #tpu.memory_space<vmem>>
    %dma_start3A_99 = tpu.memref_squeeze %dma_start3A_98 : memref<1x64xi32, #tpu.memory_space<vmem>> -> memref<64xi32, #tpu.memory_space<vmem>>
    %dma_start3A_100 = arith.constant 0 : i32
    %dma_start3A_101 = arith.constant 0 : i32
    %dma_start3A_102 = tpu.memref_slice %arg4[%dma_start3A_100, %dma_start3A_101] : memref<100003x128xf32, #tpu.memory_space<hbm>> -> memref<100003x128xf32, #tpu.memory_space<hbm>>
    tpu.enqueue_indirect_dma source(%dma_start3A_102 : memref<100003x128xf32, #tpu.memory_space<hbm>>) target(%dma_start3A_96 : memref<64x128xf32, #tpu.memory_space<vmem>>) offsets(%dma_start3A_99 : memref<64xi32, #tpu.memory_space<vmem>>) semaphore(%arg12 : memref<!tpu.dma_semaphore, #tpu.memory_space<semaphore_mem>>)
    %scan3A_103 = arith.constant 0 : i32
    %scan3A_104 = arith.constant 0 : i32
    %scan3A_105 = arith.constant 64 : i32
    %scan3A_106 = arith.addi %scan3A_104, %scan3A_105 : i32
    %scan3A_107 = arith.constant 1 : i32
    %scan3A_108 = scf.for %scan3A_110 = %scan3A_104 to %scan3A_106 step %scan3A_107 iter_args(%scan3A_111 = %scan3A_103) -> (i32)  : i32 {
      %and3A_112 = arith.constant 1 : i32
      %and3A_113 = arith.andi %scan3A_111, %and3A_112 : i32
      %dma_wait3A = arith.constant 0 : i32
      %dma_wait3A_114 = arith.constant 0 : i32
      %dma_wait3A_115 = tpu.memref_slice %arg9[%and3A_113, %dma_wait3A, %dma_wait3A_114] : memref<2x64x128xf32, #tpu.memory_space<vmem>> -> memref<1x64x128xf32, #tpu.memory_space<vmem>>
      %dma_wait3A_116 = tpu.memref_squeeze %dma_wait3A_115 : memref<1x64x128xf32, #tpu.memory_space<vmem>> -> memref<64x128xf32, #tpu.memory_space<vmem>>
      %dma_wait3A_117 = arith.constant 0 : i32
      %dma_wait3A_118 = tpu.memref_slice %arg7[%scan3A_111, %dma_wait3A_117] : memref<64x64xi32, #tpu.memory_space<vmem>> -> memref<1x64xi32, #tpu.memory_space<vmem>>
      %dma_wait3A_119 = tpu.memref_squeeze %dma_wait3A_118 : memref<1x64xi32, #tpu.memory_space<vmem>> -> memref<64xi32, #tpu.memory_space<vmem>>
      %dma_wait3A_120 = arith.constant 0 : i32
      %dma_wait3A_121 = arith.constant 0 : i32
      %dma_wait3A_122 = tpu.memref_slice %arg3[%dma_wait3A_120, %dma_wait3A_121] : memref<100003x128xf32, #tpu.memory_space<hbm>> -> memref<100003x128xf32, #tpu.memory_space<hbm>>
      tpu.wait_indirect_dma semaphore(%arg12 : memref<!tpu.dma_semaphore, #tpu.memory_space<semaphore_mem>>) src(%dma_wait3A_122 : memref<100003x128xf32, #tpu.memory_space<hbm>>) dst(%dma_wait3A_116 : memref<64x128xf32, #tpu.memory_space<vmem>>)
      %dma_wait3A_123 = arith.constant 0 : i32
      %dma_wait3A_124 = arith.constant 0 : i32
      %dma_wait3A_125 = tpu.memref_slice %arg10[%and3A_113, %dma_wait3A_123, %dma_wait3A_124] : memref<2x64x128xf32, #tpu.memory_space<vmem>> -> memref<1x64x128xf32, #tpu.memory_space<vmem>>
      %dma_wait3A_126 = tpu.memref_squeeze %dma_wait3A_125 : memref<1x64x128xf32, #tpu.memory_space<vmem>> -> memref<64x128xf32, #tpu.memory_space<vmem>>
      %dma_wait3A_127 = arith.constant 0 : i32
      %dma_wait3A_128 = tpu.memref_slice %arg8[%scan3A_111, %dma_wait3A_127] : memref<64x64xi32, #tpu.memory_space<vmem>> -> memref<1x64xi32, #tpu.memory_space<vmem>>
      %dma_wait3A_129 = tpu.memref_squeeze %dma_wait3A_128 : memref<1x64xi32, #tpu.memory_space<vmem>> -> memref<64xi32, #tpu.memory_space<vmem>>
      %dma_wait3A_130 = arith.constant 0 : i32
      %dma_wait3A_131 = arith.constant 0 : i32
      %dma_wait3A_132 = tpu.memref_slice %arg4[%dma_wait3A_130, %dma_wait3A_131] : memref<100003x128xf32, #tpu.memory_space<hbm>> -> memref<100003x128xf32, #tpu.memory_space<hbm>>
      tpu.wait_indirect_dma semaphore(%arg12 : memref<!tpu.dma_semaphore, #tpu.memory_space<semaphore_mem>>) src(%dma_wait3A_132 : memref<100003x128xf32, #tpu.memory_space<hbm>>) dst(%dma_wait3A_126 : memref<64x128xf32, #tpu.memory_space<vmem>>)
      %add3A_133 = arith.constant 0 : i32
      %add3A_134 = vector.broadcast %add3A_133 : i32 to vector<16xi32>
      %add3A_135 = arith.addi %iota3A, %add3A_134 : vector<16xi32>
      %shift_right_logical3A = arith.constant 3 : i32
      %shift_right_logical3A_136 = vector.broadcast %shift_right_logical3A : i32 to vector<16xi32>
      %shift_right_logical3A_137 = arith.shrui %add3A_135, %shift_right_logical3A_136 : vector<16xi32>
      %shift_left3A_138 = arith.constant 8 : i32
      %shift_left3A_139 = vector.broadcast %shift_left3A_138 : i32 to vector<16xi32>
      %shift_left3A_140 = arith.shli %shift_right_logical3A_137, %shift_left3A_139 : vector<16xi32>
      %add3A_141 = arith.constant 0 : i32
      %add3A_142 = vector.broadcast %add3A_141 : i32 to vector<16xi32>
      %add3A_143 = arith.addi %shift_left3A_140, %add3A_142 : vector<16xi32>
      %and3A_144 = arith.constant 7 : i32
      %and3A_145 = vector.broadcast %and3A_144 : i32 to vector<16xi32>
      %and3A_146 = arith.andi %add3A_135, %and3A_145 : vector<16xi32>
      %shift_left3A_147 = arith.constant 4 : i32
      %shift_left3A_148 = vector.broadcast %shift_left3A_147 : i32 to vector<16xi32>
      %shift_left3A_149 = arith.shli %and3A_146, %shift_left3A_148 : vector<16xi32>
      %add3A_150 = arith.addi %add3A_143, %shift_left3A_149 : vector<16xi32>
      %add3A_151 = arith.constant 0 : i32
      %add3A_152 = vector.broadcast %add3A_151 : i32 to vector<16xi32>
      %add3A_153 = arith.addi %shift_left3A_55, %add3A_152 : vector<16xi32>
      %gather3A = arith.constant 0 : i32
      %gather3A_154 = arith.constant 0 : i32
      %gather3A_155 = tpu.memref_slice %arg9[%and3A_113, %gather3A, %gather3A_154] : memref<2x64x128xf32, #tpu.memory_space<vmem>> -> memref<1x64x128xf32, #tpu.memory_space<vmem>>
      %gather3A_156 = tpu.memref_squeeze %gather3A_155 : memref<1x64x128xf32, #tpu.memory_space<vmem>> -> memref<64x128xf32, #tpu.memory_space<vmem>>
      %gather3A_157 = tpu.vector_load_idx %gather3A_156[%add3A_135, %add3A_153] : memref<64x128xf32, #tpu.memory_space<vmem>>[vector<16xi32>, vector<16xi32>], vector<16xf32>,
      %add3A_158 = arith.constant 0 : i32
      %add3A_159 = vector.broadcast %add3A_158 : i32 to vector<16xi32>
      %add3A_160 = arith.addi %add3A_150, %add3A_159 : vector<16xi32>
      tpu.vector_store_idx %arg11[%add3A_160], %gather3A_157 : memref<2048xf32, #tpu.memory_space<vmem>>[vector<16xi32>], vector<16xf32>,
      %add3A_161 = arith.constant 1 : i32
      %add3A_162 = vector.broadcast %add3A_161 : i32 to vector<16xi32>
      %add3A_163 = arith.addi %shift_left3A_55, %add3A_162 : vector<16xi32>
      %gather3A_164 = arith.constant 0 : i32
      %gather3A_165 = arith.constant 0 : i32
      %gather3A_166 = tpu.memref_slice %arg9[%and3A_113, %gather3A_164, %gather3A_165] : memref<2x64x128xf32, #tpu.memory_space<vmem>> -> memref<1x64x128xf32, #tpu.memory_space<vmem>>
      %gather3A_167 = tpu.memref_squeeze %gather3A_166 : memref<1x64x128xf32, #tpu.memory_space<vmem>> -> memref<64x128xf32, #tpu.memory_space<vmem>>
      %gather3A_168 = tpu.vector_load_idx %gather3A_167[%add3A_135, %add3A_163] : memref<64x128xf32, #tpu.memory_space<vmem>>[vector<16xi32>, vector<16xi32>], vector<16xf32>,
      %add3A_169 = arith.constant 1 : i32
      %add3A_170 = vector.broadcast %add3A_169 : i32 to vector<16xi32>
      %add3A_171 = arith.addi %add3A_150, %add3A_170 : vector<16xi32>
      tpu.vector_store_idx %arg11[%add3A_171], %gather3A_168 : memref<2048xf32, #tpu.memory_space<vmem>>[vector<16xi32>], vector<16xf32>,
      %add3A_172 = arith.constant 2 : i32
      %add3A_173 = vector.broadcast %add3A_172 : i32 to vector<16xi32>
      %add3A_174 = arith.addi %shift_left3A_55, %add3A_173 : vector<16xi32>
      %gather3A_175 = arith.constant 0 : i32
      %gather3A_176 = arith.constant 0 : i32
      %gather3A_177 = tpu.memref_slice %arg9[%and3A_113, %gather3A_175, %gather3A_176] : memref<2x64x128xf32, #tpu.memory_space<vmem>> -> memref<1x64x128xf32, #tpu.memory_space<vmem>>
      %gather3A_178 = tpu.memref_squeeze %gather3A_177 : memref<1x64x128xf32, #tpu.memory_space<vmem>> -> memref<64x128xf32, #tpu.memory_space<vmem>>
      %gather3A_179 = tpu.vector_load_idx %gather3A_178[%add3A_135, %add3A_174] : memref<64x128xf32, #tpu.memory_space<vmem>>[vector<16xi32>, vector<16xi32>], vector<16xf32>,
      %add3A_180 = arith.constant 2 : i32
      %add3A_181 = vector.broadcast %add3A_180 : i32 to vector<16xi32>
      %add3A_182 = arith.addi %add3A_150, %add3A_181 : vector<16xi32>
      tpu.vector_store_idx %arg11[%add3A_182], %gather3A_179 : memref<2048xf32, #tpu.memory_space<vmem>>[vector<16xi32>], vector<16xf32>,
      %add3A_183 = arith.constant 3 : i32
      %add3A_184 = vector.broadcast %add3A_183 : i32 to vector<16xi32>
      %add3A_185 = arith.addi %shift_left3A_55, %add3A_184 : vector<16xi32>
      %gather3A_186 = arith.constant 0 : i32
      %gather3A_187 = arith.constant 0 : i32
      %gather3A_188 = tpu.memref_slice %arg9[%and3A_113, %gather3A_186, %gather3A_187] : memref<2x64x128xf32, #tpu.memory_space<vmem>> -> memref<1x64x128xf32, #tpu.memory_space<vmem>>
      %gather3A_189 = tpu.memref_squeeze %gather3A_188 : memref<1x64x128xf32, #tpu.memory_space<vmem>> -> memref<64x128xf32, #tpu.memory_space<vmem>>
      %gather3A_190 = tpu.vector_load_idx %gather3A_189[%add3A_135, %add3A_185] : memref<64x128xf32, #tpu.memory_space<vmem>>[vector<16xi32>, vector<16xi32>], vector<16xf32>,
      %add3A_191 = arith.constant 3 : i32
      %add3A_192 = vector.broadcast %add3A_191 : i32 to vector<16xi32>
      %add3A_193 = arith.addi %add3A_150, %add3A_192 : vector<16xi32>
      tpu.vector_store_idx %arg11[%add3A_193], %gather3A_190 : memref<2048xf32, #tpu.memory_space<vmem>>[vector<16xi32>], vector<16xf32>,
      %add3A_194 = arith.constant 4 : i32
      %add3A_195 = vector.broadcast %add3A_194 : i32 to vector<16xi32>
      %add3A_196 = arith.addi %shift_left3A_55, %add3A_195 : vector<16xi32>
      %gather3A_197 = arith.constant 0 : i32
      %gather3A_198 = arith.constant 0 : i32
      %gather3A_199 = tpu.memref_slice %arg9[%and3A_113, %gather3A_197, %gather3A_198] : memref<2x64x128xf32, #tpu.memory_space<vmem>> -> memref<1x64x128xf32, #tpu.memory_space<vmem>>
      %gather3A_200 = tpu.memref_squeeze %gather3A_199 : memref<1x64x128xf32, #tpu.memory_space<vmem>> -> memref<64x128xf32, #tpu.memory_space<vmem>>
      %gather3A_201 = tpu.vector_load_idx %gather3A_200[%add3A_135, %add3A_196] : memref<64x128xf32, #tpu.memory_space<vmem>>[vector<16xi32>, vector<16xi32>], vector<16xf32>,
      %add3A_202 = arith.constant 4 : i32
      %add3A_203 = vector.broadcast %add3A_202 : i32 to vector<16xi32>
      %add3A_204 = arith.addi %add3A_150, %add3A_203 : vector<16xi32>
      tpu.vector_store_idx %arg11[%add3A_204], %gather3A_201 : memref<2048xf32, #tpu.memory_space<vmem>>[vector<16xi32>], vector<16xf32>,
      %add3A_205 = arith.constant 5 : i32
      %add3A_206 = vector.broadcast %add3A_205 : i32 to vector<16xi32>
      %add3A_207 = arith.addi %shift_left3A_55, %add3A_206 : vector<16xi32>
      %gather3A_208 = arith.constant 0 : i32
      %gather3A_209 = arith.constant 0 : i32
      %gather3A_210 = tpu.memref_slice %arg9[%and3A_113, %gather3A_208, %gather3A_209] : memref<2x64x128xf32, #tpu.memory_space<vmem>> -> memref<1x64x128xf32, #tpu.memory_space<vmem>>
      %gather3A_211 = tpu.memref_squeeze %gather3A_210 : memref<1x64x128xf32, #tpu.memory_space<vmem>> -> memref<64x128xf32, #tpu.memory_space<vmem>>
      %gather3A_212 = tpu.vector_load_idx %gather3A_211[%add3A_135, %add3A_207] : memref<64x128xf32, #tpu.memory_space<vmem>>[vector<16xi32>, vector<16xi32>], vector<16xf32>,
      %add3A_213 = arith.constant 5 : i32
      %add3A_214 = vector.broadcast %add3A_213 : i32 to vector<16xi32>
      %add3A_215 = arith.addi %add3A_150, %add3A_214 : vector<16xi32>
      tpu.vector_store_idx %arg11[%add3A_215], %gather3A_212 : memref<2048xf32, #tpu.memory_space<vmem>>[vector<16xi32>], vector<16xf32>,
      %add3A_216 = arith.constant 6 : i32
      %add3A_217 = vector.broadcast %add3A_216 : i32 to vector<16xi32>
      %add3A_218 = arith.addi %shift_left3A_55, %add3A_217 : vector<16xi32>
      %gather3A_219 = arith.constant 0 : i32
      %gather3A_220 = arith.constant 0 : i32
      %gather3A_221 = tpu.memref_slice %arg9[%and3A_113, %gather3A_219, %gather3A_220] : memref<2x64x128xf32, #tpu.memory_space<vmem>> -> memref<1x64x128xf32, #tpu.memory_space<vmem>>
      %gather3A_222 = tpu.memref_squeeze %gather3A_221 : memref<1x64x128xf32, #tpu.memory_space<vmem>> -> memref<64x128xf32, #tpu.memory_space<vmem>>
      %gather3A_223 = tpu.vector_load_idx %gather3A_222[%add3A_135, %add3A_218] : memref<64x128xf32, #tpu.memory_space<vmem>>[vector<16xi32>, vector<16xi32>], vector<16xf32>,
      %add3A_224 = arith.constant 6 : i32
      %add3A_225 = vector.broadcast %add3A_224 : i32 to vector<16xi32>
      %add3A_226 = arith.addi %add3A_150, %add3A_225 : vector<16xi32>
      tpu.vector_store_idx %arg11[%add3A_226], %gather3A_223 : memref<2048xf32, #tpu.memory_space<vmem>>[vector<16xi32>], vector<16xf32>,
      %add3A_227 = arith.constant 7 : i32
      %add3A_228 = vector.broadcast %add3A_227 : i32 to vector<16xi32>
      %add3A_229 = arith.addi %shift_left3A_55, %add3A_228 : vector<16xi32>
      %gather3A_230 = arith.constant 0 : i32
      %gather3A_231 = arith.constant 0 : i32
      %gather3A_232 = tpu.memref_slice %arg9[%and3A_113, %gather3A_230, %gather3A_231] : memref<2x64x128xf32, #tpu.memory_space<vmem>> -> memref<1x64x128xf32, #tpu.memory_space<vmem>>
      %gather3A_233 = tpu.memref_squeeze %gather3A_232 : memref<1x64x128xf32, #tpu.memory_space<vmem>> -> memref<64x128xf32, #tpu.memory_space<vmem>>
      %gather3A_234 = tpu.vector_load_idx %gather3A_233[%add3A_135, %add3A_229] : memref<64x128xf32, #tpu.memory_space<vmem>>[vector<16xi32>, vector<16xi32>], vector<16xf32>,
      %add3A_235 = arith.constant 7 : i32
      %add3A_236 = vector.broadcast %add3A_235 : i32 to vector<16xi32>
      %add3A_237 = arith.addi %add3A_150, %add3A_236 : vector<16xi32>
      tpu.vector_store_idx %arg11[%add3A_237], %gather3A_234 : memref<2048xf32, #tpu.memory_space<vmem>>[vector<16xi32>], vector<16xf32>,
      %add3A_238 = arith.constant 8 : i32
      %add3A_239 = vector.broadcast %add3A_238 : i32 to vector<16xi32>
      %add3A_240 = arith.addi %shift_left3A_55, %add3A_239 : vector<16xi32>
      %gather3A_241 = arith.constant 0 : i32
      %gather3A_242 = arith.constant 0 : i32
      %gather3A_243 = tpu.memref_slice %arg9[%and3A_113, %gather3A_241, %gather3A_242] : memref<2x64x128xf32, #tpu.memory_space<vmem>> -> memref<1x64x128xf32, #tpu.memory_space<vmem>>
      %gather3A_244 = tpu.memref_squeeze %gather3A_243 : memref<1x64x128xf32, #tpu.memory_space<vmem>> -> memref<64x128xf32, #tpu.memory_space<vmem>>
      %gather3A_245 = tpu.vector_load_idx %gather3A_244[%add3A_135, %add3A_240] : memref<64x128xf32, #tpu.memory_space<vmem>>[vector<16xi32>, vector<16xi32>], vector<16xf32>,
      %add3A_246 = arith.constant 8 : i32
      %add3A_247 = vector.broadcast %add3A_246 : i32 to vector<16xi32>
      %add3A_248 = arith.addi %add3A_150, %add3A_247 : vector<16xi32>
      tpu.vector_store_idx %arg11[%add3A_248], %gather3A_245 : memref<2048xf32, #tpu.memory_space<vmem>>[vector<16xi32>], vector<16xf32>,
      %add3A_249 = arith.constant 9 : i32
      %add3A_250 = vector.broadcast %add3A_249 : i32 to vector<16xi32>
      %add3A_251 = arith.addi %shift_left3A_55, %add3A_250 : vector<16xi32>
      %gather3A_252 = arith.constant 0 : i32
      %gather3A_253 = arith.constant 0 : i32
      %gather3A_254 = tpu.memref_slice %arg9[%and3A_113, %gather3A_252, %gather3A_253] : memref<2x64x128xf32, #tpu.memory_space<vmem>> -> memref<1x64x128xf32, #tpu.memory_space<vmem>>
      %gather3A_255 = tpu.memref_squeeze %gather3A_254 : memref<1x64x128xf32, #tpu.memory_space<vmem>> -> memref<64x128xf32, #tpu.memory_space<vmem>>
      %gather3A_256 = tpu.vector_load_idx %gather3A_255[%add3A_135, %add3A_251] : memref<64x128xf32, #tpu.memory_space<vmem>>[vector<16xi32>, vector<16xi32>], vector<16xf32>,
      %add3A_257 = arith.constant 9 : i32
      %add3A_258 = vector.broadcast %add3A_257 : i32 to vector<16xi32>
      %add3A_259 = arith.addi %add3A_150, %add3A_258 : vector<16xi32>
      tpu.vector_store_idx %arg11[%add3A_259], %gather3A_256 : memref<2048xf32, #tpu.memory_space<vmem>>[vector<16xi32>], vector<16xf32>,
      %add3A_260 = arith.constant 10 : i32
      %add3A_261 = vector.broadcast %add3A_260 : i32 to vector<16xi32>
      %add3A_262 = arith.addi %shift_left3A_55, %add3A_261 : vector<16xi32>
      %gather3A_263 = arith.constant 0 : i32
      %gather3A_264 = arith.constant 0 : i32
      %gather3A_265 = tpu.memref_slice %arg9[%and3A_113, %gather3A_263, %gather3A_264] : memref<2x64x128xf32, #tpu.memory_space<vmem>> -> memref<1x64x128xf32, #tpu.memory_space<vmem>>
      %gather3A_266 = tpu.memref_squeeze %gather3A_265 : memref<1x64x128xf32, #tpu.memory_space<vmem>> -> memref<64x128xf32, #tpu.memory_space<vmem>>
      %gather3A_267 = tpu.vector_load_idx %gather3A_266[%add3A_135, %add3A_262] : memref<64x128xf32, #tpu.memory_space<vmem>>[vector<16xi32>, vector<16xi32>], vector<16xf32>,
      %add3A_268 = arith.constant 10 : i32
      %add3A_269 = vector.broadcast %add3A_268 : i32 to vector<16xi32>
      %add3A_270 = arith.addi %add3A_150, %add3A_269 : vector<16xi32>
      tpu.vector_store_idx %arg11[%add3A_270], %gather3A_267 : memref<2048xf32, #tpu.memory_space<vmem>>[vector<16xi32>], vector<16xf32>,
      %add3A_271 = arith.constant 11 : i32
      %add3A_272 = vector.broadcast %add3A_271 : i32 to vector<16xi32>
      %add3A_273 = arith.addi %shift_left3A_55, %add3A_272 : vector<16xi32>
      %gather3A_274 = arith.constant 0 : i32
      %gather3A_275 = arith.constant 0 : i32
      %gather3A_276 = tpu.memref_slice %arg9[%and3A_113, %gather3A_274, %gather3A_275] : memref<2x64x128xf32, #tpu.memory_space<vmem>> -> memref<1x64x128xf32, #tpu.memory_space<vmem>>
      %gather3A_277 = tpu.memref_squeeze %gather3A_276 : memref<1x64x128xf32, #tpu.memory_space<vmem>> -> memref<64x128xf32, #tpu.memory_space<vmem>>
      %gather3A_278 = tpu.vector_load_idx %gather3A_277[%add3A_135, %add3A_273] : memref<64x128xf32, #tpu.memory_space<vmem>>[vector<16xi32>, vector<16xi32>], vector<16xf32>,
      %add3A_279 = arith.constant 11 : i32
      %add3A_280 = vector.broadcast %add3A_279 : i32 to vector<16xi32>
      %add3A_281 = arith.addi %add3A_150, %add3A_280 : vector<16xi32>
      tpu.vector_store_idx %arg11[%add3A_281], %gather3A_278 : memref<2048xf32, #tpu.memory_space<vmem>>[vector<16xi32>], vector<16xf32>,
      %add3A_282 = arith.constant 12 : i32
      %add3A_283 = vector.broadcast %add3A_282 : i32 to vector<16xi32>
      %add3A_284 = arith.addi %shift_left3A_55, %add3A_283 : vector<16xi32>
      %gather3A_285 = arith.constant 0 : i32
      %gather3A_286 = arith.constant 0 : i32
      %gather3A_287 = tpu.memref_slice %arg9[%and3A_113, %gather3A_285, %gather3A_286] : memref<2x64x128xf32, #tpu.memory_space<vmem>> -> memref<1x64x128xf32, #tpu.memory_space<vmem>>
      %gather3A_288 = tpu.memref_squeeze %gather3A_287 : memref<1x64x128xf32, #tpu.memory_space<vmem>> -> memref<64x128xf32, #tpu.memory_space<vmem>>
      %gather3A_289 = tpu.vector_load_idx %gather3A_288[%add3A_135, %add3A_284] : memref<64x128xf32, #tpu.memory_space<vmem>>[vector<16xi32>, vector<16xi32>], vector<16xf32>,
      %add3A_290 = arith.constant 12 : i32
      %add3A_291 = vector.broadcast %add3A_290 : i32 to vector<16xi32>
      %add3A_292 = arith.addi %add3A_150, %add3A_291 : vector<16xi32>
      tpu.vector_store_idx %arg11[%add3A_292], %gather3A_289 : memref<2048xf32, #tpu.memory_space<vmem>>[vector<16xi32>], vector<16xf32>,
      %add3A_293 = arith.constant 13 : i32
      %add3A_294 = vector.broadcast %add3A_293 : i32 to vector<16xi32>
      %add3A_295 = arith.addi %shift_left3A_55, %add3A_294 : vector<16xi32>
      %gather3A_296 = arith.constant 0 : i32
      %gather3A_297 = arith.constant 0 : i32
      %gather3A_298 = tpu.memref_slice %arg9[%and3A_113, %gather3A_296, %gather3A_297] : memref<2x64x128xf32, #tpu.memory_space<vmem>> -> memref<1x64x128xf32, #tpu.memory_space<vmem>>
      %gather3A_299 = tpu.memref_squeeze %gather3A_298 : memref<1x64x128xf32, #tpu.memory_space<vmem>> -> memref<64x128xf32, #tpu.memory_space<vmem>>
      %gather3A_300 = tpu.vector_load_idx %gather3A_299[%add3A_135, %add3A_295] : memref<64x128xf32, #tpu.memory_space<vmem>>[vector<16xi32>, vector<16xi32>], vector<16xf32>,
      %add3A_301 = arith.constant 13 : i32
      %add3A_302 = vector.broadcast %add3A_301 : i32 to vector<16xi32>
      %add3A_303 = arith.addi %add3A_150, %add3A_302 : vector<16xi32>
      tpu.vector_store_idx %arg11[%add3A_303], %gather3A_300 : memref<2048xf32, #tpu.memory_space<vmem>>[vector<16xi32>], vector<16xf32>,
      %add3A_304 = arith.constant 14 : i32
      %add3A_305 = vector.broadcast %add3A_304 : i32 to vector<16xi32>
      %add3A_306 = arith.addi %shift_left3A_55, %add3A_305 : vector<16xi32>
      %gather3A_307 = arith.constant 0 : i32
      %gather3A_308 = arith.constant 0 : i32
      %gather3A_309 = tpu.memref_slice %arg9[%and3A_113, %gather3A_307, %gather3A_308] : memref<2x64x128xf32, #tpu.memory_space<vmem>> -> memref<1x64x128xf32, #tpu.memory_space<vmem>>
      %gather3A_310 = tpu.memref_squeeze %gather3A_309 : memref<1x64x128xf32, #tpu.memory_space<vmem>> -> memref<64x128xf32, #tpu.memory_space<vmem>>
      %gather3A_311 = tpu.vector_load_idx %gather3A_310[%add3A_135, %add3A_306] : memref<64x128xf32, #tpu.memory_space<vmem>>[vector<16xi32>, vector<16xi32>], vector<16xf32>,
      %add3A_312 = arith.constant 14 : i32
      %add3A_313 = vector.broadcast %add3A_312 : i32 to vector<16xi32>
      %add3A_314 = arith.addi %add3A_150, %add3A_313 : vector<16xi32>
      tpu.vector_store_idx %arg11[%add3A_314], %gather3A_311 : memref<2048xf32, #tpu.memory_space<vmem>>[vector<16xi32>], vector<16xf32>,
      %add3A_315 = arith.constant 15 : i32
      %add3A_316 = vector.broadcast %add3A_315 : i32 to vector<16xi32>
      %add3A_317 = arith.addi %shift_left3A_55, %add3A_316 : vector<16xi32>
      %gather3A_318 = arith.constant 0 : i32
      %gather3A_319 = arith.constant 0 : i32
      %gather3A_320 = tpu.memref_slice %arg9[%and3A_113, %gather3A_318, %gather3A_319] : memref<2x64x128xf32, #tpu.memory_space<vmem>> -> memref<1x64x128xf32, #tpu.memory_space<vmem>>
      %gather3A_321 = tpu.memref_squeeze %gather3A_320 : memref<1x64x128xf32, #tpu.memory_space<vmem>> -> memref<64x128xf32, #tpu.memory_space<vmem>>
      %gather3A_322 = tpu.vector_load_idx %gather3A_321[%add3A_135, %add3A_317] : memref<64x128xf32, #tpu.memory_space<vmem>>[vector<16xi32>, vector<16xi32>], vector<16xf32>,
      %add3A_323 = arith.constant 15 : i32
      %add3A_324 = vector.broadcast %add3A_323 : i32 to vector<16xi32>
      %add3A_325 = arith.addi %add3A_150, %add3A_324 : vector<16xi32>
      tpu.vector_store_idx %arg11[%add3A_325], %gather3A_322 : memref<2048xf32, #tpu.memory_space<vmem>>[vector<16xi32>], vector<16xf32>,
      %add3A_326 = arith.constant 16 : i32
      %add3A_327 = vector.broadcast %add3A_326 : i32 to vector<16xi32>
      %add3A_328 = arith.addi %iota3A, %add3A_327 : vector<16xi32>
      %shift_right_logical3A_329 = arith.constant 3 : i32
      %shift_right_logical3A_330 = vector.broadcast %shift_right_logical3A_329 : i32 to vector<16xi32>
      %shift_right_logical3A_331 = arith.shrui %add3A_328, %shift_right_logical3A_330 : vector<16xi32>
      %shift_left3A_332 = arith.constant 8 : i32
      %shift_left3A_333 = vector.broadcast %shift_left3A_332 : i32 to vector<16xi32>
      %shift_left3A_334 = arith.shli %shift_right_logical3A_331, %shift_left3A_333 : vector<16xi32>
      %add3A_335 = arith.constant 0 : i32
      %add3A_336 = vector.broadcast %add3A_335 : i32 to vector<16xi32>
      %add3A_337 = arith.addi %shift_left3A_334, %add3A_336 : vector<16xi32>
      %and3A_338 = arith.constant 7 : i32
      %and3A_339 = vector.broadcast %and3A_338 : i32 to vector<16xi32>
      %and3A_340 = arith.andi %add3A_328, %and3A_339 : vector<16xi32>
      %shift_left3A_341 = arith.constant 4 : i32
      %shift_left3A_342 = vector.broadcast %shift_left3A_341 : i32 to vector<16xi32>
      %shift_left3A_343 = arith.shli %and3A_340, %shift_left3A_342 : vector<16xi32>
      %add3A_344 = arith.addi %add3A_337, %shift_left3A_343 : vector<16xi32>
      %add3A_345 = arith.constant 0 : i32
      %add3A_346 = vector.broadcast %add3A_345 : i32 to vector<16xi32>
      %add3A_347 = arith.addi %shift_left3A_55, %add3A_346 : vector<16xi32>
      %gather3A_348 = arith.constant 0 : i32
      %gather3A_349 = arith.constant 0 : i32
      %gather3A_350 = tpu.memref_slice %arg9[%and3A_113, %gather3A_348, %gather3A_349] : memref<2x64x128xf32, #tpu.memory_space<vmem>> -> memref<1x64x128xf32, #tpu.memory_space<vmem>>
      %gather3A_351 = tpu.memref_squeeze %gather3A_350 : memref<1x64x128xf32, #tpu.memory_space<vmem>> -> memref<64x128xf32, #tpu.memory_space<vmem>>
      %gather3A_352 = tpu.vector_load_idx %gather3A_351[%add3A_328, %add3A_347] : memref<64x128xf32, #tpu.memory_space<vmem>>[vector<16xi32>, vector<16xi32>], vector<16xf32>,
      %add3A_353 = arith.constant 0 : i32
      %add3A_354 = vector.broadcast %add3A_353 : i32 to vector<16xi32>
      %add3A_355 = arith.addi %add3A_344, %add3A_354 : vector<16xi32>
      tpu.vector_store_idx %arg11[%add3A_355], %gather3A_352 : memref<2048xf32, #tpu.memory_space<vmem>>[vector<16xi32>], vector<16xf32>,
      %add3A_356 = arith.constant 1 : i32
      %add3A_357 = vector.broadcast %add3A_356 : i32 to vector<16xi32>
      %add3A_358 = arith.addi %shift_left3A_55, %add3A_357 : vector<16xi32>
      %gather3A_359 = arith.constant 0 : i32
      %gather3A_360 = arith.constant 0 : i32
      %gather3A_361 = tpu.memref_slice %arg9[%and3A_113, %gather3A_359, %gather3A_360] : memref<2x64x128xf32, #tpu.memory_space<vmem>> -> memref<1x64x128xf32, #tpu.memory_space<vmem>>
      %gather3A_362 = tpu.memref_squeeze %gather3A_361 : memref<1x64x128xf32, #tpu.memory_space<vmem>> -> memref<64x128xf32, #tpu.memory_space<vmem>>
      %gather3A_363 = tpu.vector_load_idx %gather3A_362[%add3A_328, %add3A_358] : memref<64x128xf32, #tpu.memory_space<vmem>>[vector<16xi32>, vector<16xi32>], vector<16xf32>,
      %add3A_364 = arith.constant 1 : i32
      %add3A_365 = vector.broadcast %add3A_364 : i32 to vector<16xi32>
      %add3A_366 = arith.addi %add3A_344, %add3A_365 : vector<16xi32>
      tpu.vector_store_idx %arg11[%add3A_366], %gather3A_363 : memref<2048xf32, #tpu.memory_space<vmem>>[vector<16xi32>], vector<16xf32>,
      %add3A_367 = arith.constant 2 : i32
      %add3A_368 = vector.broadcast %add3A_367 : i32 to vector<16xi32>
      %add3A_369 = arith.addi %shift_left3A_55, %add3A_368 : vector<16xi32>
      %gather3A_370 = arith.constant 0 : i32
      %gather3A_371 = arith.constant 0 : i32
      %gather3A_372 = tpu.memref_slice %arg9[%and3A_113, %gather3A_370, %gather3A_371] : memref<2x64x128xf32, #tpu.memory_space<vmem>> -> memref<1x64x128xf32, #tpu.memory_space<vmem>>
      %gather3A_373 = tpu.memref_squeeze %gather3A_372 : memref<1x64x128xf32, #tpu.memory_space<vmem>> -> memref<64x128xf32, #tpu.memory_space<vmem>>
      %gather3A_374 = tpu.vector_load_idx %gather3A_373[%add3A_328, %add3A_369] : memref<64x128xf32, #tpu.memory_space<vmem>>[vector<16xi32>, vector<16xi32>], vector<16xf32>,
      %add3A_375 = arith.constant 2 : i32
      %add3A_376 = vector.broadcast %add3A_375 : i32 to vector<16xi32>
      %add3A_377 = arith.addi %add3A_344, %add3A_376 : vector<16xi32>
      tpu.vector_store_idx %arg11[%add3A_377], %gather3A_374 : memref<2048xf32, #tpu.memory_space<vmem>>[vector<16xi32>], vector<16xf32>,
      %add3A_378 = arith.constant 3 : i32
      %add3A_379 = vector.broadcast %add3A_378 : i32 to vector<16xi32>
      %add3A_380 = arith.addi %shift_left3A_55, %add3A_379 : vector<16xi32>
      %gather3A_381 = arith.constant 0 : i32
      %gather3A_382 = arith.constant 0 : i32
      %gather3A_383 = tpu.memref_slice %arg9[%and3A_113, %gather3A_381, %gather3A_382] : memref<2x64x128xf32, #tpu.memory_space<vmem>> -> memref<1x64x128xf32, #tpu.memory_space<vmem>>
      %gather3A_384 = tpu.memref_squeeze %gather3A_383 : memref<1x64x128xf32, #tpu.memory_space<vmem>> -> memref<64x128xf32, #tpu.memory_space<vmem>>
      %gather3A_385 = tpu.vector_load_idx %gather3A_384[%add3A_328, %add3A_380] : memref<64x128xf32, #tpu.memory_space<vmem>>[vector<16xi32>, vector<16xi32>], vector<16xf32>,
      %add3A_386 = arith.constant 3 : i32
      %add3A_387 = vector.broadcast %add3A_386 : i32 to vector<16xi32>
      %add3A_388 = arith.addi %add3A_344, %add3A_387 : vector<16xi32>
      tpu.vector_store_idx %arg11[%add3A_388], %gather3A_385 : memref<2048xf32, #tpu.memory_space<vmem>>[vector<16xi32>], vector<16xf32>,
      %add3A_389 = arith.constant 4 : i32
      %add3A_390 = vector.broadcast %add3A_389 : i32 to vector<16xi32>
      %add3A_391 = arith.addi %shift_left3A_55, %add3A_390 : vector<16xi32>
      %gather3A_392 = arith.constant 0 : i32
      %gather3A_393 = arith.constant 0 : i32
      %gather3A_394 = tpu.memref_slice %arg9[%and3A_113, %gather3A_392, %gather3A_393] : memref<2x64x128xf32, #tpu.memory_space<vmem>> -> memref<1x64x128xf32, #tpu.memory_space<vmem>>
      %gather3A_395 = tpu.memref_squeeze %gather3A_394 : memref<1x64x128xf32, #tpu.memory_space<vmem>> -> memref<64x128xf32, #tpu.memory_space<vmem>>
      %gather3A_396 = tpu.vector_load_idx %gather3A_395[%add3A_328, %add3A_391] : memref<64x128xf32, #tpu.memory_space<vmem>>[vector<16xi32>, vector<16xi32>], vector<16xf32>,
      %add3A_397 = arith.constant 4 : i32
      %add3A_398 = vector.broadcast %add3A_397 : i32 to vector<16xi32>
      %add3A_399 = arith.addi %add3A_344, %add3A_398 : vector<16xi32>
      tpu.vector_store_idx %arg11[%add3A_399], %gather3A_396 : memref<2048xf32, #tpu.memory_space<vmem>>[vector<16xi32>], vector<16xf32>,
      %add3A_400 = arith.constant 5 : i32
      %add3A_401 = vector.broadcast %add3A_400 : i32 to vector<16xi32>
      %add3A_402 = arith.addi %shift_left3A_55, %add3A_401 : vector<16xi32>
      %gather3A_403 = arith.constant 0 : i32
      %gather3A_404 = arith.constant 0 : i32
      %gather3A_405 = tpu.memref_slice %arg9[%and3A_113, %gather3A_403, %gather3A_404] : memref<2x64x128xf32, #tpu.memory_space<vmem>> -> memref<1x64x128xf32, #tpu.memory_space<vmem>>
      %gather3A_406 = tpu.memref_squeeze %gather3A_405 : memref<1x64x128xf32, #tpu.memory_space<vmem>> -> memref<64x128xf32, #tpu.memory_space<vmem>>
      %gather3A_407 = tpu.vector_load_idx %gather3A_406[%add3A_328, %add3A_402] : memref<64x128xf32, #tpu.memory_space<vmem>>[vector<16xi32>, vector<16xi32>], vector<16xf32>,
      %add3A_408 = arith.constant 5 : i32
      %add3A_409 = vector.broadcast %add3A_408 : i32 to vector<16xi32>
      %add3A_410 = arith.addi %add3A_344, %add3A_409 : vector<16xi32>
      tpu.vector_store_idx %arg11[%add3A_410], %gather3A_407 : memref<2048xf32, #tpu.memory_space<vmem>>[vector<16xi32>], vector<16xf32>,
      %add3A_411 = arith.constant 6 : i32
      %add3A_412 = vector.broadcast %add3A_411 : i32 to vector<16xi32>
      %add3A_413 = arith.addi %shift_left3A_55, %add3A_412 : vector<16xi32>
      %gather3A_414 = arith.constant 0 : i32
      %gather3A_415 = arith.constant 0 : i32
      %gather3A_416 = tpu.memref_slice %arg9[%and3A_113, %gather3A_414, %gather3A_415] : memref<2x64x128xf32, #tpu.memory_space<vmem>> -> memref<1x64x128xf32, #tpu.memory_space<vmem>>
      %gather3A_417 = tpu.memref_squeeze %gather3A_416 : memref<1x64x128xf32, #tpu.memory_space<vmem>> -> memref<64x128xf32, #tpu.memory_space<vmem>>
      %gather3A_418 = tpu.vector_load_idx %gather3A_417[%add3A_328, %add3A_413] : memref<64x128xf32, #tpu.memory_space<vmem>>[vector<16xi32>, vector<16xi32>], vector<16xf32>,
      %add3A_419 = arith.constant 6 : i32
      %add3A_420 = vector.broadcast %add3A_419 : i32 to vector<16xi32>
      %add3A_421 = arith.addi %add3A_344, %add3A_420 : vector<16xi32>
      tpu.vector_store_idx %arg11[%add3A_421], %gather3A_418 : memref<2048xf32, #tpu.memory_space<vmem>>[vector<16xi32>], vector<16xf32>,
      %add3A_422 = arith.constant 7 : i32
      %add3A_423 = vector.broadcast %add3A_422 : i32 to vector<16xi32>
      %add3A_424 = arith.addi %shift_left3A_55, %add3A_423 : vector<16xi32>
      %gather3A_425 = arith.constant 0 : i32
      %gather3A_426 = arith.constant 0 : i32
      %gather3A_427 = tpu.memref_slice %arg9[%and3A_113, %gather3A_425, %gather3A_426] : memref<2x64x128xf32, #tpu.memory_space<vmem>> -> memref<1x64x128xf32, #tpu.memory_space<vmem>>
      %gather3A_428 = tpu.memref_squeeze %gather3A_427 : memref<1x64x128xf32, #tpu.memory_space<vmem>> -> memref<64x128xf32, #tpu.memory_space<vmem>>
      %gather3A_429 = tpu.vector_load_idx %gather3A_428[%add3A_328, %add3A_424] : memref<64x128xf32, #tpu.memory_space<vmem>>[vector<16xi32>, vector<16xi32>], vector<16xf32>,
      %add3A_430 = arith.constant 7 : i32
      %add3A_431 = vector.broadcast %add3A_430 : i32 to vector<16xi32>
      %add3A_432 = arith.addi %add3A_344, %add3A_431 : vector<16xi32>
      tpu.vector_store_idx %arg11[%add3A_432], %gather3A_429 : memref<2048xf32, #tpu.memory_space<vmem>>[vector<16xi32>], vector<16xf32>,
      %add3A_433 = arith.constant 8 : i32
      %add3A_434 = vector.broadcast %add3A_433 : i32 to vector<16xi32>
      %add3A_435 = arith.addi %shift_left3A_55, %add3A_434 : vector<16xi32>
      %gather3A_436 = arith.constant 0 : i32
      %gather3A_437 = arith.constant 0 : i32
      %gather3A_438 = tpu.memref_slice %arg9[%and3A_113, %gather3A_436, %gather3A_437] : memref<2x64x128xf32, #tpu.memory_space<vmem>> -> memref<1x64x128xf32, #tpu.memory_space<vmem>>
      %gather3A_439 = tpu.memref_squeeze %gather3A_438 : memref<1x64x128xf32, #tpu.memory_space<vmem>> -> memref<64x128xf32, #tpu.memory_space<vmem>>
      %gather3A_440 = tpu.vector_load_idx %gather3A_439[%add3A_328, %add3A_435] : memref<64x128xf32, #tpu.memory_space<vmem>>[vector<16xi32>, vector<16xi32>], vector<16xf32>,
      %add3A_441 = arith.constant 8 : i32
      %add3A_442 = vector.broadcast %add3A_441 : i32 to vector<16xi32>
      %add3A_443 = arith.addi %add3A_344, %add3A_442 : vector<16xi32>
      tpu.vector_store_idx %arg11[%add3A_443], %gather3A_440 : memref<2048xf32, #tpu.memory_space<vmem>>[vector<16xi32>], vector<16xf32>,
      %add3A_444 = arith.constant 9 : i32
      %add3A_445 = vector.broadcast %add3A_444 : i32 to vector<16xi32>
      %add3A_446 = arith.addi %shift_left3A_55, %add3A_445 : vector<16xi32>
      %gather3A_447 = arith.constant 0 : i32
      %gather3A_448 = arith.constant 0 : i32
      %gather3A_449 = tpu.memref_slice %arg9[%and3A_113, %gather3A_447, %gather3A_448] : memref<2x64x128xf32, #tpu.memory_space<vmem>> -> memref<1x64x128xf32, #tpu.memory_space<vmem>>
      %gather3A_450 = tpu.memref_squeeze %gather3A_449 : memref<1x64x128xf32, #tpu.memory_space<vmem>> -> memref<64x128xf32, #tpu.memory_space<vmem>>
      %gather3A_451 = tpu.vector_load_idx %gather3A_450[%add3A_328, %add3A_446] : memref<64x128xf32, #tpu.memory_space<vmem>>[vector<16xi32>, vector<16xi32>], vector<16xf32>,
      %add3A_452 = arith.constant 9 : i32
      %add3A_453 = vector.broadcast %add3A_452 : i32 to vector<16xi32>
      %add3A_454 = arith.addi %add3A_344, %add3A_453 : vector<16xi32>
      tpu.vector_store_idx %arg11[%add3A_454], %gather3A_451 : memref<2048xf32, #tpu.memory_space<vmem>>[vector<16xi32>], vector<16xf32>,
      %add3A_455 = arith.constant 10 : i32
      %add3A_456 = vector.broadcast %add3A_455 : i32 to vector<16xi32>
      %add3A_457 = arith.addi %shift_left3A_55, %add3A_456 : vector<16xi32>
      %gather3A_458 = arith.constant 0 : i32
      %gather3A_459 = arith.constant 0 : i32
      %gather3A_460 = tpu.memref_slice %arg9[%and3A_113, %gather3A_458, %gather3A_459] : memref<2x64x128xf32, #tpu.memory_space<vmem>> -> memref<1x64x128xf32, #tpu.memory_space<vmem>>
      %gather3A_461 = tpu.memref_squeeze %gather3A_460 : memref<1x64x128xf32, #tpu.memory_space<vmem>> -> memref<64x128xf32, #tpu.memory_space<vmem>>
      %gather3A_462 = tpu.vector_load_idx %gather3A_461[%add3A_328, %add3A_457] : memref<64x128xf32, #tpu.memory_space<vmem>>[vector<16xi32>, vector<16xi32>], vector<16xf32>,
      %add3A_463 = arith.constant 10 : i32
      %add3A_464 = vector.broadcast %add3A_463 : i32 to vector<16xi32>
      %add3A_465 = arith.addi %add3A_344, %add3A_464 : vector<16xi32>
      tpu.vector_store_idx %arg11[%add3A_465], %gather3A_462 : memref<2048xf32, #tpu.memory_space<vmem>>[vector<16xi32>], vector<16xf32>,
      %add3A_466 = arith.constant 11 : i32
      %add3A_467 = vector.broadcast %add3A_466 : i32 to vector<16xi32>
      %add3A_468 = arith.addi %shift_left3A_55, %add3A_467 : vector<16xi32>
      %gather3A_469 = arith.constant 0 : i32
      %gather3A_470 = arith.constant 0 : i32
      %gather3A_471 = tpu.memref_slice %arg9[%and3A_113, %gather3A_469, %gather3A_470] : memref<2x64x128xf32, #tpu.memory_space<vmem>> -> memref<1x64x128xf32, #tpu.memory_space<vmem>>
      %gather3A_472 = tpu.memref_squeeze %gather3A_471 : memref<1x64x128xf32, #tpu.memory_space<vmem>> -> memref<64x128xf32, #tpu.memory_space<vmem>>
      %gather3A_473 = tpu.vector_load_idx %gather3A_472[%add3A_328, %add3A_468] : memref<64x128xf32, #tpu.memory_space<vmem>>[vector<16xi32>, vector<16xi32>], vector<16xf32>,
      %add3A_474 = arith.constant 11 : i32
      %add3A_475 = vector.broadcast %add3A_474 : i32 to vector<16xi32>
      %add3A_476 = arith.addi %add3A_344, %add3A_475 : vector<16xi32>
      tpu.vector_store_idx %arg11[%add3A_476], %gather3A_473 : memref<2048xf32, #tpu.memory_space<vmem>>[vector<16xi32>], vector<16xf32>,
      %add3A_477 = arith.constant 12 : i32
      %add3A_478 = vector.broadcast %add3A_477 : i32 to vector<16xi32>
      %add3A_479 = arith.addi %shift_left3A_55, %add3A_478 : vector<16xi32>
      %gather3A_480 = arith.constant 0 : i32
      %gather3A_481 = arith.constant 0 : i32
      %gather3A_482 = tpu.memref_slice %arg9[%and3A_113, %gather3A_480, %gather3A_481] : memref<2x64x128xf32, #tpu.memory_space<vmem>> -> memref<1x64x128xf32, #tpu.memory_space<vmem>>
      %gather3A_483 = tpu.memref_squeeze %gather3A_482 : memref<1x64x128xf32, #tpu.memory_space<vmem>> -> memref<64x128xf32, #tpu.memory_space<vmem>>
      %gather3A_484 = tpu.vector_load_idx %gather3A_483[%add3A_328, %add3A_479] : memref<64x128xf32, #tpu.memory_space<vmem>>[vector<16xi32>, vector<16xi32>], vector<16xf32>,
      %add3A_485 = arith.constant 12 : i32
      %add3A_486 = vector.broadcast %add3A_485 : i32 to vector<16xi32>
      %add3A_487 = arith.addi %add3A_344, %add3A_486 : vector<16xi32>
      tpu.vector_store_idx %arg11[%add3A_487], %gather3A_484 : memref<2048xf32, #tpu.memory_space<vmem>>[vector<16xi32>], vector<16xf32>,
      %add3A_488 = arith.constant 13 : i32
      %add3A_489 = vector.broadcast %add3A_488 : i32 to vector<16xi32>
      %add3A_490 = arith.addi %shift_left3A_55, %add3A_489 : vector<16xi32>
      %gather3A_491 = arith.constant 0 : i32
      %gather3A_492 = arith.constant 0 : i32
      %gather3A_493 = tpu.memref_slice %arg9[%and3A_113, %gather3A_491, %gather3A_492] : memref<2x64x128xf32, #tpu.memory_space<vmem>> -> memref<1x64x128xf32, #tpu.memory_space<vmem>>
      %gather3A_494 = tpu.memref_squeeze %gather3A_493 : memref<1x64x128xf32, #tpu.memory_space<vmem>> -> memref<64x128xf32, #tpu.memory_space<vmem>>
      %gather3A_495 = tpu.vector_load_idx %gather3A_494[%add3A_328, %add3A_490] : memref<64x128xf32, #tpu.memory_space<vmem>>[vector<16xi32>, vector<16xi32>], vector<16xf32>,
      %add3A_496 = arith.constant 13 : i32
      %add3A_497 = vector.broadcast %add3A_496 : i32 to vector<16xi32>
      %add3A_498 = arith.addi %add3A_344, %add3A_497 : vector<16xi32>
      tpu.vector_store_idx %arg11[%add3A_498], %gather3A_495 : memref<2048xf32, #tpu.memory_space<vmem>>[vector<16xi32>], vector<16xf32>,
      %add3A_499 = arith.constant 14 : i32
      %add3A_500 = vector.broadcast %add3A_499 : i32 to vector<16xi32>
      %add3A_501 = arith.addi %shift_left3A_55, %add3A_500 : vector<16xi32>
      %gather3A_502 = arith.constant 0 : i32
      %gather3A_503 = arith.constant 0 : i32
      %gather3A_504 = tpu.memref_slice %arg9[%and3A_113, %gather3A_502, %gather3A_503] : memref<2x64x128xf32, #tpu.memory_space<vmem>> -> memref<1x64x128xf32, #tpu.memory_space<vmem>>
      %gather3A_505 = tpu.memref_squeeze %gather3A_504 : memref<1x64x128xf32, #tpu.memory_space<vmem>> -> memref<64x128xf32, #tpu.memory_space<vmem>>
      %gather3A_506 = tpu.vector_load_idx %gather3A_505[%add3A_328, %add3A_501] : memref<64x128xf32, #tpu.memory_space<vmem>>[vector<16xi32>, vector<16xi32>], vector<16xf32>,
      %add3A_507 = arith.constant 14 : i32
      %add3A_508 = vector.broadcast %add3A_507 : i32 to vector<16xi32>
      %add3A_509 = arith.addi %add3A_344, %add3A_508 : vector<16xi32>
      tpu.vector_store_idx %arg11[%add3A_509], %gather3A_506 : memref<2048xf32, #tpu.memory_space<vmem>>[vector<16xi32>], vector<16xf32>,
      %add3A_510 = arith.constant 15 : i32
      %add3A_511 = vector.broadcast %add3A_510 : i32 to vector<16xi32>
      %add3A_512 = arith.addi %shift_left3A_55, %add3A_511 : vector<16xi32>
      %gather3A_513 = arith.constant 0 : i32
      %gather3A_514 = arith.constant 0 : i32
      %gather3A_515 = tpu.memref_slice %arg9[%and3A_113, %gather3A_513, %gather3A_514] : memref<2x64x128xf32, #tpu.memory_space<vmem>> -> memref<1x64x128xf32, #tpu.memory_space<vmem>>
      %gather3A_516 = tpu.memref_squeeze %gather3A_515 : memref<1x64x128xf32, #tpu.memory_space<vmem>> -> memref<64x128xf32, #tpu.memory_space<vmem>>
      %gather3A_517 = tpu.vector_load_idx %gather3A_516[%add3A_328, %add3A_512] : memref<64x128xf32, #tpu.memory_space<vmem>>[vector<16xi32>, vector<16xi32>], vector<16xf32>,
      %add3A_518 = arith.constant 15 : i32
      %add3A_519 = vector.broadcast %add3A_518 : i32 to vector<16xi32>
      %add3A_520 = arith.addi %add3A_344, %add3A_519 : vector<16xi32>
      tpu.vector_store_idx %arg11[%add3A_520], %gather3A_517 : memref<2048xf32, #tpu.memory_space<vmem>>[vector<16xi32>], vector<16xf32>,
      %add3A_521 = arith.constant 32 : i32
      %add3A_522 = vector.broadcast %add3A_521 : i32 to vector<16xi32>
      %add3A_523 = arith.addi %iota3A, %add3A_522 : vector<16xi32>
      %shift_right_logical3A_524 = arith.constant 3 : i32
      %shift_right_logical3A_525 = vector.broadcast %shift_right_logical3A_524 : i32 to vector<16xi32>
      %shift_right_logical3A_526 = arith.shrui %add3A_523, %shift_right_logical3A_525 : vector<16xi32>
      %shift_left3A_527 = arith.constant 8 : i32
      %shift_left3A_528 = vector.broadcast %shift_left3A_527 : i32 to vector<16xi32>
      %shift_left3A_529 = arith.shli %shift_right_logical3A_526, %shift_left3A_528 : vector<16xi32>
      %add3A_530 = arith.constant 0 : i32
      %add3A_531 = vector.broadcast %add3A_530 : i32 to vector<16xi32>
      %add3A_532 = arith.addi %shift_left3A_529, %add3A_531 : vector<16xi32>
      %and3A_533 = arith.constant 7 : i32
      %and3A_534 = vector.broadcast %and3A_533 : i32 to vector<16xi32>
      %and3A_535 = arith.andi %add3A_523, %and3A_534 : vector<16xi32>
      %shift_left3A_536 = arith.constant 4 : i32
      %shift_left3A_537 = vector.broadcast %shift_left3A_536 : i32 to vector<16xi32>
      %shift_left3A_538 = arith.shli %and3A_535, %shift_left3A_537 : vector<16xi32>
      %add3A_539 = arith.addi %add3A_532, %shift_left3A_538 : vector<16xi32>
      %add3A_540 = arith.constant 0 : i32
      %add3A_541 = vector.broadcast %add3A_540 : i32 to vector<16xi32>
      %add3A_542 = arith.addi %shift_left3A_55, %add3A_541 : vector<16xi32>
      %gather3A_543 = arith.constant 0 : i32
      %gather3A_544 = arith.constant 0 : i32
      %gather3A_545 = tpu.memref_slice %arg9[%and3A_113, %gather3A_543, %gather3A_544] : memref<2x64x128xf32, #tpu.memory_space<vmem>> -> memref<1x64x128xf32, #tpu.memory_space<vmem>>
      %gather3A_546 = tpu.memref_squeeze %gather3A_545 : memref<1x64x128xf32, #tpu.memory_space<vmem>> -> memref<64x128xf32, #tpu.memory_space<vmem>>
      %gather3A_547 = tpu.vector_load_idx %gather3A_546[%add3A_523, %add3A_542] : memref<64x128xf32, #tpu.memory_space<vmem>>[vector<16xi32>, vector<16xi32>], vector<16xf32>,
      %add3A_548 = arith.constant 0 : i32
      %add3A_549 = vector.broadcast %add3A_548 : i32 to vector<16xi32>
      %add3A_550 = arith.addi %add3A_539, %add3A_549 : vector<16xi32>
      tpu.vector_store_idx %arg11[%add3A_550], %gather3A_547 : memref<2048xf32, #tpu.memory_space<vmem>>[vector<16xi32>], vector<16xf32>,
      %add3A_551 = arith.constant 1 : i32
      %add3A_552 = vector.broadcast %add3A_551 : i32 to vector<16xi32>
      %add3A_553 = arith.addi %shift_left3A_55, %add3A_552 : vector<16xi32>
      %gather3A_554 = arith.constant 0 : i32
      %gather3A_555 = arith.constant 0 : i32
      %gather3A_556 = tpu.memref_slice %arg9[%and3A_113, %gather3A_554, %gather3A_555] : memref<2x64x128xf32, #tpu.memory_space<vmem>> -> memref<1x64x128xf32, #tpu.memory_space<vmem>>
      %gather3A_557 = tpu.memref_squeeze %gather3A_556 : memref<1x64x128xf32, #tpu.memory_space<vmem>> -> memref<64x128xf32, #tpu.memory_space<vmem>>
      %gather3A_558 = tpu.vector_load_idx %gather3A_557[%add3A_523, %add3A_553] : memref<64x128xf32, #tpu.memory_space<vmem>>[vector<16xi32>, vector<16xi32>], vector<16xf32>,
      %add3A_559 = arith.constant 1 : i32
      %add3A_560 = vector.broadcast %add3A_559 : i32 to vector<16xi32>
      %add3A_561 = arith.addi %add3A_539, %add3A_560 : vector<16xi32>
      tpu.vector_store_idx %arg11[%add3A_561], %gather3A_558 : memref<2048xf32, #tpu.memory_space<vmem>>[vector<16xi32>], vector<16xf32>,
      %add3A_562 = arith.constant 2 : i32
      %add3A_563 = vector.broadcast %add3A_562 : i32 to vector<16xi32>
      %add3A_564 = arith.addi %shift_left3A_55, %add3A_563 : vector<16xi32>
      %gather3A_565 = arith.constant 0 : i32
      %gather3A_566 = arith.constant 0 : i32
      %gather3A_567 = tpu.memref_slice %arg9[%and3A_113, %gather3A_565, %gather3A_566] : memref<2x64x128xf32, #tpu.memory_space<vmem>> -> memref<1x64x128xf32, #tpu.memory_space<vmem>>
      %gather3A_568 = tpu.memref_squeeze %gather3A_567 : memref<1x64x128xf32, #tpu.memory_space<vmem>> -> memref<64x128xf32, #tpu.memory_space<vmem>>
      %gather3A_569 = tpu.vector_load_idx %gather3A_568[%add3A_523, %add3A_564] : memref<64x128xf32, #tpu.memory_space<vmem>>[vector<16xi32>, vector<16xi32>], vector<16xf32>,
      %add3A_570 = arith.constant 2 : i32
      %add3A_571 = vector.broadcast %add3A_570 : i32 to vector<16xi32>
      %add3A_572 = arith.addi %add3A_539, %add3A_571 : vector<16xi32>
      tpu.vector_store_idx %arg11[%add3A_572], %gather3A_569 : memref<2048xf32, #tpu.memory_space<vmem>>[vector<16xi32>], vector<16xf32>,
      %add3A_573 = arith.constant 3 : i32
      %add3A_574 = vector.broadcast %add3A_573 : i32 to vector<16xi32>
      %add3A_575 = arith.addi %shift_left3A_55, %add3A_574 : vector<16xi32>
      %gather3A_576 = arith.constant 0 : i32
      %gather3A_577 = arith.constant 0 : i32
      %gather3A_578 = tpu.memref_slice %arg9[%and3A_113, %gather3A_576, %gather3A_577] : memref<2x64x128xf32, #tpu.memory_space<vmem>> -> memref<1x64x128xf32, #tpu.memory_space<vmem>>
      %gather3A_579 = tpu.memref_squeeze %gather3A_578 : memref<1x64x128xf32, #tpu.memory_space<vmem>> -> memref<64x128xf32, #tpu.memory_space<vmem>>
      %gather3A_580 = tpu.vector_load_idx %gather3A_579[%add3A_523, %add3A_575] : memref<64x128xf32, #tpu.memory_space<vmem>>[vector<16xi32>, vector<16xi32>], vector<16xf32>,
      %add3A_581 = arith.constant 3 : i32
      %add3A_582 = vector.broadcast %add3A_581 : i32 to vector<16xi32>
      %add3A_583 = arith.addi %add3A_539, %add3A_582 : vector<16xi32>
      tpu.vector_store_idx %arg11[%add3A_583], %gather3A_580 : memref<2048xf32, #tpu.memory_space<vmem>>[vector<16xi32>], vector<16xf32>,
      %add3A_584 = arith.constant 4 : i32
      %add3A_585 = vector.broadcast %add3A_584 : i32 to vector<16xi32>
      %add3A_586 = arith.addi %shift_left3A_55, %add3A_585 : vector<16xi32>
      %gather3A_587 = arith.constant 0 : i32
      %gather3A_588 = arith.constant 0 : i32
      %gather3A_589 = tpu.memref_slice %arg9[%and3A_113, %gather3A_587, %gather3A_588] : memref<2x64x128xf32, #tpu.memory_space<vmem>> -> memref<1x64x128xf32, #tpu.memory_space<vmem>>
      %gather3A_590 = tpu.memref_squeeze %gather3A_589 : memref<1x64x128xf32, #tpu.memory_space<vmem>> -> memref<64x128xf32, #tpu.memory_space<vmem>>
      %gather3A_591 = tpu.vector_load_idx %gather3A_590[%add3A_523, %add3A_586] : memref<64x128xf32, #tpu.memory_space<vmem>>[vector<16xi32>, vector<16xi32>], vector<16xf32>,
      %add3A_592 = arith.constant 4 : i32
      %add3A_593 = vector.broadcast %add3A_592 : i32 to vector<16xi32>
      %add3A_594 = arith.addi %add3A_539, %add3A_593 : vector<16xi32>
      tpu.vector_store_idx %arg11[%add3A_594], %gather3A_591 : memref<2048xf32, #tpu.memory_space<vmem>>[vector<16xi32>], vector<16xf32>,
      %add3A_595 = arith.constant 5 : i32
      %add3A_596 = vector.broadcast %add3A_595 : i32 to vector<16xi32>
      %add3A_597 = arith.addi %shift_left3A_55, %add3A_596 : vector<16xi32>
      %gather3A_598 = arith.constant 0 : i32
      %gather3A_599 = arith.constant 0 : i32
      %gather3A_600 = tpu.memref_slice %arg9[%and3A_113, %gather3A_598, %gather3A_599] : memref<2x64x128xf32, #tpu.memory_space<vmem>> -> memref<1x64x128xf32, #tpu.memory_space<vmem>>
      %gather3A_601 = tpu.memref_squeeze %gather3A_600 : memref<1x64x128xf32, #tpu.memory_space<vmem>> -> memref<64x128xf32, #tpu.memory_space<vmem>>
      %gather3A_602 = tpu.vector_load_idx %gather3A_601[%add3A_523, %add3A_597] : memref<64x128xf32, #tpu.memory_space<vmem>>[vector<16xi32>, vector<16xi32>], vector<16xf32>,
      %add3A_603 = arith.constant 5 : i32
      %add3A_604 = vector.broadcast %add3A_603 : i32 to vector<16xi32>
      %add3A_605 = arith.addi %add3A_539, %add3A_604 : vector<16xi32>
      tpu.vector_store_idx %arg11[%add3A_605], %gather3A_602 : memref<2048xf32, #tpu.memory_space<vmem>>[vector<16xi32>], vector<16xf32>,
      %add3A_606 = arith.constant 6 : i32
      %add3A_607 = vector.broadcast %add3A_606 : i32 to vector<16xi32>
      %add3A_608 = arith.addi %shift_left3A_55, %add3A_607 : vector<16xi32>
      %gather3A_609 = arith.constant 0 : i32
      %gather3A_610 = arith.constant 0 : i32
      %gather3A_611 = tpu.memref_slice %arg9[%and3A_113, %gather3A_609, %gather3A_610] : memref<2x64x128xf32, #tpu.memory_space<vmem>> -> memref<1x64x128xf32, #tpu.memory_space<vmem>>
      %gather3A_612 = tpu.memref_squeeze %gather3A_611 : memref<1x64x128xf32, #tpu.memory_space<vmem>> -> memref<64x128xf32, #tpu.memory_space<vmem>>
      %gather3A_613 = tpu.vector_load_idx %gather3A_612[%add3A_523, %add3A_608] : memref<64x128xf32, #tpu.memory_space<vmem>>[vector<16xi32>, vector<16xi32>], vector<16xf32>,
      %add3A_614 = arith.constant 6 : i32
      %add3A_615 = vector.broadcast %add3A_614 : i32 to vector<16xi32>
      %add3A_616 = arith.addi %add3A_539, %add3A_615 : vector<16xi32>
      tpu.vector_store_idx %arg11[%add3A_616], %gather3A_613 : memref<2048xf32, #tpu.memory_space<vmem>>[vector<16xi32>], vector<16xf32>,
      %add3A_617 = arith.constant 7 : i32
      %add3A_618 = vector.broadcast %add3A_617 : i32 to vector<16xi32>
      %add3A_619 = arith.addi %shift_left3A_55, %add3A_618 : vector<16xi32>
      %gather3A_620 = arith.constant 0 : i32
      %gather3A_621 = arith.constant 0 : i32
      %gather3A_622 = tpu.memref_slice %arg9[%and3A_113, %gather3A_620, %gather3A_621] : memref<2x64x128xf32, #tpu.memory_space<vmem>> -> memref<1x64x128xf32, #tpu.memory_space<vmem>>
      %gather3A_623 = tpu.memref_squeeze %gather3A_622 : memref<1x64x128xf32, #tpu.memory_space<vmem>> -> memref<64x128xf32, #tpu.memory_space<vmem>>
      %gather3A_624 = tpu.vector_load_idx %gather3A_623[%add3A_523, %add3A_619] : memref<64x128xf32, #tpu.memory_space<vmem>>[vector<16xi32>, vector<16xi32>], vector<16xf32>,
      %add3A_625 = arith.constant 7 : i32
      %add3A_626 = vector.broadcast %add3A_625 : i32 to vector<16xi32>
      %add3A_627 = arith.addi %add3A_539, %add3A_626 : vector<16xi32>
      tpu.vector_store_idx %arg11[%add3A_627], %gather3A_624 : memref<2048xf32, #tpu.memory_space<vmem>>[vector<16xi32>], vector<16xf32>,
      %add3A_628 = arith.constant 8 : i32
      %add3A_629 = vector.broadcast %add3A_628 : i32 to vector<16xi32>
      %add3A_630 = arith.addi %shift_left3A_55, %add3A_629 : vector<16xi32>
      %gather3A_631 = arith.constant 0 : i32
      %gather3A_632 = arith.constant 0 : i32
      %gather3A_633 = tpu.memref_slice %arg9[%and3A_113, %gather3A_631, %gather3A_632] : memref<2x64x128xf32, #tpu.memory_space<vmem>> -> memref<1x64x128xf32, #tpu.memory_space<vmem>>
      %gather3A_634 = tpu.memref_squeeze %gather3A_633 : memref<1x64x128xf32, #tpu.memory_space<vmem>> -> memref<64x128xf32, #tpu.memory_space<vmem>>
      %gather3A_635 = tpu.vector_load_idx %gather3A_634[%add3A_523, %add3A_630] : memref<64x128xf32, #tpu.memory_space<vmem>>[vector<16xi32>, vector<16xi32>], vector<16xf32>,
      %add3A_636 = arith.constant 8 : i32
      %add3A_637 = vector.broadcast %add3A_636 : i32 to vector<16xi32>
      %add3A_638 = arith.addi %add3A_539, %add3A_637 : vector<16xi32>
      tpu.vector_store_idx %arg11[%add3A_638], %gather3A_635 : memref<2048xf32, #tpu.memory_space<vmem>>[vector<16xi32>], vector<16xf32>,
      %add3A_639 = arith.constant 9 : i32
      %add3A_640 = vector.broadcast %add3A_639 : i32 to vector<16xi32>
      %add3A_641 = arith.addi %shift_left3A_55, %add3A_640 : vector<16xi32>
      %gather3A_642 = arith.constant 0 : i32
      %gather3A_643 = arith.constant 0 : i32
      %gather3A_644 = tpu.memref_slice %arg9[%and3A_113, %gather3A_642, %gather3A_643] : memref<2x64x128xf32, #tpu.memory_space<vmem>> -> memref<1x64x128xf32, #tpu.memory_space<vmem>>
      %gather3A_645 = tpu.memref_squeeze %gather3A_644 : memref<1x64x128xf32, #tpu.memory_space<vmem>> -> memref<64x128xf32, #tpu.memory_space<vmem>>
      %gather3A_646 = tpu.vector_load_idx %gather3A_645[%add3A_523, %add3A_641] : memref<64x128xf32, #tpu.memory_space<vmem>>[vector<16xi32>, vector<16xi32>], vector<16xf32>,
      %add3A_647 = arith.constant 9 : i32
      %add3A_648 = vector.broadcast %add3A_647 : i32 to vector<16xi32>
      %add3A_649 = arith.addi %add3A_539, %add3A_648 : vector<16xi32>
      tpu.vector_store_idx %arg11[%add3A_649], %gather3A_646 : memref<2048xf32, #tpu.memory_space<vmem>>[vector<16xi32>], vector<16xf32>,
      %add3A_650 = arith.constant 10 : i32
      %add3A_651 = vector.broadcast %add3A_650 : i32 to vector<16xi32>
      %add3A_652 = arith.addi %shift_left3A_55, %add3A_651 : vector<16xi32>
      %gather3A_653 = arith.constant 0 : i32
      %gather3A_654 = arith.constant 0 : i32
      %gather3A_655 = tpu.memref_slice %arg9[%and3A_113, %gather3A_653, %gather3A_654] : memref<2x64x128xf32, #tpu.memory_space<vmem>> -> memref<1x64x128xf32, #tpu.memory_space<vmem>>
      %gather3A_656 = tpu.memref_squeeze %gather3A_655 : memref<1x64x128xf32, #tpu.memory_space<vmem>> -> memref<64x128xf32, #tpu.memory_space<vmem>>
      %gather3A_657 = tpu.vector_load_idx %gather3A_656[%add3A_523, %add3A_652] : memref<64x128xf32, #tpu.memory_space<vmem>>[vector<16xi32>, vector<16xi32>], vector<16xf32>,
      %add3A_658 = arith.constant 10 : i32
      %add3A_659 = vector.broadcast %add3A_658 : i32 to vector<16xi32>
      %add3A_660 = arith.addi %add3A_539, %add3A_659 : vector<16xi32>
      tpu.vector_store_idx %arg11[%add3A_660], %gather3A_657 : memref<2048xf32, #tpu.memory_space<vmem>>[vector<16xi32>], vector<16xf32>,
      %add3A_661 = arith.constant 11 : i32
      %add3A_662 = vector.broadcast %add3A_661 : i32 to vector<16xi32>
      %add3A_663 = arith.addi %shift_left3A_55, %add3A_662 : vector<16xi32>
      %gather3A_664 = arith.constant 0 : i32
      %gather3A_665 = arith.constant 0 : i32
      %gather3A_666 = tpu.memref_slice %arg9[%and3A_113, %gather3A_664, %gather3A_665] : memref<2x64x128xf32, #tpu.memory_space<vmem>> -> memref<1x64x128xf32, #tpu.memory_space<vmem>>
      %gather3A_667 = tpu.memref_squeeze %gather3A_666 : memref<1x64x128xf32, #tpu.memory_space<vmem>> -> memref<64x128xf32, #tpu.memory_space<vmem>>
      %gather3A_668 = tpu.vector_load_idx %gather3A_667[%add3A_523, %add3A_663] : memref<64x128xf32, #tpu.memory_space<vmem>>[vector<16xi32>, vector<16xi32>], vector<16xf32>,
      %add3A_669 = arith.constant 11 : i32
      %add3A_670 = vector.broadcast %add3A_669 : i32 to vector<16xi32>
      %add3A_671 = arith.addi %add3A_539, %add3A_670 : vector<16xi32>
      tpu.vector_store_idx %arg11[%add3A_671], %gather3A_668 : memref<2048xf32, #tpu.memory_space<vmem>>[vector<16xi32>], vector<16xf32>,
      %add3A_672 = arith.constant 12 : i32
      %add3A_673 = vector.broadcast %add3A_672 : i32 to vector<16xi32>
      %add3A_674 = arith.addi %shift_left3A_55, %add3A_673 : vector<16xi32>
      %gather3A_675 = arith.constant 0 : i32
      %gather3A_676 = arith.constant 0 : i32
      %gather3A_677 = tpu.memref_slice %arg9[%and3A_113, %gather3A_675, %gather3A_676] : memref<2x64x128xf32, #tpu.memory_space<vmem>> -> memref<1x64x128xf32, #tpu.memory_space<vmem>>
      %gather3A_678 = tpu.memref_squeeze %gather3A_677 : memref<1x64x128xf32, #tpu.memory_space<vmem>> -> memref<64x128xf32, #tpu.memory_space<vmem>>
      %gather3A_679 = tpu.vector_load_idx %gather3A_678[%add3A_523, %add3A_674] : memref<64x128xf32, #tpu.memory_space<vmem>>[vector<16xi32>, vector<16xi32>], vector<16xf32>,
      %add3A_680 = arith.constant 12 : i32
      %add3A_681 = vector.broadcast %add3A_680 : i32 to vector<16xi32>
      %add3A_682 = arith.addi %add3A_539, %add3A_681 : vector<16xi32>
      tpu.vector_store_idx %arg11[%add3A_682], %gather3A_679 : memref<2048xf32, #tpu.memory_space<vmem>>[vector<16xi32>], vector<16xf32>,
      %add3A_683 = arith.constant 13 : i32
      %add3A_684 = vector.broadcast %add3A_683 : i32 to vector<16xi32>
      %add3A_685 = arith.addi %shift_left3A_55, %add3A_684 : vector<16xi32>
      %gather3A_686 = arith.constant 0 : i32
      %gather3A_687 = arith.constant 0 : i32
      %gather3A_688 = tpu.memref_slice %arg9[%and3A_113, %gather3A_686, %gather3A_687] : memref<2x64x128xf32, #tpu.memory_space<vmem>> -> memref<1x64x128xf32, #tpu.memory_space<vmem>>
      %gather3A_689 = tpu.memref_squeeze %gather3A_688 : memref<1x64x128xf32, #tpu.memory_space<vmem>> -> memref<64x128xf32, #tpu.memory_space<vmem>>
      %gather3A_690 = tpu.vector_load_idx %gather3A_689[%add3A_523, %add3A_685] : memref<64x128xf32, #tpu.memory_space<vmem>>[vector<16xi32>, vector<16xi32>], vector<16xf32>,
      %add3A_691 = arith.constant 13 : i32
      %add3A_692 = vector.broadcast %add3A_691 : i32 to vector<16xi32>
      %add3A_693 = arith.addi %add3A_539, %add3A_692 : vector<16xi32>
      tpu.vector_store_idx %arg11[%add3A_693], %gather3A_690 : memref<2048xf32, #tpu.memory_space<vmem>>[vector<16xi32>], vector<16xf32>,
      %add3A_694 = arith.constant 14 : i32
      %add3A_695 = vector.broadcast %add3A_694 : i32 to vector<16xi32>
      %add3A_696 = arith.addi %shift_left3A_55, %add3A_695 : vector<16xi32>
      %gather3A_697 = arith.constant 0 : i32
      %gather3A_698 = arith.constant 0 : i32
      %gather3A_699 = tpu.memref_slice %arg9[%and3A_113, %gather3A_697, %gather3A_698] : memref<2x64x128xf32, #tpu.memory_space<vmem>> -> memref<1x64x128xf32, #tpu.memory_space<vmem>>
      %gather3A_700 = tpu.memref_squeeze %gather3A_699 : memref<1x64x128xf32, #tpu.memory_space<vmem>> -> memref<64x128xf32, #tpu.memory_space<vmem>>
      %gather3A_701 = tpu.vector_load_idx %gather3A_700[%add3A_523, %add3A_696] : memref<64x128xf32, #tpu.memory_space<vmem>>[vector<16xi32>, vector<16xi32>], vector<16xf32>,
      %add3A_702 = arith.constant 14 : i32
      %add3A_703 = vector.broadcast %add3A_702 : i32 to vector<16xi32>
      %add3A_704 = arith.addi %add3A_539, %add3A_703 : vector<16xi32>
      tpu.vector_store_idx %arg11[%add3A_704], %gather3A_701 : memref<2048xf32, #tpu.memory_space<vmem>>[vector<16xi32>], vector<16xf32>,
      %add3A_705 = arith.constant 15 : i32
      %add3A_706 = vector.broadcast %add3A_705 : i32 to vector<16xi32>
      %add3A_707 = arith.addi %shift_left3A_55, %add3A_706 : vector<16xi32>
      %gather3A_708 = arith.constant 0 : i32
      %gather3A_709 = arith.constant 0 : i32
      %gather3A_710 = tpu.memref_slice %arg9[%and3A_113, %gather3A_708, %gather3A_709] : memref<2x64x128xf32, #tpu.memory_space<vmem>> -> memref<1x64x128xf32, #tpu.memory_space<vmem>>
      %gather3A_711 = tpu.memref_squeeze %gather3A_710 : memref<1x64x128xf32, #tpu.memory_space<vmem>> -> memref<64x128xf32, #tpu.memory_space<vmem>>
      %gather3A_712 = tpu.vector_load_idx %gather3A_711[%add3A_523, %add3A_707] : memref<64x128xf32, #tpu.memory_space<vmem>>[vector<16xi32>, vector<16xi32>], vector<16xf32>,
      %add3A_713 = arith.constant 15 : i32
      %add3A_714 = vector.broadcast %add3A_713 : i32 to vector<16xi32>
      %add3A_715 = arith.addi %add3A_539, %add3A_714 : vector<16xi32>
      tpu.vector_store_idx %arg11[%add3A_715], %gather3A_712 : memref<2048xf32, #tpu.memory_space<vmem>>[vector<16xi32>], vector<16xf32>,
      %add3A_716 = arith.constant 48 : i32
      %add3A_717 = vector.broadcast %add3A_716 : i32 to vector<16xi32>
      %add3A_718 = arith.addi %iota3A, %add3A_717 : vector<16xi32>
      %shift_right_logical3A_719 = arith.constant 3 : i32
      %shift_right_logical3A_720 = vector.broadcast %shift_right_logical3A_719 : i32 to vector<16xi32>
      %shift_right_logical3A_721 = arith.shrui %add3A_718, %shift_right_logical3A_720 : vector<16xi32>
      %shift_left3A_722 = arith.constant 8 : i32
      %shift_left3A_723 = vector.broadcast %shift_left3A_722 : i32 to vector<16xi32>
      %shift_left3A_724 = arith.shli %shift_right_logical3A_721, %shift_left3A_723 : vector<16xi32>
      %add3A_725 = arith.constant 0 : i32
      %add3A_726 = vector.broadcast %add3A_725 : i32 to vector<16xi32>
      %add3A_727 = arith.addi %shift_left3A_724, %add3A_726 : vector<16xi32>
      %and3A_728 = arith.constant 7 : i32
      %and3A_729 = vector.broadcast %and3A_728 : i32 to vector<16xi32>
      %and3A_730 = arith.andi %add3A_718, %and3A_729 : vector<16xi32>
      %shift_left3A_731 = arith.constant 4 : i32
      %shift_left3A_732 = vector.broadcast %shift_left3A_731 : i32 to vector<16xi32>
      %shift_left3A_733 = arith.shli %and3A_730, %shift_left3A_732 : vector<16xi32>
      %add3A_734 = arith.addi %add3A_727, %shift_left3A_733 : vector<16xi32>
      %add3A_735 = arith.constant 0 : i32
      %add3A_736 = vector.broadcast %add3A_735 : i32 to vector<16xi32>
      %add3A_737 = arith.addi %shift_left3A_55, %add3A_736 : vector<16xi32>
      %gather3A_738 = arith.constant 0 : i32
      %gather3A_739 = arith.constant 0 : i32
      %gather3A_740 = tpu.memref_slice %arg9[%and3A_113, %gather3A_738, %gather3A_739] : memref<2x64x128xf32, #tpu.memory_space<vmem>> -> memref<1x64x128xf32, #tpu.memory_space<vmem>>
      %gather3A_741 = tpu.memref_squeeze %gather3A_740 : memref<1x64x128xf32, #tpu.memory_space<vmem>> -> memref<64x128xf32, #tpu.memory_space<vmem>>
      %gather3A_742 = tpu.vector_load_idx %gather3A_741[%add3A_718, %add3A_737] : memref<64x128xf32, #tpu.memory_space<vmem>>[vector<16xi32>, vector<16xi32>], vector<16xf32>,
      %add3A_743 = arith.constant 0 : i32
      %add3A_744 = vector.broadcast %add3A_743 : i32 to vector<16xi32>
      %add3A_745 = arith.addi %add3A_734, %add3A_744 : vector<16xi32>
      tpu.vector_store_idx %arg11[%add3A_745], %gather3A_742 : memref<2048xf32, #tpu.memory_space<vmem>>[vector<16xi32>], vector<16xf32>,
      %add3A_746 = arith.constant 1 : i32
      %add3A_747 = vector.broadcast %add3A_746 : i32 to vector<16xi32>
      %add3A_748 = arith.addi %shift_left3A_55, %add3A_747 : vector<16xi32>
      %gather3A_749 = arith.constant 0 : i32
      %gather3A_750 = arith.constant 0 : i32
      %gather3A_751 = tpu.memref_slice %arg9[%and3A_113, %gather3A_749, %gather3A_750] : memref<2x64x128xf32, #tpu.memory_space<vmem>> -> memref<1x64x128xf32, #tpu.memory_space<vmem>>
      %gather3A_752 = tpu.memref_squeeze %gather3A_751 : memref<1x64x128xf32, #tpu.memory_space<vmem>> -> memref<64x128xf32, #tpu.memory_space<vmem>>
      %gather3A_753 = tpu.vector_load_idx %gather3A_752[%add3A_718, %add3A_748] : memref<64x128xf32, #tpu.memory_space<vmem>>[vector<16xi32>, vector<16xi32>], vector<16xf32>,
      %add3A_754 = arith.constant 1 : i32
      %add3A_755 = vector.broadcast %add3A_754 : i32 to vector<16xi32>
      %add3A_756 = arith.addi %add3A_734, %add3A_755 : vector<16xi32>
      tpu.vector_store_idx %arg11[%add3A_756], %gather3A_753 : memref<2048xf32, #tpu.memory_space<vmem>>[vector<16xi32>], vector<16xf32>,
      %add3A_757 = arith.constant 2 : i32
      %add3A_758 = vector.broadcast %add3A_757 : i32 to vector<16xi32>
      %add3A_759 = arith.addi %shift_left3A_55, %add3A_758 : vector<16xi32>
      %gather3A_760 = arith.constant 0 : i32
      %gather3A_761 = arith.constant 0 : i32
      %gather3A_762 = tpu.memref_slice %arg9[%and3A_113, %gather3A_760, %gather3A_761] : memref<2x64x128xf32, #tpu.memory_space<vmem>> -> memref<1x64x128xf32, #tpu.memory_space<vmem>>
      %gather3A_763 = tpu.memref_squeeze %gather3A_762 : memref<1x64x128xf32, #tpu.memory_space<vmem>> -> memref<64x128xf32, #tpu.memory_space<vmem>>
      %gather3A_764 = tpu.vector_load_idx %gather3A_763[%add3A_718, %add3A_759] : memref<64x128xf32, #tpu.memory_space<vmem>>[vector<16xi32>, vector<16xi32>], vector<16xf32>,
      %add3A_765 = arith.constant 2 : i32
      %add3A_766 = vector.broadcast %add3A_765 : i32 to vector<16xi32>
      %add3A_767 = arith.addi %add3A_734, %add3A_766 : vector<16xi32>
      tpu.vector_store_idx %arg11[%add3A_767], %gather3A_764 : memref<2048xf32, #tpu.memory_space<vmem>>[vector<16xi32>], vector<16xf32>,
      %add3A_768 = arith.constant 3 : i32
      %add3A_769 = vector.broadcast %add3A_768 : i32 to vector<16xi32>
      %add3A_770 = arith.addi %shift_left3A_55, %add3A_769 : vector<16xi32>
      %gather3A_771 = arith.constant 0 : i32
      %gather3A_772 = arith.constant 0 : i32
      %gather3A_773 = tpu.memref_slice %arg9[%and3A_113, %gather3A_771, %gather3A_772] : memref<2x64x128xf32, #tpu.memory_space<vmem>> -> memref<1x64x128xf32, #tpu.memory_space<vmem>>
      %gather3A_774 = tpu.memref_squeeze %gather3A_773 : memref<1x64x128xf32, #tpu.memory_space<vmem>> -> memref<64x128xf32, #tpu.memory_space<vmem>>
      %gather3A_775 = tpu.vector_load_idx %gather3A_774[%add3A_718, %add3A_770] : memref<64x128xf32, #tpu.memory_space<vmem>>[vector<16xi32>, vector<16xi32>], vector<16xf32>,
      %add3A_776 = arith.constant 3 : i32
      %add3A_777 = vector.broadcast %add3A_776 : i32 to vector<16xi32>
      %add3A_778 = arith.addi %add3A_734, %add3A_777 : vector<16xi32>
      tpu.vector_store_idx %arg11[%add3A_778], %gather3A_775 : memref<2048xf32, #tpu.memory_space<vmem>>[vector<16xi32>], vector<16xf32>,
      %add3A_779 = arith.constant 4 : i32
      %add3A_780 = vector.broadcast %add3A_779 : i32 to vector<16xi32>
      %add3A_781 = arith.addi %shift_left3A_55, %add3A_780 : vector<16xi32>
      %gather3A_782 = arith.constant 0 : i32
      %gather3A_783 = arith.constant 0 : i32
      %gather3A_784 = tpu.memref_slice %arg9[%and3A_113, %gather3A_782, %gather3A_783] : memref<2x64x128xf32, #tpu.memory_space<vmem>> -> memref<1x64x128xf32, #tpu.memory_space<vmem>>
      %gather3A_785 = tpu.memref_squeeze %gather3A_784 : memref<1x64x128xf32, #tpu.memory_space<vmem>> -> memref<64x128xf32, #tpu.memory_space<vmem>>
      %gather3A_786 = tpu.vector_load_idx %gather3A_785[%add3A_718, %add3A_781] : memref<64x128xf32, #tpu.memory_space<vmem>>[vector<16xi32>, vector<16xi32>], vector<16xf32>,
      %add3A_787 = arith.constant 4 : i32
      %add3A_788 = vector.broadcast %add3A_787 : i32 to vector<16xi32>
      %add3A_789 = arith.addi %add3A_734, %add3A_788 : vector<16xi32>
      tpu.vector_store_idx %arg11[%add3A_789], %gather3A_786 : memref<2048xf32, #tpu.memory_space<vmem>>[vector<16xi32>], vector<16xf32>,
      %add3A_790 = arith.constant 5 : i32
      %add3A_791 = vector.broadcast %add3A_790 : i32 to vector<16xi32>
      %add3A_792 = arith.addi %shift_left3A_55, %add3A_791 : vector<16xi32>
      %gather3A_793 = arith.constant 0 : i32
      %gather3A_794 = arith.constant 0 : i32
      %gather3A_795 = tpu.memref_slice %arg9[%and3A_113, %gather3A_793, %gather3A_794] : memref<2x64x128xf32, #tpu.memory_space<vmem>> -> memref<1x64x128xf32, #tpu.memory_space<vmem>>
      %gather3A_796 = tpu.memref_squeeze %gather3A_795 : memref<1x64x128xf32, #tpu.memory_space<vmem>> -> memref<64x128xf32, #tpu.memory_space<vmem>>
      %gather3A_797 = tpu.vector_load_idx %gather3A_796[%add3A_718, %add3A_792] : memref<64x128xf32, #tpu.memory_space<vmem>>[vector<16xi32>, vector<16xi32>], vector<16xf32>,
      %add3A_798 = arith.constant 5 : i32
      %add3A_799 = vector.broadcast %add3A_798 : i32 to vector<16xi32>
      %add3A_800 = arith.addi %add3A_734, %add3A_799 : vector<16xi32>
      tpu.vector_store_idx %arg11[%add3A_800], %gather3A_797 : memref<2048xf32, #tpu.memory_space<vmem>>[vector<16xi32>], vector<16xf32>,
      %add3A_801 = arith.constant 6 : i32
      %add3A_802 = vector.broadcast %add3A_801 : i32 to vector<16xi32>
      %add3A_803 = arith.addi %shift_left3A_55, %add3A_802 : vector<16xi32>
      %gather3A_804 = arith.constant 0 : i32
      %gather3A_805 = arith.constant 0 : i32
      %gather3A_806 = tpu.memref_slice %arg9[%and3A_113, %gather3A_804, %gather3A_805] : memref<2x64x128xf32, #tpu.memory_space<vmem>> -> memref<1x64x128xf32, #tpu.memory_space<vmem>>
      %gather3A_807 = tpu.memref_squeeze %gather3A_806 : memref<1x64x128xf32, #tpu.memory_space<vmem>> -> memref<64x128xf32, #tpu.memory_space<vmem>>
      %gather3A_808 = tpu.vector_load_idx %gather3A_807[%add3A_718, %add3A_803] : memref<64x128xf32, #tpu.memory_space<vmem>>[vector<16xi32>, vector<16xi32>], vector<16xf32>,
      %add3A_809 = arith.constant 6 : i32
      %add3A_810 = vector.broadcast %add3A_809 : i32 to vector<16xi32>
      %add3A_811 = arith.addi %add3A_734, %add3A_810 : vector<16xi32>
      tpu.vector_store_idx %arg11[%add3A_811], %gather3A_808 : memref<2048xf32, #tpu.memory_space<vmem>>[vector<16xi32>], vector<16xf32>,
      %add3A_812 = arith.constant 7 : i32
      %add3A_813 = vector.broadcast %add3A_812 : i32 to vector<16xi32>
      %add3A_814 = arith.addi %shift_left3A_55, %add3A_813 : vector<16xi32>
      %gather3A_815 = arith.constant 0 : i32
      %gather3A_816 = arith.constant 0 : i32
      %gather3A_817 = tpu.memref_slice %arg9[%and3A_113, %gather3A_815, %gather3A_816] : memref<2x64x128xf32, #tpu.memory_space<vmem>> -> memref<1x64x128xf32, #tpu.memory_space<vmem>>
      %gather3A_818 = tpu.memref_squeeze %gather3A_817 : memref<1x64x128xf32, #tpu.memory_space<vmem>> -> memref<64x128xf32, #tpu.memory_space<vmem>>
      %gather3A_819 = tpu.vector_load_idx %gather3A_818[%add3A_718, %add3A_814] : memref<64x128xf32, #tpu.memory_space<vmem>>[vector<16xi32>, vector<16xi32>], vector<16xf32>,
      %add3A_820 = arith.constant 7 : i32
      %add3A_821 = vector.broadcast %add3A_820 : i32 to vector<16xi32>
      %add3A_822 = arith.addi %add3A_734, %add3A_821 : vector<16xi32>
      tpu.vector_store_idx %arg11[%add3A_822], %gather3A_819 : memref<2048xf32, #tpu.memory_space<vmem>>[vector<16xi32>], vector<16xf32>,
      %add3A_823 = arith.constant 8 : i32
      %add3A_824 = vector.broadcast %add3A_823 : i32 to vector<16xi32>
      %add3A_825 = arith.addi %shift_left3A_55, %add3A_824 : vector<16xi32>
      %gather3A_826 = arith.constant 0 : i32
      %gather3A_827 = arith.constant 0 : i32
      %gather3A_828 = tpu.memref_slice %arg9[%and3A_113, %gather3A_826, %gather3A_827] : memref<2x64x128xf32, #tpu.memory_space<vmem>> -> memref<1x64x128xf32, #tpu.memory_space<vmem>>
      %gather3A_829 = tpu.memref_squeeze %gather3A_828 : memref<1x64x128xf32, #tpu.memory_space<vmem>> -> memref<64x128xf32, #tpu.memory_space<vmem>>
      %gather3A_830 = tpu.vector_load_idx %gather3A_829[%add3A_718, %add3A_825] : memref<64x128xf32, #tpu.memory_space<vmem>>[vector<16xi32>, vector<16xi32>], vector<16xf32>,
      %add3A_831 = arith.constant 8 : i32
      %add3A_832 = vector.broadcast %add3A_831 : i32 to vector<16xi32>
      %add3A_833 = arith.addi %add3A_734, %add3A_832 : vector<16xi32>
      tpu.vector_store_idx %arg11[%add3A_833], %gather3A_830 : memref<2048xf32, #tpu.memory_space<vmem>>[vector<16xi32>], vector<16xf32>,
      %add3A_834 = arith.constant 9 : i32
      %add3A_835 = vector.broadcast %add3A_834 : i32 to vector<16xi32>
      %add3A_836 = arith.addi %shift_left3A_55, %add3A_835 : vector<16xi32>
      %gather3A_837 = arith.constant 0 : i32
      %gather3A_838 = arith.constant 0 : i32
      %gather3A_839 = tpu.memref_slice %arg9[%and3A_113, %gather3A_837, %gather3A_838] : memref<2x64x128xf32, #tpu.memory_space<vmem>> -> memref<1x64x128xf32, #tpu.memory_space<vmem>>
      %gather3A_840 = tpu.memref_squeeze %gather3A_839 : memref<1x64x128xf32, #tpu.memory_space<vmem>> -> memref<64x128xf32, #tpu.memory_space<vmem>>
      %gather3A_841 = tpu.vector_load_idx %gather3A_840[%add3A_718, %add3A_836] : memref<64x128xf32, #tpu.memory_space<vmem>>[vector<16xi32>, vector<16xi32>], vector<16xf32>,
      %add3A_842 = arith.constant 9 : i32
      %add3A_843 = vector.broadcast %add3A_842 : i32 to vector<16xi32>
      %add3A_844 = arith.addi %add3A_734, %add3A_843 : vector<16xi32>
      tpu.vector_store_idx %arg11[%add3A_844], %gather3A_841 : memref<2048xf32, #tpu.memory_space<vmem>>[vector<16xi32>], vector<16xf32>,
      %add3A_845 = arith.constant 10 : i32
      %add3A_846 = vector.broadcast %add3A_845 : i32 to vector<16xi32>
      %add3A_847 = arith.addi %shift_left3A_55, %add3A_846 : vector<16xi32>
      %gather3A_848 = arith.constant 0 : i32
      %gather3A_849 = arith.constant 0 : i32
      %gather3A_850 = tpu.memref_slice %arg9[%and3A_113, %gather3A_848, %gather3A_849] : memref<2x64x128xf32, #tpu.memory_space<vmem>> -> memref<1x64x128xf32, #tpu.memory_space<vmem>>
      %gather3A_851 = tpu.memref_squeeze %gather3A_850 : memref<1x64x128xf32, #tpu.memory_space<vmem>> -> memref<64x128xf32, #tpu.memory_space<vmem>>
      %gather3A_852 = tpu.vector_load_idx %gather3A_851[%add3A_718, %add3A_847] : memref<64x128xf32, #tpu.memory_space<vmem>>[vector<16xi32>, vector<16xi32>], vector<16xf32>,
      %add3A_853 = arith.constant 10 : i32
      %add3A_854 = vector.broadcast %add3A_853 : i32 to vector<16xi32>
      %add3A_855 = arith.addi %add3A_734, %add3A_854 : vector<16xi32>
      tpu.vector_store_idx %arg11[%add3A_855], %gather3A_852 : memref<2048xf32, #tpu.memory_space<vmem>>[vector<16xi32>], vector<16xf32>,
      %add3A_856 = arith.constant 11 : i32
      %add3A_857 = vector.broadcast %add3A_856 : i32 to vector<16xi32>
      %add3A_858 = arith.addi %shift_left3A_55, %add3A_857 : vector<16xi32>
      %gather3A_859 = arith.constant 0 : i32
      %gather3A_860 = arith.constant 0 : i32
      %gather3A_861 = tpu.memref_slice %arg9[%and3A_113, %gather3A_859, %gather3A_860] : memref<2x64x128xf32, #tpu.memory_space<vmem>> -> memref<1x64x128xf32, #tpu.memory_space<vmem>>
      %gather3A_862 = tpu.memref_squeeze %gather3A_861 : memref<1x64x128xf32, #tpu.memory_space<vmem>> -> memref<64x128xf32, #tpu.memory_space<vmem>>
      %gather3A_863 = tpu.vector_load_idx %gather3A_862[%add3A_718, %add3A_858] : memref<64x128xf32, #tpu.memory_space<vmem>>[vector<16xi32>, vector<16xi32>], vector<16xf32>,
      %add3A_864 = arith.constant 11 : i32
      %add3A_865 = vector.broadcast %add3A_864 : i32 to vector<16xi32>
      %add3A_866 = arith.addi %add3A_734, %add3A_865 : vector<16xi32>
      tpu.vector_store_idx %arg11[%add3A_866], %gather3A_863 : memref<2048xf32, #tpu.memory_space<vmem>>[vector<16xi32>], vector<16xf32>,
      %add3A_867 = arith.constant 12 : i32
      %add3A_868 = vector.broadcast %add3A_867 : i32 to vector<16xi32>
      %add3A_869 = arith.addi %shift_left3A_55, %add3A_868 : vector<16xi32>
      %gather3A_870 = arith.constant 0 : i32
      %gather3A_871 = arith.constant 0 : i32
      %gather3A_872 = tpu.memref_slice %arg9[%and3A_113, %gather3A_870, %gather3A_871] : memref<2x64x128xf32, #tpu.memory_space<vmem>> -> memref<1x64x128xf32, #tpu.memory_space<vmem>>
      %gather3A_873 = tpu.memref_squeeze %gather3A_872 : memref<1x64x128xf32, #tpu.memory_space<vmem>> -> memref<64x128xf32, #tpu.memory_space<vmem>>
      %gather3A_874 = tpu.vector_load_idx %gather3A_873[%add3A_718, %add3A_869] : memref<64x128xf32, #tpu.memory_space<vmem>>[vector<16xi32>, vector<16xi32>], vector<16xf32>,
      %add3A_875 = arith.constant 12 : i32
      %add3A_876 = vector.broadcast %add3A_875 : i32 to vector<16xi32>
      %add3A_877 = arith.addi %add3A_734, %add3A_876 : vector<16xi32>
      tpu.vector_store_idx %arg11[%add3A_877], %gather3A_874 : memref<2048xf32, #tpu.memory_space<vmem>>[vector<16xi32>], vector<16xf32>,
      %add3A_878 = arith.constant 13 : i32
      %add3A_879 = vector.broadcast %add3A_878 : i32 to vector<16xi32>
      %add3A_880 = arith.addi %shift_left3A_55, %add3A_879 : vector<16xi32>
      %gather3A_881 = arith.constant 0 : i32
      %gather3A_882 = arith.constant 0 : i32
      %gather3A_883 = tpu.memref_slice %arg9[%and3A_113, %gather3A_881, %gather3A_882] : memref<2x64x128xf32, #tpu.memory_space<vmem>> -> memref<1x64x128xf32, #tpu.memory_space<vmem>>
      %gather3A_884 = tpu.memref_squeeze %gather3A_883 : memref<1x64x128xf32, #tpu.memory_space<vmem>> -> memref<64x128xf32, #tpu.memory_space<vmem>>
      %gather3A_885 = tpu.vector_load_idx %gather3A_884[%add3A_718, %add3A_880] : memref<64x128xf32, #tpu.memory_space<vmem>>[vector<16xi32>, vector<16xi32>], vector<16xf32>,
      %add3A_886 = arith.constant 13 : i32
      %add3A_887 = vector.broadcast %add3A_886 : i32 to vector<16xi32>
      %add3A_888 = arith.addi %add3A_734, %add3A_887 : vector<16xi32>
      tpu.vector_store_idx %arg11[%add3A_888], %gather3A_885 : memref<2048xf32, #tpu.memory_space<vmem>>[vector<16xi32>], vector<16xf32>,
      %add3A_889 = arith.constant 14 : i32
      %add3A_890 = vector.broadcast %add3A_889 : i32 to vector<16xi32>
      %add3A_891 = arith.addi %shift_left3A_55, %add3A_890 : vector<16xi32>
      %gather3A_892 = arith.constant 0 : i32
      %gather3A_893 = arith.constant 0 : i32
      %gather3A_894 = tpu.memref_slice %arg9[%and3A_113, %gather3A_892, %gather3A_893] : memref<2x64x128xf32, #tpu.memory_space<vmem>> -> memref<1x64x128xf32, #tpu.memory_space<vmem>>
      %gather3A_895 = tpu.memref_squeeze %gather3A_894 : memref<1x64x128xf32, #tpu.memory_space<vmem>> -> memref<64x128xf32, #tpu.memory_space<vmem>>
      %gather3A_896 = tpu.vector_load_idx %gather3A_895[%add3A_718, %add3A_891] : memref<64x128xf32, #tpu.memory_space<vmem>>[vector<16xi32>, vector<16xi32>], vector<16xf32>,
      %add3A_897 = arith.constant 14 : i32
      %add3A_898 = vector.broadcast %add3A_897 : i32 to vector<16xi32>
      %add3A_899 = arith.addi %add3A_734, %add3A_898 : vector<16xi32>
      tpu.vector_store_idx %arg11[%add3A_899], %gather3A_896 : memref<2048xf32, #tpu.memory_space<vmem>>[vector<16xi32>], vector<16xf32>,
      %add3A_900 = arith.constant 15 : i32
      %add3A_901 = vector.broadcast %add3A_900 : i32 to vector<16xi32>
      %add3A_902 = arith.addi %shift_left3A_55, %add3A_901 : vector<16xi32>
      %gather3A_903 = arith.constant 0 : i32
      %gather3A_904 = arith.constant 0 : i32
      %gather3A_905 = tpu.memref_slice %arg9[%and3A_113, %gather3A_903, %gather3A_904] : memref<2x64x128xf32, #tpu.memory_space<vmem>> -> memref<1x64x128xf32, #tpu.memory_space<vmem>>
      %gather3A_906 = tpu.memref_squeeze %gather3A_905 : memref<1x64x128xf32, #tpu.memory_space<vmem>> -> memref<64x128xf32, #tpu.memory_space<vmem>>
      %gather3A_907 = tpu.vector_load_idx %gather3A_906[%add3A_718, %add3A_902] : memref<64x128xf32, #tpu.memory_space<vmem>>[vector<16xi32>, vector<16xi32>], vector<16xf32>,
      %add3A_908 = arith.constant 15 : i32
      %add3A_909 = vector.broadcast %add3A_908 : i32 to vector<16xi32>
      %add3A_910 = arith.addi %add3A_734, %add3A_909 : vector<16xi32>
      tpu.vector_store_idx %arg11[%add3A_910], %gather3A_907 : memref<2048xf32, #tpu.memory_space<vmem>>[vector<16xi32>], vector<16xf32>,
      %add3A_911 = arith.constant 0 : i32
      %add3A_912 = vector.broadcast %add3A_911 : i32 to vector<16xi32>
      %add3A_913 = arith.addi %iota3A, %add3A_912 : vector<16xi32>
      %shift_right_logical3A_914 = arith.constant 3 : i32
      %shift_right_logical3A_915 = vector.broadcast %shift_right_logical3A_914 : i32 to vector<16xi32>
      %shift_right_logical3A_916 = arith.shrui %add3A_913, %shift_right_logical3A_915 : vector<16xi32>
      %shift_left3A_917 = arith.constant 8 : i32
      %shift_left3A_918 = vector.broadcast %shift_left3A_917 : i32 to vector<16xi32>
      %shift_left3A_919 = arith.shli %shift_right_logical3A_916, %shift_left3A_918 : vector<16xi32>
      %add3A_920 = arith.constant 128 : i32
      %add3A_921 = vector.broadcast %add3A_920 : i32 to vector<16xi32>
      %add3A_922 = arith.addi %shift_left3A_919, %add3A_921 : vector<16xi32>
      %and3A_923 = arith.constant 7 : i32
      %and3A_924 = vector.broadcast %and3A_923 : i32 to vector<16xi32>
      %and3A_925 = arith.andi %add3A_913, %and3A_924 : vector<16xi32>
      %shift_left3A_926 = arith.constant 4 : i32
      %shift_left3A_927 = vector.broadcast %shift_left3A_926 : i32 to vector<16xi32>
      %shift_left3A_928 = arith.shli %and3A_925, %shift_left3A_927 : vector<16xi32>
      %add3A_929 = arith.addi %add3A_922, %shift_left3A_928 : vector<16xi32>
      %add3A_930 = arith.constant 0 : i32
      %add3A_931 = vector.broadcast %add3A_930 : i32 to vector<16xi32>
      %add3A_932 = arith.addi %shift_left3A_55, %add3A_931 : vector<16xi32>
      %gather3A_933 = arith.constant 0 : i32
      %gather3A_934 = arith.constant 0 : i32
      %gather3A_935 = tpu.memref_slice %arg10[%and3A_113, %gather3A_933, %gather3A_934] : memref<2x64x128xf32, #tpu.memory_space<vmem>> -> memref<1x64x128xf32, #tpu.memory_space<vmem>>
      %gather3A_936 = tpu.memref_squeeze %gather3A_935 : memref<1x64x128xf32, #tpu.memory_space<vmem>> -> memref<64x128xf32, #tpu.memory_space<vmem>>
      %gather3A_937 = tpu.vector_load_idx %gather3A_936[%add3A_913, %add3A_932] : memref<64x128xf32, #tpu.memory_space<vmem>>[vector<16xi32>, vector<16xi32>], vector<16xf32>,
      %add3A_938 = arith.constant 0 : i32
      %add3A_939 = vector.broadcast %add3A_938 : i32 to vector<16xi32>
      %add3A_940 = arith.addi %add3A_929, %add3A_939 : vector<16xi32>
      tpu.vector_store_idx %arg11[%add3A_940], %gather3A_937 : memref<2048xf32, #tpu.memory_space<vmem>>[vector<16xi32>], vector<16xf32>,
      %add3A_941 = arith.constant 1 : i32
      %add3A_942 = vector.broadcast %add3A_941 : i32 to vector<16xi32>
      %add3A_943 = arith.addi %shift_left3A_55, %add3A_942 : vector<16xi32>
      %gather3A_944 = arith.constant 0 : i32
      %gather3A_945 = arith.constant 0 : i32
      %gather3A_946 = tpu.memref_slice %arg10[%and3A_113, %gather3A_944, %gather3A_945] : memref<2x64x128xf32, #tpu.memory_space<vmem>> -> memref<1x64x128xf32, #tpu.memory_space<vmem>>
      %gather3A_947 = tpu.memref_squeeze %gather3A_946 : memref<1x64x128xf32, #tpu.memory_space<vmem>> -> memref<64x128xf32, #tpu.memory_space<vmem>>
      %gather3A_948 = tpu.vector_load_idx %gather3A_947[%add3A_913, %add3A_943] : memref<64x128xf32, #tpu.memory_space<vmem>>[vector<16xi32>, vector<16xi32>], vector<16xf32>,
      %add3A_949 = arith.constant 1 : i32
      %add3A_950 = vector.broadcast %add3A_949 : i32 to vector<16xi32>
      %add3A_951 = arith.addi %add3A_929, %add3A_950 : vector<16xi32>
      tpu.vector_store_idx %arg11[%add3A_951], %gather3A_948 : memref<2048xf32, #tpu.memory_space<vmem>>[vector<16xi32>], vector<16xf32>,
      %add3A_952 = arith.constant 2 : i32
      %add3A_953 = vector.broadcast %add3A_952 : i32 to vector<16xi32>
      %add3A_954 = arith.addi %shift_left3A_55, %add3A_953 : vector<16xi32>
      %gather3A_955 = arith.constant 0 : i32
      %gather3A_956 = arith.constant 0 : i32
      %gather3A_957 = tpu.memref_slice %arg10[%and3A_113, %gather3A_955, %gather3A_956] : memref<2x64x128xf32, #tpu.memory_space<vmem>> -> memref<1x64x128xf32, #tpu.memory_space<vmem>>
      %gather3A_958 = tpu.memref_squeeze %gather3A_957 : memref<1x64x128xf32, #tpu.memory_space<vmem>> -> memref<64x128xf32, #tpu.memory_space<vmem>>
      %gather3A_959 = tpu.vector_load_idx %gather3A_958[%add3A_913, %add3A_954] : memref<64x128xf32, #tpu.memory_space<vmem>>[vector<16xi32>, vector<16xi32>], vector<16xf32>,
      %add3A_960 = arith.constant 2 : i32
      %add3A_961 = vector.broadcast %add3A_960 : i32 to vector<16xi32>
      %add3A_962 = arith.addi %add3A_929, %add3A_961 : vector<16xi32>
      tpu.vector_store_idx %arg11[%add3A_962], %gather3A_959 : memref<2048xf32, #tpu.memory_space<vmem>>[vector<16xi32>], vector<16xf32>,
      %add3A_963 = arith.constant 3 : i32
      %add3A_964 = vector.broadcast %add3A_963 : i32 to vector<16xi32>
      %add3A_965 = arith.addi %shift_left3A_55, %add3A_964 : vector<16xi32>
      %gather3A_966 = arith.constant 0 : i32
      %gather3A_967 = arith.constant 0 : i32
      %gather3A_968 = tpu.memref_slice %arg10[%and3A_113, %gather3A_966, %gather3A_967] : memref<2x64x128xf32, #tpu.memory_space<vmem>> -> memref<1x64x128xf32, #tpu.memory_space<vmem>>
      %gather3A_969 = tpu.memref_squeeze %gather3A_968 : memref<1x64x128xf32, #tpu.memory_space<vmem>> -> memref<64x128xf32, #tpu.memory_space<vmem>>
      %gather3A_970 = tpu.vector_load_idx %gather3A_969[%add3A_913, %add3A_965] : memref<64x128xf32, #tpu.memory_space<vmem>>[vector<16xi32>, vector<16xi32>], vector<16xf32>,
      %add3A_971 = arith.constant 3 : i32
      %add3A_972 = vector.broadcast %add3A_971 : i32 to vector<16xi32>
      %add3A_973 = arith.addi %add3A_929, %add3A_972 : vector<16xi32>
      tpu.vector_store_idx %arg11[%add3A_973], %gather3A_970 : memref<2048xf32, #tpu.memory_space<vmem>>[vector<16xi32>], vector<16xf32>,
      %add3A_974 = arith.constant 4 : i32
      %add3A_975 = vector.broadcast %add3A_974 : i32 to vector<16xi32>
      %add3A_976 = arith.addi %shift_left3A_55, %add3A_975 : vector<16xi32>
      %gather3A_977 = arith.constant 0 : i32
      %gather3A_978 = arith.constant 0 : i32
      %gather3A_979 = tpu.memref_slice %arg10[%and3A_113, %gather3A_977, %gather3A_978] : memref<2x64x128xf32, #tpu.memory_space<vmem>> -> memref<1x64x128xf32, #tpu.memory_space<vmem>>
      %gather3A_980 = tpu.memref_squeeze %gather3A_979 : memref<1x64x128xf32, #tpu.memory_space<vmem>> -> memref<64x128xf32, #tpu.memory_space<vmem>>
      %gather3A_981 = tpu.vector_load_idx %gather3A_980[%add3A_913, %add3A_976] : memref<64x128xf32, #tpu.memory_space<vmem>>[vector<16xi32>, vector<16xi32>], vector<16xf32>,
      %add3A_982 = arith.constant 4 : i32
      %add3A_983 = vector.broadcast %add3A_982 : i32 to vector<16xi32>
      %add3A_984 = arith.addi %add3A_929, %add3A_983 : vector<16xi32>
      tpu.vector_store_idx %arg11[%add3A_984], %gather3A_981 : memref<2048xf32, #tpu.memory_space<vmem>>[vector<16xi32>], vector<16xf32>,
      %add3A_985 = arith.constant 5 : i32
      %add3A_986 = vector.broadcast %add3A_985 : i32 to vector<16xi32>
      %add3A_987 = arith.addi %shift_left3A_55, %add3A_986 : vector<16xi32>
      %gather3A_988 = arith.constant 0 : i32
      %gather3A_989 = arith.constant 0 : i32
      %gather3A_990 = tpu.memref_slice %arg10[%and3A_113, %gather3A_988, %gather3A_989] : memref<2x64x128xf32, #tpu.memory_space<vmem>> -> memref<1x64x128xf32, #tpu.memory_space<vmem>>
      %gather3A_991 = tpu.memref_squeeze %gather3A_990 : memref<1x64x128xf32, #tpu.memory_space<vmem>> -> memref<64x128xf32, #tpu.memory_space<vmem>>
      %gather3A_992 = tpu.vector_load_idx %gather3A_991[%add3A_913, %add3A_987] : memref<64x128xf32, #tpu.memory_space<vmem>>[vector<16xi32>, vector<16xi32>], vector<16xf32>,
      %add3A_993 = arith.constant 5 : i32
      %add3A_994 = vector.broadcast %add3A_993 : i32 to vector<16xi32>
      %add3A_995 = arith.addi %add3A_929, %add3A_994 : vector<16xi32>
      tpu.vector_store_idx %arg11[%add3A_995], %gather3A_992 : memref<2048xf32, #tpu.memory_space<vmem>>[vector<16xi32>], vector<16xf32>,
      %add3A_996 = arith.constant 6 : i32
      %add3A_997 = vector.broadcast %add3A_996 : i32 to vector<16xi32>
      %add3A_998 = arith.addi %shift_left3A_55, %add3A_997 : vector<16xi32>
      %gather3A_999 = arith.constant 0 : i32
      %gather3A_1000 = arith.constant 0 : i32
      %gather3A_1001 = tpu.memref_slice %arg10[%and3A_113, %gather3A_999, %gather3A_1000] : memref<2x64x128xf32, #tpu.memory_space<vmem>> -> memref<1x64x128xf32, #tpu.memory_space<vmem>>
      %gather3A_1002 = tpu.memref_squeeze %gather3A_1001 : memref<1x64x128xf32, #tpu.memory_space<vmem>> -> memref<64x128xf32, #tpu.memory_space<vmem>>
      %gather3A_1003 = tpu.vector_load_idx %gather3A_1002[%add3A_913, %add3A_998] : memref<64x128xf32, #tpu.memory_space<vmem>>[vector<16xi32>, vector<16xi32>], vector<16xf32>,
      %add3A_1004 = arith.constant 6 : i32
      %add3A_1005 = vector.broadcast %add3A_1004 : i32 to vector<16xi32>
      %add3A_1006 = arith.addi %add3A_929, %add3A_1005 : vector<16xi32>
      tpu.vector_store_idx %arg11[%add3A_1006], %gather3A_1003 : memref<2048xf32, #tpu.memory_space<vmem>>[vector<16xi32>], vector<16xf32>,
      %add3A_1007 = arith.constant 7 : i32
      %add3A_1008 = vector.broadcast %add3A_1007 : i32 to vector<16xi32>
      %add3A_1009 = arith.addi %shift_left3A_55, %add3A_1008 : vector<16xi32>
      %gather3A_1010 = arith.constant 0 : i32
      %gather3A_1011 = arith.constant 0 : i32
      %gather3A_1012 = tpu.memref_slice %arg10[%and3A_113, %gather3A_1010, %gather3A_1011] : memref<2x64x128xf32, #tpu.memory_space<vmem>> -> memref<1x64x128xf32, #tpu.memory_space<vmem>>
      %gather3A_1013 = tpu.memref_squeeze %gather3A_1012 : memref<1x64x128xf32, #tpu.memory_space<vmem>> -> memref<64x128xf32, #tpu.memory_space<vmem>>
      %gather3A_1014 = tpu.vector_load_idx %gather3A_1013[%add3A_913, %add3A_1009] : memref<64x128xf32, #tpu.memory_space<vmem>>[vector<16xi32>, vector<16xi32>], vector<16xf32>,
      %add3A_1015 = arith.constant 7 : i32
      %add3A_1016 = vector.broadcast %add3A_1015 : i32 to vector<16xi32>
      %add3A_1017 = arith.addi %add3A_929, %add3A_1016 : vector<16xi32>
      tpu.vector_store_idx %arg11[%add3A_1017], %gather3A_1014 : memref<2048xf32, #tpu.memory_space<vmem>>[vector<16xi32>], vector<16xf32>,
      %add3A_1018 = arith.constant 8 : i32
      %add3A_1019 = vector.broadcast %add3A_1018 : i32 to vector<16xi32>
      %add3A_1020 = arith.addi %shift_left3A_55, %add3A_1019 : vector<16xi32>
      %gather3A_1021 = arith.constant 0 : i32
      %gather3A_1022 = arith.constant 0 : i32
      %gather3A_1023 = tpu.memref_slice %arg10[%and3A_113, %gather3A_1021, %gather3A_1022] : memref<2x64x128xf32, #tpu.memory_space<vmem>> -> memref<1x64x128xf32, #tpu.memory_space<vmem>>
      %gather3A_1024 = tpu.memref_squeeze %gather3A_1023 : memref<1x64x128xf32, #tpu.memory_space<vmem>> -> memref<64x128xf32, #tpu.memory_space<vmem>>
      %gather3A_1025 = tpu.vector_load_idx %gather3A_1024[%add3A_913, %add3A_1020] : memref<64x128xf32, #tpu.memory_space<vmem>>[vector<16xi32>, vector<16xi32>], vector<16xf32>,
      %add3A_1026 = arith.constant 8 : i32
      %add3A_1027 = vector.broadcast %add3A_1026 : i32 to vector<16xi32>
      %add3A_1028 = arith.addi %add3A_929, %add3A_1027 : vector<16xi32>
      tpu.vector_store_idx %arg11[%add3A_1028], %gather3A_1025 : memref<2048xf32, #tpu.memory_space<vmem>>[vector<16xi32>], vector<16xf32>,
      %add3A_1029 = arith.constant 9 : i32
      %add3A_1030 = vector.broadcast %add3A_1029 : i32 to vector<16xi32>
      %add3A_1031 = arith.addi %shift_left3A_55, %add3A_1030 : vector<16xi32>
      %gather3A_1032 = arith.constant 0 : i32
      %gather3A_1033 = arith.constant 0 : i32
      %gather3A_1034 = tpu.memref_slice %arg10[%and3A_113, %gather3A_1032, %gather3A_1033] : memref<2x64x128xf32, #tpu.memory_space<vmem>> -> memref<1x64x128xf32, #tpu.memory_space<vmem>>
      %gather3A_1035 = tpu.memref_squeeze %gather3A_1034 : memref<1x64x128xf32, #tpu.memory_space<vmem>> -> memref<64x128xf32, #tpu.memory_space<vmem>>
      %gather3A_1036 = tpu.vector_load_idx %gather3A_1035[%add3A_913, %add3A_1031] : memref<64x128xf32, #tpu.memory_space<vmem>>[vector<16xi32>, vector<16xi32>], vector<16xf32>,
      %add3A_1037 = arith.constant 9 : i32
      %add3A_1038 = vector.broadcast %add3A_1037 : i32 to vector<16xi32>
      %add3A_1039 = arith.addi %add3A_929, %add3A_1038 : vector<16xi32>
      tpu.vector_store_idx %arg11[%add3A_1039], %gather3A_1036 : memref<2048xf32, #tpu.memory_space<vmem>>[vector<16xi32>], vector<16xf32>,
      %add3A_1040 = arith.constant 10 : i32
      %add3A_1041 = vector.broadcast %add3A_1040 : i32 to vector<16xi32>
      %add3A_1042 = arith.addi %shift_left3A_55, %add3A_1041 : vector<16xi32>
      %gather3A_1043 = arith.constant 0 : i32
      %gather3A_1044 = arith.constant 0 : i32
      %gather3A_1045 = tpu.memref_slice %arg10[%and3A_113, %gather3A_1043, %gather3A_1044] : memref<2x64x128xf32, #tpu.memory_space<vmem>> -> memref<1x64x128xf32, #tpu.memory_space<vmem>>
      %gather3A_1046 = tpu.memref_squeeze %gather3A_1045 : memref<1x64x128xf32, #tpu.memory_space<vmem>> -> memref<64x128xf32, #tpu.memory_space<vmem>>
      %gather3A_1047 = tpu.vector_load_idx %gather3A_1046[%add3A_913, %add3A_1042] : memref<64x128xf32, #tpu.memory_space<vmem>>[vector<16xi32>, vector<16xi32>], vector<16xf32>,
      %add3A_1048 = arith.constant 10 : i32
      %add3A_1049 = vector.broadcast %add3A_1048 : i32 to vector<16xi32>
      %add3A_1050 = arith.addi %add3A_929, %add3A_1049 : vector<16xi32>
      tpu.vector_store_idx %arg11[%add3A_1050], %gather3A_1047 : memref<2048xf32, #tpu.memory_space<vmem>>[vector<16xi32>], vector<16xf32>,
      %add3A_1051 = arith.constant 11 : i32
      %add3A_1052 = vector.broadcast %add3A_1051 : i32 to vector<16xi32>
      %add3A_1053 = arith.addi %shift_left3A_55, %add3A_1052 : vector<16xi32>
      %gather3A_1054 = arith.constant 0 : i32
      %gather3A_1055 = arith.constant 0 : i32
      %gather3A_1056 = tpu.memref_slice %arg10[%and3A_113, %gather3A_1054, %gather3A_1055] : memref<2x64x128xf32, #tpu.memory_space<vmem>> -> memref<1x64x128xf32, #tpu.memory_space<vmem>>
      %gather3A_1057 = tpu.memref_squeeze %gather3A_1056 : memref<1x64x128xf32, #tpu.memory_space<vmem>> -> memref<64x128xf32, #tpu.memory_space<vmem>>
      %gather3A_1058 = tpu.vector_load_idx %gather3A_1057[%add3A_913, %add3A_1053] : memref<64x128xf32, #tpu.memory_space<vmem>>[vector<16xi32>, vector<16xi32>], vector<16xf32>,
      %add3A_1059 = arith.constant 11 : i32
      %add3A_1060 = vector.broadcast %add3A_1059 : i32 to vector<16xi32>
      %add3A_1061 = arith.addi %add3A_929, %add3A_1060 : vector<16xi32>
      tpu.vector_store_idx %arg11[%add3A_1061], %gather3A_1058 : memref<2048xf32, #tpu.memory_space<vmem>>[vector<16xi32>], vector<16xf32>,
      %add3A_1062 = arith.constant 12 : i32
      %add3A_1063 = vector.broadcast %add3A_1062 : i32 to vector<16xi32>
      %add3A_1064 = arith.addi %shift_left3A_55, %add3A_1063 : vector<16xi32>
      %gather3A_1065 = arith.constant 0 : i32
      %gather3A_1066 = arith.constant 0 : i32
      %gather3A_1067 = tpu.memref_slice %arg10[%and3A_113, %gather3A_1065, %gather3A_1066] : memref<2x64x128xf32, #tpu.memory_space<vmem>> -> memref<1x64x128xf32, #tpu.memory_space<vmem>>
      %gather3A_1068 = tpu.memref_squeeze %gather3A_1067 : memref<1x64x128xf32, #tpu.memory_space<vmem>> -> memref<64x128xf32, #tpu.memory_space<vmem>>
      %gather3A_1069 = tpu.vector_load_idx %gather3A_1068[%add3A_913, %add3A_1064] : memref<64x128xf32, #tpu.memory_space<vmem>>[vector<16xi32>, vector<16xi32>], vector<16xf32>,
      %add3A_1070 = arith.constant 12 : i32
      %add3A_1071 = vector.broadcast %add3A_1070 : i32 to vector<16xi32>
      %add3A_1072 = arith.addi %add3A_929, %add3A_1071 : vector<16xi32>
      tpu.vector_store_idx %arg11[%add3A_1072], %gather3A_1069 : memref<2048xf32, #tpu.memory_space<vmem>>[vector<16xi32>], vector<16xf32>,
      %add3A_1073 = arith.constant 13 : i32
      %add3A_1074 = vector.broadcast %add3A_1073 : i32 to vector<16xi32>
      %add3A_1075 = arith.addi %shift_left3A_55, %add3A_1074 : vector<16xi32>
      %gather3A_1076 = arith.constant 0 : i32
      %gather3A_1077 = arith.constant 0 : i32
      %gather3A_1078 = tpu.memref_slice %arg10[%and3A_113, %gather3A_1076, %gather3A_1077] : memref<2x64x128xf32, #tpu.memory_space<vmem>> -> memref<1x64x128xf32, #tpu.memory_space<vmem>>
      %gather3A_1079 = tpu.memref_squeeze %gather3A_1078 : memref<1x64x128xf32, #tpu.memory_space<vmem>> -> memref<64x128xf32, #tpu.memory_space<vmem>>
      %gather3A_1080 = tpu.vector_load_idx %gather3A_1079[%add3A_913, %add3A_1075] : memref<64x128xf32, #tpu.memory_space<vmem>>[vector<16xi32>, vector<16xi32>], vector<16xf32>,
      %add3A_1081 = arith.constant 13 : i32
      %add3A_1082 = vector.broadcast %add3A_1081 : i32 to vector<16xi32>
      %add3A_1083 = arith.addi %add3A_929, %add3A_1082 : vector<16xi32>
      tpu.vector_store_idx %arg11[%add3A_1083], %gather3A_1080 : memref<2048xf32, #tpu.memory_space<vmem>>[vector<16xi32>], vector<16xf32>,
      %add3A_1084 = arith.constant 14 : i32
      %add3A_1085 = vector.broadcast %add3A_1084 : i32 to vector<16xi32>
      %add3A_1086 = arith.addi %shift_left3A_55, %add3A_1085 : vector<16xi32>
      %gather3A_1087 = arith.constant 0 : i32
      %gather3A_1088 = arith.constant 0 : i32
      %gather3A_1089 = tpu.memref_slice %arg10[%and3A_113, %gather3A_1087, %gather3A_1088] : memref<2x64x128xf32, #tpu.memory_space<vmem>> -> memref<1x64x128xf32, #tpu.memory_space<vmem>>
      %gather3A_1090 = tpu.memref_squeeze %gather3A_1089 : memref<1x64x128xf32, #tpu.memory_space<vmem>> -> memref<64x128xf32, #tpu.memory_space<vmem>>
      %gather3A_1091 = tpu.vector_load_idx %gather3A_1090[%add3A_913, %add3A_1086] : memref<64x128xf32, #tpu.memory_space<vmem>>[vector<16xi32>, vector<16xi32>], vector<16xf32>,
      %add3A_1092 = arith.constant 14 : i32
      %add3A_1093 = vector.broadcast %add3A_1092 : i32 to vector<16xi32>
      %add3A_1094 = arith.addi %add3A_929, %add3A_1093 : vector<16xi32>
      tpu.vector_store_idx %arg11[%add3A_1094], %gather3A_1091 : memref<2048xf32, #tpu.memory_space<vmem>>[vector<16xi32>], vector<16xf32>,
      %add3A_1095 = arith.constant 15 : i32
      %add3A_1096 = vector.broadcast %add3A_1095 : i32 to vector<16xi32>
      %add3A_1097 = arith.addi %shift_left3A_55, %add3A_1096 : vector<16xi32>
      %gather3A_1098 = arith.constant 0 : i32
      %gather3A_1099 = arith.constant 0 : i32
      %gather3A_1100 = tpu.memref_slice %arg10[%and3A_113, %gather3A_1098, %gather3A_1099] : memref<2x64x128xf32, #tpu.memory_space<vmem>> -> memref<1x64x128xf32, #tpu.memory_space<vmem>>
      %gather3A_1101 = tpu.memref_squeeze %gather3A_1100 : memref<1x64x128xf32, #tpu.memory_space<vmem>> -> memref<64x128xf32, #tpu.memory_space<vmem>>
      %gather3A_1102 = tpu.vector_load_idx %gather3A_1101[%add3A_913, %add3A_1097] : memref<64x128xf32, #tpu.memory_space<vmem>>[vector<16xi32>, vector<16xi32>], vector<16xf32>,
      %add3A_1103 = arith.constant 15 : i32
      %add3A_1104 = vector.broadcast %add3A_1103 : i32 to vector<16xi32>
      %add3A_1105 = arith.addi %add3A_929, %add3A_1104 : vector<16xi32>
      tpu.vector_store_idx %arg11[%add3A_1105], %gather3A_1102 : memref<2048xf32, #tpu.memory_space<vmem>>[vector<16xi32>], vector<16xf32>,
      %add3A_1106 = arith.constant 16 : i32
      %add3A_1107 = vector.broadcast %add3A_1106 : i32 to vector<16xi32>
      %add3A_1108 = arith.addi %iota3A, %add3A_1107 : vector<16xi32>
      %shift_right_logical3A_1109 = arith.constant 3 : i32
      %shift_right_logical3A_1110 = vector.broadcast %shift_right_logical3A_1109 : i32 to vector<16xi32>
      %shift_right_logical3A_1111 = arith.shrui %add3A_1108, %shift_right_logical3A_1110 : vector<16xi32>
      %shift_left3A_1112 = arith.constant 8 : i32
      %shift_left3A_1113 = vector.broadcast %shift_left3A_1112 : i32 to vector<16xi32>
      %shift_left3A_1114 = arith.shli %shift_right_logical3A_1111, %shift_left3A_1113 : vector<16xi32>
      %add3A_1115 = arith.constant 128 : i32
      %add3A_1116 = vector.broadcast %add3A_1115 : i32 to vector<16xi32>
      %add3A_1117 = arith.addi %shift_left3A_1114, %add3A_1116 : vector<16xi32>
      %and3A_1118 = arith.constant 7 : i32
      %and3A_1119 = vector.broadcast %and3A_1118 : i32 to vector<16xi32>
      %and3A_1120 = arith.andi %add3A_1108, %and3A_1119 : vector<16xi32>
      %shift_left3A_1121 = arith.constant 4 : i32
      %shift_left3A_1122 = vector.broadcast %shift_left3A_1121 : i32 to vector<16xi32>
      %shift_left3A_1123 = arith.shli %and3A_1120, %shift_left3A_1122 : vector<16xi32>
      %add3A_1124 = arith.addi %add3A_1117, %shift_left3A_1123 : vector<16xi32>
      %add3A_1125 = arith.constant 0 : i32
      %add3A_1126 = vector.broadcast %add3A_1125 : i32 to vector<16xi32>
      %add3A_1127 = arith.addi %shift_left3A_55, %add3A_1126 : vector<16xi32>
      %gather3A_1128 = arith.constant 0 : i32
      %gather3A_1129 = arith.constant 0 : i32
      %gather3A_1130 = tpu.memref_slice %arg10[%and3A_113, %gather3A_1128, %gather3A_1129] : memref<2x64x128xf32, #tpu.memory_space<vmem>> -> memref<1x64x128xf32, #tpu.memory_space<vmem>>
      %gather3A_1131 = tpu.memref_squeeze %gather3A_1130 : memref<1x64x128xf32, #tpu.memory_space<vmem>> -> memref<64x128xf32, #tpu.memory_space<vmem>>
      %gather3A_1132 = tpu.vector_load_idx %gather3A_1131[%add3A_1108, %add3A_1127] : memref<64x128xf32, #tpu.memory_space<vmem>>[vector<16xi32>, vector<16xi32>], vector<16xf32>,
      %add3A_1133 = arith.constant 0 : i32
      %add3A_1134 = vector.broadcast %add3A_1133 : i32 to vector<16xi32>
      %add3A_1135 = arith.addi %add3A_1124, %add3A_1134 : vector<16xi32>
      tpu.vector_store_idx %arg11[%add3A_1135], %gather3A_1132 : memref<2048xf32, #tpu.memory_space<vmem>>[vector<16xi32>], vector<16xf32>,
      %add3A_1136 = arith.constant 1 : i32
      %add3A_1137 = vector.broadcast %add3A_1136 : i32 to vector<16xi32>
      %add3A_1138 = arith.addi %shift_left3A_55, %add3A_1137 : vector<16xi32>
      %gather3A_1139 = arith.constant 0 : i32
      %gather3A_1140 = arith.constant 0 : i32
      %gather3A_1141 = tpu.memref_slice %arg10[%and3A_113, %gather3A_1139, %gather3A_1140] : memref<2x64x128xf32, #tpu.memory_space<vmem>> -> memref<1x64x128xf32, #tpu.memory_space<vmem>>
      %gather3A_1142 = tpu.memref_squeeze %gather3A_1141 : memref<1x64x128xf32, #tpu.memory_space<vmem>> -> memref<64x128xf32, #tpu.memory_space<vmem>>
      %gather3A_1143 = tpu.vector_load_idx %gather3A_1142[%add3A_1108, %add3A_1138] : memref<64x128xf32, #tpu.memory_space<vmem>>[vector<16xi32>, vector<16xi32>], vector<16xf32>,
      %add3A_1144 = arith.constant 1 : i32
      %add3A_1145 = vector.broadcast %add3A_1144 : i32 to vector<16xi32>
      %add3A_1146 = arith.addi %add3A_1124, %add3A_1145 : vector<16xi32>
      tpu.vector_store_idx %arg11[%add3A_1146], %gather3A_1143 : memref<2048xf32, #tpu.memory_space<vmem>>[vector<16xi32>], vector<16xf32>,
      %add3A_1147 = arith.constant 2 : i32
      %add3A_1148 = vector.broadcast %add3A_1147 : i32 to vector<16xi32>
      %add3A_1149 = arith.addi %shift_left3A_55, %add3A_1148 : vector<16xi32>
      %gather3A_1150 = arith.constant 0 : i32
      %gather3A_1151 = arith.constant 0 : i32
      %gather3A_1152 = tpu.memref_slice %arg10[%and3A_113, %gather3A_1150, %gather3A_1151] : memref<2x64x128xf32, #tpu.memory_space<vmem>> -> memref<1x64x128xf32, #tpu.memory_space<vmem>>
      %gather3A_1153 = tpu.memref_squeeze %gather3A_1152 : memref<1x64x128xf32, #tpu.memory_space<vmem>> -> memref<64x128xf32, #tpu.memory_space<vmem>>
      %gather3A_1154 = tpu.vector_load_idx %gather3A_1153[%add3A_1108, %add3A_1149] : memref<64x128xf32, #tpu.memory_space<vmem>>[vector<16xi32>, vector<16xi32>], vector<16xf32>,
      %add3A_1155 = arith.constant 2 : i32
      %add3A_1156 = vector.broadcast %add3A_1155 : i32 to vector<16xi32>
      %add3A_1157 = arith.addi %add3A_1124, %add3A_1156 : vector<16xi32>
      tpu.vector_store_idx %arg11[%add3A_1157], %gather3A_1154 : memref<2048xf32, #tpu.memory_space<vmem>>[vector<16xi32>], vector<16xf32>,
      %add3A_1158 = arith.constant 3 : i32
      %add3A_1159 = vector.broadcast %add3A_1158 : i32 to vector<16xi32>
      %add3A_1160 = arith.addi %shift_left3A_55, %add3A_1159 : vector<16xi32>
      %gather3A_1161 = arith.constant 0 : i32
      %gather3A_1162 = arith.constant 0 : i32
      %gather3A_1163 = tpu.memref_slice %arg10[%and3A_113, %gather3A_1161, %gather3A_1162] : memref<2x64x128xf32, #tpu.memory_space<vmem>> -> memref<1x64x128xf32, #tpu.memory_space<vmem>>
      %gather3A_1164 = tpu.memref_squeeze %gather3A_1163 : memref<1x64x128xf32, #tpu.memory_space<vmem>> -> memref<64x128xf32, #tpu.memory_space<vmem>>
      %gather3A_1165 = tpu.vector_load_idx %gather3A_1164[%add3A_1108, %add3A_1160] : memref<64x128xf32, #tpu.memory_space<vmem>>[vector<16xi32>, vector<16xi32>], vector<16xf32>,
      %add3A_1166 = arith.constant 3 : i32
      %add3A_1167 = vector.broadcast %add3A_1166 : i32 to vector<16xi32>
      %add3A_1168 = arith.addi %add3A_1124, %add3A_1167 : vector<16xi32>
      tpu.vector_store_idx %arg11[%add3A_1168], %gather3A_1165 : memref<2048xf32, #tpu.memory_space<vmem>>[vector<16xi32>], vector<16xf32>,
      %add3A_1169 = arith.constant 4 : i32
      %add3A_1170 = vector.broadcast %add3A_1169 : i32 to vector<16xi32>
      %add3A_1171 = arith.addi %shift_left3A_55, %add3A_1170 : vector<16xi32>
      %gather3A_1172 = arith.constant 0 : i32
      %gather3A_1173 = arith.constant 0 : i32
      %gather3A_1174 = tpu.memref_slice %arg10[%and3A_113, %gather3A_1172, %gather3A_1173] : memref<2x64x128xf32, #tpu.memory_space<vmem>> -> memref<1x64x128xf32, #tpu.memory_space<vmem>>
      %gather3A_1175 = tpu.memref_squeeze %gather3A_1174 : memref<1x64x128xf32, #tpu.memory_space<vmem>> -> memref<64x128xf32, #tpu.memory_space<vmem>>
      %gather3A_1176 = tpu.vector_load_idx %gather3A_1175[%add3A_1108, %add3A_1171] : memref<64x128xf32, #tpu.memory_space<vmem>>[vector<16xi32>, vector<16xi32>], vector<16xf32>,
      %add3A_1177 = arith.constant 4 : i32
      %add3A_1178 = vector.broadcast %add3A_1177 : i32 to vector<16xi32>
      %add3A_1179 = arith.addi %add3A_1124, %add3A_1178 : vector<16xi32>
      tpu.vector_store_idx %arg11[%add3A_1179], %gather3A_1176 : memref<2048xf32, #tpu.memory_space<vmem>>[vector<16xi32>], vector<16xf32>,
      %add3A_1180 = arith.constant 5 : i32
      %add3A_1181 = vector.broadcast %add3A_1180 : i32 to vector<16xi32>
      %add3A_1182 = arith.addi %shift_left3A_55, %add3A_1181 : vector<16xi32>
      %gather3A_1183 = arith.constant 0 : i32
      %gather3A_1184 = arith.constant 0 : i32
      %gather3A_1185 = tpu.memref_slice %arg10[%and3A_113, %gather3A_1183, %gather3A_1184] : memref<2x64x128xf32, #tpu.memory_space<vmem>> -> memref<1x64x128xf32, #tpu.memory_space<vmem>>
      %gather3A_1186 = tpu.memref_squeeze %gather3A_1185 : memref<1x64x128xf32, #tpu.memory_space<vmem>> -> memref<64x128xf32, #tpu.memory_space<vmem>>
      %gather3A_1187 = tpu.vector_load_idx %gather3A_1186[%add3A_1108, %add3A_1182] : memref<64x128xf32, #tpu.memory_space<vmem>>[vector<16xi32>, vector<16xi32>], vector<16xf32>,
      %add3A_1188 = arith.constant 5 : i32
      %add3A_1189 = vector.broadcast %add3A_1188 : i32 to vector<16xi32>
      %add3A_1190 = arith.addi %add3A_1124, %add3A_1189 : vector<16xi32>
      tpu.vector_store_idx %arg11[%add3A_1190], %gather3A_1187 : memref<2048xf32, #tpu.memory_space<vmem>>[vector<16xi32>], vector<16xf32>,
      %add3A_1191 = arith.constant 6 : i32
      %add3A_1192 = vector.broadcast %add3A_1191 : i32 to vector<16xi32>
      %add3A_1193 = arith.addi %shift_left3A_55, %add3A_1192 : vector<16xi32>
      %gather3A_1194 = arith.constant 0 : i32
      %gather3A_1195 = arith.constant 0 : i32
      %gather3A_1196 = tpu.memref_slice %arg10[%and3A_113, %gather3A_1194, %gather3A_1195] : memref<2x64x128xf32, #tpu.memory_space<vmem>> -> memref<1x64x128xf32, #tpu.memory_space<vmem>>
      %gather3A_1197 = tpu.memref_squeeze %gather3A_1196 : memref<1x64x128xf32, #tpu.memory_space<vmem>> -> memref<64x128xf32, #tpu.memory_space<vmem>>
      %gather3A_1198 = tpu.vector_load_idx %gather3A_1197[%add3A_1108, %add3A_1193] : memref<64x128xf32, #tpu.memory_space<vmem>>[vector<16xi32>, vector<16xi32>], vector<16xf32>,
      %add3A_1199 = arith.constant 6 : i32
      %add3A_1200 = vector.broadcast %add3A_1199 : i32 to vector<16xi32>
      %add3A_1201 = arith.addi %add3A_1124, %add3A_1200 : vector<16xi32>
      tpu.vector_store_idx %arg11[%add3A_1201], %gather3A_1198 : memref<2048xf32, #tpu.memory_space<vmem>>[vector<16xi32>], vector<16xf32>,
      %add3A_1202 = arith.constant 7 : i32
      %add3A_1203 = vector.broadcast %add3A_1202 : i32 to vector<16xi32>
      %add3A_1204 = arith.addi %shift_left3A_55, %add3A_1203 : vector<16xi32>
      %gather3A_1205 = arith.constant 0 : i32
      %gather3A_1206 = arith.constant 0 : i32
      %gather3A_1207 = tpu.memref_slice %arg10[%and3A_113, %gather3A_1205, %gather3A_1206] : memref<2x64x128xf32, #tpu.memory_space<vmem>> -> memref<1x64x128xf32, #tpu.memory_space<vmem>>
      %gather3A_1208 = tpu.memref_squeeze %gather3A_1207 : memref<1x64x128xf32, #tpu.memory_space<vmem>> -> memref<64x128xf32, #tpu.memory_space<vmem>>
      %gather3A_1209 = tpu.vector_load_idx %gather3A_1208[%add3A_1108, %add3A_1204] : memref<64x128xf32, #tpu.memory_space<vmem>>[vector<16xi32>, vector<16xi32>], vector<16xf32>,
      %add3A_1210 = arith.constant 7 : i32
      %add3A_1211 = vector.broadcast %add3A_1210 : i32 to vector<16xi32>
      %add3A_1212 = arith.addi %add3A_1124, %add3A_1211 : vector<16xi32>
      tpu.vector_store_idx %arg11[%add3A_1212], %gather3A_1209 : memref<2048xf32, #tpu.memory_space<vmem>>[vector<16xi32>], vector<16xf32>,
      %add3A_1213 = arith.constant 8 : i32
      %add3A_1214 = vector.broadcast %add3A_1213 : i32 to vector<16xi32>
      %add3A_1215 = arith.addi %shift_left3A_55, %add3A_1214 : vector<16xi32>
      %gather3A_1216 = arith.constant 0 : i32
      %gather3A_1217 = arith.constant 0 : i32
      %gather3A_1218 = tpu.memref_slice %arg10[%and3A_113, %gather3A_1216, %gather3A_1217] : memref<2x64x128xf32, #tpu.memory_space<vmem>> -> memref<1x64x128xf32, #tpu.memory_space<vmem>>
      %gather3A_1219 = tpu.memref_squeeze %gather3A_1218 : memref<1x64x128xf32, #tpu.memory_space<vmem>> -> memref<64x128xf32, #tpu.memory_space<vmem>>
      %gather3A_1220 = tpu.vector_load_idx %gather3A_1219[%add3A_1108, %add3A_1215] : memref<64x128xf32, #tpu.memory_space<vmem>>[vector<16xi32>, vector<16xi32>], vector<16xf32>,
      %add3A_1221 = arith.constant 8 : i32
      %add3A_1222 = vector.broadcast %add3A_1221 : i32 to vector<16xi32>
      %add3A_1223 = arith.addi %add3A_1124, %add3A_1222 : vector<16xi32>
      tpu.vector_store_idx %arg11[%add3A_1223], %gather3A_1220 : memref<2048xf32, #tpu.memory_space<vmem>>[vector<16xi32>], vector<16xf32>,
      %add3A_1224 = arith.constant 9 : i32
      %add3A_1225 = vector.broadcast %add3A_1224 : i32 to vector<16xi32>
      %add3A_1226 = arith.addi %shift_left3A_55, %add3A_1225 : vector<16xi32>
      %gather3A_1227 = arith.constant 0 : i32
      %gather3A_1228 = arith.constant 0 : i32
      %gather3A_1229 = tpu.memref_slice %arg10[%and3A_113, %gather3A_1227, %gather3A_1228] : memref<2x64x128xf32, #tpu.memory_space<vmem>> -> memref<1x64x128xf32, #tpu.memory_space<vmem>>
      %gather3A_1230 = tpu.memref_squeeze %gather3A_1229 : memref<1x64x128xf32, #tpu.memory_space<vmem>> -> memref<64x128xf32, #tpu.memory_space<vmem>>
      %gather3A_1231 = tpu.vector_load_idx %gather3A_1230[%add3A_1108, %add3A_1226] : memref<64x128xf32, #tpu.memory_space<vmem>>[vector<16xi32>, vector<16xi32>], vector<16xf32>,
      %add3A_1232 = arith.constant 9 : i32
      %add3A_1233 = vector.broadcast %add3A_1232 : i32 to vector<16xi32>
      %add3A_1234 = arith.addi %add3A_1124, %add3A_1233 : vector<16xi32>
      tpu.vector_store_idx %arg11[%add3A_1234], %gather3A_1231 : memref<2048xf32, #tpu.memory_space<vmem>>[vector<16xi32>], vector<16xf32>,
      %add3A_1235 = arith.constant 10 : i32
      %add3A_1236 = vector.broadcast %add3A_1235 : i32 to vector<16xi32>
      %add3A_1237 = arith.addi %shift_left3A_55, %add3A_1236 : vector<16xi32>
      %gather3A_1238 = arith.constant 0 : i32
      %gather3A_1239 = arith.constant 0 : i32
      %gather3A_1240 = tpu.memref_slice %arg10[%and3A_113, %gather3A_1238, %gather3A_1239] : memref<2x64x128xf32, #tpu.memory_space<vmem>> -> memref<1x64x128xf32, #tpu.memory_space<vmem>>
      %gather3A_1241 = tpu.memref_squeeze %gather3A_1240 : memref<1x64x128xf32, #tpu.memory_space<vmem>> -> memref<64x128xf32, #tpu.memory_space<vmem>>
      %gather3A_1242 = tpu.vector_load_idx %gather3A_1241[%add3A_1108, %add3A_1237] : memref<64x128xf32, #tpu.memory_space<vmem>>[vector<16xi32>, vector<16xi32>], vector<16xf32>,
      %add3A_1243 = arith.constant 10 : i32
      %add3A_1244 = vector.broadcast %add3A_1243 : i32 to vector<16xi32>
      %add3A_1245 = arith.addi %add3A_1124, %add3A_1244 : vector<16xi32>
      tpu.vector_store_idx %arg11[%add3A_1245], %gather3A_1242 : memref<2048xf32, #tpu.memory_space<vmem>>[vector<16xi32>], vector<16xf32>,
      %add3A_1246 = arith.constant 11 : i32
      %add3A_1247 = vector.broadcast %add3A_1246 : i32 to vector<16xi32>
      %add3A_1248 = arith.addi %shift_left3A_55, %add3A_1247 : vector<16xi32>
      %gather3A_1249 = arith.constant 0 : i32
      %gather3A_1250 = arith.constant 0 : i32
      %gather3A_1251 = tpu.memref_slice %arg10[%and3A_113, %gather3A_1249, %gather3A_1250] : memref<2x64x128xf32, #tpu.memory_space<vmem>> -> memref<1x64x128xf32, #tpu.memory_space<vmem>>
      %gather3A_1252 = tpu.memref_squeeze %gather3A_1251 : memref<1x64x128xf32, #tpu.memory_space<vmem>> -> memref<64x128xf32, #tpu.memory_space<vmem>>
      %gather3A_1253 = tpu.vector_load_idx %gather3A_1252[%add3A_1108, %add3A_1248] : memref<64x128xf32, #tpu.memory_space<vmem>>[vector<16xi32>, vector<16xi32>], vector<16xf32>,
      %add3A_1254 = arith.constant 11 : i32
      %add3A_1255 = vector.broadcast %add3A_1254 : i32 to vector<16xi32>
      %add3A_1256 = arith.addi %add3A_1124, %add3A_1255 : vector<16xi32>
      tpu.vector_store_idx %arg11[%add3A_1256], %gather3A_1253 : memref<2048xf32, #tpu.memory_space<vmem>>[vector<16xi32>], vector<16xf32>,
      %add3A_1257 = arith.constant 12 : i32
      %add3A_1258 = vector.broadcast %add3A_1257 : i32 to vector<16xi32>
      %add3A_1259 = arith.addi %shift_left3A_55, %add3A_1258 : vector<16xi32>
      %gather3A_1260 = arith.constant 0 : i32
      %gather3A_1261 = arith.constant 0 : i32
      %gather3A_1262 = tpu.memref_slice %arg10[%and3A_113, %gather3A_1260, %gather3A_1261] : memref<2x64x128xf32, #tpu.memory_space<vmem>> -> memref<1x64x128xf32, #tpu.memory_space<vmem>>
      %gather3A_1263 = tpu.memref_squeeze %gather3A_1262 : memref<1x64x128xf32, #tpu.memory_space<vmem>> -> memref<64x128xf32, #tpu.memory_space<vmem>>
      %gather3A_1264 = tpu.vector_load_idx %gather3A_1263[%add3A_1108, %add3A_1259] : memref<64x128xf32, #tpu.memory_space<vmem>>[vector<16xi32>, vector<16xi32>], vector<16xf32>,
      %add3A_1265 = arith.constant 12 : i32
      %add3A_1266 = vector.broadcast %add3A_1265 : i32 to vector<16xi32>
      %add3A_1267 = arith.addi %add3A_1124, %add3A_1266 : vector<16xi32>
      tpu.vector_store_idx %arg11[%add3A_1267], %gather3A_1264 : memref<2048xf32, #tpu.memory_space<vmem>>[vector<16xi32>], vector<16xf32>,
      %add3A_1268 = arith.constant 13 : i32
      %add3A_1269 = vector.broadcast %add3A_1268 : i32 to vector<16xi32>
      %add3A_1270 = arith.addi %shift_left3A_55, %add3A_1269 : vector<16xi32>
      %gather3A_1271 = arith.constant 0 : i32
      %gather3A_1272 = arith.constant 0 : i32
      %gather3A_1273 = tpu.memref_slice %arg10[%and3A_113, %gather3A_1271, %gather3A_1272] : memref<2x64x128xf32, #tpu.memory_space<vmem>> -> memref<1x64x128xf32, #tpu.memory_space<vmem>>
      %gather3A_1274 = tpu.memref_squeeze %gather3A_1273 : memref<1x64x128xf32, #tpu.memory_space<vmem>> -> memref<64x128xf32, #tpu.memory_space<vmem>>
      %gather3A_1275 = tpu.vector_load_idx %gather3A_1274[%add3A_1108, %add3A_1270] : memref<64x128xf32, #tpu.memory_space<vmem>>[vector<16xi32>, vector<16xi32>], vector<16xf32>,
      %add3A_1276 = arith.constant 13 : i32
      %add3A_1277 = vector.broadcast %add3A_1276 : i32 to vector<16xi32>
      %add3A_1278 = arith.addi %add3A_1124, %add3A_1277 : vector<16xi32>
      tpu.vector_store_idx %arg11[%add3A_1278], %gather3A_1275 : memref<2048xf32, #tpu.memory_space<vmem>>[vector<16xi32>], vector<16xf32>,
      %add3A_1279 = arith.constant 14 : i32
      %add3A_1280 = vector.broadcast %add3A_1279 : i32 to vector<16xi32>
      %add3A_1281 = arith.addi %shift_left3A_55, %add3A_1280 : vector<16xi32>
      %gather3A_1282 = arith.constant 0 : i32
      %gather3A_1283 = arith.constant 0 : i32
      %gather3A_1284 = tpu.memref_slice %arg10[%and3A_113, %gather3A_1282, %gather3A_1283] : memref<2x64x128xf32, #tpu.memory_space<vmem>> -> memref<1x64x128xf32, #tpu.memory_space<vmem>>
      %gather3A_1285 = tpu.memref_squeeze %gather3A_1284 : memref<1x64x128xf32, #tpu.memory_space<vmem>> -> memref<64x128xf32, #tpu.memory_space<vmem>>
      %gather3A_1286 = tpu.vector_load_idx %gather3A_1285[%add3A_1108, %add3A_1281] : memref<64x128xf32, #tpu.memory_space<vmem>>[vector<16xi32>, vector<16xi32>], vector<16xf32>,
      %add3A_1287 = arith.constant 14 : i32
      %add3A_1288 = vector.broadcast %add3A_1287 : i32 to vector<16xi32>
      %add3A_1289 = arith.addi %add3A_1124, %add3A_1288 : vector<16xi32>
      tpu.vector_store_idx %arg11[%add3A_1289], %gather3A_1286 : memref<2048xf32, #tpu.memory_space<vmem>>[vector<16xi32>], vector<16xf32>,
      %add3A_1290 = arith.constant 15 : i32
      %add3A_1291 = vector.broadcast %add3A_1290 : i32 to vector<16xi32>
      %add3A_1292 = arith.addi %shift_left3A_55, %add3A_1291 : vector<16xi32>
      %gather3A_1293 = arith.constant 0 : i32
      %gather3A_1294 = arith.constant 0 : i32
      %gather3A_1295 = tpu.memref_slice %arg10[%and3A_113, %gather3A_1293, %gather3A_1294] : memref<2x64x128xf32, #tpu.memory_space<vmem>> -> memref<1x64x128xf32, #tpu.memory_space<vmem>>
      %gather3A_1296 = tpu.memref_squeeze %gather3A_1295 : memref<1x64x128xf32, #tpu.memory_space<vmem>> -> memref<64x128xf32, #tpu.memory_space<vmem>>
      %gather3A_1297 = tpu.vector_load_idx %gather3A_1296[%add3A_1108, %add3A_1292] : memref<64x128xf32, #tpu.memory_space<vmem>>[vector<16xi32>, vector<16xi32>], vector<16xf32>,
      %add3A_1298 = arith.constant 15 : i32
      %add3A_1299 = vector.broadcast %add3A_1298 : i32 to vector<16xi32>
      %add3A_1300 = arith.addi %add3A_1124, %add3A_1299 : vector<16xi32>
      tpu.vector_store_idx %arg11[%add3A_1300], %gather3A_1297 : memref<2048xf32, #tpu.memory_space<vmem>>[vector<16xi32>], vector<16xf32>,
      %add3A_1301 = arith.constant 32 : i32
      %add3A_1302 = vector.broadcast %add3A_1301 : i32 to vector<16xi32>
      %add3A_1303 = arith.addi %iota3A, %add3A_1302 : vector<16xi32>
      %shift_right_logical3A_1304 = arith.constant 3 : i32
      %shift_right_logical3A_1305 = vector.broadcast %shift_right_logical3A_1304 : i32 to vector<16xi32>
      %shift_right_logical3A_1306 = arith.shrui %add3A_1303, %shift_right_logical3A_1305 : vector<16xi32>
      %shift_left3A_1307 = arith.constant 8 : i32
      %shift_left3A_1308 = vector.broadcast %shift_left3A_1307 : i32 to vector<16xi32>
      %shift_left3A_1309 = arith.shli %shift_right_logical3A_1306, %shift_left3A_1308 : vector<16xi32>
      %add3A_1310 = arith.constant 128 : i32
      %add3A_1311 = vector.broadcast %add3A_1310 : i32 to vector<16xi32>
      %add3A_1312 = arith.addi %shift_left3A_1309, %add3A_1311 : vector<16xi32>
      %and3A_1313 = arith.constant 7 : i32
      %and3A_1314 = vector.broadcast %and3A_1313 : i32 to vector<16xi32>
      %and3A_1315 = arith.andi %add3A_1303, %and3A_1314 : vector<16xi32>
      %shift_left3A_1316 = arith.constant 4 : i32
      %shift_left3A_1317 = vector.broadcast %shift_left3A_1316 : i32 to vector<16xi32>
      %shift_left3A_1318 = arith.shli %and3A_1315, %shift_left3A_1317 : vector<16xi32>
      %add3A_1319 = arith.addi %add3A_1312, %shift_left3A_1318 : vector<16xi32>
      %add3A_1320 = arith.constant 0 : i32
      %add3A_1321 = vector.broadcast %add3A_1320 : i32 to vector<16xi32>
      %add3A_1322 = arith.addi %shift_left3A_55, %add3A_1321 : vector<16xi32>
      %gather3A_1323 = arith.constant 0 : i32
      %gather3A_1324 = arith.constant 0 : i32
      %gather3A_1325 = tpu.memref_slice %arg10[%and3A_113, %gather3A_1323, %gather3A_1324] : memref<2x64x128xf32, #tpu.memory_space<vmem>> -> memref<1x64x128xf32, #tpu.memory_space<vmem>>
      %gather3A_1326 = tpu.memref_squeeze %gather3A_1325 : memref<1x64x128xf32, #tpu.memory_space<vmem>> -> memref<64x128xf32, #tpu.memory_space<vmem>>
      %gather3A_1327 = tpu.vector_load_idx %gather3A_1326[%add3A_1303, %add3A_1322] : memref<64x128xf32, #tpu.memory_space<vmem>>[vector<16xi32>, vector<16xi32>], vector<16xf32>,
      %add3A_1328 = arith.constant 0 : i32
      %add3A_1329 = vector.broadcast %add3A_1328 : i32 to vector<16xi32>
      %add3A_1330 = arith.addi %add3A_1319, %add3A_1329 : vector<16xi32>
      tpu.vector_store_idx %arg11[%add3A_1330], %gather3A_1327 : memref<2048xf32, #tpu.memory_space<vmem>>[vector<16xi32>], vector<16xf32>,
      %add3A_1331 = arith.constant 1 : i32
      %add3A_1332 = vector.broadcast %add3A_1331 : i32 to vector<16xi32>
      %add3A_1333 = arith.addi %shift_left3A_55, %add3A_1332 : vector<16xi32>
      %gather3A_1334 = arith.constant 0 : i32
      %gather3A_1335 = arith.constant 0 : i32
      %gather3A_1336 = tpu.memref_slice %arg10[%and3A_113, %gather3A_1334, %gather3A_1335] : memref<2x64x128xf32, #tpu.memory_space<vmem>> -> memref<1x64x128xf32, #tpu.memory_space<vmem>>
      %gather3A_1337 = tpu.memref_squeeze %gather3A_1336 : memref<1x64x128xf32, #tpu.memory_space<vmem>> -> memref<64x128xf32, #tpu.memory_space<vmem>>
      %gather3A_1338 = tpu.vector_load_idx %gather3A_1337[%add3A_1303, %add3A_1333] : memref<64x128xf32, #tpu.memory_space<vmem>>[vector<16xi32>, vector<16xi32>], vector<16xf32>,
      %add3A_1339 = arith.constant 1 : i32
      %add3A_1340 = vector.broadcast %add3A_1339 : i32 to vector<16xi32>
      %add3A_1341 = arith.addi %add3A_1319, %add3A_1340 : vector<16xi32>
      tpu.vector_store_idx %arg11[%add3A_1341], %gather3A_1338 : memref<2048xf32, #tpu.memory_space<vmem>>[vector<16xi32>], vector<16xf32>,
      %add3A_1342 = arith.constant 2 : i32
      %add3A_1343 = vector.broadcast %add3A_1342 : i32 to vector<16xi32>
      %add3A_1344 = arith.addi %shift_left3A_55, %add3A_1343 : vector<16xi32>
      %gather3A_1345 = arith.constant 0 : i32
      %gather3A_1346 = arith.constant 0 : i32
      %gather3A_1347 = tpu.memref_slice %arg10[%and3A_113, %gather3A_1345, %gather3A_1346] : memref<2x64x128xf32, #tpu.memory_space<vmem>> -> memref<1x64x128xf32, #tpu.memory_space<vmem>>
      %gather3A_1348 = tpu.memref_squeeze %gather3A_1347 : memref<1x64x128xf32, #tpu.memory_space<vmem>> -> memref<64x128xf32, #tpu.memory_space<vmem>>
      %gather3A_1349 = tpu.vector_load_idx %gather3A_1348[%add3A_1303, %add3A_1344] : memref<64x128xf32, #tpu.memory_space<vmem>>[vector<16xi32>, vector<16xi32>], vector<16xf32>,
      %add3A_1350 = arith.constant 2 : i32
      %add3A_1351 = vector.broadcast %add3A_1350 : i32 to vector<16xi32>
      %add3A_1352 = arith.addi %add3A_1319, %add3A_1351 : vector<16xi32>
      tpu.vector_store_idx %arg11[%add3A_1352], %gather3A_1349 : memref<2048xf32, #tpu.memory_space<vmem>>[vector<16xi32>], vector<16xf32>,
      %add3A_1353 = arith.constant 3 : i32
      %add3A_1354 = vector.broadcast %add3A_1353 : i32 to vector<16xi32>
      %add3A_1355 = arith.addi %shift_left3A_55, %add3A_1354 : vector<16xi32>
      %gather3A_1356 = arith.constant 0 : i32
      %gather3A_1357 = arith.constant 0 : i32
      %gather3A_1358 = tpu.memref_slice %arg10[%and3A_113, %gather3A_1356, %gather3A_1357] : memref<2x64x128xf32, #tpu.memory_space<vmem>> -> memref<1x64x128xf32, #tpu.memory_space<vmem>>
      %gather3A_1359 = tpu.memref_squeeze %gather3A_1358 : memref<1x64x128xf32, #tpu.memory_space<vmem>> -> memref<64x128xf32, #tpu.memory_space<vmem>>
      %gather3A_1360 = tpu.vector_load_idx %gather3A_1359[%add3A_1303, %add3A_1355] : memref<64x128xf32, #tpu.memory_space<vmem>>[vector<16xi32>, vector<16xi32>], vector<16xf32>,
      %add3A_1361 = arith.constant 3 : i32
      %add3A_1362 = vector.broadcast %add3A_1361 : i32 to vector<16xi32>
      %add3A_1363 = arith.addi %add3A_1319, %add3A_1362 : vector<16xi32>
      tpu.vector_store_idx %arg11[%add3A_1363], %gather3A_1360 : memref<2048xf32, #tpu.memory_space<vmem>>[vector<16xi32>], vector<16xf32>,
      %add3A_1364 = arith.constant 4 : i32
      %add3A_1365 = vector.broadcast %add3A_1364 : i32 to vector<16xi32>
      %add3A_1366 = arith.addi %shift_left3A_55, %add3A_1365 : vector<16xi32>
      %gather3A_1367 = arith.constant 0 : i32
      %gather3A_1368 = arith.constant 0 : i32
      %gather3A_1369 = tpu.memref_slice %arg10[%and3A_113, %gather3A_1367, %gather3A_1368] : memref<2x64x128xf32, #tpu.memory_space<vmem>> -> memref<1x64x128xf32, #tpu.memory_space<vmem>>
      %gather3A_1370 = tpu.memref_squeeze %gather3A_1369 : memref<1x64x128xf32, #tpu.memory_space<vmem>> -> memref<64x128xf32, #tpu.memory_space<vmem>>
      %gather3A_1371 = tpu.vector_load_idx %gather3A_1370[%add3A_1303, %add3A_1366] : memref<64x128xf32, #tpu.memory_space<vmem>>[vector<16xi32>, vector<16xi32>], vector<16xf32>,
      %add3A_1372 = arith.constant 4 : i32
      %add3A_1373 = vector.broadcast %add3A_1372 : i32 to vector<16xi32>
      %add3A_1374 = arith.addi %add3A_1319, %add3A_1373 : vector<16xi32>
      tpu.vector_store_idx %arg11[%add3A_1374], %gather3A_1371 : memref<2048xf32, #tpu.memory_space<vmem>>[vector<16xi32>], vector<16xf32>,
      %add3A_1375 = arith.constant 5 : i32
      %add3A_1376 = vector.broadcast %add3A_1375 : i32 to vector<16xi32>
      %add3A_1377 = arith.addi %shift_left3A_55, %add3A_1376 : vector<16xi32>
      %gather3A_1378 = arith.constant 0 : i32
      %gather3A_1379 = arith.constant 0 : i32
      %gather3A_1380 = tpu.memref_slice %arg10[%and3A_113, %gather3A_1378, %gather3A_1379] : memref<2x64x128xf32, #tpu.memory_space<vmem>> -> memref<1x64x128xf32, #tpu.memory_space<vmem>>
      %gather3A_1381 = tpu.memref_squeeze %gather3A_1380 : memref<1x64x128xf32, #tpu.memory_space<vmem>> -> memref<64x128xf32, #tpu.memory_space<vmem>>
      %gather3A_1382 = tpu.vector_load_idx %gather3A_1381[%add3A_1303, %add3A_1377] : memref<64x128xf32, #tpu.memory_space<vmem>>[vector<16xi32>, vector<16xi32>], vector<16xf32>,
      %add3A_1383 = arith.constant 5 : i32
      %add3A_1384 = vector.broadcast %add3A_1383 : i32 to vector<16xi32>
      %add3A_1385 = arith.addi %add3A_1319, %add3A_1384 : vector<16xi32>
      tpu.vector_store_idx %arg11[%add3A_1385], %gather3A_1382 : memref<2048xf32, #tpu.memory_space<vmem>>[vector<16xi32>], vector<16xf32>,
      %add3A_1386 = arith.constant 6 : i32
      %add3A_1387 = vector.broadcast %add3A_1386 : i32 to vector<16xi32>
      %add3A_1388 = arith.addi %shift_left3A_55, %add3A_1387 : vector<16xi32>
      %gather3A_1389 = arith.constant 0 : i32
      %gather3A_1390 = arith.constant 0 : i32
      %gather3A_1391 = tpu.memref_slice %arg10[%and3A_113, %gather3A_1389, %gather3A_1390] : memref<2x64x128xf32, #tpu.memory_space<vmem>> -> memref<1x64x128xf32, #tpu.memory_space<vmem>>
      %gather3A_1392 = tpu.memref_squeeze %gather3A_1391 : memref<1x64x128xf32, #tpu.memory_space<vmem>> -> memref<64x128xf32, #tpu.memory_space<vmem>>
      %gather3A_1393 = tpu.vector_load_idx %gather3A_1392[%add3A_1303, %add3A_1388] : memref<64x128xf32, #tpu.memory_space<vmem>>[vector<16xi32>, vector<16xi32>], vector<16xf32>,
      %add3A_1394 = arith.constant 6 : i32
      %add3A_1395 = vector.broadcast %add3A_1394 : i32 to vector<16xi32>
      %add3A_1396 = arith.addi %add3A_1319, %add3A_1395 : vector<16xi32>
      tpu.vector_store_idx %arg11[%add3A_1396], %gather3A_1393 : memref<2048xf32, #tpu.memory_space<vmem>>[vector<16xi32>], vector<16xf32>,
      %add3A_1397 = arith.constant 7 : i32
      %add3A_1398 = vector.broadcast %add3A_1397 : i32 to vector<16xi32>
      %add3A_1399 = arith.addi %shift_left3A_55, %add3A_1398 : vector<16xi32>
      %gather3A_1400 = arith.constant 0 : i32
      %gather3A_1401 = arith.constant 0 : i32
      %gather3A_1402 = tpu.memref_slice %arg10[%and3A_113, %gather3A_1400, %gather3A_1401] : memref<2x64x128xf32, #tpu.memory_space<vmem>> -> memref<1x64x128xf32, #tpu.memory_space<vmem>>
      %gather3A_1403 = tpu.memref_squeeze %gather3A_1402 : memref<1x64x128xf32, #tpu.memory_space<vmem>> -> memref<64x128xf32, #tpu.memory_space<vmem>>
      %gather3A_1404 = tpu.vector_load_idx %gather3A_1403[%add3A_1303, %add3A_1399] : memref<64x128xf32, #tpu.memory_space<vmem>>[vector<16xi32>, vector<16xi32>], vector<16xf32>,
      %add3A_1405 = arith.constant 7 : i32
      %add3A_1406 = vector.broadcast %add3A_1405 : i32 to vector<16xi32>
      %add3A_1407 = arith.addi %add3A_1319, %add3A_1406 : vector<16xi32>
      tpu.vector_store_idx %arg11[%add3A_1407], %gather3A_1404 : memref<2048xf32, #tpu.memory_space<vmem>>[vector<16xi32>], vector<16xf32>,
      %add3A_1408 = arith.constant 8 : i32
      %add3A_1409 = vector.broadcast %add3A_1408 : i32 to vector<16xi32>
      %add3A_1410 = arith.addi %shift_left3A_55, %add3A_1409 : vector<16xi32>
      %gather3A_1411 = arith.constant 0 : i32
      %gather3A_1412 = arith.constant 0 : i32
      %gather3A_1413 = tpu.memref_slice %arg10[%and3A_113, %gather3A_1411, %gather3A_1412] : memref<2x64x128xf32, #tpu.memory_space<vmem>> -> memref<1x64x128xf32, #tpu.memory_space<vmem>>
      %gather3A_1414 = tpu.memref_squeeze %gather3A_1413 : memref<1x64x128xf32, #tpu.memory_space<vmem>> -> memref<64x128xf32, #tpu.memory_space<vmem>>
      %gather3A_1415 = tpu.vector_load_idx %gather3A_1414[%add3A_1303, %add3A_1410] : memref<64x128xf32, #tpu.memory_space<vmem>>[vector<16xi32>, vector<16xi32>], vector<16xf32>,
      %add3A_1416 = arith.constant 8 : i32
      %add3A_1417 = vector.broadcast %add3A_1416 : i32 to vector<16xi32>
      %add3A_1418 = arith.addi %add3A_1319, %add3A_1417 : vector<16xi32>
      tpu.vector_store_idx %arg11[%add3A_1418], %gather3A_1415 : memref<2048xf32, #tpu.memory_space<vmem>>[vector<16xi32>], vector<16xf32>,
      %add3A_1419 = arith.constant 9 : i32
      %add3A_1420 = vector.broadcast %add3A_1419 : i32 to vector<16xi32>
      %add3A_1421 = arith.addi %shift_left3A_55, %add3A_1420 : vector<16xi32>
      %gather3A_1422 = arith.constant 0 : i32
      %gather3A_1423 = arith.constant 0 : i32
      %gather3A_1424 = tpu.memref_slice %arg10[%and3A_113, %gather3A_1422, %gather3A_1423] : memref<2x64x128xf32, #tpu.memory_space<vmem>> -> memref<1x64x128xf32, #tpu.memory_space<vmem>>
      %gather3A_1425 = tpu.memref_squeeze %gather3A_1424 : memref<1x64x128xf32, #tpu.memory_space<vmem>> -> memref<64x128xf32, #tpu.memory_space<vmem>>
      %gather3A_1426 = tpu.vector_load_idx %gather3A_1425[%add3A_1303, %add3A_1421] : memref<64x128xf32, #tpu.memory_space<vmem>>[vector<16xi32>, vector<16xi32>], vector<16xf32>,
      %add3A_1427 = arith.constant 9 : i32
      %add3A_1428 = vector.broadcast %add3A_1427 : i32 to vector<16xi32>
      %add3A_1429 = arith.addi %add3A_1319, %add3A_1428 : vector<16xi32>
      tpu.vector_store_idx %arg11[%add3A_1429], %gather3A_1426 : memref<2048xf32, #tpu.memory_space<vmem>>[vector<16xi32>], vector<16xf32>,
      %add3A_1430 = arith.constant 10 : i32
      %add3A_1431 = vector.broadcast %add3A_1430 : i32 to vector<16xi32>
      %add3A_1432 = arith.addi %shift_left3A_55, %add3A_1431 : vector<16xi32>
      %gather3A_1433 = arith.constant 0 : i32
      %gather3A_1434 = arith.constant 0 : i32
      %gather3A_1435 = tpu.memref_slice %arg10[%and3A_113, %gather3A_1433, %gather3A_1434] : memref<2x64x128xf32, #tpu.memory_space<vmem>> -> memref<1x64x128xf32, #tpu.memory_space<vmem>>
      %gather3A_1436 = tpu.memref_squeeze %gather3A_1435 : memref<1x64x128xf32, #tpu.memory_space<vmem>> -> memref<64x128xf32, #tpu.memory_space<vmem>>
      %gather3A_1437 = tpu.vector_load_idx %gather3A_1436[%add3A_1303, %add3A_1432] : memref<64x128xf32, #tpu.memory_space<vmem>>[vector<16xi32>, vector<16xi32>], vector<16xf32>,
      %add3A_1438 = arith.constant 10 : i32
      %add3A_1439 = vector.broadcast %add3A_1438 : i32 to vector<16xi32>
      %add3A_1440 = arith.addi %add3A_1319, %add3A_1439 : vector<16xi32>
      tpu.vector_store_idx %arg11[%add3A_1440], %gather3A_1437 : memref<2048xf32, #tpu.memory_space<vmem>>[vector<16xi32>], vector<16xf32>,
      %add3A_1441 = arith.constant 11 : i32
      %add3A_1442 = vector.broadcast %add3A_1441 : i32 to vector<16xi32>
      %add3A_1443 = arith.addi %shift_left3A_55, %add3A_1442 : vector<16xi32>
      %gather3A_1444 = arith.constant 0 : i32
      %gather3A_1445 = arith.constant 0 : i32
      %gather3A_1446 = tpu.memref_slice %arg10[%and3A_113, %gather3A_1444, %gather3A_1445] : memref<2x64x128xf32, #tpu.memory_space<vmem>> -> memref<1x64x128xf32, #tpu.memory_space<vmem>>
      %gather3A_1447 = tpu.memref_squeeze %gather3A_1446 : memref<1x64x128xf32, #tpu.memory_space<vmem>> -> memref<64x128xf32, #tpu.memory_space<vmem>>
      %gather3A_1448 = tpu.vector_load_idx %gather3A_1447[%add3A_1303, %add3A_1443] : memref<64x128xf32, #tpu.memory_space<vmem>>[vector<16xi32>, vector<16xi32>], vector<16xf32>,
      %add3A_1449 = arith.constant 11 : i32
      %add3A_1450 = vector.broadcast %add3A_1449 : i32 to vector<16xi32>
      %add3A_1451 = arith.addi %add3A_1319, %add3A_1450 : vector<16xi32>
      tpu.vector_store_idx %arg11[%add3A_1451], %gather3A_1448 : memref<2048xf32, #tpu.memory_space<vmem>>[vector<16xi32>], vector<16xf32>,
      %add3A_1452 = arith.constant 12 : i32
      %add3A_1453 = vector.broadcast %add3A_1452 : i32 to vector<16xi32>
      %add3A_1454 = arith.addi %shift_left3A_55, %add3A_1453 : vector<16xi32>
      %gather3A_1455 = arith.constant 0 : i32
      %gather3A_1456 = arith.constant 0 : i32
      %gather3A_1457 = tpu.memref_slice %arg10[%and3A_113, %gather3A_1455, %gather3A_1456] : memref<2x64x128xf32, #tpu.memory_space<vmem>> -> memref<1x64x128xf32, #tpu.memory_space<vmem>>
      %gather3A_1458 = tpu.memref_squeeze %gather3A_1457 : memref<1x64x128xf32, #tpu.memory_space<vmem>> -> memref<64x128xf32, #tpu.memory_space<vmem>>
      %gather3A_1459 = tpu.vector_load_idx %gather3A_1458[%add3A_1303, %add3A_1454] : memref<64x128xf32, #tpu.memory_space<vmem>>[vector<16xi32>, vector<16xi32>], vector<16xf32>,
      %add3A_1460 = arith.constant 12 : i32
      %add3A_1461 = vector.broadcast %add3A_1460 : i32 to vector<16xi32>
      %add3A_1462 = arith.addi %add3A_1319, %add3A_1461 : vector<16xi32>
      tpu.vector_store_idx %arg11[%add3A_1462], %gather3A_1459 : memref<2048xf32, #tpu.memory_space<vmem>>[vector<16xi32>], vector<16xf32>,
      %add3A_1463 = arith.constant 13 : i32
      %add3A_1464 = vector.broadcast %add3A_1463 : i32 to vector<16xi32>
      %add3A_1465 = arith.addi %shift_left3A_55, %add3A_1464 : vector<16xi32>
      %gather3A_1466 = arith.constant 0 : i32
      %gather3A_1467 = arith.constant 0 : i32
      %gather3A_1468 = tpu.memref_slice %arg10[%and3A_113, %gather3A_1466, %gather3A_1467] : memref<2x64x128xf32, #tpu.memory_space<vmem>> -> memref<1x64x128xf32, #tpu.memory_space<vmem>>
      %gather3A_1469 = tpu.memref_squeeze %gather3A_1468 : memref<1x64x128xf32, #tpu.memory_space<vmem>> -> memref<64x128xf32, #tpu.memory_space<vmem>>
      %gather3A_1470 = tpu.vector_load_idx %gather3A_1469[%add3A_1303, %add3A_1465] : memref<64x128xf32, #tpu.memory_space<vmem>>[vector<16xi32>, vector<16xi32>], vector<16xf32>,
      %add3A_1471 = arith.constant 13 : i32
      %add3A_1472 = vector.broadcast %add3A_1471 : i32 to vector<16xi32>
      %add3A_1473 = arith.addi %add3A_1319, %add3A_1472 : vector<16xi32>
      tpu.vector_store_idx %arg11[%add3A_1473], %gather3A_1470 : memref<2048xf32, #tpu.memory_space<vmem>>[vector<16xi32>], vector<16xf32>,
      %add3A_1474 = arith.constant 14 : i32
      %add3A_1475 = vector.broadcast %add3A_1474 : i32 to vector<16xi32>
      %add3A_1476 = arith.addi %shift_left3A_55, %add3A_1475 : vector<16xi32>
      %gather3A_1477 = arith.constant 0 : i32
      %gather3A_1478 = arith.constant 0 : i32
      %gather3A_1479 = tpu.memref_slice %arg10[%and3A_113, %gather3A_1477, %gather3A_1478] : memref<2x64x128xf32, #tpu.memory_space<vmem>> -> memref<1x64x128xf32, #tpu.memory_space<vmem>>
      %gather3A_1480 = tpu.memref_squeeze %gather3A_1479 : memref<1x64x128xf32, #tpu.memory_space<vmem>> -> memref<64x128xf32, #tpu.memory_space<vmem>>
      %gather3A_1481 = tpu.vector_load_idx %gather3A_1480[%add3A_1303, %add3A_1476] : memref<64x128xf32, #tpu.memory_space<vmem>>[vector<16xi32>, vector<16xi32>], vector<16xf32>,
      %add3A_1482 = arith.constant 14 : i32
      %add3A_1483 = vector.broadcast %add3A_1482 : i32 to vector<16xi32>
      %add3A_1484 = arith.addi %add3A_1319, %add3A_1483 : vector<16xi32>
      tpu.vector_store_idx %arg11[%add3A_1484], %gather3A_1481 : memref<2048xf32, #tpu.memory_space<vmem>>[vector<16xi32>], vector<16xf32>,
      %add3A_1485 = arith.constant 15 : i32
      %add3A_1486 = vector.broadcast %add3A_1485 : i32 to vector<16xi32>
      %add3A_1487 = arith.addi %shift_left3A_55, %add3A_1486 : vector<16xi32>
      %gather3A_1488 = arith.constant 0 : i32
      %gather3A_1489 = arith.constant 0 : i32
      %gather3A_1490 = tpu.memref_slice %arg10[%and3A_113, %gather3A_1488, %gather3A_1489] : memref<2x64x128xf32, #tpu.memory_space<vmem>> -> memref<1x64x128xf32, #tpu.memory_space<vmem>>
      %gather3A_1491 = tpu.memref_squeeze %gather3A_1490 : memref<1x64x128xf32, #tpu.memory_space<vmem>> -> memref<64x128xf32, #tpu.memory_space<vmem>>
      %gather3A_1492 = tpu.vector_load_idx %gather3A_1491[%add3A_1303, %add3A_1487] : memref<64x128xf32, #tpu.memory_space<vmem>>[vector<16xi32>, vector<16xi32>], vector<16xf32>,
      %add3A_1493 = arith.constant 15 : i32
      %add3A_1494 = vector.broadcast %add3A_1493 : i32 to vector<16xi32>
      %add3A_1495 = arith.addi %add3A_1319, %add3A_1494 : vector<16xi32>
      tpu.vector_store_idx %arg11[%add3A_1495], %gather3A_1492 : memref<2048xf32, #tpu.memory_space<vmem>>[vector<16xi32>], vector<16xf32>,
      %add3A_1496 = arith.constant 48 : i32
      %add3A_1497 = vector.broadcast %add3A_1496 : i32 to vector<16xi32>
      %add3A_1498 = arith.addi %iota3A, %add3A_1497 : vector<16xi32>
      %shift_right_logical3A_1499 = arith.constant 3 : i32
      %shift_right_logical3A_1500 = vector.broadcast %shift_right_logical3A_1499 : i32 to vector<16xi32>
      %shift_right_logical3A_1501 = arith.shrui %add3A_1498, %shift_right_logical3A_1500 : vector<16xi32>
      %shift_left3A_1502 = arith.constant 8 : i32
      %shift_left3A_1503 = vector.broadcast %shift_left3A_1502 : i32 to vector<16xi32>
      %shift_left3A_1504 = arith.shli %shift_right_logical3A_1501, %shift_left3A_1503 : vector<16xi32>
      %add3A_1505 = arith.constant 128 : i32
      %add3A_1506 = vector.broadcast %add3A_1505 : i32 to vector<16xi32>
      %add3A_1507 = arith.addi %shift_left3A_1504, %add3A_1506 : vector<16xi32>
      %and3A_1508 = arith.constant 7 : i32
      %and3A_1509 = vector.broadcast %and3A_1508 : i32 to vector<16xi32>
      %and3A_1510 = arith.andi %add3A_1498, %and3A_1509 : vector<16xi32>
      %shift_left3A_1511 = arith.constant 4 : i32
      %shift_left3A_1512 = vector.broadcast %shift_left3A_1511 : i32 to vector<16xi32>
      %shift_left3A_1513 = arith.shli %and3A_1510, %shift_left3A_1512 : vector<16xi32>
      %add3A_1514 = arith.addi %add3A_1507, %shift_left3A_1513 : vector<16xi32>
      %add3A_1515 = arith.constant 0 : i32
      %add3A_1516 = vector.broadcast %add3A_1515 : i32 to vector<16xi32>
      %add3A_1517 = arith.addi %shift_left3A_55, %add3A_1516 : vector<16xi32>
      %gather3A_1518 = arith.constant 0 : i32
      %gather3A_1519 = arith.constant 0 : i32
      %gather3A_1520 = tpu.memref_slice %arg10[%and3A_113, %gather3A_1518, %gather3A_1519] : memref<2x64x128xf32, #tpu.memory_space<vmem>> -> memref<1x64x128xf32, #tpu.memory_space<vmem>>
      %gather3A_1521 = tpu.memref_squeeze %gather3A_1520 : memref<1x64x128xf32, #tpu.memory_space<vmem>> -> memref<64x128xf32, #tpu.memory_space<vmem>>
      %gather3A_1522 = tpu.vector_load_idx %gather3A_1521[%add3A_1498, %add3A_1517] : memref<64x128xf32, #tpu.memory_space<vmem>>[vector<16xi32>, vector<16xi32>], vector<16xf32>,
      %add3A_1523 = arith.constant 0 : i32
      %add3A_1524 = vector.broadcast %add3A_1523 : i32 to vector<16xi32>
      %add3A_1525 = arith.addi %add3A_1514, %add3A_1524 : vector<16xi32>
      tpu.vector_store_idx %arg11[%add3A_1525], %gather3A_1522 : memref<2048xf32, #tpu.memory_space<vmem>>[vector<16xi32>], vector<16xf32>,
      %add3A_1526 = arith.constant 1 : i32
      %add3A_1527 = vector.broadcast %add3A_1526 : i32 to vector<16xi32>
      %add3A_1528 = arith.addi %shift_left3A_55, %add3A_1527 : vector<16xi32>
      %gather3A_1529 = arith.constant 0 : i32
      %gather3A_1530 = arith.constant 0 : i32
      %gather3A_1531 = tpu.memref_slice %arg10[%and3A_113, %gather3A_1529, %gather3A_1530] : memref<2x64x128xf32, #tpu.memory_space<vmem>> -> memref<1x64x128xf32, #tpu.memory_space<vmem>>
      %gather3A_1532 = tpu.memref_squeeze %gather3A_1531 : memref<1x64x128xf32, #tpu.memory_space<vmem>> -> memref<64x128xf32, #tpu.memory_space<vmem>>
      %gather3A_1533 = tpu.vector_load_idx %gather3A_1532[%add3A_1498, %add3A_1528] : memref<64x128xf32, #tpu.memory_space<vmem>>[vector<16xi32>, vector<16xi32>], vector<16xf32>,
      %add3A_1534 = arith.constant 1 : i32
      %add3A_1535 = vector.broadcast %add3A_1534 : i32 to vector<16xi32>
      %add3A_1536 = arith.addi %add3A_1514, %add3A_1535 : vector<16xi32>
      tpu.vector_store_idx %arg11[%add3A_1536], %gather3A_1533 : memref<2048xf32, #tpu.memory_space<vmem>>[vector<16xi32>], vector<16xf32>,
      %add3A_1537 = arith.constant 2 : i32
      %add3A_1538 = vector.broadcast %add3A_1537 : i32 to vector<16xi32>
      %add3A_1539 = arith.addi %shift_left3A_55, %add3A_1538 : vector<16xi32>
      %gather3A_1540 = arith.constant 0 : i32
      %gather3A_1541 = arith.constant 0 : i32
      %gather3A_1542 = tpu.memref_slice %arg10[%and3A_113, %gather3A_1540, %gather3A_1541] : memref<2x64x128xf32, #tpu.memory_space<vmem>> -> memref<1x64x128xf32, #tpu.memory_space<vmem>>
      %gather3A_1543 = tpu.memref_squeeze %gather3A_1542 : memref<1x64x128xf32, #tpu.memory_space<vmem>> -> memref<64x128xf32, #tpu.memory_space<vmem>>
      %gather3A_1544 = tpu.vector_load_idx %gather3A_1543[%add3A_1498, %add3A_1539] : memref<64x128xf32, #tpu.memory_space<vmem>>[vector<16xi32>, vector<16xi32>], vector<16xf32>,
      %add3A_1545 = arith.constant 2 : i32
      %add3A_1546 = vector.broadcast %add3A_1545 : i32 to vector<16xi32>
      %add3A_1547 = arith.addi %add3A_1514, %add3A_1546 : vector<16xi32>
      tpu.vector_store_idx %arg11[%add3A_1547], %gather3A_1544 : memref<2048xf32, #tpu.memory_space<vmem>>[vector<16xi32>], vector<16xf32>,
      %add3A_1548 = arith.constant 3 : i32
      %add3A_1549 = vector.broadcast %add3A_1548 : i32 to vector<16xi32>
      %add3A_1550 = arith.addi %shift_left3A_55, %add3A_1549 : vector<16xi32>
      %gather3A_1551 = arith.constant 0 : i32
      %gather3A_1552 = arith.constant 0 : i32
      %gather3A_1553 = tpu.memref_slice %arg10[%and3A_113, %gather3A_1551, %gather3A_1552] : memref<2x64x128xf32, #tpu.memory_space<vmem>> -> memref<1x64x128xf32, #tpu.memory_space<vmem>>
      %gather3A_1554 = tpu.memref_squeeze %gather3A_1553 : memref<1x64x128xf32, #tpu.memory_space<vmem>> -> memref<64x128xf32, #tpu.memory_space<vmem>>
      %gather3A_1555 = tpu.vector_load_idx %gather3A_1554[%add3A_1498, %add3A_1550] : memref<64x128xf32, #tpu.memory_space<vmem>>[vector<16xi32>, vector<16xi32>], vector<16xf32>,
      %add3A_1556 = arith.constant 3 : i32
      %add3A_1557 = vector.broadcast %add3A_1556 : i32 to vector<16xi32>
      %add3A_1558 = arith.addi %add3A_1514, %add3A_1557 : vector<16xi32>
      tpu.vector_store_idx %arg11[%add3A_1558], %gather3A_1555 : memref<2048xf32, #tpu.memory_space<vmem>>[vector<16xi32>], vector<16xf32>,
      %add3A_1559 = arith.constant 4 : i32
      %add3A_1560 = vector.broadcast %add3A_1559 : i32 to vector<16xi32>
      %add3A_1561 = arith.addi %shift_left3A_55, %add3A_1560 : vector<16xi32>
      %gather3A_1562 = arith.constant 0 : i32
      %gather3A_1563 = arith.constant 0 : i32
      %gather3A_1564 = tpu.memref_slice %arg10[%and3A_113, %gather3A_1562, %gather3A_1563] : memref<2x64x128xf32, #tpu.memory_space<vmem>> -> memref<1x64x128xf32, #tpu.memory_space<vmem>>
      %gather3A_1565 = tpu.memref_squeeze %gather3A_1564 : memref<1x64x128xf32, #tpu.memory_space<vmem>> -> memref<64x128xf32, #tpu.memory_space<vmem>>
      %gather3A_1566 = tpu.vector_load_idx %gather3A_1565[%add3A_1498, %add3A_1561] : memref<64x128xf32, #tpu.memory_space<vmem>>[vector<16xi32>, vector<16xi32>], vector<16xf32>,
      %add3A_1567 = arith.constant 4 : i32
      %add3A_1568 = vector.broadcast %add3A_1567 : i32 to vector<16xi32>
      %add3A_1569 = arith.addi %add3A_1514, %add3A_1568 : vector<16xi32>
      tpu.vector_store_idx %arg11[%add3A_1569], %gather3A_1566 : memref<2048xf32, #tpu.memory_space<vmem>>[vector<16xi32>], vector<16xf32>,
      %add3A_1570 = arith.constant 5 : i32
      %add3A_1571 = vector.broadcast %add3A_1570 : i32 to vector<16xi32>
      %add3A_1572 = arith.addi %shift_left3A_55, %add3A_1571 : vector<16xi32>
      %gather3A_1573 = arith.constant 0 : i32
      %gather3A_1574 = arith.constant 0 : i32
      %gather3A_1575 = tpu.memref_slice %arg10[%and3A_113, %gather3A_1573, %gather3A_1574] : memref<2x64x128xf32, #tpu.memory_space<vmem>> -> memref<1x64x128xf32, #tpu.memory_space<vmem>>
      %gather3A_1576 = tpu.memref_squeeze %gather3A_1575 : memref<1x64x128xf32, #tpu.memory_space<vmem>> -> memref<64x128xf32, #tpu.memory_space<vmem>>
      %gather3A_1577 = tpu.vector_load_idx %gather3A_1576[%add3A_1498, %add3A_1572] : memref<64x128xf32, #tpu.memory_space<vmem>>[vector<16xi32>, vector<16xi32>], vector<16xf32>,
      %add3A_1578 = arith.constant 5 : i32
      %add3A_1579 = vector.broadcast %add3A_1578 : i32 to vector<16xi32>
      %add3A_1580 = arith.addi %add3A_1514, %add3A_1579 : vector<16xi32>
      tpu.vector_store_idx %arg11[%add3A_1580], %gather3A_1577 : memref<2048xf32, #tpu.memory_space<vmem>>[vector<16xi32>], vector<16xf32>,
      %add3A_1581 = arith.constant 6 : i32
      %add3A_1582 = vector.broadcast %add3A_1581 : i32 to vector<16xi32>
      %add3A_1583 = arith.addi %shift_left3A_55, %add3A_1582 : vector<16xi32>
      %gather3A_1584 = arith.constant 0 : i32
      %gather3A_1585 = arith.constant 0 : i32
      %gather3A_1586 = tpu.memref_slice %arg10[%and3A_113, %gather3A_1584, %gather3A_1585] : memref<2x64x128xf32, #tpu.memory_space<vmem>> -> memref<1x64x128xf32, #tpu.memory_space<vmem>>
      %gather3A_1587 = tpu.memref_squeeze %gather3A_1586 : memref<1x64x128xf32, #tpu.memory_space<vmem>> -> memref<64x128xf32, #tpu.memory_space<vmem>>
      %gather3A_1588 = tpu.vector_load_idx %gather3A_1587[%add3A_1498, %add3A_1583] : memref<64x128xf32, #tpu.memory_space<vmem>>[vector<16xi32>, vector<16xi32>], vector<16xf32>,
      %add3A_1589 = arith.constant 6 : i32
      %add3A_1590 = vector.broadcast %add3A_1589 : i32 to vector<16xi32>
      %add3A_1591 = arith.addi %add3A_1514, %add3A_1590 : vector<16xi32>
      tpu.vector_store_idx %arg11[%add3A_1591], %gather3A_1588 : memref<2048xf32, #tpu.memory_space<vmem>>[vector<16xi32>], vector<16xf32>,
      %add3A_1592 = arith.constant 7 : i32
      %add3A_1593 = vector.broadcast %add3A_1592 : i32 to vector<16xi32>
      %add3A_1594 = arith.addi %shift_left3A_55, %add3A_1593 : vector<16xi32>
      %gather3A_1595 = arith.constant 0 : i32
      %gather3A_1596 = arith.constant 0 : i32
      %gather3A_1597 = tpu.memref_slice %arg10[%and3A_113, %gather3A_1595, %gather3A_1596] : memref<2x64x128xf32, #tpu.memory_space<vmem>> -> memref<1x64x128xf32, #tpu.memory_space<vmem>>
      %gather3A_1598 = tpu.memref_squeeze %gather3A_1597 : memref<1x64x128xf32, #tpu.memory_space<vmem>> -> memref<64x128xf32, #tpu.memory_space<vmem>>
      %gather3A_1599 = tpu.vector_load_idx %gather3A_1598[%add3A_1498, %add3A_1594] : memref<64x128xf32, #tpu.memory_space<vmem>>[vector<16xi32>, vector<16xi32>], vector<16xf32>,
      %add3A_1600 = arith.constant 7 : i32
      %add3A_1601 = vector.broadcast %add3A_1600 : i32 to vector<16xi32>
      %add3A_1602 = arith.addi %add3A_1514, %add3A_1601 : vector<16xi32>
      tpu.vector_store_idx %arg11[%add3A_1602], %gather3A_1599 : memref<2048xf32, #tpu.memory_space<vmem>>[vector<16xi32>], vector<16xf32>,
      %add3A_1603 = arith.constant 8 : i32
      %add3A_1604 = vector.broadcast %add3A_1603 : i32 to vector<16xi32>
      %add3A_1605 = arith.addi %shift_left3A_55, %add3A_1604 : vector<16xi32>
      %gather3A_1606 = arith.constant 0 : i32
      %gather3A_1607 = arith.constant 0 : i32
      %gather3A_1608 = tpu.memref_slice %arg10[%and3A_113, %gather3A_1606, %gather3A_1607] : memref<2x64x128xf32, #tpu.memory_space<vmem>> -> memref<1x64x128xf32, #tpu.memory_space<vmem>>
      %gather3A_1609 = tpu.memref_squeeze %gather3A_1608 : memref<1x64x128xf32, #tpu.memory_space<vmem>> -> memref<64x128xf32, #tpu.memory_space<vmem>>
      %gather3A_1610 = tpu.vector_load_idx %gather3A_1609[%add3A_1498, %add3A_1605] : memref<64x128xf32, #tpu.memory_space<vmem>>[vector<16xi32>, vector<16xi32>], vector<16xf32>,
      %add3A_1611 = arith.constant 8 : i32
      %add3A_1612 = vector.broadcast %add3A_1611 : i32 to vector<16xi32>
      %add3A_1613 = arith.addi %add3A_1514, %add3A_1612 : vector<16xi32>
      tpu.vector_store_idx %arg11[%add3A_1613], %gather3A_1610 : memref<2048xf32, #tpu.memory_space<vmem>>[vector<16xi32>], vector<16xf32>,
      %add3A_1614 = arith.constant 9 : i32
      %add3A_1615 = vector.broadcast %add3A_1614 : i32 to vector<16xi32>
      %add3A_1616 = arith.addi %shift_left3A_55, %add3A_1615 : vector<16xi32>
      %gather3A_1617 = arith.constant 0 : i32
      %gather3A_1618 = arith.constant 0 : i32
      %gather3A_1619 = tpu.memref_slice %arg10[%and3A_113, %gather3A_1617, %gather3A_1618] : memref<2x64x128xf32, #tpu.memory_space<vmem>> -> memref<1x64x128xf32, #tpu.memory_space<vmem>>
      %gather3A_1620 = tpu.memref_squeeze %gather3A_1619 : memref<1x64x128xf32, #tpu.memory_space<vmem>> -> memref<64x128xf32, #tpu.memory_space<vmem>>
      %gather3A_1621 = tpu.vector_load_idx %gather3A_1620[%add3A_1498, %add3A_1616] : memref<64x128xf32, #tpu.memory_space<vmem>>[vector<16xi32>, vector<16xi32>], vector<16xf32>,
      %add3A_1622 = arith.constant 9 : i32
      %add3A_1623 = vector.broadcast %add3A_1622 : i32 to vector<16xi32>
      %add3A_1624 = arith.addi %add3A_1514, %add3A_1623 : vector<16xi32>
      tpu.vector_store_idx %arg11[%add3A_1624], %gather3A_1621 : memref<2048xf32, #tpu.memory_space<vmem>>[vector<16xi32>], vector<16xf32>,
      %add3A_1625 = arith.constant 10 : i32
      %add3A_1626 = vector.broadcast %add3A_1625 : i32 to vector<16xi32>
      %add3A_1627 = arith.addi %shift_left3A_55, %add3A_1626 : vector<16xi32>
      %gather3A_1628 = arith.constant 0 : i32
      %gather3A_1629 = arith.constant 0 : i32
      %gather3A_1630 = tpu.memref_slice %arg10[%and3A_113, %gather3A_1628, %gather3A_1629] : memref<2x64x128xf32, #tpu.memory_space<vmem>> -> memref<1x64x128xf32, #tpu.memory_space<vmem>>
      %gather3A_1631 = tpu.memref_squeeze %gather3A_1630 : memref<1x64x128xf32, #tpu.memory_space<vmem>> -> memref<64x128xf32, #tpu.memory_space<vmem>>
      %gather3A_1632 = tpu.vector_load_idx %gather3A_1631[%add3A_1498, %add3A_1627] : memref<64x128xf32, #tpu.memory_space<vmem>>[vector<16xi32>, vector<16xi32>], vector<16xf32>,
      %add3A_1633 = arith.constant 10 : i32
      %add3A_1634 = vector.broadcast %add3A_1633 : i32 to vector<16xi32>
      %add3A_1635 = arith.addi %add3A_1514, %add3A_1634 : vector<16xi32>
      tpu.vector_store_idx %arg11[%add3A_1635], %gather3A_1632 : memref<2048xf32, #tpu.memory_space<vmem>>[vector<16xi32>], vector<16xf32>,
      %add3A_1636 = arith.constant 11 : i32
      %add3A_1637 = vector.broadcast %add3A_1636 : i32 to vector<16xi32>
      %add3A_1638 = arith.addi %shift_left3A_55, %add3A_1637 : vector<16xi32>
      %gather3A_1639 = arith.constant 0 : i32
      %gather3A_1640 = arith.constant 0 : i32
      %gather3A_1641 = tpu.memref_slice %arg10[%and3A_113, %gather3A_1639, %gather3A_1640] : memref<2x64x128xf32, #tpu.memory_space<vmem>> -> memref<1x64x128xf32, #tpu.memory_space<vmem>>
      %gather3A_1642 = tpu.memref_squeeze %gather3A_1641 : memref<1x64x128xf32, #tpu.memory_space<vmem>> -> memref<64x128xf32, #tpu.memory_space<vmem>>
      %gather3A_1643 = tpu.vector_load_idx %gather3A_1642[%add3A_1498, %add3A_1638] : memref<64x128xf32, #tpu.memory_space<vmem>>[vector<16xi32>, vector<16xi32>], vector<16xf32>,
      %add3A_1644 = arith.constant 11 : i32
      %add3A_1645 = vector.broadcast %add3A_1644 : i32 to vector<16xi32>
      %add3A_1646 = arith.addi %add3A_1514, %add3A_1645 : vector<16xi32>
      tpu.vector_store_idx %arg11[%add3A_1646], %gather3A_1643 : memref<2048xf32, #tpu.memory_space<vmem>>[vector<16xi32>], vector<16xf32>,
      %add3A_1647 = arith.constant 12 : i32
      %add3A_1648 = vector.broadcast %add3A_1647 : i32 to vector<16xi32>
      %add3A_1649 = arith.addi %shift_left3A_55, %add3A_1648 : vector<16xi32>
      %gather3A_1650 = arith.constant 0 : i32
      %gather3A_1651 = arith.constant 0 : i32
      %gather3A_1652 = tpu.memref_slice %arg10[%and3A_113, %gather3A_1650, %gather3A_1651] : memref<2x64x128xf32, #tpu.memory_space<vmem>> -> memref<1x64x128xf32, #tpu.memory_space<vmem>>
      %gather3A_1653 = tpu.memref_squeeze %gather3A_1652 : memref<1x64x128xf32, #tpu.memory_space<vmem>> -> memref<64x128xf32, #tpu.memory_space<vmem>>
      %gather3A_1654 = tpu.vector_load_idx %gather3A_1653[%add3A_1498, %add3A_1649] : memref<64x128xf32, #tpu.memory_space<vmem>>[vector<16xi32>, vector<16xi32>], vector<16xf32>,
      %add3A_1655 = arith.constant 12 : i32
      %add3A_1656 = vector.broadcast %add3A_1655 : i32 to vector<16xi32>
      %add3A_1657 = arith.addi %add3A_1514, %add3A_1656 : vector<16xi32>
      tpu.vector_store_idx %arg11[%add3A_1657], %gather3A_1654 : memref<2048xf32, #tpu.memory_space<vmem>>[vector<16xi32>], vector<16xf32>,
      %add3A_1658 = arith.constant 13 : i32
      %add3A_1659 = vector.broadcast %add3A_1658 : i32 to vector<16xi32>
      %add3A_1660 = arith.addi %shift_left3A_55, %add3A_1659 : vector<16xi32>
      %gather3A_1661 = arith.constant 0 : i32
      %gather3A_1662 = arith.constant 0 : i32
      %gather3A_1663 = tpu.memref_slice %arg10[%and3A_113, %gather3A_1661, %gather3A_1662] : memref<2x64x128xf32, #tpu.memory_space<vmem>> -> memref<1x64x128xf32, #tpu.memory_space<vmem>>
      %gather3A_1664 = tpu.memref_squeeze %gather3A_1663 : memref<1x64x128xf32, #tpu.memory_space<vmem>> -> memref<64x128xf32, #tpu.memory_space<vmem>>
      %gather3A_1665 = tpu.vector_load_idx %gather3A_1664[%add3A_1498, %add3A_1660] : memref<64x128xf32, #tpu.memory_space<vmem>>[vector<16xi32>, vector<16xi32>], vector<16xf32>,
      %add3A_1666 = arith.constant 13 : i32
      %add3A_1667 = vector.broadcast %add3A_1666 : i32 to vector<16xi32>
      %add3A_1668 = arith.addi %add3A_1514, %add3A_1667 : vector<16xi32>
      tpu.vector_store_idx %arg11[%add3A_1668], %gather3A_1665 : memref<2048xf32, #tpu.memory_space<vmem>>[vector<16xi32>], vector<16xf32>,
      %add3A_1669 = arith.constant 14 : i32
      %add3A_1670 = vector.broadcast %add3A_1669 : i32 to vector<16xi32>
      %add3A_1671 = arith.addi %shift_left3A_55, %add3A_1670 : vector<16xi32>
      %gather3A_1672 = arith.constant 0 : i32
      %gather3A_1673 = arith.constant 0 : i32
      %gather3A_1674 = tpu.memref_slice %arg10[%and3A_113, %gather3A_1672, %gather3A_1673] : memref<2x64x128xf32, #tpu.memory_space<vmem>> -> memref<1x64x128xf32, #tpu.memory_space<vmem>>
      %gather3A_1675 = tpu.memref_squeeze %gather3A_1674 : memref<1x64x128xf32, #tpu.memory_space<vmem>> -> memref<64x128xf32, #tpu.memory_space<vmem>>
      %gather3A_1676 = tpu.vector_load_idx %gather3A_1675[%add3A_1498, %add3A_1671] : memref<64x128xf32, #tpu.memory_space<vmem>>[vector<16xi32>, vector<16xi32>], vector<16xf32>,
      %add3A_1677 = arith.constant 14 : i32
      %add3A_1678 = vector.broadcast %add3A_1677 : i32 to vector<16xi32>
      %add3A_1679 = arith.addi %add3A_1514, %add3A_1678 : vector<16xi32>
      tpu.vector_store_idx %arg11[%add3A_1679], %gather3A_1676 : memref<2048xf32, #tpu.memory_space<vmem>>[vector<16xi32>], vector<16xf32>,
      %add3A_1680 = arith.constant 15 : i32
      %add3A_1681 = vector.broadcast %add3A_1680 : i32 to vector<16xi32>
      %add3A_1682 = arith.addi %shift_left3A_55, %add3A_1681 : vector<16xi32>
      %gather3A_1683 = arith.constant 0 : i32
      %gather3A_1684 = arith.constant 0 : i32
      %gather3A_1685 = tpu.memref_slice %arg10[%and3A_113, %gather3A_1683, %gather3A_1684] : memref<2x64x128xf32, #tpu.memory_space<vmem>> -> memref<1x64x128xf32, #tpu.memory_space<vmem>>
      %gather3A_1686 = tpu.memref_squeeze %gather3A_1685 : memref<1x64x128xf32, #tpu.memory_space<vmem>> -> memref<64x128xf32, #tpu.memory_space<vmem>>
      %gather3A_1687 = tpu.vector_load_idx %gather3A_1686[%add3A_1498, %add3A_1682] : memref<64x128xf32, #tpu.memory_space<vmem>>[vector<16xi32>, vector<16xi32>], vector<16xf32>,
      %add3A_1688 = arith.constant 15 : i32
      %add3A_1689 = vector.broadcast %add3A_1688 : i32 to vector<16xi32>
      %add3A_1690 = arith.addi %add3A_1514, %add3A_1689 : vector<16xi32>
      tpu.vector_store_idx %arg11[%add3A_1690], %gather3A_1687 : memref<2048xf32, #tpu.memory_space<vmem>>[vector<16xi32>], vector<16xf32>,
      %add3A_1691 = arith.constant 2 : i32
      %add3A_1692 = arith.addi %scan3A_111, %add3A_1691 : i32
      %lt3A_1693 = arith.constant 64 : i32
      %lt3A_1694 = arith.cmpi slt, %add3A_1692, %lt3A_1693 : i32
      %convert_element_type3A = arith.extui %lt3A_1694 : i1 to i32
      %cond3A = arith.constant 0 : i32
      %cond3A_1695 = arith.cmpi ne, %convert_element_type3A, %cond3A : i32
      scf.if %cond3A_1695 {
        %dma_start3A_1701 = arith.constant 0 : i32
        %dma_start3A_1702 = arith.constant 0 : i32
        %dma_start3A_1703 = tpu.memref_slice %arg9[%and3A_113, %dma_start3A_1701, %dma_start3A_1702] : memref<2x64x128xf32, #tpu.memory_space<vmem>> -> memref<1x64x128xf32, #tpu.memory_space<vmem>>
        %dma_start3A_1704 = tpu.memref_squeeze %dma_start3A_1703 : memref<1x64x128xf32, #tpu.memory_space<vmem>> -> memref<64x128xf32, #tpu.memory_space<vmem>>
        %dma_start3A_1705 = arith.constant 0 : i32
        %dma_start3A_1706 = tpu.memref_slice %arg7[%add3A_1692, %dma_start3A_1705] : memref<64x64xi32, #tpu.memory_space<vmem>> -> memref<1x64xi32, #tpu.memory_space<vmem>>
        %dma_start3A_1707 = tpu.memref_squeeze %dma_start3A_1706 : memref<1x64xi32, #tpu.memory_space<vmem>> -> memref<64xi32, #tpu.memory_space<vmem>>
        %dma_start3A_1708 = arith.constant 0 : i32
        %dma_start3A_1709 = arith.constant 0 : i32
        %dma_start3A_1710 = tpu.memref_slice %arg3[%dma_start3A_1708, %dma_start3A_1709] : memref<100003x128xf32, #tpu.memory_space<hbm>> -> memref<100003x128xf32, #tpu.memory_space<hbm>>
        tpu.enqueue_indirect_dma source(%dma_start3A_1710 : memref<100003x128xf32, #tpu.memory_space<hbm>>) target(%dma_start3A_1704 : memref<64x128xf32, #tpu.memory_space<vmem>>) offsets(%dma_start3A_1707 : memref<64xi32, #tpu.memory_space<vmem>>) semaphore(%arg12 : memref<!tpu.dma_semaphore, #tpu.memory_space<semaphore_mem>>)
        %dma_start3A_1711 = arith.constant 0 : i32
        %dma_start3A_1712 = arith.constant 0 : i32
        %dma_start3A_1713 = tpu.memref_slice %arg10[%and3A_113, %dma_start3A_1711, %dma_start3A_1712] : memref<2x64x128xf32, #tpu.memory_space<vmem>> -> memref<1x64x128xf32, #tpu.memory_space<vmem>>
        %dma_start3A_1714 = tpu.memref_squeeze %dma_start3A_1713 : memref<1x64x128xf32, #tpu.memory_space<vmem>> -> memref<64x128xf32, #tpu.memory_space<vmem>>
        %dma_start3A_1715 = arith.constant 0 : i32
        %dma_start3A_1716 = tpu.memref_slice %arg8[%add3A_1692, %dma_start3A_1715] : memref<64x64xi32, #tpu.memory_space<vmem>> -> memref<1x64xi32, #tpu.memory_space<vmem>>
        %dma_start3A_1717 = tpu.memref_squeeze %dma_start3A_1716 : memref<1x64xi32, #tpu.memory_space<vmem>> -> memref<64xi32, #tpu.memory_space<vmem>>
        %dma_start3A_1718 = arith.constant 0 : i32
        %dma_start3A_1719 = arith.constant 0 : i32
        %dma_start3A_1720 = tpu.memref_slice %arg4[%dma_start3A_1718, %dma_start3A_1719] : memref<100003x128xf32, #tpu.memory_space<hbm>> -> memref<100003x128xf32, #tpu.memory_space<hbm>>
        tpu.enqueue_indirect_dma source(%dma_start3A_1720 : memref<100003x128xf32, #tpu.memory_space<hbm>>) target(%dma_start3A_1714 : memref<64x128xf32, #tpu.memory_space<vmem>>) offsets(%dma_start3A_1717 : memref<64xi32, #tpu.memory_space<vmem>>) semaphore(%arg12 : memref<!tpu.dma_semaphore, #tpu.memory_space<semaphore_mem>>)
      } else {
      }
      %mul3A_1696 = arith.constant 2048 : i32
      %mul3A_1697 = arith.muli %scan3A_111, %mul3A_1696 : i32
      %add3A_1698 = arith.addi %mul3A_50, %mul3A_1697 : i32
      "tpu.region"() ({
        %run_scoped3A = tpu.sem_alloc : memref<!tpu.dma_semaphore, #tpu.memory_space<semaphore_mem>>
        %dma_start3A_1701 = tpu.memref_slice %arg5[%add3A_1698] : memref<4194304xf32, #tpu.memory_space<hbm>> -> memref<2048xf32, #tpu.memory_space<hbm>>
        %dma_start3A_1702 = tpu.memref_slice %arg5[%add3A_1698] : memref<4194304xf32, #tpu.memory_space<hbm>> -> memref<2048xf32, #tpu.memory_space<hbm>>
        tpu.enqueue_dma source(%arg11 : memref<2048xf32, #tpu.memory_space<vmem>>) target(%dma_start3A_1702 : memref<2048xf32, #tpu.memory_space<hbm>>) target_semaphore(%run_scoped3A : memref<!tpu.dma_semaphore, #tpu.memory_space<semaphore_mem>>)
        %dma_wait3A_1703 = tpu.memref_slice %arg5[%add3A_1698] : memref<4194304xf32, #tpu.memory_space<hbm>> -> memref<2048xf32, #tpu.memory_space<hbm>>
        %dma_wait3A_1704 = tpu.memref_slice %arg5[%add3A_1698] : memref<4194304xf32, #tpu.memory_space<hbm>> -> memref<2048xf32, #tpu.memory_space<hbm>>
        tpu.wait_dma2 semaphore(%run_scoped3A : memref<!tpu.dma_semaphore, #tpu.memory_space<semaphore_mem>>) src(%arg11 : memref<2048xf32, #tpu.memory_space<vmem>>) dst(%dma_wait3A_1704 : memref<2048xf32, #tpu.memory_space<hbm>>)
        tpu.yield
      }) : () -> ()
      %add3A_1699 = arith.constant 1 : i32
      %add3A_1700 = arith.addi %scan3A_111, %add3A_1699 : i32
      scf.yield %add3A_1700 : i32
    }
    %scan3A_109 = arith.constant 64 : i32
    return
  }
}

</mosaic_0001>

<sc_bundles>
// kernel: kernel.3.cloned.1.call-start
scs
__scs_entry_jumppad:
0x0: {  	(pc) =	sbr.rel $0x88, $3  }
0x1: {  	(tag) =	ssettag $0x0;
	lr =	simm.s32 $0x1  }
0x2: {  	[smem:$0x3F9F] =	sst lr;
	_ =	strace $0xD0000000  }
0x3: {  	_ = 	snop  }
0x4: {  	_ = 	snop  }
0x5: {  	_ = 	snop  }
0x6: {  	_ = 	snop  }
0x7: {  	_ = 	snop  }
__scs_overlays_trampoline_lowered:
0x8: {  	[smem:$0x3FAE] =	sst s0  }
0x9: {  	[smem:$0x3FAF] =	sst s1  }
0xa: {  	[smem:$0x3FB0] =	sst s2  }
0xb: {  	[smem:$0x3FB1] =	sst s3  }
0xc: {  	[smem:$0x3FB2] =	sst s4  }
0xd: {  	[smem:$0x3FB3] =	sst s5  }
0xe: {  	[smem:$0x3FB4] =	sst s6  }
0xf: {  	[smem:$0x3FB5] =	sst s7  }
0x10: {  	[smem:$0x3FB6] =	sst s8  }
0x11: {  	[smem:$0x3FB7] =	sst s9;
	s0 =	simm.s32 @!p0 $0x0  }
0x12: {  	s1 =	sld [smem:$0x3F9D];
	s0 =	simm.s32 @p0 $0x1  }
0x13: {  	[smem:$0x3FB8] =	sst s0;
	s0 =	simm.s32 @!p1 $0x0  }
0x14: {  	s2 =	sld [smem:$0x3F9C];
	s0 =	simm.s32 @p1 $0x1  }
0x15: {  	[smem:$0x3FB9] =	sst s0;
	s0 =	simm.s32 @!p2 $0x0  }
0x16: {  	s3 =	sld [smem:$0x3FDB];
	s0 =	simm.s32 @p2 $0x1  }
0x17: {  	s4 =	simm.s32 $0x1BF5;
	[smem:$0x3FBB] =	sst s0  }
0x18: {  	s0 =	sld [smem:$0x3F9E];
	_ =	swait.ge [sflag:s4], $0x0  }
0x19: {  	s7 =	sld [smem:$0x3F9F]  }
0x1a: {  	s8 =	sadd.s32 $0xFFFFE003, lr  }
0x1b: {  	s9 =	sadd.s32 $0xFFFFFEF7, lr;
	s5 =	simm.s32 $0xFFFFFFFF;
	p2 =	slt.u32 s8, $0xFFFFF086  }
0x1c: {  	p1 =	slt.u32 s9, $0xF7A;
	s5 =	simm.s32 @!p2 $0x0  }
0x1d: {  	s5 =	simm.s32 @p1 $0x1;
	p0 =	seq.s32 s7, s2  }
0x1e: {  	s7 =	smul.u32 @!p0 $0xF7A, s2;
	p2 =	seq.s32 @!p0 s5, $0x0  }
0x1f: {  	s9 =	smul.u32 $0xF7A, s1;
	s8 =	simm.s32 @!p0 $0x1BF5;
	p2 =	por !p2, p0  }
0x20: {  	[sflag:s8] =	ssyncset.s32 @!p0 $0xFFFFF086;
	s6 =	sadd.s32 @!p0 s3, s7;
	s7 =	simm.s32 @!p0 $0x108  }
0x21: {  	s3 =	sadd.s32 s3, s9;
	s6 =	sadd.s32 @!p0 $0x88, s6;
	s7 =	simm.s32 @p2 $0x1082  }
0x22: {  	[simem:s7], [sflag:s8] =	dma.local @!p0 [hbm:s6], $0xF7A  }
0x23: {  	s9 =	sor.u32 $0xD0000000, s2;
	s6 =	simm.s32 $0x108;
	_ =	swait.ge @!p0 [sflag:s8], $0x0  }
0x24: {  	s3 =	sadd.s32 $0x88, s3;
	s6 =	simm.s32 @!p1 $0x1082;
	[sflag:s4] =	ssyncset.s32 $0xFFFFF086  }
0x25: {  	[simem:s6], [sflag:s4] =	dma.local [hbm:s3], $0xF7A  }
0x26: {  	[smem:$0x3F9F] =	sst s1;
	(tag) =	ssettag s2;
	_ =	strace s9  }
0x27: {  	s1 =	sld [smem:$0x3FAF]  }
0x28: {  	s2 =	sld [smem:$0x3FB0]  }
0x29: {  	s4 =	sld [smem:$0x3FB2]  }
0x2a: {  	p0 =	seq.s32 s5, $0x0;
	s5 =	sld [smem:$0x3FB3]  }
0x2b: {  	s6 =	sld [smem:$0x3FB4]  }
0x2c: {  	s7 =	sld [smem:$0x3FB5]  }
0x2d: {  	s3 =	simm.s32 $0x108;
	s8 =	sld [smem:$0x3FB6]  }
0x2e: {  	s3 =	simm.s32 @!p0 $0x1082;
	s9 =	sld [smem:$0x3FB7]  }
0x2f: {  	lr =	sadd.s32 s0, s3;
	s0 =	sld [smem:$0x3FAE]  }
0x30: {  	s3 =	sld [smem:$0x3FB1]  }
0x31: {  	[smem:$0x3FBA] =	sst s10  }
0x32: {  	s10 =	sld [smem:$0x3FB8];
	_ =	sdelay $0x3  }
0x33: {  	p0 =	seq.s32 s10, $0x1;
	s10 =	sld [smem:$0x3FBA];
	_ =	sdelay $0x3  }
0x34: {  	[smem:$0x3FBA] =	sst s10  }
0x35: {  	s10 =	sld [smem:$0x3FB9];
	_ =	sdelay $0x3  }
0x36: {  	p1 =	seq.s32 s10, $0x1;
	s10 =	sld [smem:$0x3FBA];
	_ =	sdelay $0x3  }
0x37: {  	[smem:$0x3FBA] =	sst s10  }
0x38: {  	s10 =	sld [smem:$0x3FBB]  }
0x39: {  	_ = 	snop;
	(pc) =	sbr.ind lr, $3  }
0x3a: {  	_ = 	snop  }
0x3b: {  	_ = 	snop  }
0x3c: {  	p2 =	seq.s32 s10, $0x1;
	s10 =	sld [smem:$0x3FBA]  }
0x3d: {  	_ =	shalt  }
0x3e: {  	_ =	shalt  }
0x3f: {  	_ =	shalt  }
0x40: {  	_ =	shalt  }
0x41: {  	_ =	shalt  }
0x42: {  	_ =	shalt  }
0x43: {  	_ =	shalt  }
0x44: {  	_ =	shalt  }
0x45: {  	_ =	shalt  }
0x46: {  	_ =	shalt  }
0x47: {  	_ =	shalt  }
0x48: {  	_ =	shalt  }
0x49: {  	_ =	shalt  }
0x4a: {  	_ =	shalt  }
0x4b: {  	_ =	shalt  }
0x4c: {  	_ =	shalt  }
0x4d: {  	_ =	shalt  }
0x4e: {  	_ =	shalt  }
0x4f: {  	_ =	shalt  }
0x50: {  	_ =	shalt  }
0x51: {  	_ =	shalt  }
0x52: {  	_ =	shalt  }
0x53: {  	_ =	shalt  }
0x54: {  	_ =	shalt  }
0x55: {  	_ =	shalt  }
0x56: {  	_ =	shalt  }
0x57: {  	_ =	shalt  }
0x58: {  	_ =	shalt  }
0x59: {  	_ =	shalt  }
0x5a: {  	_ =	shalt  }
0x5b: {  	_ =	shalt  }
0x5c: {  	_ =	shalt  }
0x5d: {  	_ =	shalt  }
0x5e: {  	_ =	shalt  }
0x5f: {  	_ =	shalt  }
0x60: {  	_ =	shalt  }
0x61: {  	_ =	shalt  }
0x62: {  	_ =	shalt  }
0x63: {  	_ =	shalt  }
0x64: {  	_ =	shalt  }
0x65: {  	_ =	shalt  }
0x66: {  	_ =	shalt  }
0x67: {  	_ =	shalt  }
0x68: {  	_ =	shalt  }
0x69: {  	_ =	shalt  }
0x6a: {  	_ =	shalt  }
0x6b: {  	_ =	shalt  }
0x6c: {  	_ =	shalt  }
0x6d: {  	_ =	shalt  }
0x6e: {  	_ =	shalt  }
0x6f: {  	_ =	shalt  }
0x70: {  	_ =	shalt  }
0x71: {  	_ =	shalt  }
0x72: {  	_ =	shalt  }
0x73: {  	_ =	shalt  }
0x74: {  	_ =	shalt  }
0x75: {  	_ =	shalt  }
0x76: {  	_ =	shalt  }
0x77: {  	_ =	shalt  }
0x78: {  	_ =	shalt  }
0x79: {  	_ =	shalt  }
0x7a: {  	_ =	shalt  }
0x7b: {  	_ =	shalt  }
0x7c: {  	_ =	shalt  }
0x7d: {  	_ =	shalt  }
0x7e: {  	_ =	shalt  }
0x7f: {  	_ =	shalt  }
0x80: {  	_ =	shalt  }
0x81: {  	_ =	shalt  }
0x82: {  	_ =	shalt  }
0x83: {  	_ =	shalt  }
0x84: {  	_ =	shalt  }
0x85: {  	_ =	shalt  }
0x86: {  	_ =	shalt  }
0x87: {  	_ =	shalt  }
.Lfunc_end0:
.L_simem_size_0:
called_computation.2_lowered:
.L_overlay_start_0:
0x88: {  	s2 =	sld [smem:$0x3FD9]  }
0x89: {  	s3 =	sld [smem:$0x3FFE];
	_ =	sdelay $0x1  }
0x8a: {  	s1 =	srdreg.scid  }
0x8b: {  	s0 =	sand.u32 $0x1, s1  }
0x8c: {  	s17 =	sshll.u32 s0, $0xA;
	s2 =	sadd.s32 s3, s2  }
0x8d: {  	s2 =	sadd.s32 s2, s17  }
0x8e: {  	[smem:$0x3FC6] =	sst s2  }
0x8f: {  	_ = 	snop  }
0x90: {  	s2 =	sld [smem:$0x3FD0];
	(tm) =	ssettm $0x1  }
0x91: {  	s18 =	sld [smem:$0x3FFB];
	_ =	sdelay $0x3  }
0x92: {  	_ =	strace s18  }
0x93: {  	s3 =	sld [smem:$0x3FFC];
	_ =	sdelay $0x3  }
0x94: {  	_ =	strace s3  }
0x95: {  	s3 =	sld [smem:$0x3FFD];
	_ =	sdelay $0x3  }
0x96: {  	_ =	strace s3  }
0x97: {  	_ =	strace $0x8FFFFFFF  }
0x98: {  	s19 =	sld [smem:$0x3FDB];
	_ =	sdelay $0x1  }
0x99: {  	s4 =	simm.s32 $_scs_section_size  }
0x9a: {  	s5 =	simm.s32 $_size__tile_overlayer_lowered;
	s6 =	simm.s32 $_tile_overlayer_lowered  }
0x9b: {  	s22 =	simm.s32 $0x1BFF;
	s21 =	sshll.u32 s6, $0x1;
	s3 =	sadd.s32 s4, s19  }
0x9c: {  	s7 =	simm.s32 $0x0;
	s20 =	sshll.u32 s5, $0x1;
	s5 =	sadd.s32 s21, s3  }
0x9d: {  	[timem:s7], [sflag:s22] =	dma.local [hbm:s5], s20  }
0x9e: {  	_ =	swait.ge [sflag:s22], s20  }
0x9f: {  	s4 =	ssub.s32 $0x0, s20;
	[sflag:s22] =	ssyncset.done $0x0  }
0xa0: {  	[sflag:s22] =	ssyncadd.s32 s4;
	_ =	sdelay $0x1  }
0xa1: {  	s23 =	simm.s32 $0x1B8B  }
0xa2: {  	_ =	swait.ge [sflag:s23], $0x1  }
0xa3: {  	[sflag:s23] =	ssyncset.done $0x0  }
0xa4: {  	s25 =	simm.s32 $0x1B8E;
	s24 =	sld [smem:$0x3FFE];
	[sflag:s23] =	ssyncadd.s32 $0xFFFFFFFF  }
0xa5: {  	s26 =	simm.s32 $execute0_lowered;
	[smem:$0x3FD2] =	sst s25  }
0xa6: {  	s5 =	sshll.u32 s26, $0x1;
	_ =	strace $0x8000004C;
	[dreg:$0x1] =	wrdreg $0xFFFFFFFF  }
0xa7: {  	s28 =	simm.s32 $_size_execute0_lowered;
	s3 =	sadd.s32 s3, s5;
	[dreg:$0x0] =	wrdreg $0x0  }
0xa8: {  	s5 =	sshll.u32 s28, $0x1;
	[dreg:$0x2] =	wrdreg s3  }
0xa9: {  	[dreg:$0x3] =	wrdreg s5  }
0xaa: {  	[dreg:$0x4] =	wrdreg $0xC0  }
0xab: {  	_ =	task [dreg:s7], $0x5FFFF  }
0xac: {  	[dreg:$0x1] =	wrdreg $0xFFFFFFFF  }
0xad: {  	[dreg:$0x0] =	wrdreg $0x60  }
0xae: {  	[dreg:$0x2] =	wrdreg s2  }
0xaf: {  	[dreg:$0x3] =	wrdreg s24  }
0xb0: {  	[dreg:$0x4] =	wrdreg $0x9  }
0xb1: {  	_ =	task.clear_ibuf [dreg:s7], $0x5FFFF;
	_ =	strace $0x9000004C  }
0xb2: {  	s29 =	simm.s32 $0x9;
	_ =	strace $0x8000004E  }
0xb3: {  	_ =	swait.ge [sflag:s29], $0x1  }
0xb4: {  	[sflag:s29] =	ssyncadd.s32 $0xFFFFFFFF  }
0xb5: {  	_ =	strace $0x9000004E  }
0xb6: {  	_ =	sfence  }
0xb7: {  	s30 =	sld [smem:$0x0];
	_ =	sdelay $0x2  }
0xb8: {  	s31 =	sshll.u32 s1, $0xD;
	s1 =	sshrl.u32 s1, $0x2  }
0xb9: {  	s3 =	sand.u32 $0x4000, s31;
	s1 =	sadd.s32 s1, s30  }
0xba: {  	s0 =	sor.u32 s3, s0;
	s1 =	sshll.u32 s1, $0x11  }
0xbb: {  	s0 =	sor.u32 s1, s0  }
0xbc: {  	s0 =	sadd.s32 $0x8F2B, s0  }
0xbd: {  	[sflag:s0] =	ssyncadd.remote.s32 $0x1  }
0xbe: {  	_ =	sfence.sel $0xFFFF  }
0xbf: {  	[dreg:$0x0] =	wrdreg $0xFFFFFFFF;
	(pc) =	sbr.abs _section_cstart, $3  }
0xc0: {  	[dreg:$0x1] =	wrdreg $0xFFFFFFFF  }
0xc1: {  	_ =	task.clear_ibuf [dreg:s7], $0x2FFFF;
	_ =	strace $0x9FFFFFFF  }
0xc2: {  	(tm) =	ssettm $0x7FFFFFFF  }
0xc3: {  	_ =	shalt  }
tec
execute0_lowered:
.L_overlay_start_1:
0x0: {  	(tag) =	ssettag $0x1  }
0x1: {  	v0 =	vlaneseq.u32;
	vm0 =	vcmask $0x300;
	vm1 =	vcmask $0x704  }
0x2: {  	vm2 =	vcmask $0xB08;
	vm3 =	vcmask $0xF0C;
	vm4 =	vcmask $0x1310  }
0x3: {  	vm5 =	vcmask $0x1714;
	vm6 =	vcmask $0x1B18;
	vm7 =	vcmask $0x1F1C  }
0x4: {  	vm8 =	vcmask $0x2320;
	vm9 =	vcmask $0x2724;
	vm10 =	vcmask $0x2B28  }
0x5: {  	vm11 =	vcmask $0x2F2C;
	v38 =	vimm.s32 $0x30201000;
	v1 =	vimm.s32 $0x70605040  }
0x6: {  	v2 =	vimm.s32 $0x31211101;
	vm13 =	vcmask $0xF00;
	vm12 =	vcmask $0x3330  }
0x7: {  	vm14 =	vcmask $0x1F10;
	v39 =	vimm.s32 $0x32221202;
	v3 =	vimm.s32 $0x71615141  }
0x8: {  	v4 =	vimm.s32 $0x33231303;
	v5 =	vimm.s32 $0x72625242;
	v6 =	vimm.s32 $0x73635343  }
0x9: {  	v7 =	vimm.s32 $0x34241404;
	v8 =	vimm.s32 $0x35251505;
	v9 =	vimm.s32 $0x36261606  }
0xa: {  	v10 =	vimm.s32 $0x37271707;
	v11 =	vimm.s32 $0x38281808;
	v12 =	vimm.s32 $0x39291909  }
0xb: {  	v40 =	vimm.s32 $0x3A2A1A0A;
	v14 =	vimm.s32 $0x3B2B1B0B;
	v15 =	vimm.s32 $0x3C2C1C0C  }
0xc: {  	v16 =	vimm.s32 $0x3D2D1D0D;
	v42 =	vimm.s32 $0xB0A09080;
	v43 =	vimm.s32 $0x3E2E1E0E  }
0xd: {  	v19 =	vimm.s32 $0x3F2F1F0F;
	v20 =	vimm.s32 $0xB1A19181;
	v21 =	vimm.s32 $0xB2A29282  }
0xe: {  	v22 =	vimm.s32 $0xB3A39383;
	v47 =	vimm.s32 $0xB4A49484;
	v24 =	vimm.s32 $0xB5A59585  }
0xf: {  	v25 =	vimm.s32 $0xB6A69686;
	v51 =	vimm.s32 $0xB7A79787;
	v27 =	vimm.s32 $0xB8A89888  }
0x10: {  	v28 =	vimm.s32 $0xB9A99989;
	v55 =	vimm.s32 $0xBAAA9A8A;
	v30 =	vimm.s32 $0xBBAB9B8B  }
0x11: {  	v31 =	vimm.s32 $0xBCAC9C8C;
	v59 =	vimm.s32 $0xBDAD9D8D;
	v60 =	vimm.s32 $0xBEAE9E8E  }
0x12: {  	v34 =	vimm.s32 $0xBFAF9F8F;
	v35 =	vimm.s32 $0x79695949;
	v0 =	vand.u32 $0x7, v0  }
0x13: {  	v1 =	vunpack.c.0.s8.s32 v1;
	v2 =	vunpack.c.0.s8.s32 v2;
	v3 =	vunpack.c.0.s8.s32 v3  }
0x14: {  	v4 =	vunpack.c.0.s8.s32 v4;
	v5 =	vunpack.c.0.s8.s32 v5;
	v6 =	vunpack.c.0.s8.s32 v6  }
0x15: {  	v7 =	vunpack.c.0.s8.s32 v7;
	v8 =	vunpack.c.0.s8.s32 v8;
	v9 =	vunpack.c.0.s8.s32 v9  }
0x16: {  	v10 =	vunpack.c.0.s8.s32 v10;
	v11 =	vunpack.c.0.s8.s32 v11;
	v12 =	vunpack.c.0.s8.s32 v12  }
0x17: {  	v14 =	vunpack.c.0.s8.s32 v14;
	v15 =	vunpack.c.0.s8.s32 v15;
	v41 =	vunpack.c.0.s8.s32 v16  }
0x18: {  	v16 =	vunpack.c.0.s8.s32 v42;
	v19 =	vunpack.c.0.s8.s32 v19;
	v20 =	vunpack.c.0.s8.s32 v20  }
0x19: {  	v21 =	vunpack.c.0.s8.s32 v21;
	v22 =	vunpack.c.0.s8.s32 v22;
	v24 =	vunpack.c.0.s8.s32 v24  }
0x1a: {  	v25 =	vunpack.c.0.s8.s32 v25;
	v27 =	vunpack.c.0.s8.s32 v27;
	v28 =	vunpack.c.0.s8.s32 v28  }
0x1b: {  	v30 =	vunpack.c.0.s8.s32 v30;
	v31 =	vunpack.c.0.s8.s32 v31;
	v34 =	vunpack.c.0.s8.s32 v34  }
0x1c: {  	v0 =	vmul.u32 $0x8, v0;
	v4 =	vnsel vm13, $0x173, v4;
	v7 =	vnsel vm13, $0x174, v7  }
0x1d: {  	v8 =	vnsel vm13, $0x175, v8;
	v9 =	vnsel vm13, $0x176, v9;
	v10 =	vnsel vm13, $0x177, v10  }
0x1e: {  	v13 =	vnsel vm13, $0x178, v11;
	v12 =	vnsel vm13, $0x179, v12;
	v11 =	vunpack.c.0.s8.s32 v40  }
0x1f: {  	v14 =	vnsel vm13, $0x17B, v14;
	v15 =	vnsel vm13, $0x17C, v15;
	v18 =	vnsel vm13, $0x17D, v41  }
0x20: {  	v16 =	vand.u32 $0xFF, v16;
	v19 =	vnsel vm13, $0x17F, v19;
	v44 =	vand.u32 $0xFF, v20  }
0x21: {  	v45 =	vand.u32 $0xFF, v21;
	v46 =	vand.u32 $0xFF, v22;
	v22 =	vunpack.c.0.s8.s32 v47  }
0x22: {  	v49 =	vand.u32 $0xFF, v24;
	v50 =	vand.u32 $0xFF, v25;
	v25 =	vunpack.c.0.s8.s32 v51  }
0x23: {  	v53 =	vand.u32 $0xFF, v27;
	v54 =	vand.u32 $0xFF, v28;
	v28 =	vunpack.c.0.s8.s32 v55  }
0x24: {  	v57 =	vand.u32 $0xFF, v30;
	v58 =	vand.u32 $0xFF, v31;
	v30 =	vunpack.c.0.s8.s32 v59  }
0x25: {  	v31 =	vunpack.c.0.s8.s32 v60;
	v63 =	vand.u32 $0xFF, v34;
	v27 =	vimm.s32 $0x77675747  }
0x26: {  	v51 =	vimm.s32 $0x7A6A5A4A;
	v59 =	vimm.s32 $0x7F6F5F4F;
	v47 =	vimm.s32 $0xF6E6D6C6  }
0x27: {  	[tilespmem:$0x1FA60] =	vst v0;
	v0 =	vunpack.c.0.s8.s32 v38;
	v16 =	vnsel vm13, $0x1F0, v16;
	v26 =	vnsel vm13, $0x1F1, v44  }
0x28: {  	v20 =	vnsel vm13, $0x1F2, v45;
	v21 =	vnsel vm13, $0x1F3, v46;
	v24 =	vnsel vm13, $0x1F6, v50  }
0x29: {  	v33 =	vnsel vm13, $0x1F9, v54;
	v37 =	vnsel vm13, $0x1FB, v57;
	v44 =	vsel vm14, v6, v4  }
0x2a: {  	v6 =	vimm.s32 $0x75655545;
	v54 =	vimm.s32 $0x7D6D5D4D;
	v4 =	vunpack.c.0.s8.s32 v59  }
0x2b: {  	v17 =	vnsel vm13, $0x17A, v11;
	v11 =	vunpack.c.0.s8.s32 v43;
	v48 =	vand.u32 $0xFF, v22  }
0x2c: {  	v22 =	vnsel vm13, $0x1F5, v49;
	v52 =	vand.u32 $0xFF, v25;
	v25 =	vnsel vm13, $0x1F8, v53  }
0x2d: {  	v56 =	vand.u32 $0xFF, v28;
	v28 =	vnsel vm13, $0x1FC, v58;
	v61 =	vand.u32 $0xFF, v30  }
0x2e: {  	v62 =	vand.u32 $0xFF, v31;
	v30 =	vnsel vm13, $0x1FF, v63;
	v31 =	vimm.s32 $0x78685848  }
0x2f: {  	v43 =	vunpack.c.0.s8.s32 v35;
	v53 =	vimm.s32 $0x7C6C5C4C;
	v55 =	vunpack.c.0.s8.s32 v54  }
0x30: {  	v58 =	vimm.s32 $0x7E6E5E4E;
	v63 =	vimm.s32 $0xF3E3D3C3;
	v0 =	vnsel vm13, $0x170, v0  }
0x31: {  	v29 =	vnsel vm13, $0x1F4, v48;
	v32 =	vnsel vm13, $0x1F7, v52;
	v36 =	vnsel vm13, $0x1FA, v56  }
0x32: {  	v34 =	vnsel vm13, $0x1FD, v61;
	v38 =	vnsel vm13, $0x1FE, v62;
	v52 =	vimm.s32 $0x7B6B5B4B  }
0x33: {  	v56 =	vimm.s32 $0xF0E0D0C0;
	v61 =	vimm.s32 $0xF1E1D1C1;
	v62 =	vimm.s32 $0xF2E2D2C2  }
0x34: {  	v0 =	vsel vm14, v1, v0;
	v1 =	vnsel vm13, $0x171, v2;
	v2 =	vunpack.c.0.s8.s32 v39  }
0x35: {  	v23 =	vnsel vm13, $0x17E, v11;
	v11 =	vimm.s32 $0x76665646;
	v39 =	vunpack.c.0.s8.s32 v31  }
0x36: {  	v57 =	vunpack.c.0.s8.s32 v56;
	v56 =	vimm.s32 $0xF8E8D8C8;
	v40 =	vsel vm8, $0x100, v0  }
0x37: {  	v41 =	vsel vm14, v3, v1;
	v1 =	vunpack.c.0.s8.s32 v6;
	v3 =	vunpack.c.0.s8.s32 v27  }
0x38: {  	v6 =	vsel vm14, v43, v12;
	v12 =	vunpack.c.0.s8.s32 v63;
	v43 =	vimm.s32 $0xF5E5D5C5  }
0x39: {  	v2 =	vnsel vm13, $0x172, v2;
	vm13 =	vcmask $0x3734;
	v60 =	vand.u32 $0xFF, v57  }
0x3a: {  	v57 =	vimm.s32 $0xF9E9D9C9;
	v6 =	vsel vm8, $0x109, v6;
	v42 =	vsel vm14, v5, v2  }
0x3b: {  	v5 =	vimm.s32 $0x74645444;
	v2 =	vunpack.c.0.s8.s32 v11;
	v46 =	vsel vm14, v1, v8  }
0x3c: {  	v11 =	vsel vm14, v3, v10;
	v10 =	vsel vm14, v39, v13;
	v1 =	vunpack.c.0.s8.s32 v52  }
0x3d: {  	v59 =	vsel vm14, v60, v16;
	v35 =	vand.u32 $0xFF, v12;
	v39 =	vimm.s32 $0xF4E4D4C4  }
0x3e: {  	v13 =	vunpack.c.0.s8.s32 v43;
	v16 =	vimm.s32 $0xFBEBDBCB;
	v6 =	vsel vm9, $0x119, v6  }
0x3f: {  	v52 =	vimm.s32 $0xFF4;
	v0 =	vunpack.c.0.s8.s32 v5;
	v12 =	vunpack.c.0.s8.s32 v39  }
0x40: {  	v11 =	vsel vm8, $0x107, v11;
	v10 =	vsel vm8, $0x108, v10;
	v6 =	vsel vm10, $0x129, v6  }
0x41: {  	v48 =	vsel vm14, v2, v9;
	v2 =	vunpack.c.0.s8.s32 v53;
	v9 =	vsel vm14, v1, v14  }
0x42: {  	v1 =	vsel vm14, v4, v19;
	v14 =	vunpack.c.0.s8.s32 v47;
	v47 =	vsel vm14, v35, v21  }
0x43: {  	v50 =	vand.u32 $0xFF, v13;
	v13 =	vunpack.c.0.s8.s32 v56;
	v11 =	vsel vm9, $0x117, v11  }
0x44: {  	v10 =	vsel vm9, $0x118, v10;
	v6 =	vsel vm11, $0x139, v6;
	v45 =	vsel vm14, v0, v7  }
0x45: {  	v0 =	vunpack.c.0.s8.s32 v51;
	v49 =	vand.u32 $0xFF, v12;
	v39 =	vsel vm14, v50, v22  }
0x46: {  	v22 =	vimm.s32 $0xFDEDDDCD;
	v54 =	vsel vm8, $0x106, v48;
	v11 =	vsel vm10, $0x127, v11  }
0x47: {  	v10 =	vsel vm10, $0x128, v10;
	v9 =	vsel vm8, $0x10B, v9;
	v6 =	vsel vm12, $0x149, v6  }
0x48: {  	v1 =	vsel vm8, $0x10F, v1;
	v3 =	vsel vm14, v2, v15;
	v2 =	vsel vm14, v55, v18  }
0x49: {  	v18 =	vunpack.c.0.s8.s32 v62;
	v51 =	vand.u32 $0xFF, v14;
	v55 =	vimm.s32 $0xF7E7D7C7  }
0x4a: {  	v14 =	vunpack.c.0.s8.s32 v57;
	v60 =	vand.u32 $0xFF, v13;
	v62 =	vimm.s32 $0xFAEADACA  }
0x4b: {  	v13 =	vunpack.c.0.s8.s32 v16;
	v57 =	vsel vm9, $0x116, v54;
	v11 =	vsel vm11, $0x137, v11  }
0x4c: {  	v10 =	vsel vm11, $0x138, v10;
	v9 =	vsel vm9, $0x11B, v9;
	v6 =	vsel vm13, $0x159, v6  }
0x4d: {  	v1 =	vsel vm9, $0x11F, v1;
	v7 =	vsel vm14, v0, v17;
	v0 =	vunpack.c.0.s8.s32 v58  }
0x4e: {  	v17 =	vunpack.c.0.s8.s32 v61;
	v12 =	vunpack.c.0.s8.s32 v55;
	v55 =	vsel vm14, v49, v29  }
0x4f: {  	v35 =	vsel vm14, v51, v24;
	v24 =	vimm.s32 $0xFFEFDFCF;
	v11 =	vsel vm12, $0x147, v11  }
0x50: {  	v10 =	vsel vm12, $0x148, v10;
	v9 =	vsel vm10, $0x12B, v9;
	v3 =	vsel vm8, $0x10C, v3  }
0x51: {  	v2 =	vsel vm8, $0x10D, v2;
	v1 =	vsel vm10, $0x12F, v1;
	v31 =	vand.u32 $0xFF, v18  }
0x52: {  	v61 =	vand.u32 $0xFF, v14;
	v19 =	vand.u32 $0xFF, v13;
	v11 =	vsel vm13, $0x157, v11  }
0x53: {  	v10 =	vsel vm13, $0x158, v10;
	v7 =	vsel vm8, $0x10A, v7;
	v9 =	vsel vm11, $0x13B, v9  }
0x54: {  	v3 =	vsel vm9, $0x11C, v3;
	v2 =	vsel vm9, $0x11D, v2;
	v1 =	vsel vm11, $0x13F, v1  }
0x55: {  	v5 =	vsel vm14, v0, v23;
	v27 =	vand.u32 $0xFF, v17;
	v58 =	vand.u32 $0xFF, v12  }
0x56: {  	v17 =	vimm.s32 $0xFCECDCCC;
	v12 =	vunpack.c.0.s8.s32 v62;
	v21 =	vsel vm14, v61, v33  }
0x57: {  	v23 =	vimm.s32 $0xFEEEDECE;
	v33 =	vsel vm8, $0x101, v41;
	v7 =	vsel vm9, $0x11A, v7  }
0x58: {  	v9 =	vsel vm12, $0x14B, v9;
	v3 =	vsel vm10, $0x12C, v3;
	v2 =	vsel vm10, $0x12D, v2  }
0x59: {  	v1 =	vsel vm12, $0x14F, v1;
	v63 =	vsel vm14, v27, v26;
	v26 =	vsel vm14, v31, v20  }
0x5a: {  	v14 =	vunpack.c.0.s8.s32 v17;
	v43 =	vsel vm14, v58, v32;
	v27 =	vsel vm14, v60, v25  }
0x5b: {  	v25 =	vunpack.c.0.s8.s32 v22;
	v13 =	vunpack.c.0.s8.s32 v23;
	v32 =	vsel vm9, $0x110, v40  }
0x5c: {  	v40 =	vsel vm8, $0x103, v44;
	v44 =	vsel vm8, $0x105, v46;
	v7 =	vsel vm10, $0x12A, v7  }
0x5d: {  	v5 =	vsel vm8, $0x10E, v5;
	v3 =	vsel vm11, $0x13C, v3;
	v2 =	vsel vm11, $0x13D, v2  }
0x5e: {  	v1 =	vsel vm13, $0x15F, v1;
	v18 =	vand.u32 $0xFF, v12;
	v12 =	vsel vm14, v19, v37  }
0x5f: {  	v41 =	vsel vm9, $0x113, v40;
	v7 =	vsel vm11, $0x13A, v7;
	v5 =	vsel vm9, $0x11E, v5  }
0x60: {  	v3 =	vsel vm12, $0x14C, v3;
	v2 =	vsel vm12, $0x14D, v2;
	v20 =	vand.u32 $0xFF, v14  }
0x61: {  	v14 =	vunpack.c.0.s8.s32 v24;
	v31 =	vsel vm14, v18, v36;
	v29 =	vand.u32 $0xFF, v25  }
0x62: {  	v13 =	vand.u32 $0xFF, v13;
	v7 =	vsel vm12, $0x14A, v7;
	v5 =	vsel vm10, $0x12E, v5  }
0x63: {  	v3 =	vsel vm13, $0x15C, v3;
	v2 =	vsel vm13, $0x15D, v2;
	v18 =	vimm.s32 $0xFF1  }
0x64: {  	v25 =	vimm.s32 $0x371;
	v4 =	vsel vm14, v20, v28;
	v8 =	vsel vm14, v29, v34  }
0x65: {  	v0 =	vsel vm14, v13, v38;
	v13 =	vsel vm10, $0x120, v32;
	v34 =	vsel vm8, $0x102, v42  }
0x66: {  	v42 =	vsel vm8, $0x104, v45;
	v61 =	vsel vm13, $0x15A, v7;
	v5 =	vsel vm11, $0x13E, v5  }
0x67: {  	v28 =	vimm.s32 $0xFF2;
	v7 =	vimm.s32 $0x375;
	v14 =	vand.u32 $0xFF, v14  }
0x68: {  	v13 =	vsel vm11, $0x130, v13;
	v15 =	vsel vm9, $0x112, v34;
	v4 =	vsel vm8, $0x18C, v4  }
0x69: {  	v8 =	vsel vm8, $0x18D, v8;
	v0 =	vsel vm8, $0x18E, v0;
	v19 =	vsel vm14, v14, v30  }
0x6a: {  	vm14 =	vcmask $0x3B38;
	v14 =	vsel vm9, $0x111, v33;
	v13 =	vsel vm12, $0x140, v13  }
0x6b: {  	v15 =	vsel vm10, $0x122, v15;
	v33 =	vimm.s32 $0x372;
	v4 =	vsel vm9, $0x19C, v4  }
0x6c: {  	v8 =	vsel vm9, $0x19D, v8;
	v0 =	vsel vm9, $0x19E, v0;
	v14 =	vsel vm10, $0x121, v14  }
0x6d: {  	v13 =	vsel vm13, $0x150, v13;
	v15 =	vsel vm11, $0x132, v15;
	v24 =	vsel vm14, $0x167, v11  }
0x6e: {  	v10 =	vsel vm14, $0x168, v10;
	v6 =	vsel vm14, $0x169, v6;
	v32 =	vsel vm14, $0x16C, v3  }
0x6f: {  	v11 =	vsel vm12, $0x14E, v5;
	v2 =	vsel vm14, $0x16D, v2;
	v1 =	vsel vm14, $0x16F, v1  }
0x70: {  	v4 =	vsel vm10, $0x1AC, v4;
	v8 =	vsel vm10, $0x1AD, v8;
	v0 =	vsel vm10, $0x1AE, v0  }
0x71: {  	v14 =	vsel vm11, $0x131, v14;
	v13 =	vsel vm14, $0x160, v13;
	v37 =	vsel vm12, $0x142, v15  }
0x72: {  	v15 =	vsel vm9, $0x115, v44;
	[tilespmem:$0x1F5A0] =	vst v10;
	v10 =	vsel vm13, $0x15B, v9;
	v44 =	vimm.s32 $0xFF3  }
0x73: {  	v4 =	vsel vm11, $0x1BC, v4;
	v8 =	vsel vm11, $0x1BD, v8;
	v0 =	vsel vm11, $0x1BE, v0  }
0x74: {  	v14 =	vsel vm12, $0x141, v14;
	v38 =	vsel vm13, $0x152, v37;
	v15 =	vsel vm10, $0x125, v15  }
0x75: {  	v4 =	vsel vm12, $0x1CC, v4;
	v8 =	vsel vm12, $0x1CD, v8;
	v0 =	vsel vm12, $0x1CE, v0  }
0x76: {  	[tilespmem:$0x1F580] =	vst v13;
	v36 =	vsel vm13, $0x151, v14;
	v13 =	vsel vm14, $0x162, v38;
	v14 =	vsel vm9, $0x114, v42  }
0x77: {  	v15 =	vsel vm11, $0x135, v15;
	v4 =	vsel vm13, $0x1DC, v4;
	v0 =	vsel vm13, $0x1DE, v0  }
0x78: {  	v60 =	vsel vm14, $0x161, v36;
	[tilespmem:$0x1F590] =	vst v13;
	v13 =	vsel vm10, $0x123, v41;
	v14 =	vsel vm10, $0x124, v14  }
0x79: {  	v46 =	vsel vm12, $0x145, v15;
	v41 =	vsel vm14, $0x16A, v61;
	v15 =	vimm.s32 $0x370  }
0x7a: {  	v61 =	vimm.s32 $0xFF5;
	v13 =	vsel vm11, $0x133, v13;
	v14 =	vsel vm11, $0x134, v14  }
0x7b: {  	v53 =	vsel vm13, $0x155, v46;
	v46 =	vsel vm14, $0x16B, v10;
	v3 =	vsel vm0, $0x200, v15  }
0x7c: {  	v13 =	vsel vm12, $0x143, v13;
	v14 =	vsel vm12, $0x144, v14;
	v58 =	vsel vm14, $0x165, v53  }
0x7d: {  	v3 =	vsel vm1, $0x210, v3;
	v13 =	vsel vm13, $0x153, v13;
	v45 =	vsel vm13, $0x154, v14  }
0x7e: {  	v3 =	vsel vm2, $0x220, v3;
	v62 =	vsel vm14, $0x163, v13;
	v13 =	vsel vm10, $0x126, v57  }
0x7f: {  	v17 =	vsel vm3, $0x230, v3;
	v3 =	vsel vm0, $0x801, v18;
	v13 =	vsel vm11, $0x136, v13  }
0x80: {  	v14 =	vimm.s32 $0xFF0;
	v3 =	vsel vm1, $0x891, v3;
	v13 =	vsel vm12, $0x146, v13  }
0x81: {  	v51 =	vsel vm14, $0x164, v45;
	v3 =	vsel vm2, $0x921, v3;
	v13 =	vsel vm13, $0x156, v13  }
0x82: {  	v3 =	vsel vm3, $0x9B1, v3;
	v36 =	vsel vm14, $0x166, v13;
	v13 =	vsel vm13, $0x15E, v11  }
0x83: {  	[tilespmem:$0x1F5C0] =	vst v2;
	v45 =	vimm.s32 $0x373;
	v3 =	vsel vm4, $0xA41, v3;
	v2 =	vsel vm14, $0x16E, v13  }
0x84: {  	v57 =	vimm.s32 $0x374;
	v3 =	vsel vm5, $0xAD1, v3;
	[tilespmem:$0x1F5D0] =	vst v2;
	v2 =	vsel vm0, $0x800, v14  }
0x85: {  	v13 =	vimm.s32 $0xFF6;
	v3 =	vsel vm6, $0xB61, v3;
	v2 =	vsel vm1, $0x890, v2  }
0x86: {  	v14 =	vimm.s32 $0x376;
	v3 =	vsel vm7, $0xBF1, v3;
	v2 =	vsel vm2, $0x920, v2  }
0x87: {  	v22 =	vsel vm8, $0xC01, v3;
	v3 =	vsel vm0, $0x802, v28;
	v2 =	vsel vm3, $0x9B0, v2  }
0x88: {  	v23 =	vsel vm9, $0xC91, v22;
	v3 =	vsel vm1, $0x892, v3;
	v16 =	vsel vm4, $0xA40, v2  }
0x89: {  	v2 =	vsel vm4, $0x240, v17;
	v3 =	vsel vm2, $0x922, v3;
	v17 =	vimm.s32 $0xFF7  }
0x8a: {  	[tilespmem:$0x1F5E0] =	vst v1;
	v1 =	vsel vm5, $0xAD0, v16;
	v2 =	vsel vm5, $0x250, v2;
	v30 =	vsel vm3, $0x9B2, v3  }
0x8b: {  	v3 =	vsel vm0, $0x202, v33;
	v33 =	vimm.s32 $0x378;
	v1 =	vsel vm6, $0xB60, v1  }
0x8c: {  	v2 =	vsel vm6, $0x260, v2;
	v3 =	vsel vm1, $0x212, v3;
	v1 =	vsel vm7, $0xBF0, v1  }
0x8d: {  	v2 =	vsel vm7, $0x270, v2;
	v3 =	vsel vm2, $0x222, v3;
	v1 =	vsel vm8, $0xC00, v1  }
0x8e: {  	v2 =	vsel vm8, $0x300, v2;
	v3 =	vsel vm3, $0x232, v3;
	v1 =	vsel vm9, $0xC90, v1  }
0x8f: {  	v2 =	vsel vm9, $0x310, v2;
	v3 =	vsel vm4, $0x242, v3;
	v1 =	vsel vm10, $0xD20, v1  }
0x90: {  	v2 =	vsel vm10, $0x320, v2;
	v3 =	vsel vm5, $0x252, v3;
	v1 =	vsel vm11, $0xDB0, v1  }
0x91: {  	v2 =	vsel vm11, $0x330, v2;
	v3 =	vsel vm6, $0x262, v3;
	v1 =	vsel vm12, $0xE40, v1  }
0x92: {  	v2 =	vsel vm12, $0x340, v2;
	v3 =	vsel vm7, $0x272, v3;
	v1 =	vsel vm13, $0xED0, v1  }
0x93: {  	v20 =	vsel vm13, $0x350, v2;
	v2 =	vsel vm0, $0x201, v25;
	v38 =	vsel vm8, $0x302, v3  }
0x94: {  	v3 =	vsel vm0, $0x203, v45;
	v25 =	vimm.s32 $0xFF8;
	v34 =	vsel vm14, $0xF60, v1  }
0x95: {  	v1 =	vsel vm14, $0x360, v20;
	v2 =	vsel vm1, $0x211, v2;
	v42 =	vsel vm9, $0x312, v38  }
0x96: {  	v3 =	vsel vm1, $0x213, v3;
	[tilespmem:$0x1F5F0] =	vst v1;
	v1 =	vsel vm10, $0xD21, v23;
	v2 =	vsel vm2, $0x221, v2  }
0x97: {  	v3 =	vsel vm2, $0x223, v3;
	v23 =	vimm.s32 $0x377;
	v1 =	vsel vm11, $0xDB1, v1  }
0x98: {  	v2 =	vsel vm3, $0x231, v2;
	v50 =	vsel vm3, $0x233, v3;
	v3 =	vsel vm0, $0x804, v52  }
0x99: {  	v1 =	vsel vm12, $0xE41, v1;
	v29 =	vsel vm4, $0x241, v2;
	v2 =	vsel vm4, $0xA42, v30  }
0x9a: {  	v3 =	vsel vm1, $0x894, v3;
	v1 =	vsel vm13, $0xED1, v1;
	v2 =	vsel vm5, $0xAD2, v2  }
0x9b: {  	v3 =	vsel vm2, $0x924, v3;
	v48 =	vsel vm14, $0xF61, v1;
	v1 =	vsel vm5, $0x251, v29  }
0x9c: {  	v2 =	vsel vm6, $0xB62, v2;
	v3 =	vsel vm3, $0x9B4, v3;
	v1 =	vsel vm6, $0x261, v1  }
0x9d: {  	v2 =	vsel vm7, $0xBF2, v2;
	v3 =	vsel vm4, $0xA44, v3;
	v1 =	vsel vm7, $0x271, v1  }
0x9e: {  	v2 =	vsel vm8, $0xC02, v2;
	v3 =	vsel vm5, $0xAD4, v3;
	v1 =	vsel vm8, $0x301, v1  }
0x9f: {  	v2 =	vsel vm9, $0xC92, v2;
	v3 =	vsel vm6, $0xB64, v3;
	v1 =	vsel vm9, $0x311, v1  }
0xa0: {  	v2 =	vsel vm10, $0xD22, v2;
	v3 =	vsel vm7, $0xBF4, v3;
	v1 =	vsel vm10, $0x321, v1  }
0xa1: {  	v2 =	vsel vm11, $0xDB2, v2;
	v54 =	vsel vm8, $0xC04, v3;
	v3 =	vsel vm0, $0x805, v61  }
0xa2: {  	v61 =	vimm.s32 $0xFFA;
	v1 =	vsel vm11, $0x331, v1;
	v2 =	vsel vm12, $0xE42, v2  }
0xa3: {  	v56 =	vsel vm9, $0xC94, v54;
	v3 =	vsel vm1, $0x895, v3;
	v1 =	vsel vm12, $0x341, v1  }
0xa4: {  	v37 =	vsel vm13, $0xED2, v2;
	v2 =	vsel vm0, $0x803, v44;
	v3 =	vsel vm2, $0x925, v3  }
0xa5: {  	v1 =	vsel vm13, $0x351, v1;
	v40 =	vsel vm14, $0xF62, v37;
	v2 =	vsel vm1, $0x893, v2  }
0xa6: {  	[tilespmem:$0x1F5B0] =	vst v6;
	v6 =	vsel vm3, $0x9B5, v3;
	v3 =	vsel vm0, $0x205, v7;
	v1 =	vsel vm14, $0x361, v1  }
0xa7: {  	v2 =	vsel vm2, $0x923, v2;
	v3 =	vsel vm1, $0x215, v3;
	[tilespmem:$0x1F600] =	vst v1;
	v1 =	vsel vm10, $0x322, v42  }
0xa8: {  	v2 =	vsel vm3, $0x9B3, v2;
	v3 =	vsel vm2, $0x225, v3;
	v1 =	vsel vm11, $0x332, v1  }
0xa9: {  	v49 =	vsel vm4, $0xA43, v2;
	v2 =	vsel vm4, $0x243, v50;
	v3 =	vsel vm3, $0x235, v3  }
0xaa: {  	v50 =	vimm.s32 $0x379;
	v1 =	vsel vm12, $0x342, v1;
	v2 =	vsel vm5, $0x253, v2  }
0xab: {  	v3 =	vsel vm4, $0x245, v3;
	v1 =	vsel vm13, $0x352, v1;
	v2 =	vsel vm6, $0x263, v2  }
0xac: {  	v3 =	vsel vm5, $0x255, v3;
	v1 =	vsel vm14, $0x362, v1;
	v2 =	vsel vm7, $0x273, v2  }
0xad: {  	v3 =	vsel vm6, $0x265, v3;
	[tilespmem:$0x1F610] =	vst v1;
	v1 =	vsel vm5, $0xAD3, v49;
	v2 =	vsel vm8, $0x303, v2  }
0xae: {  	v3 =	vsel vm7, $0x275, v3;
	v49 =	vimm.s32 $0xFF9;
	v1 =	vsel vm6, $0xB63, v1  }
0xaf: {  	v2 =	vsel vm9, $0x313, v2;
	v10 =	vsel vm8, $0x305, v3;
	v3 =	vsel vm0, $0x206, v14  }
0xb0: {  	v14 =	vimm.s32 $0xFFB;
	v1 =	vsel vm7, $0xBF3, v1;
	v2 =	vsel vm10, $0x323, v2  }
0xb1: {  	v11 =	vsel vm9, $0x315, v10;
	v3 =	vsel vm1, $0x216, v3;
	v10 =	vimm.s32 $0x37A  }
0xb2: {  	v1 =	vsel vm8, $0xC03, v1;
	v2 =	vsel vm11, $0x333, v2;
	v3 =	vsel vm2, $0x226, v3  }
0xb3: {  	v1 =	vsel vm9, $0xC93, v1;
	v2 =	vsel vm12, $0x343, v2;
	v16 =	vsel vm3, $0x236, v3  }
0xb4: {  	v3 =	vsel vm0, $0x807, v17;
	v1 =	vsel vm10, $0xD23, v1;
	v53 =	vsel vm13, $0x353, v2  }
0xb5: {  	v2 =	vsel vm0, $0x204, v57;
	v3 =	vsel vm1, $0x897, v3;
	v1 =	vsel vm11, $0xDB3, v1  }
0xb6: {  	v2 =	vsel vm1, $0x214, v2;
	v3 =	vsel vm2, $0x927, v3;
	v1 =	vsel vm12, $0xE43, v1  }
0xb7: {  	v2 =	vsel vm2, $0x224, v2;
	v3 =	vsel vm3, $0x9B7, v3;
	v1 =	vsel vm13, $0xED3, v1  }
0xb8: {  	v2 =	vsel vm3, $0x234, v2;
	v3 =	vsel vm4, $0xA47, v3;
	v52 =	vsel vm14, $0xF63, v1  }
0xb9: {  	v1 =	vsel vm14, $0x363, v53;
	v5 =	vsel vm4, $0x244, v2;
	v2 =	vsel vm4, $0xA45, v6  }
0xba: {  	v3 =	vsel vm5, $0xAD7, v3;
	[tilespmem:$0x1F620] =	vst v1;
	v1 =	vsel vm10, $0xD24, v56;
	v2 =	vsel vm5, $0xAD5, v2  }
0xbb: {  	v3 =	vsel vm6, $0xB67, v3;
	v1 =	vsel vm11, $0xDB4, v1;
	v2 =	vsel vm6, $0xB65, v2  }
0xbc: {  	v3 =	vsel vm7, $0xBF7, v3;
	v1 =	vsel vm12, $0xE44, v1;
	v2 =	vsel vm7, $0xBF5, v2  }
0xbd: {  	v20 =	vsel vm8, $0xC07, v3;
	v3 =	vsel vm0, $0x808, v25;
	v1 =	vsel vm13, $0xED4, v1  }
0xbe: {  	v2 =	vsel vm8, $0xC05, v2;
	v22 =	vsel vm9, $0xC97, v20;
	v3 =	vsel vm1, $0x898, v3  }
0xbf: {  	v30 =	vsel vm14, $0xF64, v1;
	v1 =	vsel vm5, $0x254, v5;
	v2 =	vsel vm9, $0xC95, v2  }
0xc0: {  	v3 =	vsel vm2, $0x928, v3;
	v1 =	vsel vm6, $0x264, v1;
	v2 =	vsel vm10, $0xD25, v2  }
0xc1: {  	v29 =	vsel vm3, $0x9B8, v3;
	v3 =	vsel vm0, $0x208, v33;
	v1 =	vsel vm7, $0x274, v1  }
0xc2: {  	v2 =	vsel vm11, $0xDB5, v2;
	v3 =	vsel vm1, $0x218, v3;
	v1 =	vsel vm8, $0x304, v1  }
0xc3: {  	v2 =	vsel vm12, $0xE45, v2;
	v3 =	vsel vm2, $0x228, v3;
	v1 =	vsel vm9, $0x314, v1  }
0xc4: {  	v9 =	vsel vm13, $0xED5, v2;
	v2 =	vsel vm0, $0x806, v13;
	v3 =	vsel vm3, $0x238, v3  }
0xc5: {  	v1 =	vsel vm10, $0x324, v1;
	v42 =	vsel vm14, $0xF65, v9;
	v2 =	vsel vm1, $0x896, v2  }
0xc6: {  	v3 =	vsel vm4, $0x248, v3;
	v1 =	vsel vm11, $0x334, v1;
	v2 =	vsel vm2, $0x926, v2  }
0xc7: {  	v3 =	vsel vm5, $0x258, v3;
	v1 =	vsel vm12, $0x344, v1;
	v2 =	vsel vm3, $0x9B6, v2  }
0xc8: {  	v3 =	vsel vm6, $0x268, v3;
	v1 =	vsel vm13, $0x354, v1;
	v15 =	vsel vm4, $0xA46, v2  }
0xc9: {  	v2 =	vsel vm4, $0x246, v16;
	v3 =	vsel vm7, $0x278, v3;
	v44 =	vsel vm14, $0x364, v1  }
0xca: {  	v1 =	vsel vm10, $0x325, v11;
	v2 =	vsel vm5, $0x256, v2;
	v38 =	vsel vm8, $0x308, v3  }
0xcb: {  	v3 =	vsel vm0, $0x209, v50;
	v1 =	vsel vm11, $0x335, v1;
	v2 =	vsel vm6, $0x266, v2  }
0xcc: {  	v45 =	vsel vm9, $0x318, v38;
	v3 =	vsel vm1, $0x219, v3;
	v38 =	vimm.s32 $0xFFD  }
0xcd: {  	v1 =	vsel vm12, $0x345, v1;
	v2 =	vsel vm7, $0x276, v2;
	v3 =	vsel vm2, $0x229, v3  }
0xce: {  	v1 =	vsel vm13, $0x355, v1;
	v2 =	vsel vm8, $0x306, v2;
	v57 =	vsel vm3, $0x239, v3  }
0xcf: {  	v3 =	vsel vm0, $0x80A, v61;
	v61 =	vimm.s32 $0xFFE;
	v1 =	vsel vm14, $0x365, v1  }
0xd0: {  	v2 =	vsel vm9, $0x316, v2;
	v3 =	vsel vm1, $0x89A, v3;
	[tilespmem:$0x1F630] =	vst v1;
	v1 =	vsel vm5, $0xAD6, v15  }
0xd1: {  	v2 =	vsel vm10, $0x326, v2;
	v3 =	vsel vm2, $0x92A, v3;
	v1 =	vsel vm6, $0xB66, v1  }
0xd2: {  	v2 =	vsel vm11, $0x336, v2;
	v3 =	vsel vm3, $0x9BA, v3;
	v1 =	vsel vm7, $0xBF6, v1  }
0xd3: {  	v2 =	vsel vm12, $0x346, v2;
	v3 =	vsel vm4, $0xA4A, v3;
	v1 =	vsel vm8, $0xC06, v1  }
0xd4: {  	v18 =	vsel vm13, $0x356, v2;
	v2 =	vsel vm0, $0x207, v23;
	v3 =	vsel vm5, $0xADA, v3  }
0xd5: {  	v1 =	vsel vm9, $0xC96, v1;
	v2 =	vsel vm1, $0x217, v2;
	v3 =	vsel vm6, $0xB6A, v3  }
0xd6: {  	v1 =	vsel vm10, $0xD26, v1;
	v2 =	vsel vm2, $0x227, v2;
	v3 =	vsel vm7, $0xBFA, v3  }
0xd7: {  	v1 =	vsel vm11, $0xDB6, v1;
	v2 =	vsel vm3, $0x237, v2;
	v7 =	vsel vm8, $0xC0A, v3  }
0xd8: {  	v3 =	vsel vm0, $0x80B, v14;
	v1 =	vsel vm12, $0xE46, v1;
	v28 =	vsel vm4, $0x247, v2  }
0xd9: {  	v2 =	vsel vm4, $0xA48, v29;
	v9 =	vsel vm9, $0xC9A, v7;
	v3 =	vsel vm1, $0x89B, v3  }
0xda: {  	v29 =	vimm.s32 $0x37C;
	v1 =	vsel vm13, $0xED6, v1;
	v2 =	vsel vm5, $0xAD8, v2  }
0xdb: {  	v3 =	vsel vm2, $0x92B, v3;
	v54 =	vsel vm14, $0xF66, v1;
	v1 =	vsel vm14, $0x366, v18  }
0xdc: {  	v2 =	vsel vm6, $0xB68, v2;
	v16 =	vsel vm3, $0x9BB, v3;
	v18 =	vimm.s32 $0x37B  }
0xdd: {  	[tilespmem:$0x1F640] =	vst v1;
	v1 =	vsel vm10, $0xD27, v22;
	v2 =	vsel vm7, $0xBF8, v2;
	v3 =	vsel vm0, $0x20B, v18  }
0xde: {  	v18 =	vimm.s32 $0x37F;
	v1 =	vsel vm11, $0xDB7, v1;
	v2 =	vsel vm8, $0xC08, v2  }
0xdf: {  	v3 =	vsel vm1, $0x21B, v3;
	v1 =	vsel vm12, $0xE47, v1;
	v2 =	vsel vm9, $0xC98, v2  }
0xe0: {  	v3 =	vsel vm2, $0x22B, v3;
	v1 =	vsel vm13, $0xED7, v1;
	v2 =	vsel vm10, $0xD28, v2  }
0xe1: {  	v3 =	vsel vm3, $0x23B, v3;
	v56 =	vsel vm14, $0xF67, v1;
	v1 =	vsel vm5, $0x257, v28  }
0xe2: {  	v2 =	vsel vm11, $0xDB8, v2;
	v3 =	vsel vm4, $0x24B, v3;
	v28 =	vimm.s32 $0xFFC  }
0xe3: {  	v1 =	vsel vm6, $0x267, v1;
	v2 =	vsel vm12, $0xE48, v2;
	v3 =	vsel vm5, $0x25B, v3  }
0xe4: {  	v1 =	vsel vm7, $0x277, v1;
	v37 =	vsel vm13, $0xED8, v2;
	v2 =	vsel vm0, $0x809, v49  }
0xe5: {  	v3 =	vsel vm6, $0x26B, v3;
	v1 =	vsel vm8, $0x307, v1;
	v13 =	vsel vm14, $0xF68, v37  }
0xe6: {  	v2 =	vsel vm1, $0x899, v2;
	v3 =	vsel vm7, $0x27B, v3;
	v1 =	vsel vm9, $0x317, v1  }
0xe7: {  	v2 =	vsel vm2, $0x929, v2;
	v22 =	vsel vm8, $0x30B, v3;
	v3 =	vsel vm0, $0x20C, v29  }
0xe8: {  	v29 =	vimm.s32 $0x17F0;
	v1 =	vsel vm10, $0x327, v1;
	v2 =	vsel vm3, $0x9B9, v2  }
0xe9: {  	v23 =	vsel vm9, $0x31B, v22;
	v3 =	vsel vm1, $0x21C, v3;
	v1 =	vsel vm11, $0x337, v1  }
0xea: {  	v53 =	vsel vm4, $0xA49, v2;
	v2 =	vsel vm4, $0x249, v57;
	v3 =	vsel vm2, $0x22C, v3  }
0xeb: {  	v57 =	vimm.s32 $0x37D;
	v1 =	vsel vm12, $0x347, v1;
	v2 =	vsel vm5, $0x259, v2  }
0xec: {  	v37 =	vsel vm3, $0x23C, v3;
	v3 =	vsel vm0, $0x80D, v38;
	v1 =	vsel vm13, $0x357, v1  }
0xed: {  	v2 =	vsel vm6, $0x269, v2;
	v3 =	vsel vm1, $0x89D, v3;
	v1 =	vsel vm14, $0x367, v1  }
0xee: {  	v2 =	vsel vm7, $0x279, v2;
	v3 =	vsel vm2, $0x92D, v3;
	[tilespmem:$0x1F650] =	vst v1;
	v1 =	vsel vm10, $0x328, v45  }
0xef: {  	v2 =	vsel vm8, $0x309, v2;
	v3 =	vsel vm3, $0x9BD, v3;
	v1 =	vsel vm11, $0x338, v1  }
0xf0: {  	v2 =	vsel vm9, $0x319, v2;
	v3 =	vsel vm4, $0xA4D, v3;
	v1 =	vsel vm12, $0x348, v1  }
0xf1: {  	v2 =	vsel vm10, $0x329, v2;
	v3 =	vsel vm5, $0xADD, v3;
	v1 =	vsel vm13, $0x358, v1  }
0xf2: {  	v2 =	vsel vm11, $0x339, v2;
	v3 =	vsel vm6, $0xB6D, v3;
	v1 =	vsel vm14, $0x368, v1  }
0xf3: {  	v2 =	vsel vm12, $0x349, v2;
	v3 =	vsel vm7, $0xBFD, v3;
	[tilespmem:$0x1F660] =	vst v1;
	v1 =	vsel vm5, $0xAD9, v53  }
0xf4: {  	v6 =	vsel vm13, $0x359, v2;
	v2 =	vsel vm0, $0x20A, v10;
	v1 =	vsel vm6, $0xB69, v1  }
0xf5: {  	v49 =	vsel vm8, $0xC0D, v3;
	v2 =	vsel vm1, $0x21A, v2;
	v1 =	vsel vm7, $0xBF9, v1  }
0xf6: {  	v3 =	vsel vm0, $0x80E, v61;
	v2 =	vsel vm2, $0x22A, v2;
	v1 =	vsel vm8, $0xC09, v1  }
0xf7: {  	v53 =	vsel vm9, $0xC9D, v49;
	v2 =	vsel vm3, $0x23A, v2;
	v1 =	vsel vm9, $0xC99, v1  }
0xf8: {  	v15 =	vsel vm4, $0x24A, v2;
	v2 =	vsel vm4, $0xA4B, v16;
	v1 =	vsel vm10, $0xD29, v1  }
0xf9: {  	v3 =	vsel vm1, $0x89E, v3;
	v2 =	vsel vm5, $0xADB, v2;
	v1 =	vsel vm11, $0xDB9, v1  }
0xfa: {  	v3 =	vsel vm2, $0x92E, v3;
	v2 =	vsel vm6, $0xB6B, v2;
	v1 =	vsel vm12, $0xE49, v1  }
0xfb: {  	v7 =	vsel vm3, $0x9BE, v3;
	v2 =	vsel vm7, $0xBFB, v2;
	v1 =	vsel vm13, $0xED9, v1  }
0xfc: {  	v2 =	vsel vm8, $0xC0B, v2;
	v11 =	vsel vm14, $0xF69, v1;
	v1 =	vsel vm14, $0x369, v6  }
0xfd: {  	v16 =	vimm.s32 $0xFFF;
	v2 =	vsel vm9, $0xC9B, v2;
	[tilespmem:$0x1F670] =	vst v1;
	v1 =	vsel vm10, $0xD2A, v9  }
0xfe: {  	v2 =	vsel vm10, $0xD2B, v2;
	v9 =	vimm.s32 $0x37E;
	v1 =	vsel vm11, $0xDBA, v1  }
0xff: {  	v2 =	vsel vm11, $0xDBB, v2;
	v3 =	vsel vm0, $0x20E, v9;
	v1 =	vsel vm12, $0xE4A, v1  }
0x100: {  	v2 =	vsel vm12, $0xE4B, v2;
	v3 =	vsel vm1, $0x21E, v3;
	v1 =	vsel vm13, $0xEDA, v1  }
0x101: {  	v20 =	vsel vm13, $0xEDB, v2;
	v2 =	vsel vm0, $0x80C, v28;
	v3 =	vsel vm2, $0x22E, v3  }
0x102: {  	v17 =	vsel vm14, $0xF6A, v1;
	v1 =	vsel vm5, $0x25A, v15;
	v25 =	vsel vm14, $0xF6B, v20  }
0x103: {  	v2 =	vsel vm1, $0x89C, v2;
	v3 =	vsel vm3, $0x23E, v3;
	v1 =	vsel vm6, $0x26A, v1  }
0x104: {  	v2 =	vsel vm2, $0x92C, v2;
	v3 =	vsel vm4, $0x24E, v3;
	v1 =	vsel vm7, $0x27A, v1  }
0x105: {  	v2 =	vsel vm3, $0x9BC, v2;
	v3 =	vsel vm5, $0x25E, v3;
	v1 =	vsel vm8, $0x30A, v1  }
0x106: {  	v33 =	vsel vm4, $0xA4C, v2;
	v2 =	vsel vm4, $0x24C, v37;
	v3 =	vsel vm6, $0x26E, v3  }
0x107: {  	v1 =	vsel vm9, $0x31A, v1;
	v2 =	vsel vm5, $0x25C, v2;
	v3 =	vsel vm7, $0x27E, v3  }
0x108: {  	v1 =	vsel vm10, $0x32A, v1;
	v2 =	vsel vm6, $0x26C, v2;
	v14 =	vsel vm8, $0x30E, v3  }
0x109: {  	v3 =	vsel vm0, $0x20F, v18;
	v1 =	vsel vm11, $0x33A, v1;
	v2 =	vsel vm7, $0x27C, v2  }
0x10a: {  	v15 =	vsel vm9, $0x31E, v14;
	v3 =	vsel vm1, $0x21F, v3;
	v14 =	vimm.s32 $0x571  }
0x10b: {  	v1 =	vsel vm12, $0x34A, v1;
	v2 =	vsel vm8, $0x30C, v2;
	v3 =	vsel vm2, $0x22F, v3  }
0x10c: {  	v1 =	vsel vm13, $0x35A, v1;
	v2 =	vsel vm9, $0x31C, v2;
	v22 =	vsel vm3, $0x23F, v3  }
0x10d: {  	v3 =	vsel vm0, $0x1000, v29;
	v50 =	vsel vm14, $0x36A, v1;
	v1 =	vsel vm10, $0x32B, v23  }
0x10e: {  	v2 =	vsel vm10, $0x32C, v2;
	v3 =	vsel vm1, $0x1090, v3;
	v1 =	vsel vm11, $0x33B, v1  }
0x10f: {  	v2 =	vsel vm11, $0x33C, v2;
	v3 =	vsel vm2, $0x1120, v3;
	v1 =	vsel vm12, $0x34B, v1  }
0x110: {  	v2 =	vsel vm12, $0x34C, v2;
	v3 =	vsel vm3, $0x11B0, v3;
	v1 =	vsel vm13, $0x35B, v1  }
0x111: {  	v45 =	vsel vm13, $0x35C, v2;
	v2 =	vsel vm0, $0x20D, v57;
	v3 =	vsel vm4, $0x1240, v3  }
0x112: {  	v23 =	vsel vm14, $0x36B, v1;
	v1 =	vsel vm5, $0xADC, v33;
	v37 =	vsel vm14, $0x36C, v45  }
0x113: {  	v2 =	vsel vm1, $0x21D, v2;
	v3 =	vsel vm5, $0x12D0, v3;
	v1 =	vsel vm6, $0xB6C, v1  }
0x114: {  	v2 =	vsel vm2, $0x22D, v2;
	v3 =	vsel vm6, $0x1360, v3;
	v1 =	vsel vm7, $0xBFC, v1  }
0x115: {  	v2 =	vsel vm3, $0x23D, v2;
	v3 =	vsel vm7, $0x13F0, v3;
	v1 =	vsel vm8, $0xC0C, v1  }
0x116: {  	v6 =	vsel vm4, $0x24D, v2;
	v2 =	vsel vm4, $0xA4E, v7;
	v1 =	vsel vm9, $0xC9C, v1  }
0x117: {  	v61 =	vsel vm8, $0x1400, v3;
	v2 =	vsel vm5, $0xADE, v2;
	v1 =	vsel vm10, $0xD2C, v1  }
0x118: {  	v7 =	vimm.s32 $0x17F1;
	v2 =	vsel vm6, $0xB6E, v2;
	v1 =	vsel vm11, $0xDBC, v1  }
0x119: {  	v5 =	vsel vm9, $0x1490, v61;
	v2 =	vsel vm7, $0xBFE, v2;
	v1 =	vsel vm12, $0xE4C, v1  }
0x11a: {  	v3 =	vsel vm0, $0x1001, v7;
	v2 =	vsel vm8, $0xC0E, v2;
	v1 =	vsel vm13, $0xEDC, v1  }
0x11b: {  	v2 =	vsel vm9, $0xC9E, v2;
	v33 =	vsel vm14, $0xF6C, v1;
	v1 =	vsel vm10, $0xD2D, v53  }
0x11c: {  	v61 =	vimm.s32 $0x17F3;
	v2 =	vsel vm10, $0xD2E, v2;
	v1 =	vsel vm11, $0xDBD, v1  }
0x11d: {  	v3 =	vsel vm1, $0x1091, v3;
	v2 =	vsel vm11, $0xDBE, v2;
	v1 =	vsel vm12, $0xE4D, v1  }
0x11e: {  	v3 =	vsel vm2, $0x1121, v3;
	v2 =	vsel vm12, $0xE4E, v2;
	v1 =	vsel vm13, $0xEDD, v1  }
0x11f: {  	v10 =	vsel vm13, $0xEDE, v2;
	v2 =	vsel vm0, $0x80F, v16;
	v28 =	vsel vm14, $0xF6D, v1  }
0x120: {  	v1 =	vsel vm5, $0x25D, v6;
	v49 =	vsel vm14, $0xF6E, v10;
	v2 =	vsel vm1, $0x89F, v2  }
0x121: {  	v6 =	vimm.s32 $0x570;
	v10 =	vsel vm3, $0x11B1, v3;
	v3 =	vsel vm0, $0x401, v14  }
0x122: {  	v1 =	vsel vm6, $0x26D, v1;
	v2 =	vsel vm2, $0x92F, v2;
	v3 =	vsel vm1, $0x411, v3  }
0x123: {  	v1 =	vsel vm7, $0x27D, v1;
	v2 =	vsel vm3, $0x9BF, v2;
	v3 =	vsel vm2, $0x421, v3  }
0x124: {  	v1 =	vsel vm8, $0x30D, v1;
	v20 =	vsel vm4, $0xA4F, v2;
	v2 =	vsel vm4, $0x24F, v22  }
0x125: {  	v3 =	vsel vm3, $0x431, v3;
	v1 =	vsel vm9, $0x31D, v1;
	v2 =	vsel vm5, $0x25F, v2  }
0x126: {  	v22 =	vimm.s32 $0x572;
	v1 =	vsel vm10, $0x32D, v1;
	v2 =	vsel vm6, $0x26F, v2  }
0x127: {  	v3 =	vsel vm4, $0x441, v3;
	v1 =	vsel vm11, $0x33D, v1;
	v2 =	vsel vm7, $0x27F, v2  }
0x128: {  	v3 =	vsel vm5, $0x451, v3;
	v1 =	vsel vm12, $0x34D, v1;
	v2 =	vsel vm8, $0x30F, v2  }
0x129: {  	v3 =	vsel vm6, $0x461, v3;
	v1 =	vsel vm13, $0x35D, v1;
	v2 =	vsel vm9, $0x31F, v2  }
0x12a: {  	v45 =	vsel vm14, $0x36D, v1;
	v1 =	vsel vm10, $0x32E, v15;
	v2 =	vsel vm10, $0x32F, v2  }
0x12b: {  	v3 =	vsel vm7, $0x471, v3;
	v1 =	vsel vm11, $0x33E, v1;
	v2 =	vsel vm11, $0x33F, v2  }
0x12c: {  	v16 =	vsel vm8, $0x501, v3;
	v1 =	vsel vm12, $0x34E, v1;
	v2 =	vsel vm12, $0x34F, v2  }
0x12d: {  	v1 =	vsel vm13, $0x35E, v1;
	v38 =	vsel vm13, $0x35F, v2;
	v2 =	vsel vm0, $0x400, v6  }
0x12e: {  	v53 =	vsel vm14, $0x36E, v1;
	v1 =	vsel vm5, $0xADF, v20;
	v2 =	vsel vm1, $0x410, v2  }
0x12f: {  	v3 =	vsel vm0, $0x402, v22;
	v1 =	vsel vm6, $0xB6F, v1;
	v2 =	vsel vm2, $0x420, v2  }
0x130: {  	v18 =	vsel vm9, $0x511, v16;
	v1 =	vsel vm7, $0xBFF, v1;
	v2 =	vsel vm3, $0x430, v2  }
0x131: {  	v1 =	vsel vm8, $0xC0F, v1;
	v9 =	vsel vm4, $0x440, v2;
	v2 =	vsel vm4, $0x1241, v10  }
0x132: {  	v3 =	vsel vm1, $0x412, v3;
	v1 =	vsel vm9, $0xC9F, v1;
	v2 =	vsel vm5, $0x12D1, v2  }
0x133: {  	v16 =	vimm.s32 $0x574;
	v1 =	vsel vm10, $0xD2F, v1;
	v2 =	vsel vm6, $0x1361, v2  }
0x134: {  	v3 =	vsel vm2, $0x422, v3;
	v1 =	vsel vm11, $0xDBF, v1;
	v2 =	vsel vm7, $0x13F1, v2  }
0x135: {  	v20 =	vimm.s32 $0x17F2;
	v1 =	vsel vm12, $0xE4F, v1;
	v2 =	vsel vm8, $0x1401, v2  }
0x136: {  	v10 =	vimm.s32 $0x17F4;
	v1 =	vsel vm13, $0xEDF, v1;
	v2 =	vsel vm9, $0x1491, v2  }
0x137: {  	v57 =	vsel vm14, $0xF6F, v1;
	v1 =	vsel vm14, $0x36F, v38;
	v2 =	vsel vm10, $0x1521, v2  }
0x138: {  	v38 =	vsel vm3, $0x432, v3;
	v3 =	vsel vm0, $0x1003, v61;
	[tilespmem:$0x1F680] =	vst v1;
	v1 =	vsel vm10, $0x1520, v5  }
0x139: {  	v2 =	vsel vm11, $0x15B1, v2;
	v3 =	vsel vm1, $0x1093, v3;
	v1 =	vsel vm11, $0x15B0, v1  }
0x13a: {  	v2 =	vsel vm12, $0x1641, v2;
	v3 =	vsel vm2, $0x1123, v3;
	v1 =	vsel vm12, $0x1640, v1  }
0x13b: {  	v15 =	vsel vm13, $0x16D1, v2;
	v2 =	vsel vm0, $0x1002, v20;
	v3 =	vsel vm3, $0x11B3, v3  }
0x13c: {  	v1 =	vsel vm13, $0x16D0, v1;
	v2 =	vsel vm1, $0x1092, v2;
	v3 =	vsel vm4, $0x1243, v3  }
0x13d: {  	v1 =	vsel vm14, $0x1760, v1;
	v2 =	vsel vm2, $0x1122, v2;
	v3 =	vsel vm5, $0x12D3, v3  }
0x13e: {  	[tilespmem:$0x1F690] =	vst v1;
	v1 =	vsel vm5, $0x450, v9;
	v2 =	vsel vm3, $0x11B2, v2;
	v3 =	vsel vm6, $0x1363, v3  }
0x13f: {  	v1 =	vsel vm6, $0x460, v1;
	v29 =	vsel vm4, $0x1242, v2;
	v2 =	vsel vm4, $0x442, v38  }
0x140: {  	v9 =	vimm.s32 $0x573;
	v1 =	vsel vm7, $0x470, v1;
	v2 =	vsel vm5, $0x452, v2  }
0x141: {  	v3 =	vsel vm7, $0x13F3, v3;
	v1 =	vsel vm8, $0x500, v1;
	v2 =	vsel vm6, $0x462, v2  }
0x142: {  	v38 =	vimm.s32 $0x575;
	v1 =	vsel vm9, $0x510, v1;
	v2 =	vsel vm7, $0x472, v2  }
0x143: {  	v6 =	vsel vm8, $0x1403, v3;
	v1 =	vsel vm10, $0x520, v1;
	v2 =	vsel vm8, $0x502, v2  }
0x144: {  	v3 =	vsel vm0, $0x1004, v10;
	v1 =	vsel vm11, $0x530, v1;
	v2 =	vsel vm9, $0x512, v2  }
0x145: {  	v7 =	vsel vm9, $0x1493, v6;
	v1 =	vsel vm12, $0x540, v1;
	v2 =	vsel vm10, $0x522, v2  }
0x146: {  	v3 =	vsel vm1, $0x1094, v3;
	v1 =	vsel vm13, $0x550, v1;
	v2 =	vsel vm11, $0x532, v2  }
0x147: {  	v6 =	vimm.s32 $0x17F6;
	v1 =	vsel vm14, $0x560, v1;
	v2 =	vsel vm12, $0x542, v2  }
0x148: {  	v3 =	vsel vm2, $0x1124, v3;
	[tilespmem:$0x1F6A0] =	vst v1;
	v1 =	vsel vm14, $0x1761, v15;
	v5 =	vsel vm13, $0x552, v2  }
0x149: {  	v2 =	vsel vm0, $0x403, v9;
	v15 =	vsel vm3, $0x11B4, v3;
	v3 =	vsel vm0, $0x404, v16  }
0x14a: {  	[tilespmem:$0x1F6B0] =	vst v1;
	v1 =	vsel vm10, $0x521, v18;
	v2 =	vsel vm1, $0x413, v2;
	v3 =	vsel vm1, $0x414, v3  }
0x14b: {  	v1 =	vsel vm11, $0x531, v1;
	v2 =	vsel vm2, $0x423, v2;
	v3 =	vsel vm2, $0x424, v3  }
0x14c: {  	v1 =	vsel vm12, $0x541, v1;
	v2 =	vsel vm3, $0x433, v2;
	v3 =	vsel vm3, $0x434, v3  }
0x14d: {  	v1 =	vsel vm13, $0x551, v1;
	v14 =	vsel vm4, $0x443, v2;
	v2 =	vsel vm4, $0x1244, v15  }
0x14e: {  	v3 =	vsel vm4, $0x444, v3;
	v15 =	vimm.s32 $0x17F7;
	v1 =	vsel vm14, $0x561, v1  }
0x14f: {  	v2 =	vsel vm5, $0x12D4, v2;
	v3 =	vsel vm5, $0x454, v3;
	[tilespmem:$0x1F6C0] =	vst v1;
	v1 =	vsel vm5, $0x12D2, v29  }
0x150: {  	v2 =	vsel vm6, $0x1364, v2;
	v3 =	vsel vm6, $0x464, v3;
	v29 =	vimm.s32 $0x17F5  }
0x151: {  	v1 =	vsel vm6, $0x1362, v1;
	v2 =	vsel vm7, $0x13F4, v2;
	v3 =	vsel vm7, $0x474, v3  }
0x152: {  	v1 =	vsel vm7, $0x13F2, v1;
	v2 =	vsel vm8, $0x1404, v2;
	v20 =	vsel vm8, $0x504, v3  }
0x153: {  	v3 =	vsel vm0, $0x405, v38;
	v1 =	vsel vm8, $0x1402, v1;
	v2 =	vsel vm9, $0x1494, v2  }
0x154: {  	v38 =	vimm.s32 $0x17F8;
	v1 =	vsel vm9, $0x1492, v1;
	v2 =	vsel vm10, $0x1524, v2  }
0x155: {  	v22 =	vsel vm9, $0x514, v20;
	v1 =	vsel vm10, $0x1522, v1;
	v2 =	vsel vm11, $0x15B4, v2  }
0x156: {  	v3 =	vsel vm1, $0x415, v3;
	v1 =	vsel vm11, $0x15B2, v1;
	v2 =	vsel vm12, $0x1644, v2  }
0x157: {  	v1 =	vsel vm12, $0x1642, v1;
	v18 =	vsel vm13, $0x16D4, v2;
	v2 =	vsel vm0, $0x1005, v29  }
0x158: {  	v20 =	vimm.s32 $0x577;
	v1 =	vsel vm13, $0x16D2, v1;
	v2 =	vsel vm1, $0x1095, v2  }
0x159: {  	v3 =	vsel vm2, $0x425, v3;
	v1 =	vsel vm14, $0x1762, v1;
	v2 =	vsel vm2, $0x1125, v2  }
0x15a: {  	[tilespmem:$0x1F6D0] =	vst v1;
	v1 =	vsel vm14, $0x562, v5;
	v2 =	vsel vm3, $0x11B5, v2;
	v5 =	vsel vm3, $0x435, v3  }
0x15b: {  	v3 =	vsel vm0, $0x1006, v6;
	[tilespmem:$0x1F6E0] =	vst v1;
	v1 =	vsel vm10, $0x1523, v7;
	v61 =	vsel vm4, $0x1245, v2  }
0x15c: {  	v2 =	vsel vm4, $0x445, v5;
	v3 =	vsel vm1, $0x1096, v3;
	v1 =	vsel vm11, $0x15B3, v1  }
0x15d: {  	v2 =	vsel vm5, $0x455, v2;
	v3 =	vsel vm2, $0x1126, v3;
	v1 =	vsel vm12, $0x1643, v1  }
0x15e: {  	v2 =	vsel vm6, $0x465, v2;
	v3 =	vsel vm3, $0x11B6, v3;
	v1 =	vsel vm13, $0x16D3, v1  }
0x15f: {  	v2 =	vsel vm7, $0x475, v2;
	v3 =	vsel vm4, $0x1246, v3;
	v1 =	vsel vm14, $0x1763, v1  }
0x160: {  	v2 =	vsel vm8, $0x505, v2;
	v3 =	vsel vm5, $0x12D6, v3;
	[tilespmem:$0x1F6F0] =	vst v1;
	v1 =	vsel vm5, $0x453, v14  }
0x161: {  	v2 =	vsel vm9, $0x515, v2;
	v3 =	vsel vm6, $0x1366, v3;
	v1 =	vsel vm6, $0x463, v1  }
0x162: {  	v14 =	vimm.s32 $0x576;
	v2 =	vsel vm10, $0x525, v2;
	v1 =	vsel vm7, $0x473, v1  }
0x163: {  	v3 =	vsel vm7, $0x13F6, v3;
	v2 =	vsel vm11, $0x535, v2;
	v1 =	vsel vm8, $0x503, v1  }
0x164: {  	v9 =	vsel vm8, $0x1406, v3;
	v3 =	vsel vm0, $0x1007, v15;
	v1 =	vsel vm9, $0x513, v1  }
0x165: {  	v15 =	vimm.s32 $0x17F9;
	v2 =	vsel vm12, $0x545, v2;
	v1 =	vsel vm10, $0x523, v1  }
0x166: {  	v7 =	vsel vm13, $0x555, v2;
	v2 =	vsel vm0, $0x406, v14;
	v1 =	vsel vm11, $0x533, v1  }
0x167: {  	v10 =	vsel vm9, $0x1496, v9;
	v2 =	vsel vm1, $0x416, v2;
	v1 =	vsel vm12, $0x543, v1  }
0x168: {  	v3 =	vsel vm1, $0x1097, v3;
	v2 =	vsel vm2, $0x426, v2;
	v1 =	vsel vm13, $0x553, v1  }
0x169: {  	v3 =	vsel vm2, $0x1127, v3;
	v2 =	vsel vm3, $0x436, v2;
	v1 =	vsel vm14, $0x563, v1  }
0x16a: {  	v16 =	vsel vm4, $0x446, v2;
	[tilespmem:$0x1F700] =	vst v1;
	v1 =	vsel vm14, $0x1764, v18;
	v18 =	vsel vm3, $0x11B7, v3  }
0x16b: {  	v3 =	vsel vm0, $0x407, v20;
	[tilespmem:$0x1F710] =	vst v1;
	v1 =	vsel vm10, $0x524, v22;
	v2 =	vsel vm4, $0x1247, v18  }
0x16c: {  	v3 =	vsel vm1, $0x417, v3;
	v1 =	vsel vm11, $0x534, v1;
	v2 =	vsel vm5, $0x12D7, v2  }
0x16d: {  	v3 =	vsel vm2, $0x427, v3;
	v1 =	vsel vm12, $0x544, v1;
	v2 =	vsel vm6, $0x1367, v2  }
0x16e: {  	v3 =	vsel vm3, $0x437, v3;
	v1 =	vsel vm13, $0x554, v1;
	v2 =	vsel vm7, $0x13F7, v2  }
0x16f: {  	v3 =	vsel vm4, $0x447, v3;
	v1 =	vsel vm14, $0x564, v1;
	v2 =	vsel vm8, $0x1407, v2  }
0x170: {  	v3 =	vsel vm5, $0x457, v3;
	[tilespmem:$0x1F720] =	vst v1;
	v1 =	vsel vm5, $0x12D5, v61;
	v2 =	vsel vm9, $0x1497, v2  }
0x171: {  	v3 =	vsel vm6, $0x467, v3;
	v61 =	vimm.s32 $0x578;
	v1 =	vsel vm6, $0x1365, v1  }
0x172: {  	v2 =	vsel vm10, $0x1527, v2;
	v3 =	vsel vm7, $0x477, v3;
	v5 =	vsel vm0, $0x408, v61  }
0x173: {  	v61 =	vimm.s32 $0x17FA;
	v1 =	vsel vm7, $0x13F5, v1;
	v2 =	vsel vm11, $0x15B7, v2  }
0x174: {  	v29 =	vsel vm8, $0x507, v3;
	v3 =	vsel vm0, $0x1008, v38;
	v5 =	vsel vm1, $0x418, v5  }
0x175: {  	v38 =	vimm.s32 $0x579;
	v6 =	vsel vm0, $0x100A, v61;
	v61 =	vimm.s32 $0x17FC  }
0x176: {  	v1 =	vsel vm8, $0x1405, v1;
	v2 =	vsel vm12, $0x1647, v2;
	v3 =	vsel vm1, $0x1098, v3  }
0x177: {  	v5 =	vsel vm2, $0x428, v5;
	v6 =	vsel vm1, $0x109A, v6;
	v1 =	vsel vm9, $0x1495, v1  }
0x178: {  	v22 =	vsel vm13, $0x16D7, v2;
	v2 =	vsel vm9, $0x517, v29;
	v3 =	vsel vm2, $0x1128, v3  }
0x179: {  	v14 =	vsel vm3, $0x438, v5;
	v5 =	vsel vm0, $0x1009, v15;
	v6 =	vsel vm2, $0x112A, v6  }
0x17a: {  	v1 =	vsel vm10, $0x1525, v1;
	v2 =	vsel vm10, $0x527, v2;
	v3 =	vsel vm3, $0x11B8, v3  }
0x17b: {  	v5 =	vsel vm1, $0x1099, v5;
	v6 =	vsel vm3, $0x11BA, v6;
	v1 =	vsel vm11, $0x15B5, v1  }
0x17c: {  	v2 =	vsel vm11, $0x537, v2;
	v5 =	vsel vm2, $0x1129, v5;
	v6 =	vsel vm4, $0x124A, v6  }
0x17d: {  	v1 =	vsel vm12, $0x1645, v1;
	v2 =	vsel vm12, $0x547, v2;
	v5 =	vsel vm3, $0x11B9, v5  }
0x17e: {  	v6 =	vsel vm5, $0x12DA, v6;
	v1 =	vsel vm13, $0x16D5, v1;
	v2 =	vsel vm13, $0x557, v2  }
0x17f: {  	v5 =	vsel vm4, $0x1249, v5;
	v6 =	vsel vm6, $0x136A, v6;
	v1 =	vsel vm14, $0x1765, v1  }
0x180: {  	v9 =	vsel vm14, $0x567, v2;
	v5 =	vsel vm5, $0x12D9, v5;
	v6 =	vsel vm7, $0x13FA, v6  }
0x181: {  	[tilespmem:$0x1F730] =	vst v1;
	v1 =	vsel vm14, $0x565, v7;
	v5 =	vsel vm6, $0x1369, v5;
	v6 =	vsel vm8, $0x140A, v6  }
0x182: {  	[tilespmem:$0x1F740] =	vst v1;
	v1 =	vsel vm10, $0x1526, v10;
	v10 =	vsel vm4, $0x1248, v3;
	v3 =	vsel vm4, $0x448, v14  }
0x183: {  	v5 =	vsel vm7, $0x13F9, v5;
	v14 =	vimm.s32 $0x57A;
	v6 =	vsel vm9, $0x149A, v6  }
0x184: {  	v1 =	vsel vm11, $0x15B6, v1;
	v2 =	vsel vm5, $0x12D8, v10;
	v3 =	vsel vm5, $0x458, v3  }
0x185: {  	v5 =	vsel vm8, $0x1409, v5;
	v7 =	vsel vm0, $0x40A, v14;
	v6 =	vsel vm10, $0x152A, v6  }
0x186: {  	v1 =	vsel vm12, $0x1646, v1;
	v2 =	vsel vm6, $0x1368, v2;
	v3 =	vsel vm6, $0x468, v3  }
0x187: {  	v29 =	vsel vm9, $0x1499, v5;
	v5 =	vsel vm0, $0x409, v38;
	v7 =	vsel vm1, $0x41A, v7  }
0x188: {  	v6 =	vsel vm11, $0x15BA, v6;
	v1 =	vsel vm13, $0x16D6, v1;
	v2 =	vsel vm7, $0x13F8, v2  }
0x189: {  	v3 =	vsel vm7, $0x478, v3;
	v5 =	vsel vm1, $0x419, v5;
	v7 =	vsel vm2, $0x42A, v7  }
0x18a: {  	v6 =	vsel vm12, $0x164A, v6;
	v1 =	vsel vm14, $0x1766, v1;
	v2 =	vsel vm8, $0x1408, v2  }
0x18b: {  	v3 =	vsel vm8, $0x508, v3;
	v5 =	vsel vm2, $0x429, v5;
	v7 =	vsel vm3, $0x43A, v7  }
0x18c: {  	v15 =	vsel vm13, $0x16DA, v6;
	[tilespmem:$0x1F750] =	vst v1;
	v1 =	vsel vm5, $0x456, v16;
	v2 =	vsel vm9, $0x1498, v2  }
0x18d: {  	[tilespmem:$0x1F780] =	vst v9;
	v3 =	vsel vm9, $0x518, v3;
	v9 =	vsel vm3, $0x439, v5;
	v7 =	vsel vm4, $0x44A, v7  }
0x18e: {  	v5 =	vsel vm14, $0x176A, v15;
	v1 =	vsel vm6, $0x466, v1;
	v2 =	vsel vm10, $0x1528, v2  }
0x18f: {  	v3 =	vsel vm10, $0x528, v3;
	v10 =	vsel vm4, $0x449, v9;
	v7 =	vsel vm5, $0x45A, v7  }
0x190: {  	v1 =	vsel vm7, $0x476, v1;
	v2 =	vsel vm11, $0x15B8, v2;
	v3 =	vsel vm11, $0x538, v3  }
0x191: {  	v7 =	vsel vm6, $0x46A, v7;
	v1 =	vsel vm8, $0x506, v1;
	v2 =	vsel vm12, $0x1648, v2  }
0x192: {  	v16 =	vsel vm12, $0x548, v3;
	v7 =	vsel vm7, $0x47A, v7;
	v1 =	vsel vm9, $0x516, v1  }
0x193: {  	v3 =	vimm.s32 $0x77C;
	v2 =	vsel vm13, $0x16D8, v2;
	v1 =	vsel vm10, $0x526, v1  }
0x194: {  	v18 =	vsel vm14, $0x1768, v2;
	v2 =	vsel vm10, $0x1529, v29;
	v1 =	vsel vm11, $0x536, v1  }
0x195: {  	v20 =	vsel vm13, $0x558, v16;
	v2 =	vsel vm11, $0x15B9, v2;
	v1 =	vsel vm12, $0x546, v1  }
0x196: {  	v16 =	vsel vm8, $0x50A, v7;
	v2 =	vsel vm12, $0x1649, v2;
	v1 =	vsel vm13, $0x556, v1  }
0x197: {  	[tilespmem:$0x1F790] =	vst v18;
	v18 =	vsel vm9, $0x51A, v16;
	v2 =	vsel vm13, $0x16D9, v2;
	v1 =	vsel vm14, $0x566, v1  }
0x198: {  	[tilespmem:$0x1F760] =	vst v1;
	v1 =	vsel vm14, $0x1767, v22;
	v22 =	vsel vm14, $0x568, v20;
	v20 =	vimm.s32 $0x17FB  }
0x199: {  	[tilespmem:$0x1F770] =	vst v1;
	v1 =	vsel vm14, $0x1769, v2;
	v2 =	vsel vm5, $0x459, v10;
	v6 =	vsel vm0, $0x100B, v20  }
0x19a: {  	[tilespmem:$0x1F7A0] =	vst v22;
	v22 =	vimm.s32 $0x57B;
	v20 =	vimm.s32 $0x57C;
	v2 =	vsel vm6, $0x469, v2  }
0x19b: {  	v6 =	vsel vm1, $0x109B, v6;
	v9 =	vsel vm0, $0x40B, v22;
	v22 =	vimm.s32 $0x17FD  }
0x19c: {  	v2 =	vsel vm7, $0x479, v2;
	v6 =	vsel vm2, $0x112B, v6;
	v9 =	vsel vm1, $0x41B, v9  }
0x19d: {  	v10 =	vsel vm0, $0x100D, v22;
	v2 =	vsel vm8, $0x509, v2;
	v6 =	vsel vm3, $0x11BB, v6  }
0x19e: {  	v9 =	vsel vm2, $0x42B, v9;
	v10 =	vsel vm1, $0x109D, v10;
	v2 =	vsel vm9, $0x519, v2  }
0x19f: {  	v29 =	vsel vm4, $0x124B, v6;
	v38 =	vsel vm3, $0x43B, v9;
	v9 =	vsel vm0, $0x100C, v61  }
0x1a0: {  	v10 =	vsel vm2, $0x112D, v10;
	v61 =	vimm.s32 $0x57D;
	v2 =	vsel vm10, $0x529, v2  }
0x1a1: {  	v6 =	vsel vm4, $0x44B, v38;
	v9 =	vsel vm1, $0x109C, v9;
	v38 =	vsel vm3, $0x11BD, v10  }
0x1a2: {  	v10 =	vsel vm0, $0x40D, v61;
	v2 =	vsel vm11, $0x539, v2;
	v6 =	vsel vm5, $0x45B, v6  }
0x1a3: {  	v9 =	vsel vm2, $0x112C, v9;
	v10 =	vsel vm1, $0x41D, v10;
	v2 =	vsel vm12, $0x549, v2  }
0x1a4: {  	v6 =	vsel vm6, $0x46B, v6;
	v9 =	vsel vm3, $0x11BC, v9;
	v2 =	vsel vm13, $0x559, v2  }
0x1a5: {  	v10 =	vsel vm2, $0x42D, v10;
	v6 =	vsel vm7, $0x47B, v6;
	v2 =	vsel vm14, $0x569, v2  }
0x1a6: {  	v9 =	vsel vm4, $0x124C, v9;
	v6 =	vsel vm8, $0x50B, v6;
	[tilespmem:$0x1F7B0] =	vst v2;
	v2 =	vsel vm10, $0x52A, v18  }
0x1a7: {  	v10 =	vsel vm3, $0x43D, v10;
	v6 =	vsel vm9, $0x51B, v6;
	v2 =	vsel vm11, $0x53A, v2  }
0x1a8: {  	v9 =	vsel vm5, $0x12DC, v9;
	v6 =	vsel vm10, $0x52B, v6;
	v2 =	vsel vm12, $0x54A, v2  }
0x1a9: {  	v10 =	vsel vm4, $0x44D, v10;
	v6 =	vsel vm11, $0x53B, v6;
	v2 =	vsel vm13, $0x55A, v2  }
0x1aa: {  	v9 =	vsel vm6, $0x136C, v9;
	v6 =	vsel vm12, $0x54B, v6;
	v2 =	vsel vm14, $0x56A, v2  }
0x1ab: {  	v15 =	vsel vm13, $0x55B, v6;
	v6 =	vsel vm0, $0x40C, v20;
	[tilespmem:$0x1F7C0] =	vst v2;
	v2 =	vsel vm5, $0x12DB, v29  }
0x1ac: {  	v10 =	vsel vm5, $0x45D, v10;
	v6 =	vsel vm1, $0x41C, v6;
	v2 =	vsel vm6, $0x136B, v2  }
0x1ad: {  	v14 =	vsel vm7, $0x13FC, v9;
	v6 =	vsel vm2, $0x42C, v6;
	v2 =	vsel vm7, $0x13FB, v2  }
0x1ae: {  	v10 =	vsel vm6, $0x46D, v10;
	v6 =	vsel vm3, $0x43C, v6;
	v2 =	vsel vm8, $0x140B, v2  }
0x1af: {  	v29 =	vsel vm4, $0x44C, v6;
	v6 =	vsel vm4, $0x124D, v38;
	v2 =	vsel vm9, $0x149B, v2  }
0x1b0: {  	v16 =	vsel vm8, $0x140C, v14;
	v6 =	vsel vm5, $0x12DD, v6;
	v2 =	vsel vm10, $0x152B, v2  }
0x1b1: {  	v10 =	vsel vm7, $0x47D, v10;
	v6 =	vsel vm6, $0x136D, v6;
	v2 =	vsel vm11, $0x15BB, v2  }
0x1b2: {  	v18 =	vsel vm9, $0x149C, v16;
	v6 =	vsel vm7, $0x13FD, v6;
	v2 =	vsel vm12, $0x164B, v2  }
0x1b3: {  	v20 =	vimm.s32 $0x57E;
	v6 =	vsel vm8, $0x140D, v6;
	v2 =	vsel vm13, $0x16DB, v2  }
0x1b4: {  	v38 =	vimm.s32 $0x17FF;
	v6 =	vsel vm9, $0x149D, v6;
	v9 =	vsel vm14, $0x176B, v2  }
0x1b5: {  	v2 =	vsel vm14, $0x56B, v15;
	v6 =	vsel vm10, $0x152D, v6;
	v15 =	vsel vm8, $0x50D, v10  }
0x1b6: {  	v10 =	vsel vm0, $0x40E, v20;
	[tilespmem:$0x1F7D0] =	vst v2;
	v2 =	vsel vm10, $0x152C, v18;
	v6 =	vsel vm11, $0x15BD, v6  }
0x1b7: {  	v16 =	vsel vm9, $0x51D, v15;
	v18 =	vimm.s32 $0x17FE;
	v2 =	vsel vm11, $0x15BC, v2  }
0x1b8: {  	v10 =	vsel vm1, $0x41E, v10;
	v6 =	vsel vm12, $0x164D, v6;
	v2 =	vsel vm12, $0x164C, v2  }
0x1b9: {  	v14 =	vsel vm13, $0x16DD, v6;
	v6 =	vsel vm0, $0x100E, v18;
	v2 =	vsel vm13, $0x16DC, v2  }
0x1ba: {  	v15 =	vimm.s32 $0x57F;
	v6 =	vsel vm1, $0x109E, v6;
	v2 =	vsel vm14, $0x176C, v2  }
0x1bb: {  	v10 =	vsel vm2, $0x42E, v10;
	v6 =	vsel vm2, $0x112E, v6;
	[tilespmem:$0x1F7E0] =	vst v2;
	v2 =	vsel vm5, $0x45C, v29  }
0x1bc: {  	v6 =	vsel vm3, $0x11BE, v6;
	v29 =	vsel vm3, $0x43E, v10;
	v2 =	vsel vm6, $0x46C, v2  }
0x1bd: {  	v22 =	vsel vm4, $0x124E, v6;
	v6 =	vsel vm4, $0x44E, v29;
	v2 =	vsel vm7, $0x47C, v2  }
0x1be: {  	v10 =	vsel vm0, $0x100F, v38;
	v6 =	vsel vm5, $0x45E, v6;
	v2 =	vsel vm8, $0x50C, v2  }
0x1bf: {  	v10 =	vsel vm1, $0x109F, v10;
	v6 =	vsel vm6, $0x46E, v6;
	v2 =	vsel vm9, $0x51C, v2  }
0x1c0: {  	v10 =	vsel vm2, $0x112F, v10;
	v6 =	vsel vm7, $0x47E, v6;
	v2 =	vsel vm10, $0x52C, v2  }
0x1c1: {  	v10 =	vsel vm3, $0x11BF, v10;
	v6 =	vsel vm8, $0x50E, v6;
	v2 =	vsel vm11, $0x53C, v2  }
0x1c2: {  	v10 =	vsel vm4, $0x124F, v10;
	v6 =	vsel vm9, $0x51E, v6;
	v2 =	vsel vm12, $0x54C, v2  }
0x1c3: {  	v10 =	vsel vm5, $0x12DF, v10;
	v6 =	vsel vm10, $0x52E, v6;
	v2 =	vsel vm13, $0x55C, v2  }
0x1c4: {  	v10 =	vsel vm6, $0x136F, v10;
	v6 =	vsel vm11, $0x53E, v6;
	v2 =	vsel vm14, $0x56C, v2  }
0x1c5: {  	v10 =	vsel vm7, $0x13FF, v10;
	v6 =	vsel vm12, $0x54E, v6;
	[tilespmem:$0x1F7F0] =	vst v2;
	v2 =	vsel vm14, $0x176D, v14  }
0x1c6: {  	v10 =	vsel vm8, $0x140F, v10;
	v61 =	vsel vm13, $0x55E, v6;
	[tilespmem:$0x1F800] =	vst v2;
	v2 =	vsel vm10, $0x52D, v16  }
0x1c7: {  	v14 =	vsel vm9, $0x149F, v10;
	v16 =	vimm.s32 $0x1FF0;
	v2 =	vsel vm11, $0x53D, v2  }
0x1c8: {  	v6 =	vsel vm0, $0x40F, v15;
	v10 =	vsel vm0, $0x1800, v16;
	v2 =	vsel vm12, $0x54D, v2  }
0x1c9: {  	v6 =	vsel vm1, $0x41F, v6;
	v10 =	vsel vm1, $0x1890, v10;
	v2 =	vsel vm13, $0x55D, v2  }
0x1ca: {  	v6 =	vsel vm2, $0x42F, v6;
	v10 =	vsel vm2, $0x1920, v10;
	v2 =	vsel vm14, $0x56D, v2  }
0x1cb: {  	v6 =	vsel vm3, $0x43F, v6;
	v20 =	vsel vm3, $0x19B0, v10;
	[tilespmem:$0x1F810] =	vst v2;
	v2 =	vsel vm5, $0x12DE, v22  }
0x1cc: {  	v18 =	vsel vm4, $0x44F, v6;
	v6 =	vsel vm4, $0x1A40, v20;
	v2 =	vsel vm6, $0x136E, v2  }
0x1cd: {  	v22 =	vimm.s32 $0x770;
	v6 =	vsel vm5, $0x1AD0, v6;
	v2 =	vsel vm7, $0x13FE, v2  }
0x1ce: {  	v10 =	vsel vm0, $0x600, v22;
	v6 =	vsel vm6, $0x1B60, v6;
	v2 =	vsel vm8, $0x140E, v2  }
0x1cf: {  	v10 =	vsel vm1, $0x610, v10;
	v6 =	vsel vm7, $0x1BF0, v6;
	v2 =	vsel vm9, $0x149E, v2  }
0x1d0: {  	v10 =	vsel vm2, $0x620, v10;
	v6 =	vsel vm8, $0x1C00, v6;
	v2 =	vsel vm10, $0x152E, v2  }
0x1d1: {  	v10 =	vsel vm3, $0x630, v10;
	v6 =	vsel vm9, $0x1C90, v6;
	v2 =	vsel vm11, $0x15BE, v2  }
0x1d2: {  	v10 =	vsel vm4, $0x640, v10;
	v6 =	vsel vm10, $0x1D20, v6;
	v2 =	vsel vm12, $0x164E, v2  }
0x1d3: {  	v10 =	vsel vm5, $0x650, v10;
	v6 =	vsel vm11, $0x1DB0, v6;
	v2 =	vsel vm13, $0x16DE, v2  }
0x1d4: {  	v10 =	vsel vm6, $0x660, v10;
	v6 =	vsel vm12, $0x1E40, v6;
	v2 =	vsel vm14, $0x176E, v2  }
0x1d5: {  	v10 =	vsel vm7, $0x670, v10;
	v29 =	vsel vm13, $0x1ED0, v6;
	[tilespmem:$0x1F820] =	vst v2;
	v2 =	vsel vm14, $0x56E, v61  }
0x1d6: {  	v38 =	vsel vm8, $0x700, v10;
	v10 =	vimm.s32 $0x1FF1;
	[tilespmem:$0x1F830] =	vst v2;
	v2 =	vsel vm10, $0x152F, v14  }
0x1d7: {  	v61 =	vsel vm9, $0x710, v38;
	v6 =	vsel vm0, $0x1801, v10;
	v2 =	vsel vm11, $0x15BF, v2  }
0x1d8: {  	v38 =	vimm.s32 $0x772;
	v14 =	vimm.s32 $0x771;
	v2 =	vsel vm12, $0x164F, v2  }
0x1d9: {  	v6 =	vsel vm1, $0x1891, v6;
	v10 =	vsel vm0, $0x601, v14;
	v2 =	vsel vm13, $0x16DF, v2  }
0x1da: {  	v6 =	vsel vm2, $0x1921, v6;
	v10 =	vsel vm1, $0x611, v10;
	v2 =	vsel vm14, $0x176F, v2  }
0x1db: {  	v6 =	vsel vm3, $0x19B1, v6;
	v10 =	vsel vm2, $0x621, v10;
	[tilespmem:$0x1F840] =	vst v2;
	v2 =	vsel vm5, $0x45F, v18  }
0x1dc: {  	v15 =	vsel vm4, $0x1A41, v6;
	v16 =	vsel vm3, $0x631, v10;
	v2 =	vsel vm6, $0x46F, v2  }
0x1dd: {  	v6 =	vsel vm4, $0x641, v16;
	v18 =	vimm.s32 $0x1FF2;
	v2 =	vsel vm7, $0x47F, v2  }
0x1de: {  	v16 =	vimm.s32 $0x773;
	v6 =	vsel vm5, $0x651, v6;
	v2 =	vsel vm8, $0x50F, v2  }
0x1df: {  	v10 =	vsel vm0, $0x1802, v18;
	v6 =	vsel vm6, $0x661, v6;
	v2 =	vsel vm9, $0x51F, v2  }
0x1e0: {  	v10 =	vsel vm1, $0x1892, v10;
	v6 =	vsel vm7, $0x671, v6;
	v2 =	vsel vm10, $0x52F, v2  }
0x1e1: {  	v10 =	vsel vm2, $0x1922, v10;
	v6 =	vsel vm8, $0x701, v6;
	v2 =	vsel vm11, $0x53F, v2  }
0x1e2: {  	v10 =	vsel vm3, $0x19B2, v10;
	v6 =	vsel vm9, $0x711, v6;
	v2 =	vsel vm12, $0x54F, v2  }
0x1e3: {  	v10 =	vsel vm4, $0x1A42, v10;
	v6 =	vsel vm10, $0x721, v6;
	v2 =	vsel vm13, $0x55F, v2  }
0x1e4: {  	v10 =	vsel vm5, $0x1AD2, v10;
	v6 =	vsel vm11, $0x731, v6;
	v2 =	vsel vm14, $0x56F, v2  }
0x1e5: {  	v10 =	vsel vm6, $0x1B62, v10;
	v6 =	vsel vm12, $0x741, v6;
	[tilespmem:$0x1F850] =	vst v2;
	v2 =	vsel vm14, $0x1F60, v29  }
0x1e6: {  	v10 =	vsel vm7, $0x1BF2, v10;
	v20 =	vsel vm13, $0x751, v6;
	[tilespmem:$0x1F860] =	vst v2;
	v2 =	vsel vm10, $0x720, v61  }
0x1e7: {  	v22 =	vsel vm8, $0x1C02, v10;
	v6 =	vsel vm0, $0x602, v38;
	v2 =	vsel vm11, $0x730, v2  }
0x1e8: {  	v38 =	vimm.s32 $0x774;
	v61 =	vimm.s32 $0x1FF3;
	v2 =	vsel vm12, $0x740, v2  }
0x1e9: {  	v29 =	vsel vm9, $0x1C92, v22;
	v10 =	vsel vm0, $0x1803, v61;
	v2 =	vsel vm13, $0x750, v2  }
0x1ea: {  	v6 =	vsel vm1, $0x612, v6;
	v10 =	vsel vm1, $0x1893, v10;
	v2 =	vsel vm14, $0x760, v2  }
0x1eb: {  	v6 =	vsel vm2, $0x622, v6;
	v10 =	vsel vm2, $0x1923, v10;
	[tilespmem:$0x1F870] =	vst v2;
	v2 =	vsel vm5, $0x1AD1, v15  }
0x1ec: {  	v6 =	vsel vm3, $0x632, v6;
	v15 =	vsel vm3, $0x19B3, v10;
	v2 =	vsel vm6, $0x1B61, v2  }
0x1ed: {  	v14 =	vsel vm4, $0x642, v6;
	v6 =	vsel vm4, $0x1A43, v15;
	v2 =	vsel vm7, $0x1BF1, v2  }
0x1ee: {  	v10 =	vsel vm0, $0x603, v16;
	v6 =	vsel vm5, $0x1AD3, v6;
	v2 =	vsel vm8, $0x1C01, v2  }
0x1ef: {  	v10 =	vsel vm1, $0x613, v10;
	v6 =	vsel vm6, $0x1B63, v6;
	v2 =	vsel vm9, $0x1C91, v2  }
0x1f0: {  	v10 =	vsel vm2, $0x623, v10;
	v6 =	vsel vm7, $0x1BF3, v6;
	v2 =	vsel vm10, $0x1D21, v2  }
0x1f1: {  	v10 =	vsel vm3, $0x633, v10;
	v6 =	vsel vm8, $0x1C03, v6;
	v2 =	vsel vm11, $0x1DB1, v2  }
0x1f2: {  	v10 =	vsel vm4, $0x643, v10;
	v6 =	vsel vm9, $0x1C93, v6;
	v2 =	vsel vm12, $0x1E41, v2  }
0x1f3: {  	v10 =	vsel vm5, $0x653, v10;
	v6 =	vsel vm10, $0x1D23, v6;
	v2 =	vsel vm13, $0x1ED1, v2  }
0x1f4: {  	v10 =	vsel vm6, $0x663, v10;
	v6 =	vsel vm11, $0x1DB3, v6;
	v2 =	vsel vm14, $0x1F61, v2  }
0x1f5: {  	v10 =	vsel vm7, $0x673, v10;
	v6 =	vsel vm12, $0x1E43, v6;
	[tilespmem:$0x1F880] =	vst v2;
	v2 =	vsel vm14, $0x761, v20  }
0x1f6: {  	v18 =	vsel vm13, $0x1ED3, v6;
	v20 =	vsel vm8, $0x703, v10;
	v10 =	vsel vm0, $0x604, v38  }
0x1f7: {  	[tilespmem:$0x1F890] =	vst v2;
	v2 =	vsel vm10, $0x1D22, v29;
	v22 =	vsel vm9, $0x713, v20;
	v29 =	vimm.s32 $0x1FF4  }
0x1f8: {  	v10 =	vsel vm1, $0x614, v10;
	v2 =	vsel vm11, $0x1DB2, v2;
	v6 =	vsel vm0, $0x1804, v29  }
0x1f9: {  	v20 =	vimm.s32 $0x775;
	v2 =	vsel vm12, $0x1E42, v2;
	v6 =	vsel vm1, $0x1894, v6  }
0x1fa: {  	v10 =	vsel vm2, $0x624, v10;
	v2 =	vsel vm13, $0x1ED2, v2;
	v6 =	vsel vm2, $0x1924, v6  }
0x1fb: {  	v10 =	vsel vm3, $0x634, v10;
	v2 =	vsel vm14, $0x1F62, v2;
	v6 =	vsel vm3, $0x19B4, v6  }
0x1fc: {  	[tilespmem:$0x1F8A0] =	vst v2;
	v2 =	vsel vm5, $0x652, v14;
	v61 =	vsel vm4, $0x1A44, v6;
	v6 =	vsel vm4, $0x644, v10  }
0x1fd: {  	v14 =	vimm.s32 $0x1FF5;
	v2 =	vsel vm6, $0x662, v2;
	v6 =	vsel vm5, $0x654, v6  }
0x1fe: {  	v10 =	vsel vm0, $0x1805, v14;
	v2 =	vsel vm7, $0x672, v2;
	v6 =	vsel vm6, $0x664, v6  }
0x1ff: {  	v10 =	vsel vm1, $0x1895, v10;
	v2 =	vsel vm8, $0x702, v2;
	v6 =	vsel vm7, $0x674, v6  }
0x200: {  	v10 =	vsel vm2, $0x1925, v10;
	v2 =	vsel vm9, $0x712, v2;
	v6 =	vsel vm8, $0x704, v6  }
0x201: {  	v10 =	vsel vm3, $0x19B5, v10;
	v2 =	vsel vm10, $0x722, v2;
	v6 =	vsel vm9, $0x714, v6  }
0x202: {  	v10 =	vsel vm4, $0x1A45, v10;
	v2 =	vsel vm11, $0x732, v2;
	v6 =	vsel vm10, $0x724, v6  }
0x203: {  	v10 =	vsel vm5, $0x1AD5, v10;
	v2 =	vsel vm12, $0x742, v2;
	v6 =	vsel vm11, $0x734, v6  }
0x204: {  	v10 =	vsel vm6, $0x1B65, v10;
	v2 =	vsel vm13, $0x752, v2;
	v6 =	vsel vm12, $0x744, v6  }
0x205: {  	v10 =	vsel vm7, $0x1BF5, v10;
	v2 =	vsel vm14, $0x762, v2;
	v15 =	vsel vm13, $0x754, v6  }
0x206: {  	v16 =	vsel vm8, $0x1C05, v10;
	v6 =	vsel vm0, $0x605, v20;
	[tilespmem:$0x1F8B0] =	vst v2;
	v2 =	vsel vm14, $0x1F63, v18  }
0x207: {  	v20 =	vimm.s32 $0x777;
	[tilespmem:$0x1F8C0] =	vst v2;
	v2 =	vsel vm10, $0x723, v22;
	v22 =	vimm.s32 $0x1FF6  }
0x208: {  	v18 =	vsel vm9, $0x1C95, v16;
	v2 =	vsel vm11, $0x733, v2;
	v10 =	vsel vm0, $0x1806, v22  }
0x209: {  	v6 =	vsel vm1, $0x615, v6;
	v2 =	vsel vm12, $0x743, v2;
	v10 =	vsel vm1, $0x1896, v10  }
0x20a: {  	v6 =	vsel vm2, $0x625, v6;
	v2 =	vsel vm13, $0x753, v2;
	v10 =	vsel vm2, $0x1926, v10  }
0x20b: {  	v6 =	vsel vm3, $0x635, v6;
	v2 =	vsel vm14, $0x763, v2;
	v38 =	vsel vm3, $0x19B6, v10  }
0x20c: {  	v29 =	vsel vm4, $0x645, v6;
	[tilespmem:$0x1F8D0] =	vst v2;
	v2 =	vsel vm5, $0x1AD4, v61;
	v6 =	vsel vm4, $0x1A46, v38  }
0x20d: {  	v61 =	vimm.s32 $0x776;
	v38 =	vimm.s32 $0x1FF8;
	v2 =	vsel vm6, $0x1B64, v2  }
0x20e: {  	v6 =	vsel vm5, $0x1AD6, v6;
	v10 =	vsel vm0, $0x606, v61;
	v2 =	vsel vm7, $0x1BF4, v2  }
0x20f: {  	v6 =	vsel vm6, $0x1B66, v6;
	v10 =	vsel vm1, $0x616, v10;
	v2 =	vsel vm8, $0x1C04, v2  }
0x210: {  	v6 =	vsel vm7, $0x1BF6, v6;
	v10 =	vsel vm2, $0x626, v10;
	v2 =	vsel vm9, $0x1C94, v2  }
0x211: {  	v6 =	vsel vm8, $0x1C06, v6;
	v10 =	vsel vm3, $0x636, v10;
	v2 =	vsel vm10, $0x1D24, v2  }
0x212: {  	v6 =	vsel vm9, $0x1C96, v6;
	v10 =	vsel vm4, $0x646, v10;
	v2 =	vsel vm11, $0x1DB4, v2  }
0x213: {  	v6 =	vsel vm10, $0x1D26, v6;
	v10 =	vsel vm5, $0x656, v10;
	v2 =	vsel vm12, $0x1E44, v2  }
0x214: {  	v6 =	vsel vm11, $0x1DB6, v6;
	v10 =	vsel vm6, $0x666, v10;
	v2 =	vsel vm13, $0x1ED4, v2  }
0x215: {  	v6 =	vsel vm12, $0x1E46, v6;
	v10 =	vsel vm7, $0x676, v10;
	v2 =	vsel vm14, $0x1F64, v2  }
0x216: {  	v14 =	vsel vm13, $0x1ED6, v6;
	[tilespmem:$0x1F8E0] =	vst v2;
	v2 =	vsel vm14, $0x764, v15;
	v15 =	vsel vm8, $0x706, v10  }
0x217: {  	v10 =	vsel vm0, $0x607, v20;
	[tilespmem:$0x1F8F0] =	vst v2;
	v2 =	vsel vm10, $0x1D25, v18;
	v18 =	vimm.s32 $0x1FF7  }
0x218: {  	v16 =	vsel vm9, $0x716, v15;
	v2 =	vsel vm11, $0x1DB5, v2;
	v6 =	vsel vm0, $0x1807, v18  }
0x219: {  	v10 =	vsel vm1, $0x617, v10;
	v2 =	vsel vm12, $0x1E45, v2;
	v6 =	vsel vm1, $0x1897, v6  }
0x21a: {  	v15 =	vimm.s32 $0x778;
	v2 =	vsel vm13, $0x1ED5, v2;
	v6 =	vsel vm2, $0x1927, v6  }
0x21b: {  	v10 =	vsel vm2, $0x627, v10;
	v2 =	vsel vm14, $0x1F65, v2;
	v6 =	vsel vm3, $0x19B7, v6  }
0x21c: {  	[tilespmem:$0x1F900] =	vst v2;
	v2 =	vsel vm5, $0x655, v29;
	v22 =	vsel vm4, $0x1A47, v6;
	v29 =	vsel vm3, $0x637, v10  }
0x21d: {  	v10 =	vsel vm0, $0x1808, v38;
	v2 =	vsel vm6, $0x665, v2;
	v6 =	vsel vm4, $0x647, v29  }
0x21e: {  	v10 =	vsel vm1, $0x1898, v10;
	v2 =	vsel vm7, $0x675, v2;
	v6 =	vsel vm5, $0x657, v6  }
0x21f: {  	v10 =	vsel vm2, $0x1928, v10;
	v2 =	vsel vm8, $0x705, v2;
	v6 =	vsel vm6, $0x667, v6  }
0x220: {  	v10 =	vsel vm3, $0x19B8, v10;
	v2 =	vsel vm9, $0x715, v2;
	v6 =	vsel vm7, $0x677, v6  }
0x221: {  	v10 =	vsel vm4, $0x1A48, v10;
	v2 =	vsel vm10, $0x725, v2;
	v6 =	vsel vm8, $0x707, v6  }
0x222: {  	v10 =	vsel vm5, $0x1AD8, v10;
	v2 =	vsel vm11, $0x735, v2;
	v6 =	vsel vm9, $0x717, v6  }
0x223: {  	v10 =	vsel vm6, $0x1B68, v10;
	v2 =	vsel vm12, $0x745, v2;
	v6 =	vsel vm10, $0x727, v6  }
0x224: {  	v10 =	vsel vm7, $0x1BF8, v10;
	v2 =	vsel vm13, $0x755, v2;
	v6 =	vsel vm11, $0x737, v6  }
0x225: {  	v10 =	vsel vm8, $0x1C08, v10;
	v2 =	vsel vm14, $0x765, v2;
	v6 =	vsel vm12, $0x747, v6  }
0x226: {  	[tilespmem:$0x1F910] =	vst v2;
	v2 =	vsel vm14, $0x1F66, v14;
	v61 =	vsel vm13, $0x757, v6;
	v14 =	vsel vm9, $0x1C98, v10  }
0x227: {  	v6 =	vsel vm0, $0x608, v15;
	[tilespmem:$0x1F920] =	vst v2;
	v2 =	vsel vm10, $0x726, v16;
	v16 =	vimm.s32 $0x1FF9  }
0x228: {  	v6 =	vsel vm1, $0x618, v6;
	v2 =	vsel vm11, $0x736, v2;
	v10 =	vsel vm0, $0x1809, v16  }
0x229: {  	v6 =	vsel vm2, $0x628, v6;
	v2 =	vsel vm12, $0x746, v2;
	v10 =	vsel vm1, $0x1899, v10  }
0x22a: {  	v6 =	vsel vm3, $0x638, v6;
	v2 =	vsel vm13, $0x756, v2;
	v10 =	vsel vm2, $0x1929, v10  }
0x22b: {  	v18 =	vsel vm4, $0x648, v6;
	v2 =	vsel vm14, $0x766, v2;
	v20 =	vsel vm3, $0x19B9, v10  }
0x22c: {  	[tilespmem:$0x1F930] =	vst v2;
	v2 =	vsel vm5, $0x1AD7, v22;
	v6 =	vsel vm4, $0x1A49, v20;
	v22 =	vimm.s32 $0x779  }
0x22d: {  	v2 =	vsel vm6, $0x1B67, v2;
	v6 =	vsel vm5, $0x1AD9, v6;
	v10 =	vsel vm0, $0x609, v22  }
0x22e: {  	v2 =	vsel vm7, $0x1BF7, v2;
	v6 =	vsel vm6, $0x1B69, v6;
	v10 =	vsel vm1, $0x619, v10  }
0x22f: {  	v2 =	vsel vm8, $0x1C07, v2;
	v6 =	vsel vm7, $0x1BF9, v6;
	v10 =	vsel vm2, $0x629, v10  }
0x230: {  	v2 =	vsel vm9, $0x1C97, v2;
	v6 =	vsel vm8, $0x1C09, v6;
	v10 =	vsel vm3, $0x639, v10  }
0x231: {  	v2 =	vsel vm10, $0x1D27, v2;
	v6 =	vsel vm9, $0x1C99, v6;
	v10 =	vsel vm4, $0x649, v10  }
0x232: {  	v2 =	vsel vm11, $0x1DB7, v2;
	v6 =	vsel vm10, $0x1D29, v6;
	v10 =	vsel vm5, $0x659, v10  }
0x233: {  	v2 =	vsel vm12, $0x1E47, v2;
	v6 =	vsel vm11, $0x1DB9, v6;
	v10 =	vsel vm6, $0x669, v10  }
0x234: {  	v2 =	vsel vm13, $0x1ED7, v2;
	v6 =	vsel vm12, $0x1E49, v6;
	v10 =	vsel vm7, $0x679, v10  }
0x235: {  	v2 =	vsel vm14, $0x1F67, v2;
	v29 =	vsel vm13, $0x1ED9, v6;
	v38 =	vsel vm8, $0x709, v10  }
0x236: {  	v10 =	vimm.s32 $0x1FFA;
	[tilespmem:$0x1F940] =	vst v2;
	v2 =	vsel vm14, $0x767, v61;
	v61 =	vsel vm9, $0x719, v38  }
0x237: {  	v6 =	vsel vm0, $0x180A, v10;
	v38 =	vimm.s32 $0x77B;
	[tilespmem:$0x1F950] =	vst v2;
	v2 =	vsel vm10, $0x1D28, v14  }
0x238: {  	v14 =	vimm.s32 $0x77A;
	v6 =	vsel vm1, $0x189A, v6;
	v2 =	vsel vm11, $0x1DB8, v2  }
0x239: {  	v10 =	vsel vm0, $0x60A, v14;
	v6 =	vsel vm2, $0x192A, v6;
	v14 =	vsel vm0, $0x60C, v3  }
0x23a: {  	v3 =	vimm.s32 $0x1FFE;
	v2 =	vsel vm12, $0x1E48, v2;
	v10 =	vsel vm1, $0x61A, v10  }
0x23b: {  	v6 =	vsel vm3, $0x19BA, v6;
	v14 =	vsel vm1, $0x61C, v14;
	v2 =	vsel vm13, $0x1ED8, v2  }
0x23c: {  	v10 =	vsel vm2, $0x62A, v10;
	v15 =	vsel vm4, $0x1A4A, v6;
	v14 =	vsel vm2, $0x62C, v14  }
0x23d: {  	v2 =	vsel vm14, $0x1F68, v2;
	v16 =	vsel vm3, $0x63A, v10;
	v14 =	vsel vm3, $0x63C, v14  }
0x23e: {  	[tilespmem:$0x1F960] =	vst v2;
	v2 =	vsel vm5, $0x658, v18;
	v6 =	vsel vm4, $0x64A, v16;
	v18 =	vimm.s32 $0x1FFB  }
0x23f: {  	v14 =	vsel vm4, $0x64C, v14;
	v2 =	vsel vm6, $0x668, v2;
	v6 =	vsel vm5, $0x65A, v6  }
0x240: {  	v10 =	vsel vm0, $0x180B, v18;
	v14 =	vsel vm5, $0x65C, v14;
	v2 =	vsel vm7, $0x678, v2  }
0x241: {  	v6 =	vsel vm6, $0x66A, v6;
	v10 =	vsel vm1, $0x189B, v10;
	v14 =	vsel vm6, $0x66C, v14  }
0x242: {  	v2 =	vsel vm8, $0x708, v2;
	v6 =	vsel vm7, $0x67A, v6;
	v10 =	vsel vm2, $0x192B, v10  }
0x243: {  	v14 =	vsel vm7, $0x67C, v14;
	v2 =	vsel vm9, $0x718, v2;
	v6 =	vsel vm8, $0x70A, v6  }
0x244: {  	v10 =	vsel vm3, $0x19BB, v10;
	v18 =	vsel vm8, $0x70C, v14;
	v2 =	vsel vm10, $0x728, v2  }
0x245: {  	v6 =	vsel vm9, $0x71A, v6;
	v10 =	vsel vm4, $0x1A4B, v10;
	v2 =	vsel vm11, $0x738, v2  }
0x246: {  	v6 =	vsel vm10, $0x72A, v6;
	v10 =	vsel vm5, $0x1ADB, v10;
	v2 =	vsel vm12, $0x748, v2  }
0x247: {  	v6 =	vsel vm11, $0x73A, v6;
	v10 =	vsel vm6, $0x1B6B, v10;
	v2 =	vsel vm13, $0x758, v2  }
0x248: {  	v6 =	vsel vm12, $0x74A, v6;
	v10 =	vsel vm7, $0x1BFB, v10;
	v2 =	vsel vm14, $0x768, v2  }
0x249: {  	v20 =	vsel vm13, $0x75A, v6;
	v22 =	vsel vm8, $0x1C0B, v10;
	v6 =	vsel vm0, $0x60B, v38  }
0x24a: {  	[tilespmem:$0x1F970] =	vst v2;
	v2 =	vsel vm14, $0x1F69, v29;
	v29 =	vsel vm9, $0x1C9B, v22;
	v6 =	vsel vm1, $0x61B, v6  }
0x24b: {  	v22 =	vimm.s32 $0x1FFD;
	[tilespmem:$0x1F980] =	vst v2;
	v2 =	vsel vm10, $0x729, v61;
	v61 =	vimm.s32 $0x1FFC  }
0x24c: {  	v6 =	vsel vm2, $0x62B, v6;
	v14 =	vsel vm0, $0x180D, v22;
	v22 =	vimm.s32 $0x1FFF  }
0x24d: {  	v2 =	vsel vm11, $0x739, v2;
	v10 =	vsel vm0, $0x180C, v61;
	v6 =	vsel vm3, $0x63B, v6  }
0x24e: {  	v14 =	vsel vm1, $0x189D, v14;
	v2 =	vsel vm12, $0x749, v2;
	v10 =	vsel vm1, $0x189C, v10  }
0x24f: {  	v6 =	vsel vm4, $0x64B, v6;
	v14 =	vsel vm2, $0x192D, v14;
	v2 =	vsel vm13, $0x759, v2  }
0x250: {  	v10 =	vsel vm2, $0x192C, v10;
	v6 =	vsel vm5, $0x65B, v6;
	v14 =	vsel vm3, $0x19BD, v14  }
0x251: {  	v2 =	vsel vm14, $0x769, v2;
	v10 =	vsel vm3, $0x19BC, v10;
	v6 =	vsel vm6, $0x66B, v6  }
0x252: {  	v61 =	vsel vm4, $0x1A4D, v14;
	[tilespmem:$0x1F990] =	vst v2;
	v2 =	vsel vm5, $0x1ADA, v15;
	v10 =	vsel vm4, $0x1A4C, v10  }
0x253: {  	v6 =	vsel vm7, $0x67B, v6;
	v2 =	vsel vm6, $0x1B6A, v2;
	v10 =	vsel vm5, $0x1ADC, v10  }
0x254: {  	v6 =	vsel vm8, $0x70B, v6;
	v2 =	vsel vm7, $0x1BFA, v2;
	v10 =	vsel vm6, $0x1B6C, v10  }
0x255: {  	v6 =	vsel vm9, $0x71B, v6;
	v2 =	vsel vm8, $0x1C0A, v2;
	v10 =	vsel vm7, $0x1BFC, v10  }
0x256: {  	v6 =	vsel vm10, $0x72B, v6;
	v2 =	vsel vm9, $0x1C9A, v2;
	v10 =	vsel vm8, $0x1C0C, v10  }
0x257: {  	v6 =	vsel vm11, $0x73B, v6;
	v2 =	vsel vm10, $0x1D2A, v2;
	v10 =	vsel vm9, $0x1C9C, v10  }
0x258: {  	v6 =	vsel vm12, $0x74B, v6;
	v2 =	vsel vm11, $0x1DBA, v2;
	v10 =	vsel vm10, $0x1D2C, v10  }
0x259: {  	v6 =	vsel vm13, $0x75B, v6;
	v2 =	vsel vm12, $0x1E4A, v2;
	v10 =	vsel vm11, $0x1DBC, v10  }
0x25a: {  	v15 =	vsel vm14, $0x76B, v6;
	v2 =	vsel vm13, $0x1EDA, v2;
	v10 =	vsel vm12, $0x1E4C, v10  }
0x25b: {  	v2 =	vsel vm14, $0x1F6A, v2;
	v16 =	vsel vm13, $0x1EDC, v10;
	v10 =	vsel vm9, $0x71C, v18  }
0x25c: {  	v18 =	vsel vm0, $0x180F, v22;
	[tilespmem:$0x1F9A0] =	vst v2;
	v2 =	vsel vm14, $0x76A, v20;
	v20 =	vsel vm14, $0x1F6C, v16  }
0x25d: {  	v10 =	vsel vm10, $0x72C, v10;
	v18 =	vsel vm1, $0x189F, v18;
	[tilespmem:$0x1F9B0] =	vst v2;
	v2 =	vsel vm10, $0x1D2B, v29  }
0x25e: {  	[tilespmem:$0x1F9E0] =	vst v20;
	v29 =	vimm.s32 $0x77D;
	v10 =	vsel vm11, $0x73C, v10;
	v20 =	vimm.s32 $0x77E  }
0x25f: {  	v18 =	vsel vm2, $0x192F, v18;
	v2 =	vsel vm11, $0x1DBB, v2;
	v16 =	vsel vm0, $0x60D, v29  }
0x260: {  	v10 =	vsel vm12, $0x74C, v10;
	v18 =	vsel vm3, $0x19BF, v18;
	v2 =	vsel vm12, $0x1E4B, v2  }
0x261: {  	v16 =	vsel vm1, $0x61D, v16;
	v10 =	vsel vm13, $0x75C, v10;
	v18 =	vsel vm4, $0x1A4F, v18  }
0x262: {  	v2 =	vsel vm13, $0x1EDB, v2;
	v16 =	vsel vm2, $0x62D, v16;
	v38 =	vsel vm14, $0x76C, v10  }
0x263: {  	v10 =	vsel vm5, $0x1ADD, v61;
	v18 =	vsel vm5, $0x1ADF, v18;
	v2 =	vsel vm14, $0x1F6B, v2  }
0x264: {  	[tilespmem:$0x1F9F0] =	vst v38;
	v10 =	vsel vm6, $0x1B6D, v10;
	v38 =	vimm.s32 $0x77F;
	v18 =	vsel vm6, $0x1B6F, v18  }
0x265: {  	[tilespmem:$0x1F9C0] =	vst v2;
	v2 =	vsel vm3, $0x63D, v16;
	v16 =	vsel vm0, $0x180E, v3;
	v10 =	vsel vm7, $0x1BFD, v10  }
0x266: {  	v18 =	vsel vm7, $0x1BFF, v18;
	v14 =	vsel vm4, $0x64D, v2;
	v16 =	vsel vm1, $0x189E, v16  }
0x267: {  	v10 =	vsel vm8, $0x1C0D, v10;
	v18 =	vsel vm8, $0x1C0F, v18;
	v2 =	vsel vm8, $0x184, v55  }
0x268: {  	v14 =	vsel vm5, $0x65D, v14;
	v16 =	vsel vm2, $0x192E, v16;
	v10 =	vsel vm9, $0x1C9D, v10  }
0x269: {  	v18 =	vsel vm9, $0x1C9F, v18;
	v14 =	vsel vm6, $0x66D, v14;
	v16 =	vsel vm3, $0x19BE, v16  }
0x26a: {  	v10 =	vsel vm10, $0x1D2D, v10;
	v18 =	vsel vm10, $0x1D2F, v18;
	v14 =	vsel vm7, $0x67D, v14  }
0x26b: {  	v16 =	vsel vm4, $0x1A4E, v16;
	v10 =	vsel vm11, $0x1DBD, v10;
	v18 =	vsel vm11, $0x1DBF, v18  }
0x26c: {  	v14 =	vsel vm8, $0x70D, v14;
	v16 =	vsel vm5, $0x1ADE, v16;
	v10 =	vsel vm12, $0x1E4D, v10  }
0x26d: {  	v18 =	vsel vm12, $0x1E4F, v18;
	v14 =	vsel vm9, $0x71D, v14;
	v16 =	vsel vm6, $0x1B6E, v16  }
0x26e: {  	v10 =	vsel vm13, $0x1EDD, v10;
	v14 =	vsel vm10, $0x72D, v14;
	v16 =	vsel vm7, $0x1BFE, v16  }
0x26f: {  	v3 =	vsel vm13, $0x1EDF, v18;
	v14 =	vsel vm11, $0x73D, v14;
	v16 =	vsel vm8, $0x1C0E, v16  }
0x270: {  	v6 =	vsel vm14, $0x1F6D, v10;
	v14 =	vsel vm12, $0x74D, v14;
	v10 =	vsel vm9, $0x1C9E, v16  }
0x271: {  	v16 =	vsel vm0, $0x60E, v20;
	v20 =	vsel vm0, $0x60F, v38;
	v14 =	vsel vm13, $0x75D, v14  }
0x272: {  	v16 =	vsel vm1, $0x61E, v16;
	v20 =	vsel vm1, $0x61F, v20;
	v7 =	vsel vm14, $0x76D, v14  }
0x273: {  	v14 =	vsel vm10, $0x1D2E, v10;
	v16 =	vsel vm2, $0x62E, v16;
	v20 =	vsel vm2, $0x62F, v20  }
0x274: {  	v10 =	vsel vm8, $0x181, v63;
	v63 =	vsel vm8, $0x183, v47;
	v47 =	vsel vm8, $0x187, v43  }
0x275: {  	v14 =	vsel vm11, $0x1DBE, v14;
	v16 =	vsel vm3, $0x63E, v16;
	v20 =	vsel vm3, $0x63F, v20  }
0x276: {  	[tilespmem:$0x1FA10] =	vst v7;
	v7 =	vsel vm8, $0x180, v59;
	v22 =	vsel vm9, $0x191, v10;
	v59 =	vsel vm8, $0x182, v26  }
0x277: {  	v14 =	vsel vm12, $0x1E4E, v14;
	v16 =	vsel vm4, $0x64E, v16;
	v20 =	vsel vm4, $0x64F, v20  }
0x278: {  	v22 =	vsel vm10, $0x1A1, v22;
	v16 =	vsel vm5, $0x65E, v16;
	v20 =	vsel vm5, $0x65F, v20  }
0x279: {  	v14 =	vsel vm13, $0x1EDE, v14;
	v16 =	vsel vm6, $0x66E, v16;
	v20 =	vsel vm6, $0x66F, v20  }
0x27a: {  	v22 =	vsel vm11, $0x1B1, v22;
	v16 =	vsel vm7, $0x67E, v16;
	v20 =	vsel vm7, $0x67F, v20  }
0x27b: {  	[tilespmem:$0x1FA00] =	vst v6;
	v29 =	vsel vm14, $0x1F6E, v14;
	v16 =	vsel vm8, $0x70E, v16;
	v6 =	vsel vm8, $0x70F, v20  }
0x27c: {  	v20 =	vsel vm9, $0x190, v7;
	v16 =	vsel vm9, $0x71E, v16;
	v18 =	vsel vm9, $0x71F, v6  }
0x27d: {  	v20 =	vsel vm10, $0x1A0, v20;
	v16 =	vsel vm10, $0x72E, v16;
	v18 =	vsel vm10, $0x72F, v18  }
0x27e: {  	v20 =	vsel vm11, $0x1B0, v20;
	v16 =	vsel vm11, $0x73E, v16;
	v18 =	vsel vm11, $0x73F, v18  }
0x27f: {  	v20 =	vsel vm12, $0x1C0, v20;
	v16 =	vsel vm12, $0x74E, v16;
	v18 =	vsel vm12, $0x74F, v18  }
0x280: {  	[tilespmem:$0x1F9D0] =	vst v15;
	v15 =	vsel vm13, $0x1D0, v20;
	v20 =	vsel vm9, $0x193, v63;
	v63 =	vsel vm8, $0x188, v27  }
0x281: {  	[tilespmem:$0x1FA20] =	vst v29;
	v16 =	vsel vm13, $0x75E, v16;
	v18 =	vsel vm13, $0x75F, v18;
	v29 =	vsel vm14, $0x1E0, v15  }
0x282: {  	v20 =	vsel vm10, $0x1A3, v20;
	v15 =	vsel vm8, $0x185, v39;
	v61 =	vsel vm14, $0x76E, v16  }
0x283: {  	v14 =	vsel vm14, $0x76F, v18;
	v16 =	vsel vm12, $0x1C1, v22;
	v22 =	vsel vm9, $0x194, v2  }
0x284: {  	v20 =	vsel vm11, $0x1B3, v20;
	v26 =	vsel vm9, $0x195, v15;
	v2 =	vsel vm9, $0x198, v63  }
0x285: {  	v63 =	vsel vm8, $0x18F, v19;
	[tilespmem:$0x1FA30] =	vst v61;
	v38 =	vsel vm13, $0x1D1, v16;
	v61 =	vsel vm9, $0x192, v59  }
0x286: {  	[tilespmem:$0x1FA40] =	vst v14;
	v22 =	vsel vm10, $0x1A4, v22;
	v20 =	vsel vm12, $0x1C3, v20;
	v14 =	vsel vm14, $0x1E1, v38  }
0x287: {  	v18 =	vsel vm10, $0x1A2, v61;
	v22 =	vsel vm11, $0x1B4, v22;
	v6 =	vsel vm13, $0x1D3, v20  }
0x288: {  	v38 =	vsel vm8, $0x186, v35;
	v18 =	vsel vm11, $0x1B2, v18;
	v7 =	vsel vm12, $0x1C4, v22  }
0x289: {  	[tilespmem:$0x1FA50] =	vst v29;
	v29 =	vsel vm14, $0x1E3, v6;
	v20 =	vsel vm9, $0x196, v38;
	v22 =	vsel vm9, $0x197, v47  }
0x28a: {  	v6 =	vsel vm8, $0x189, v21;
	v38 =	vimm.s32 $0x3F0;
	v21 =	vsel vm14, $0x1EE, v0  }
0x28b: {  	v18 =	vsel vm12, $0x1C2, v18;
	v10 =	vsel vm13, $0x1D4, v7;
	v20 =	vsel vm10, $0x1A6, v20  }
0x28c: {  	v22 =	vsel vm10, $0x1A7, v22;
	v7 =	vsel vm8, $0x18A, v31;
	v43 =	vsel vm0, $0x280, v38  }
0x28d: {  	v38 =	vimm.s32 $0x3F3;
	v18 =	vsel vm13, $0x1D2, v18;
	v39 =	vsel vm14, $0x1E4, v10  }
0x28e: {  	v20 =	vsel vm11, $0x1B6, v20;
	v22 =	vsel vm11, $0x1B7, v22;
	v16 =	vsel vm14, $0x1E2, v18  }
0x28f: {  	v18 =	vsel vm10, $0x1A5, v26;
	v20 =	vsel vm12, $0x1C6, v20;
	v59 =	vsel vm12, $0x1C7, v22  }
0x290: {  	v26 =	vmovc v36;
	v22 =	vsel vm9, $0x19A, v7;
	v36 =	vsel vm13, $0x1DD, v8;
	v18 =	vsel vm11, $0x1B5, v18  }
0x291: {  	v55 =	vsel vm13, $0x1D6, v20;
	v61 =	vsel vm13, $0x1D7, v59;
	v20 =	vsel vm9, $0x199, v6  }
0x292: {  	v22 =	vsel vm10, $0x1AA, v22;
	v18 =	vsel vm12, $0x1C5, v18;
	v47 =	vsel vm14, $0x1E6, v55  }
0x293: {  	v27 =	vsel vm14, $0x1E7, v61;
	v20 =	vsel vm10, $0x1A9, v20;
	v22 =	vsel vm11, $0x1BA, v22  }
0x294: {  	v55 =	vimm.s32 $0x3F1;
	v18 =	vsel vm13, $0x1D5, v18;
	v20 =	vsel vm11, $0x1B9, v20  }
0x295: {  	v15 =	vsel vm12, $0x1CA, v22;
	v35 =	vsel vm14, $0x1E5, v18;
	v18 =	vsel vm10, $0x1A8, v2  }
0x296: {  	v8 =	vsel vm0, $0x281, v55;
	v20 =	vsel vm12, $0x1C9, v20;
	v18 =	vsel vm11, $0x1B8, v18  }
0x297: {  	v31 =	vsel vm13, $0x1DA, v15;
	v8 =	vsel vm1, $0x291, v8;
	v18 =	vsel vm12, $0x1C8, v18  }
0x298: {  	v10 =	vsel vm13, $0x1D9, v20;
	v8 =	vsel vm2, $0x2A1, v8;
	v18 =	vsel vm13, $0x1D8, v18  }
0x299: {  	v7 =	vsel vm14, $0x1E8, v18;
	v18 =	vsel vm14, $0x1EC, v4;
	v4 =	vsel vm1, $0x290, v43  }
0x29a: {  	v15 =	vsel vm14, $0x1EA, v31;
	v8 =	vsel vm3, $0x2B1, v8;
	v4 =	vsel vm2, $0x2A0, v4  }
0x29b: {  	v20 =	vsel vm14, $0x1ED, v36;
	v8 =	vsel vm4, $0x2C1, v8;
	v4 =	vsel vm3, $0x2B0, v4  }
0x29c: {  	v8 =	vsel vm5, $0x2D1, v8;
	v43 =	vimm.s32 $0x3F4;
	v4 =	vsel vm4, $0x2C0, v4  }
0x29d: {  	v61 =	vsel vm6, $0x2E1, v8;
	v8 =	vsel vm9, $0x19F, v63;
	v4 =	vsel vm5, $0x2D0, v4  }
0x29e: {  	v63 =	vimm.s32 $0x3F7;
	v8 =	vsel vm10, $0x1AF, v8;
	v4 =	vsel vm6, $0x2E0, v4  }
0x29f: {  	v8 =	vsel vm11, $0x1BF, v8;
	v59 =	vsel vm7, $0x2F0, v4;
	v4 =	vsel vm7, $0x2F1, v61  }
0x2a0: {  	v8 =	vsel vm12, $0x1CF, v8;
	v0 =	vsel vm8, $0x380, v59;
	v4 =	vsel vm8, $0x381, v4  }
0x2a1: {  	v8 =	vsel vm13, $0x1DF, v8;
	v0 =	vsel vm9, $0x390, v0;
	v4 =	vsel vm9, $0x391, v4  }
0x2a2: {  	v22 =	vsel vm14, $0x1EF, v8;
	v0 =	vsel vm10, $0x3A0, v0;
	v4 =	vsel vm10, $0x3A1, v4  }
0x2a3: {  	v8 =	vimm.s32 $0x3F2;
	v0 =	vsel vm11, $0x3B0, v0;
	v4 =	vsel vm11, $0x3B1, v4  }
0x2a4: {  	v61 =	vimm.s32 $0x3F6;
	v0 =	vsel vm12, $0x3C0, v0;
	v4 =	vsel vm12, $0x3C1, v4  }
0x2a5: {  	v59 =	vimm.s32 $0x3F5;
	v0 =	vsel vm13, $0x3D0, v0;
	v6 =	vsel vm13, $0x3D1, v4  }
0x2a6: {  	v4 =	vsel vm0, $0x283, v38;
	v31 =	vsel vm14, $0x3E0, v0;
	v36 =	vsel vm14, $0x3E1, v6  }
0x2a7: {  	v0 =	vsel vm0, $0x282, v8;
	v4 =	vsel vm1, $0x293, v4;
	v8 =	vsel vm0, $0x284, v43  }
0x2a8: {  	v0 =	vsel vm1, $0x292, v0;
	v4 =	vsel vm2, $0x2A3, v4;
	v8 =	vsel vm1, $0x294, v8  }
0x2a9: {  	v0 =	vsel vm2, $0x2A2, v0;
	v4 =	vsel vm3, $0x2B3, v4;
	v8 =	vsel vm2, $0x2A4, v8  }
0x2aa: {  	v0 =	vsel vm3, $0x2B2, v0;
	v4 =	vsel vm4, $0x2C3, v4;
	v8 =	vsel vm3, $0x2B4, v8  }
0x2ab: {  	v0 =	vsel vm4, $0x2C2, v0;
	v4 =	vsel vm5, $0x2D3, v4;
	v8 =	vsel vm4, $0x2C4, v8  }
0x2ac: {  	v0 =	vsel vm5, $0x2D2, v0;
	v4 =	vsel vm6, $0x2E3, v4;
	v8 =	vsel vm5, $0x2D4, v8  }
0x2ad: {  	v0 =	vsel vm6, $0x2E2, v0;
	v4 =	vsel vm7, $0x2F3, v4;
	v8 =	vsel vm6, $0x2E4, v8  }
0x2ae: {  	v0 =	vsel vm7, $0x2F2, v0;
	v4 =	vsel vm8, $0x383, v4;
	v8 =	vsel vm7, $0x2F4, v8  }
0x2af: {  	v0 =	vsel vm8, $0x382, v0;
	v4 =	vsel vm9, $0x393, v4;
	v8 =	vsel vm8, $0x384, v8  }
0x2b0: {  	v0 =	vsel vm9, $0x392, v0;
	v4 =	vsel vm10, $0x3A3, v4;
	v8 =	vsel vm9, $0x394, v8  }
0x2b1: {  	v0 =	vsel vm10, $0x3A2, v0;
	v4 =	vsel vm11, $0x3B3, v4;
	v8 =	vsel vm10, $0x3A4, v8  }
0x2b2: {  	v0 =	vsel vm11, $0x3B2, v0;
	v4 =	vsel vm12, $0x3C3, v4;
	v8 =	vsel vm11, $0x3B4, v8  }
0x2b3: {  	v0 =	vsel vm12, $0x3C2, v0;
	v4 =	vsel vm13, $0x3D3, v4;
	v8 =	vsel vm12, $0x3C4, v8  }
0x2b4: {  	v0 =	vsel vm13, $0x3D2, v0;
	v2 =	vsel vm14, $0x3E3, v4;
	v55 =	vsel vm13, $0x3D4, v8  }
0x2b5: {  	v4 =	vsel vm0, $0x286, v61;
	v8 =	vsel vm0, $0x287, v63;
	v61 =	vimm.s32 $0x3F8  }
0x2b6: {  	v38 =	vsel vm14, $0x3E2, v0;
	v43 =	vsel vm14, $0x3E4, v55;
	v0 =	vsel vm0, $0x285, v59  }
0x2b7: {  	v4 =	vsel vm1, $0x296, v4;
	v8 =	vsel vm1, $0x297, v8;
	v0 =	vsel vm1, $0x295, v0  }
0x2b8: {  	v4 =	vsel vm2, $0x2A6, v4;
	v8 =	vsel vm2, $0x2A7, v8;
	v0 =	vsel vm2, $0x2A5, v0  }
0x2b9: {  	v4 =	vsel vm3, $0x2B6, v4;
	v8 =	vsel vm3, $0x2B7, v8;
	v0 =	vsel vm3, $0x2B5, v0  }
0x2ba: {  	v4 =	vsel vm4, $0x2C6, v4;
	v8 =	vsel vm4, $0x2C7, v8;
	v0 =	vsel vm4, $0x2C5, v0  }
0x2bb: {  	v4 =	vsel vm5, $0x2D6, v4;
	v8 =	vsel vm5, $0x2D7, v8;
	v0 =	vsel vm5, $0x2D5, v0  }
0x2bc: {  	v4 =	vsel vm6, $0x2E6, v4;
	v8 =	vsel vm6, $0x2E7, v8;
	v0 =	vsel vm6, $0x2E5, v0  }
0x2bd: {  	v4 =	vsel vm7, $0x2F6, v4;
	v8 =	vsel vm7, $0x2F7, v8;
	v0 =	vsel vm7, $0x2F5, v0  }
0x2be: {  	v4 =	vsel vm8, $0x386, v4;
	v8 =	vsel vm8, $0x387, v8;
	v0 =	vsel vm8, $0x385, v0  }
0x2bf: {  	v4 =	vsel vm9, $0x396, v4;
	v8 =	vsel vm9, $0x397, v8;
	v0 =	vsel vm9, $0x395, v0  }
0x2c0: {  	v4 =	vsel vm10, $0x3A6, v4;
	v8 =	vsel vm10, $0x3A7, v8;
	v0 =	vsel vm10, $0x3A5, v0  }
0x2c1: {  	v4 =	vsel vm11, $0x3B6, v4;
	v8 =	vsel vm11, $0x3B7, v8;
	v0 =	vsel vm11, $0x3B5, v0  }
0x2c2: {  	v4 =	vsel vm12, $0x3C6, v4;
	v8 =	vsel vm12, $0x3C7, v8;
	v0 =	vsel vm12, $0x3C5, v0  }
0x2c3: {  	v4 =	vsel vm13, $0x3D6, v4;
	v8 =	vsel vm13, $0x3D7, v8;
	v0 =	vsel vm13, $0x3D5, v0  }
0x2c4: {  	v59 =	vsel vm14, $0x3E6, v4;
	v63 =	vsel vm14, $0x3E7, v8;
	v8 =	vimm.s32 $0x3F9  }
0x2c5: {  	v55 =	vsel vm14, $0x3E5, v0;
	v0 =	vsel vm0, $0x288, v61;
	v61 =	vimm.s32 $0x3FA  }
0x2c6: {  	v4 =	vsel vm0, $0x289, v8;
	v0 =	vsel vm1, $0x298, v0;
	v8 =	vsel vm0, $0x28A, v61  }
0x2c7: {  	v4 =	vsel vm1, $0x299, v4;
	v0 =	vsel vm2, $0x2A8, v0;
	v8 =	vsel vm1, $0x29A, v8  }
0x2c8: {  	v4 =	vsel vm2, $0x2A9, v4;
	v0 =	vsel vm3, $0x2B8, v0;
	v8 =	vsel vm2, $0x2AA, v8  }
0x2c9: {  	v4 =	vsel vm3, $0x2B9, v4;
	v0 =	vsel vm4, $0x2C8, v0;
	v8 =	vsel vm3, $0x2BA, v8  }
0x2ca: {  	v4 =	vsel vm4, $0x2C9, v4;
	v0 =	vsel vm5, $0x2D8, v0;
	v8 =	vsel vm4, $0x2CA, v8  }
0x2cb: {  	v4 =	vsel vm5, $0x2D9, v4;
	v0 =	vsel vm6, $0x2E8, v0;
	v8 =	vsel vm5, $0x2DA, v8  }
0x2cc: {  	v4 =	vsel vm6, $0x2E9, v4;
	v0 =	vsel vm7, $0x2F8, v0;
	v8 =	vsel vm6, $0x2EA, v8  }
0x2cd: {  	v4 =	vsel vm7, $0x2F9, v4;
	v0 =	vsel vm8, $0x388, v0;
	v8 =	vsel vm7, $0x2FA, v8  }
0x2ce: {  	v4 =	vsel vm8, $0x389, v4;
	v0 =	vsel vm9, $0x398, v0;
	v8 =	vsel vm8, $0x38A, v8  }
0x2cf: {  	v4 =	vsel vm9, $0x399, v4;
	v0 =	vsel vm10, $0x3A8, v0;
	v8 =	vsel vm9, $0x39A, v8  }
0x2d0: {  	v4 =	vsel vm10, $0x3A9, v4;
	v0 =	vsel vm11, $0x3B8, v0;
	v8 =	vsel vm10, $0x3AA, v8  }
0x2d1: {  	v4 =	vsel vm11, $0x3B9, v4;
	v0 =	vsel vm12, $0x3C8, v0;
	v8 =	vsel vm11, $0x3BA, v8  }
0x2d2: {  	v4 =	vsel vm12, $0x3C9, v4;
	v0 =	vsel vm13, $0x3D8, v0;
	v8 =	vsel vm12, $0x3CA, v8  }
0x2d3: {  	v4 =	vsel vm13, $0x3D9, v4;
	v0 =	vsel vm14, $0x3E8, v0;
	v8 =	vsel vm13, $0x3DA, v8  }
0x2d4: {  	v61 =	vimm.s32 $0x3FB;
	v6 =	vsel vm14, $0x3E9, v4;
	[tilespmem:$0x1FA70] =	vst v0;
	v0 =	vsel vm14, $0x3EA, v8  }
0x2d5: {  	v8 =	vimm.s32 $0x3FC;
	[tilespmem:$0x1FA90] =	vst v0;
	v0 =	vsel vm0, $0x28B, v61;
	v61 =	vimm.s32 $0x3FD  }
0x2d6: {  	v4 =	vsel vm0, $0x28C, v8;
	v0 =	vsel vm1, $0x29B, v0;
	v8 =	vsel vm0, $0x28D, v61  }
0x2d7: {  	v4 =	vsel vm1, $0x29C, v4;
	v0 =	vsel vm2, $0x2AB, v0;
	v8 =	vsel vm1, $0x29D, v8  }
0x2d8: {  	v4 =	vsel vm2, $0x2AC, v4;
	v0 =	vsel vm3, $0x2BB, v0;
	v8 =	vsel vm2, $0x2AD, v8  }
0x2d9: {  	v4 =	vsel vm3, $0x2BC, v4;
	v0 =	vsel vm4, $0x2CB, v0;
	v8 =	vsel vm3, $0x2BD, v8  }
0x2da: {  	v4 =	vsel vm4, $0x2CC, v4;
	v0 =	vsel vm5, $0x2DB, v0;
	v8 =	vsel vm4, $0x2CD, v8  }
0x2db: {  	v4 =	vsel vm5, $0x2DC, v4;
	v0 =	vsel vm6, $0x2EB, v0;
	v8 =	vsel vm5, $0x2DD, v8  }
0x2dc: {  	v4 =	vsel vm6, $0x2EC, v4;
	v0 =	vsel vm7, $0x2FB, v0;
	v8 =	vsel vm6, $0x2ED, v8  }
0x2dd: {  	v4 =	vsel vm7, $0x2FC, v4;
	v0 =	vsel vm8, $0x38B, v0;
	v8 =	vsel vm7, $0x2FD, v8  }
0x2de: {  	v4 =	vsel vm8, $0x38C, v4;
	v0 =	vsel vm9, $0x39B, v0;
	v8 =	vsel vm8, $0x38D, v8  }
0x2df: {  	v4 =	vsel vm9, $0x39C, v4;
	v0 =	vsel vm10, $0x3AB, v0;
	v8 =	vsel vm9, $0x39D, v8  }
0x2e0: {  	v4 =	vsel vm10, $0x3AC, v4;
	v0 =	vsel vm11, $0x3BB, v0;
	v8 =	vsel vm10, $0x3AD, v8  }
0x2e1: {  	v4 =	vsel vm11, $0x3BC, v4;
	v0 =	vsel vm12, $0x3CB, v0;
	v8 =	vsel vm11, $0x3BD, v8  }
0x2e2: {  	v4 =	vsel vm12, $0x3CC, v4;
	v0 =	vsel vm13, $0x3DB, v0;
	v8 =	vsel vm12, $0x3CD, v8  }
0x2e3: {  	[tilespmem:$0x1FA80] =	vst v6;
	v4 =	vsel vm13, $0x3DC, v4;
	v0 =	vsel vm14, $0x3EB, v0;
	v8 =	vsel vm13, $0x3DD, v8  }
0x2e4: {  	v61 =	vimm.s32 $0x3FE;
	v6 =	vsel vm14, $0x3EC, v4;
	[tilespmem:$0x1FAA0] =	vst v0;
	v0 =	vsel vm14, $0x3ED, v8  }
0x2e5: {  	v8 =	vimm.s32 $0x3FF;
	[tilespmem:$0x1FAC0] =	vst v0;
	v0 =	vsel vm0, $0x28E, v61;
	v61 =	vimm.s32 $0x5F0  }
0x2e6: {  	v4 =	vsel vm0, $0x28F, v8;
	v0 =	vsel vm1, $0x29E, v0;
	v8 =	vsel vm0, $0x480, v61  }
0x2e7: {  	v4 =	vsel vm1, $0x29F, v4;
	v0 =	vsel vm2, $0x2AE, v0;
	v8 =	vsel vm1, $0x490, v8  }
0x2e8: {  	v4 =	vsel vm2, $0x2AF, v4;
	v0 =	vsel vm3, $0x2BE, v0;
	v8 =	vsel vm2, $0x4A0, v8  }
0x2e9: {  	v4 =	vsel vm3, $0x2BF, v4;
	v0 =	vsel vm4, $0x2CE, v0;
	v8 =	vsel vm3, $0x4B0, v8  }
0x2ea: {  	v4 =	vsel vm4, $0x2CF, v4;
	v0 =	vsel vm5, $0x2DE, v0;
	v8 =	vsel vm4, $0x4C0, v8  }
0x2eb: {  	v4 =	vsel vm5, $0x2DF, v4;
	v0 =	vsel vm6, $0x2EE, v0;
	v8 =	vsel vm5, $0x4D0, v8  }
0x2ec: {  	v4 =	vsel vm6, $0x2EF, v4;
	v0 =	vsel vm7, $0x2FE, v0;
	v8 =	vsel vm6, $0x4E0, v8  }
0x2ed: {  	v4 =	vsel vm7, $0x2FF, v4;
	v0 =	vsel vm8, $0x38E, v0;
	v8 =	vsel vm7, $0x4F0, v8  }
0x2ee: {  	v4 =	vsel vm8, $0x38F, v4;
	v0 =	vsel vm9, $0x39E, v0;
	v8 =	vsel vm8, $0x580, v8  }
0x2ef: {  	v4 =	vsel vm9, $0x39F, v4;
	v0 =	vsel vm10, $0x3AE, v0;
	v8 =	vsel vm9, $0x590, v8  }
0x2f0: {  	v4 =	vsel vm10, $0x3AF, v4;
	v0 =	vsel vm11, $0x3BE, v0;
	v8 =	vsel vm10, $0x5A0, v8  }
0x2f1: {  	v4 =	vsel vm11, $0x3BF, v4;
	v0 =	vsel vm12, $0x3CE, v0;
	v8 =	vsel vm11, $0x5B0, v8  }
0x2f2: {  	v4 =	vsel vm12, $0x3CF, v4;
	v0 =	vsel vm13, $0x3DE, v0;
	v8 =	vsel vm12, $0x5C0, v8  }
0x2f3: {  	[tilespmem:$0x1FAB0] =	vst v6;
	v4 =	vsel vm13, $0x3DF, v4;
	v0 =	vsel vm14, $0x3EE, v0;
	v8 =	vsel vm13, $0x5D0, v8  }
0x2f4: {  	v61 =	vimm.s32 $0x5F1;
	v6 =	vsel vm14, $0x3EF, v4;
	[tilespmem:$0x1FAD0] =	vst v0;
	v0 =	vsel vm14, $0x5E0, v8  }
0x2f5: {  	v8 =	vimm.s32 $0x5F2;
	[tilespmem:$0x1FAF0] =	vst v0;
	v0 =	vsel vm0, $0x481, v61;
	v61 =	vimm.s32 $0x5F3  }
0x2f6: {  	v4 =	vsel vm0, $0x482, v8;
	v0 =	vsel vm1, $0x491, v0;
	v8 =	vsel vm0, $0x483, v61  }
0x2f7: {  	v4 =	vsel vm1, $0x492, v4;
	v0 =	vsel vm2, $0x4A1, v0;
	v8 =	vsel vm1, $0x493, v8  }
0x2f8: {  	v4 =	vsel vm2, $0x4A2, v4;
	v0 =	vsel vm3, $0x4B1, v0;
	v8 =	vsel vm2, $0x4A3, v8  }
0x2f9: {  	v4 =	vsel vm3, $0x4B2, v4;
	v0 =	vsel vm4, $0x4C1, v0;
	v8 =	vsel vm3, $0x4B3, v8  }
0x2fa: {  	v4 =	vsel vm4, $0x4C2, v4;
	v0 =	vsel vm5, $0x4D1, v0;
	v8 =	vsel vm4, $0x4C3, v8  }
0x2fb: {  	v4 =	vsel vm5, $0x4D2, v4;
	v0 =	vsel vm6, $0x4E1, v0;
	v8 =	vsel vm5, $0x4D3, v8  }
0x2fc: {  	v4 =	vsel vm6, $0x4E2, v4;
	v0 =	vsel vm7, $0x4F1, v0;
	v8 =	vsel vm6, $0x4E3, v8  }
0x2fd: {  	v4 =	vsel vm7, $0x4F2, v4;
	v0 =	vsel vm8, $0x581, v0;
	v8 =	vsel vm7, $0x4F3, v8  }
0x2fe: {  	v4 =	vsel vm8, $0x582, v4;
	v0 =	vsel vm9, $0x591, v0;
	v8 =	vsel vm8, $0x583, v8  }
0x2ff: {  	v4 =	vsel vm9, $0x592, v4;
	v0 =	vsel vm10, $0x5A1, v0;
	v8 =	vsel vm9, $0x593, v8  }
0x300: {  	v4 =	vsel vm10, $0x5A2, v4;
	v0 =	vsel vm11, $0x5B1, v0;
	v8 =	vsel vm10, $0x5A3, v8  }
0x301: {  	v4 =	vsel vm11, $0x5B2, v4;
	v0 =	vsel vm12, $0x5C1, v0;
	v8 =	vsel vm11, $0x5B3, v8  }
0x302: {  	v4 =	vsel vm12, $0x5C2, v4;
	v0 =	vsel vm13, $0x5D1, v0;
	v8 =	vsel vm12, $0x5C3, v8  }
0x303: {  	[tilespmem:$0x1FAE0] =	vst v6;
	v4 =	vsel vm13, $0x5D2, v4;
	v0 =	vsel vm14, $0x5E1, v0;
	v8 =	vsel vm13, $0x5D3, v8  }
0x304: {  	v61 =	vimm.s32 $0x5F4;
	v6 =	vsel vm14, $0x5E2, v4;
	[tilespmem:$0x1FB00] =	vst v0;
	v0 =	vsel vm14, $0x5E3, v8  }
0x305: {  	v8 =	vimm.s32 $0x5F5;
	[tilespmem:$0x1FB20] =	vst v0;
	v0 =	vsel vm0, $0x484, v61;
	v61 =	vimm.s32 $0x5F6  }
0x306: {  	v4 =	vsel vm0, $0x485, v8;
	v0 =	vsel vm1, $0x494, v0;
	v8 =	vsel vm0, $0x486, v61  }
0x307: {  	v4 =	vsel vm1, $0x495, v4;
	v0 =	vsel vm2, $0x4A4, v0;
	v8 =	vsel vm1, $0x496, v8  }
0x308: {  	v4 =	vsel vm2, $0x4A5, v4;
	v0 =	vsel vm3, $0x4B4, v0;
	v8 =	vsel vm2, $0x4A6, v8  }
0x309: {  	v4 =	vsel vm3, $0x4B5, v4;
	v0 =	vsel vm4, $0x4C4, v0;
	v8 =	vsel vm3, $0x4B6, v8  }
0x30a: {  	v4 =	vsel vm4, $0x4C5, v4;
	v0 =	vsel vm5, $0x4D4, v0;
	v8 =	vsel vm4, $0x4C6, v8  }
0x30b: {  	v4 =	vsel vm5, $0x4D5, v4;
	v0 =	vsel vm6, $0x4E4, v0;
	v8 =	vsel vm5, $0x4D6, v8  }
0x30c: {  	v4 =	vsel vm6, $0x4E5, v4;
	v0 =	vsel vm7, $0x4F4, v0;
	v8 =	vsel vm6, $0x4E6, v8  }
0x30d: {  	v4 =	vsel vm7, $0x4F5, v4;
	v0 =	vsel vm8, $0x584, v0;
	v8 =	vsel vm7, $0x4F6, v8  }
0x30e: {  	v4 =	vsel vm8, $0x585, v4;
	v0 =	vsel vm9, $0x594, v0;
	v8 =	vsel vm8, $0x586, v8  }
0x30f: {  	v4 =	vsel vm9, $0x595, v4;
	v0 =	vsel vm10, $0x5A4, v0;
	v8 =	vsel vm9, $0x596, v8  }
0x310: {  	v4 =	vsel vm10, $0x5A5, v4;
	v0 =	vsel vm11, $0x5B4, v0;
	v8 =	vsel vm10, $0x5A6, v8  }
0x311: {  	v4 =	vsel vm11, $0x5B5, v4;
	v0 =	vsel vm12, $0x5C4, v0;
	v8 =	vsel vm11, $0x5B6, v8  }
0x312: {  	v4 =	vsel vm12, $0x5C5, v4;
	v0 =	vsel vm13, $0x5D4, v0;
	v8 =	vsel vm12, $0x5C6, v8  }
0x313: {  	[tilespmem:$0x1FB10] =	vst v6;
	v4 =	vsel vm13, $0x5D5, v4;
	v0 =	vsel vm14, $0x5E4, v0;
	v8 =	vsel vm13, $0x5D6, v8  }
0x314: {  	v61 =	vimm.s32 $0x5F7;
	v6 =	vsel vm14, $0x5E5, v4;
	[tilespmem:$0x1FB30] =	vst v0;
	v0 =	vsel vm14, $0x5E6, v8  }
0x315: {  	v8 =	vimm.s32 $0x5F8;
	[tilespmem:$0x1FB50] =	vst v0;
	v0 =	vsel vm0, $0x487, v61;
	v61 =	vimm.s32 $0x5F9  }
0x316: {  	v4 =	vsel vm0, $0x488, v8;
	v0 =	vsel vm1, $0x497, v0;
	v8 =	vsel vm0, $0x489, v61  }
0x317: {  	v0 =	vsel vm2, $0x4A7, v0;
	v8 =	vsel vm1, $0x499, v8  }
0x318: {  	v4 =	vsel vm1, $0x498, v4;
	v0 =	vsel vm3, $0x4B7, v0;
	v8 =	vsel vm2, $0x4A9, v8  }
0x319: {  	v4 =	vsel vm2, $0x4A8, v4;
	v0 =	vsel vm4, $0x4C7, v0;
	v8 =	vsel vm3, $0x4B9, v8  }
0x31a: {  	v4 =	vsel vm3, $0x4B8, v4;
	v0 =	vsel vm5, $0x4D7, v0;
	v8 =	vsel vm4, $0x4C9, v8  }
0x31b: {  	v4 =	vsel vm4, $0x4C8, v4;
	v0 =	vsel vm6, $0x4E7, v0;
	v8 =	vsel vm5, $0x4D9, v8  }
0x31c: {  	v4 =	vsel vm5, $0x4D8, v4;
	v0 =	vsel vm7, $0x4F7, v0;
	v8 =	vsel vm6, $0x4E9, v8  }
0x31d: {  	v4 =	vsel vm6, $0x4E8, v4;
	v0 =	vsel vm8, $0x587, v0;
	v8 =	vsel vm7, $0x4F9, v8  }
0x31e: {  	v4 =	vsel vm7, $0x4F8, v4;
	v0 =	vsel vm9, $0x597, v0;
	v8 =	vsel vm8, $0x589, v8  }
0x31f: {  	v4 =	vsel vm8, $0x588, v4;
	v0 =	vsel vm10, $0x5A7, v0;
	v8 =	vsel vm9, $0x599, v8  }
0x320: {  	v4 =	vsel vm9, $0x598, v4;
	v0 =	vsel vm11, $0x5B7, v0;
	v8 =	vsel vm10, $0x5A9, v8  }
0x321: {  	v4 =	vsel vm10, $0x5A8, v4;
	v0 =	vsel vm12, $0x5C7, v0;
	v8 =	vsel vm11, $0x5B9, v8  }
0x322: {  	v4 =	vsel vm11, $0x5B8, v4;
	v0 =	vsel vm13, $0x5D7, v0;
	v8 =	vsel vm12, $0x5C9, v8  }
0x323: {  	[tilespmem:$0x1FB40] =	vst v6;
	v4 =	vsel vm12, $0x5C8, v4;
	v0 =	vsel vm14, $0x5E7, v0;
	v8 =	vsel vm13, $0x5D9, v8  }
0x324: {  	v61 =	vimm.s32 $0x5FA;
	v4 =	vsel vm13, $0x5D8, v4;
	[tilespmem:$0x1FB60] =	vst v0;
	v0 =	vsel vm14, $0x5E9, v8  }
0x325: {  	v6 =	vsel vm14, $0x5E8, v4;
	v8 =	vimm.s32 $0x5FB;
	[tilespmem:$0x1FB80] =	vst v0;
	v0 =	vsel vm0, $0x48A, v61  }
0x326: {  	v4 =	vsel vm0, $0x48B, v8;
	v61 =	vimm.s32 $0x5FC;
	v0 =	vsel vm1, $0x49A, v0  }
0x327: {  	v4 =	vsel vm1, $0x49B, v4;
	v8 =	vsel vm0, $0x48C, v61;
	v0 =	vsel vm2, $0x4AA, v0  }
0x328: {  	v4 =	vsel vm2, $0x4AB, v4;
	v8 =	vsel vm1, $0x49C, v8;
	v0 =	vsel vm3, $0x4BA, v0  }
0x329: {  	v4 =	vsel vm3, $0x4BB, v4;
	v8 =	vsel vm2, $0x4AC, v8;
	v0 =	vsel vm4, $0x4CA, v0  }
0x32a: {  	v4 =	vsel vm4, $0x4CB, v4;
	v8 =	vsel vm3, $0x4BC, v8;
	v0 =	vsel vm5, $0x4DA, v0  }
0x32b: {  	v4 =	vsel vm5, $0x4DB, v4;
	v8 =	vsel vm4, $0x4CC, v8;
	v0 =	vsel vm6, $0x4EA, v0  }
0x32c: {  	v4 =	vsel vm6, $0x4EB, v4;
	v8 =	vsel vm5, $0x4DC, v8;
	v0 =	vsel vm7, $0x4FA, v0  }
0x32d: {  	v4 =	vsel vm7, $0x4FB, v4;
	v8 =	vsel vm6, $0x4EC, v8;
	v0 =	vsel vm8, $0x58A, v0  }
0x32e: {  	v4 =	vsel vm8, $0x58B, v4;
	v8 =	vsel vm7, $0x4FC, v8;
	v0 =	vsel vm9, $0x59A, v0  }
0x32f: {  	v4 =	vsel vm9, $0x59B, v4;
	v8 =	vsel vm8, $0x58C, v8;
	v0 =	vsel vm10, $0x5AA, v0  }
0x330: {  	v4 =	vsel vm10, $0x5AB, v4;
	v8 =	vsel vm9, $0x59C, v8;
	v0 =	vsel vm11, $0x5BA, v0  }
0x331: {  	v4 =	vsel vm11, $0x5BB, v4;
	v8 =	vsel vm10, $0x5AC, v8;
	v0 =	vsel vm12, $0x5CA, v0  }
0x332: {  	v4 =	vsel vm12, $0x5CB, v4;
	v8 =	vsel vm11, $0x5BC, v8;
	v0 =	vsel vm13, $0x5DA, v0  }
0x333: {  	[tilespmem:$0x1FB70] =	vst v6;
	v4 =	vsel vm13, $0x5DB, v4;
	v8 =	vsel vm12, $0x5CC, v8;
	v0 =	vsel vm14, $0x5EA, v0  }
0x334: {  	s5 =	rddreg [dreg:$0x0];
	v6 =	vsel vm14, $0x5EB, v4;
	v8 =	vsel vm13, $0x5DC, v8;
	[tilespmem:$0x1FB90] =	vst v0  }
0x335: {  	s6 =	rddreg [dreg:$0x1];
	s1 =	simm.s32 $0x0;
	[tilespmem:$0x1FBA0] =	vst v6;
	v0 =	vsel vm14, $0x5EC, v8  }
0x336: {  	[smem:$0x7FF] =	sst s1;
	[tilespmem:$0x1FBB0] =	vst v0  }
0x337: {  	s0 =	rddreg [dreg:$0x2];
	v19 =	vld [tilespmem:$0x1FA60];
	_ =	strace $0x8000004D;
	[tilespmem:$0x1FC60] =	vst v60  }
0x338: {  	[tilespmem:$0x1FC70] =	vst v62  }
0x339: {  	[tilespmem:$0x1FC80] =	vst v51  }
0x33a: {  	[tilespmem:$0x1FC90] =	vst v58  }
0x33b: {  	[tilespmem:$0x1FCA0] =	vst v26  }
0x33c: {  	[tilespmem:$0x1FCB0] =	vst v24  }
0x33d: {  	[tilespmem:$0x1FCC0] =	vst v41  }
0x33e: {  	[tilespmem:$0x1FCD0] =	vst v46  }
0x33f: {  	[tilespmem:$0x1FCE0] =	vst v32  }
0x340: {  	v3 =	vsel vm14, $0x1F6F, v3;
	[tilespmem:$0x1FCF0] =	vst v34  }
0x341: {  	[tilespmem:$0x1FD00] =	vst v3  }
0x342: {  	[tilespmem:$0x1FD10] =	vst v14  }
0x343: {  	[tilespmem:$0x1FD20] =	vst v16  }
0x344: {  	[tilespmem:$0x1FD30] =	vst v29  }
0x345: {  	v12 =	vsel vm8, $0x18B, v12;
	[tilespmem:$0x1FD40] =	vst v39  }
0x346: {  	v12 =	vsel vm9, $0x19B, v12;
	[tilespmem:$0x1FD50] =	vst v35  }
0x347: {  	v12 =	vsel vm10, $0x1AB, v12;
	[tilespmem:$0x1FD60] =	vst v47  }
0x348: {  	v12 =	vsel vm11, $0x1BB, v12;
	[tilespmem:$0x1FD70] =	vst v27  }
0x349: {  	v12 =	vsel vm12, $0x1CB, v12;
	v10 =	vsel vm14, $0x1E9, v10;
	[tilespmem:$0x1FD80] =	vst v7  }
0x34a: {  	v12 =	vsel vm13, $0x1DB, v12;
	[tilespmem:$0x1FD90] =	vst v10  }
0x34b: {  	v12 =	vsel vm14, $0x1EB, v12;
	[tilespmem:$0x1FDA0] =	vst v15  }
0x34c: {  	[tilespmem:$0x1FDB0] =	vst v12  }
0x34d: {  	[tilespmem:$0x1FDC0] =	vst v18  }
0x34e: {  	[tilespmem:$0x1FDD0] =	vst v20  }
0x34f: {  	[tilespmem:$0x1FDE0] =	vst v21  }
0x350: {  	[tilespmem:$0x1FDF0] =	vst v22  }
0x351: {  	[tilespmem:$0x1FE00] =	vst v31  }
0x352: {  	[tilespmem:$0x1FE10] =	vst v36  }
0x353: {  	[tilespmem:$0x1FE20] =	vst v38  }
0x354: {  	[tilespmem:$0x1FE30] =	vst v2  }
0x355: {  	[tilespmem:$0x1FE40] =	vst v43  }
0x356: {  	[tilespmem:$0x1FE50] =	vst v55  }
0x357: {  	[tilespmem:$0x1FE60] =	vst v59  }
0x358: {  	[tilespmem:$0x1FE70] =	vst v63  }
0x359: {  	[tilespmem:$0x1FE80] =	vst v28  }
0x35a: {  	[tilespmem:$0x1FE90] =	vst v33  }
0x35b: {  	[tilespmem:$0x1FEA0] =	vst v49  }
0x35c: {  	[tilespmem:$0x1FEB0] =	vst v57  }
0x35d: {  	[tilespmem:$0x1FEC0] =	vst v56  }
0x35e: {  	[tilespmem:$0x1FED0] =	vst v13  }
0x35f: {  	[tilespmem:$0x1FEE0] =	vst v30  }
0x360: {  	[tilespmem:$0x1FEF0] =	vst v42  }
0x361: {  	v61 =	vimm.s32 $0x5FD;
	[tilespmem:$0x1FF00] =	vst v54  }
0x362: {  	v8 =	vimm.s32 $0x5FE;
	v0 =	vsel vm0, $0x48D, v61;
	[tilespmem:$0x1FF10] =	vst v40  }
0x363: {  	v4 =	vsel vm0, $0x48E, v8;
	v0 =	vsel vm1, $0x49D, v0;
	[tilespmem:$0x1FF20] =	vst v52  }
0x364: {  	v4 =	vsel vm1, $0x49E, v4;
	[tilespmem:$0x1FF30] =	vst v48;
	v0 =	vsel vm2, $0x4AD, v0  }
0x365: {  	v61 =	vimm.s32 $0x5FF;
	[tilespmem:$0x1FF40] =	vst v25;
	v4 =	vsel vm2, $0x4AE, v4;
	v0 =	vsel vm3, $0x4BD, v0  }
0x366: {  	v8 =	vsel vm0, $0x48F, v61;
	[tilespmem:$0x1FF50] =	vst v17;
	v4 =	vsel vm3, $0x4BE, v4;
	v0 =	vsel vm4, $0x4CD, v0  }
0x367: {  	[tilespmem:$0x1FF60] =	vst v11;
	v8 =	vsel vm1, $0x49F, v8;
	v4 =	vsel vm4, $0x4CE, v4;
	v0 =	vsel vm5, $0x4DD, v0  }
0x368: {  	[tilespmem:$0x1FF70] =	vst v1;
	v8 =	vsel vm2, $0x4AF, v8;
	v4 =	vsel vm5, $0x4DE, v4;
	v0 =	vsel vm6, $0x4ED, v0  }
0x369: {  	[tilespmem:$0x1FF80] =	vst v5;
	v8 =	vsel vm3, $0x4BF, v8;
	v4 =	vsel vm6, $0x4EE, v4;
	v0 =	vsel vm7, $0x4FD, v0  }
0x36a: {  	[tilespmem:$0x1FF90] =	vst v9;
	v8 =	vsel vm4, $0x4CF, v8;
	v4 =	vsel vm7, $0x4FE, v4;
	v0 =	vsel vm8, $0x58D, v0  }
0x36b: {  	[tilespmem:$0x1FFA0] =	vst v44;
	v8 =	vsel vm5, $0x4DF, v8;
	v4 =	vsel vm8, $0x58E, v4;
	v0 =	vsel vm9, $0x59D, v0  }
0x36c: {  	[tilespmem:$0x1FFB0] =	vst v53;
	v8 =	vsel vm6, $0x4EF, v8;
	v4 =	vsel vm9, $0x59E, v4;
	v0 =	vsel vm10, $0x5AD, v0  }
0x36d: {  	[tilespmem:$0x1FFC0] =	vst v45;
	v8 =	vsel vm7, $0x4FF, v8;
	v4 =	vsel vm10, $0x5AE, v4;
	v0 =	vsel vm11, $0x5BD, v0  }
0x36e: {  	s12 =	simm.s32 $0x4280;
	[tilespmem:$0x1FFD0] =	vst v37;
	v8 =	vsel vm8, $0x58F, v8;
	v4 =	vsel vm11, $0x5BE, v4;
	v0 =	vsel vm12, $0x5CD, v0  }
0x36f: {  	s4 =	srdreg.scid;
	s13 =	simm.s32 $0x8280;
	s14 =	simm.s32 $0x300;
	[tilespmem:$0x1FFE0] =	vst v23;
	v8 =	vsel vm9, $0x59F, v8;
	v4 =	vsel vm12, $0x5CE, v4;
	v0 =	vsel vm13, $0x5DD, v0  }
0x370: {  	s2 =	stileid.u32;
	s15 =	simm.s32 $0x6280;
	s16 =	simm.s32 $0x2300;
	[tilespmem:$0x1FFF0] =	vst v50;
	v8 =	vsel vm10, $0x5AF, v8;
	v4 =	vsel vm13, $0x5DE, v4;
	v0 =	vsel vm14, $0x5ED, v0  }
0x371: {  	s17 =	simm.s32 $0xA280;
	s18 =	simm.s32 $0x1;
	s19 =	simm.s32 $0xC280;
	v8 =	vsel vm11, $0x5BF, v8;
	v6 =	vsel vm14, $0x5EE, v4;
	[tilespmem:$0x1FBC0] =	vst v0  }
0x372: {  	s20 =	simm.s32 $0x0;
	s3 =	sadd.s32 $0x187C00, s6;
	s7 =	sand.u32 $0x1, s4;
	v8 =	vsel vm12, $0x5CF, v8;
	v4 =	vor.u32 $0x1, v19;
	[tilespmem:$0x1FBD0] =	vst v6  }
0x373: {  	s8 =	sshrl.u32 s2, $0x2;
	s9 =	sshll.u32 s2, $0xA;
	s4 =	sadd.s32 $0x495800, s6;
	v61 =	vsel vm13, $0x5DF, v8;
	v8 =	vor.u32 $0x3, v19;
	[tilespmem:$0x1FBF0] =	vst v4  }
0x374: {  	s28 =	sshll.u32 s2, $0x12;
	s10 =	sshll.u32 s7, $0x9;
	s8 =	smul.u32 $0x1008, s8;
	v0 =	vsel vm14, $0x5EF, v61;
	[tilespmem:$0x1FC10] =	vst v8  }
0x375: {  	s11 =	sshll.u32 s7, $0x11;
	s7 =	ssub.s32 $0x2, s7;
	s9 =	sor.u32 s10, s9;
	v6 =	vor.u32 $0x2, v19;
	[tilespmem:$0x1FBE0] =	vst v0  }
0x376: {  	s10 =	sor.u32 s11, s28;
	s30 =	sshrl.u32 s7, $0x1;
	s11 =	simm.s32 $0x40;
	v61 =	vor.u32 $0x4, v19;
	[tilespmem:$0x1FC00] =	vst v6  }
0x377: {  	s9 =	sand.u32 $0xE00, s9;
	s29 =	sshrl.u32 s10, $0x3;
	s31 =	ssub.s32 s7, s30;
	v4 =	vor.u32 $0x6, v19;
	[tilespmem:$0x1FC20] =	vst v61  }
0x378: {  	s10 =	simm.s32 $0x2280;
	s8 =	sadd.s32 s8, s9;
	s9 =	sadd.s32 s29, s6;
	v0 =	vor.u32 $0x5, v19;
	[tilespmem:$0x1FC40] =	vst v4  }
0x379: {  	s6 =	smax.u32 s31, $0x1;
	s8 =	sshrl.u32 s8, $0x3;
	s7 =	sadd.s32 $0xC00, s9;
	v61 =	vor.u32 $0x7, v19;
	[tilespmem:$0x1FC30] =	vst v0  }
0x37a: {  	s9 =	simm.s32 $0x280;
	s5 =	sadd.s32 s5, s8;
	s8 =	simm.s32 $0x2;
	[tilespmem:$0x1FC50] =	vst v61  }
.LBB2_1:
0x37b: {  	[tilespmem:s1], [sflag:$0x2] =	stream.linear.gather [hbm4b:s5+s1], $0x208, $0x38;
	[tilespmem:$0xCA80] =	vst v63  }
0x37c: {  	_ =	swait.ge [sflag:s8], $0x208  }
0x37d: {  	[sflag:s8] =	ssyncset.done $0x0  }
0x37e: {  	s21 =	simm.s32 $0x0;
	s22 =	simm.s32 $0x40;
	[sflag:s8] =	ssyncadd.s32 $0xFFFFFDF8  }
.LBB2_2:
0x37f: {  	p0 =	sne.s32 s22, $0x800;
	v4 =	vld [tilespmem:s21+$0x0];
	_ =	sdelay $0x2  }
.Ltmp0:
0x380: {  	(pc) =	sbr.rel @p0 .LBB2_2-.Ltmp0, $4  }
0x381: {  	_ = 	snop  }
0x382: {  	vm15 =	vgt.s32 v4, $0x9728;
	v8 =	vadd.s32 $0xFFFF68D7, v4  }
0x383: {  	v4 =	vsel vm15, v8, v4  }
0x384: {  	[tilespmem:s21+$0x0] =	vst v4;
	s21 =	sshra.s32 s22, $0x2;
	s22 =	sadd.s32 $0x40, s22  }
0x385: {  	v4 =	vld [tilespmem:s21+$0x0]  }
0x386: {  	v2 =	vld [tilespmem:$0x1FBF0]  }
0x387: {  	v6 =	vld [tilespmem:$0x1FC00]  }
0x388: {  	v11 =	vld [tilespmem:$0x1FC10]  }
0x389: {  	v17 =	vld [tilespmem:$0x1FC20]  }
0x38a: {  	v25 =	vld [tilespmem:$0x1FC30];
	vm15 =	vgt.s32 v4, $0x9728;
	v8 =	vadd.s32 $0xFFFF68D7, v4  }
0x38b: {  	v33 =	vld [tilespmem:$0x1FC40];
	v4 =	vsel vm15, v8, v4  }
0x38c: {  	v34 =	vlaneseq.u32;
	v38 =	vld [tilespmem:$0x1FC50];
	[tilespmem:s21+$0x0] =	vst v4;
	s21 =	simm.s32 $0x0  }
.LBB2_4:
0x38d: {  	s22 =	sadd.s32 $0x1, s21  }
0x38e: {  	s31 =	sadd.s32 $0x2, s21;
	v4 =	vadd.s32 s22, v34  }
0x38f: {  	v8 =	vadd.s32 s31, v34;
	_ =	sdelay $0x3  }
0x390: {  	v59 =	vld.idx.msk [tilespmem:v4+s1+$0x0], $0xffff  }
0x391: {  	v55 =	vld.idx.msk [tilespmem:v8+s1+$0x0], $0xffff;
	_ =	sdelay $0x4  }
0x392: {  	v4 =	vmul.u32 $0x3715, v59;
	v8 =	vmul.u32 $0xDA4, v55;
	_ =	sdelay $0x1  }
0x393: {  	v18 =	vand.u32 $0xFFFF, v4;
	v4 =	vshrl.u32 v4, $0x10;
	v20 =	vand.u32 $0xFFFC, v8  }
0x394: {  	v8 =	vshrl.u32 v8, $0x10;
	v18 =	vadd.s32 v18, v20;
	v4 =	vadd.s32 v55, v4  }
0x395: {  	v20 =	vshrl.u32 v18, $0x10;
	v4 =	vadd.s32 v8, v4  }
0x396: {  	v4 =	vadd.s32 v20, v4  }
0x397: {  	v8 =	vshrl.u32 v4, $0x9  }
0x398: {  	v18 =	vand.u32 $0xFFFF, v18;
	v4 =	vshll.u32 v4, $0x10;
	v8 =	vmul.u32 $0xD0B3, v8  }
0x399: {  	v62 =	vmul.u32 $0xC23C, v55;
	v18 =	vxor.u32 $0x5C6D, v18;
	v4 =	vand.u32 $0x1FF0000, v4  }
0x39a: {  	v12 =	vmul.u32 $0xCF84, v59;
	v4 =	vxor.u32 $0x10000, v4;
	v8 =	vadd.s32 v18, v8  }
0x39b: {  	v13 =	vmul.u32 $0x1055, v55;
	v58 =	vmul.u32 $0x4AF0, v59;
	v4 =	vadd.s32 v4, v8  }
0x39c: {  	v60 =	vadd.s32 v59, v55;
	v42 =	vmul.u32 $0xA079, v59;
	v8 =	vcvt.s32.f32 v4  }
0x39d: {  	v43 =	vmul.u32 $0xBC98, v55;
	v24 =	vmul.u32 $0xF6C4, v55;
	v26 =	vmul.u32 $0xBE7, v55  }
0x39e: {  	v57 =	vmul.u32 $0xBDC9, v59;
	v48 =	vand.u32 $0xFFFC, v62;
	v8 =	vmul.f32 $9.999699610e-06, v8  }
0x39f: {  	v14 =	vand.u32 $0xFFFF, v13;
	v36 =	vand.u32 $0xFFF0, v58;
	v37 =	vshrl.u32 v58, $0x10  }
0x3a0: {  	v45 =	vand.u32 $0xFFFF, v42;
	v18 =	vmul.u32 $0x64AE, v59;
	v8 =	vtrunc.f32 v8  }
0x3a1: {  	v61 =	vand.u32 $0xFFFC, v24;
	v24 =	vshrl.u32 v24, $0x10;
	v8 =	vcvt.f32.s32 v8  }
0x3a2: {  	v1 =	vand.u32 $0xFFFF, v57;
	v20 =	vshrl.u32 v62, $0x10;
	v22 =	vand.u32 $0xFFFE, v18  }
0x3a3: {  	v18 =	vshrl.u32 v18, $0x10;
	v22 =	vadd.s32 v22, v48;
	v8 =	vmul.u32 $0xFFFE795D, v8  }
0x3a4: {  	v62 =	vand.u32 $0xFFF8, v43;
	v18 =	vadd.s32 v18, v20;
	v63 =	vshrl.u32 v22, $0x10  }
0x3a5: {  	v48 =	vshrl.u32 v13, $0x10;
	v8 =	vadd.s32 v4, v8;
	v4 =	vadd.s32 v63, v18  }
0x3a6: {  	v18 =	vand.u32 $0xFFFE, v22;
	v22 =	vshrl.u32 v12, $0x10;
	vm15 =	vlt.s32 v8, $0x0  }
0x3a7: {  	v20 =	vshrl.u32 v4, $0x9;
	v18 =	vxor.u32 $0x1EF5, v18;
	v4 =	vshll.u32 v4, $0x10  }
0x3a8: {  	v50 =	vadd.s32 $0x186A3, v8;
	v20 =	vmul.u32 $0xD0B3, v20;
	v4 =	vand.u32 $0x1FF0000, v4  }
0x3a9: {  	v22 =	vadd.s32 v22, v48;
	v8 =	vsel vm15, v50, v8;
	v4 =	vxor.u32 $0x10000, v4  }
0x3aa: {  	vm15 =	vgt.s32 v8, $0x186A2;
	v54 =	vadd.s32 $0xFFFE795D, v8;
	v18 =	vadd.s32 v18, v20  }
0x3ab: {  	v18 =	vadd.s32 v4, v18;
	v4 =	vand.u32 $0xFFFC, v12;
	v12 =	vmul.u32 $0xFB97, v59  }
0x3ac: {  	v20 =	vadd.s32 v4, v14;
	v52 =	vcvt.s32.f32 v18;
	v4 =	vor.u32 s21, v34  }
0x3ad: {  	v28 =	vshrl.u32 v20, $0x10;
	v20 =	vand.u32 $0xFFFF, v20;
	v31 =	vshll.u32 v4, $0x4  }
0x3ae: {  	v53 =	vand.u32 $0xFFFF, v12;
	v12 =	vshrl.u32 v12, $0x10;
	v22 =	vadd.s32 v28, v22  }
0x3af: {  	v29 =	vmul.f32 $9.999699610e-06, v52;
	v52 =	vand.u32 $0xFFFFFF80, v31;
	v12 =	vadd.s32 v12, v24  }
0x3b0: {  	v0 =	vld [tilespmem:$0x1FA60];
	v28 =	vmul.u32 $0x2EC8, v59;
	v30 =	vshll.u32 v22, $0x10;
	v22 =	vshrl.u32 v22, $0x9  }
0x3b1: {  	v50 =	vand.u32 $0x1FF0000, v30;
	v48 =	vtrunc.f32 v29;
	v22 =	vmul.u32 $0xD0B3, v22  }
0x3b2: {  	v29 =	vmul.u32 $0x4244, v55;
	v20 =	vor.u32 v50, v20;
	v48 =	vcvt.f32.s32 v48  }
0x3b3: {  	v50 =	vsel vm15, v54, v8;
	v8 =	vmul.u32 $0xBEB, v55;
	v20 =	vxor.u32 $0xAA64, v20  }
0x3b4: {  	v30 =	vand.u32 $0xFFFC, v29;
	v20 =	vadd.s32 v22, v20;
	v32 =	vmul.u32 $0xFFFE795D, v48  }
0x3b5: {  	v48 =	vor.u32 v0, v52;
	v39 =	vand.u32 $0xFFFF, v8;
	v8 =	vshrl.u32 v8, $0x10  }
0x3b6: {  	v0 =	vmul.u32 $0x3FBE, v55;
	v56 =	vcvt.s32.f32 v20;
	v54 =	vadd.s32 v36, v39  }
0x3b7: {  	v39 =	vmul.u32 $0x48E4, v59;
	v18 =	vadd.s32 v18, v32;
	v58 =	vshrl.u32 v54, $0x10  }
0x3b8: {  	v54 =	vand.u32 $0xFFFF, v54;
	v35 =	vmul.f32 $9.999699610e-06, v56;
	v56 =	vadd.s32 v37, v60  }
0x3b9: {  	vm15 =	vlt.s32 v18, $0x0;
	v40 =	vadd.s32 $0x186A3, v18;
	v8 =	vadd.s32 v8, v56  }
0x3ba: {  	v18 =	vsel vm15, v40, v18;
	v22 =	vtrunc.f32 v35;
	v8 =	vadd.s32 v58, v8  }
0x3bb: {  	vm15 =	vgt.s32 v18, $0x186A2;
	v58 =	vshrl.u32 v43, $0x10;
	v49 =	vadd.s32 $0xFFFE795D, v18  }
0x3bc: {  	v43 =	vmul.u32 $0xF684, v59;
	v22 =	vcvt.f32.s32 v22;
	v41 =	vshll.u32 v8, $0x10  }
0x3bd: {  	v8 =	vshrl.u32 v8, $0x9;
	v18 =	vsel vm15, v49, v18;
	v56 =	vand.u32 $0x1FF0000, v41  }
0x3be: {  	v8 =	vmul.u32 $0xD0B3, v8;
	v41 =	vand.u32 $0xFFFC, v39;
	v54 =	vor.u32 v56, v54  }
0x3bf: {  	v22 =	vmul.u32 $0xFFFE795D, v22;
	v56 =	vshrl.u32 v42, $0x10;
	v54 =	vxor.u32 $0x91F5, v54  }
0x3c0: {  	v56 =	vadd.s32 v56, v58;
	v8 =	vadd.s32 v8, v54;
	v54 =	vadd.s32 v45, v62  }
0x3c1: {  	v20 =	vadd.s32 v20, v22;
	v44 =	vcvt.s32.f32 v8;
	v46 =	vshrl.u32 v54, $0x10  }
0x3c2: {  	v42 =	vand.u32 $0xFFFF, v26;
	vm0 =	vlt.s32 v20, $0x0;
	v56 =	vadd.s32 v46, v56  }
0x3c3: {  	v47 =	vadd.s32 $0x186A3, v20;
	v22 =	vmul.f32 $9.999699610e-06, v44;
	v58 =	vshll.u32 v56, $0x10  }
0x3c4: {  	v54 =	vand.u32 $0xFFFF, v54;
	v56 =	vshrl.u32 v56, $0x9;
	v58 =	vand.u32 $0x1FF0000, v58  }
0x3c5: {  	v56 =	vmul.u32 $0xD0B3, v56;
	v22 =	vtrunc.f32 v22;
	v54 =	vor.u32 v58, v54  }
0x3c6: {  	v20 =	vsel vm0, v47, v20;
	v22 =	vcvt.f32.s32 v22;
	v54 =	vxor.u32 $0xA839, v54  }
0x3c7: {  	v26 =	vshrl.u32 v26, $0x10;
	vm0 =	vgt.s32 v20, $0x186A2;
	v54 =	vadd.s32 v56, v54  }
0x3c8: {  	v62 =	vadd.s32 $0xFFFE795D, v20;
	v22 =	vmul.u32 $0xFFFE795D, v22;
	v56 =	vcvt.s32.f32 v54  }
0x3c9: {  	v45 =	vand.u32 $0xFFFC, v43;
	v63 =	vsel vm0, v62, v20;
	v58 =	vshrl.u32 v29, $0x10  }
0x3ca: {  	v8 =	vadd.s32 v8, v22;
	v51 =	vmul.f32 $9.999699610e-06, v56;
	v22 =	vadd.s32 v53, v61  }
0x3cb: {  	v56 =	vshrl.u32 v28, $0x10;
	vm0 =	vlt.s32 v8, $0x0;
	v24 =	vshrl.u32 v22, $0x10  }
0x3cc: {  	v62 =	vadd.s32 $0x186A3, v8;
	v20 =	vtrunc.f32 v51;
	v12 =	vadd.s32 v24, v12  }
0x3cd: {  	v22 =	vand.u32 $0xFFFF, v22;
	v20 =	vcvt.f32.s32 v20;
	v24 =	vshrl.u32 v12, $0x9  }
0x3ce: {  	v8 =	vsel vm0, v62, v8;
	v12 =	vshll.u32 v12, $0x10;
	v24 =	vmul.u32 $0xD0B3, v24  }
0x3cf: {  	v22 =	vxor.u32 $0x440E, v22;
	v12 =	vand.u32 $0x1FF0000, v12;
	v20 =	vmul.u32 $0xFFFE795D, v20  }
0x3d0: {  	vm0 =	vgt.s32 v8, $0x186A2;
	v12 =	vxor.u32 $0x10000, v12;
	v22 =	vadd.s32 v22, v24  }
0x3d1: {  	v24 =	vadd.s32 $0xFFFE795D, v8;
	v54 =	vadd.s32 v54, v20;
	v12 =	vadd.s32 v12, v22  }
0x3d2: {  	v20 =	vsel vm0, v24, v8;
	v24 =	vand.u32 $0xFFF8, v28;
	v22 =	vcvt.s32.f32 v12  }
0x3d3: {  	vm0 =	vlt.s32 v54, $0x0;
	v8 =	vadd.s32 $0x186A3, v54;
	v24 =	vadd.s32 v24, v30  }
0x3d4: {  	v31 =	vadd.s32 v56, v58;
	v8 =	vsel vm0, v8, v54;
	v32 =	vshrl.u32 v24, $0x10  }
0x3d5: {  	v24 =	vand.u32 $0xFFFC, v24;
	v22 =	vmul.f32 $9.999699610e-06, v22;
	vm0 =	vgt.s32 v8, $0x186A2  }
0x3d6: {  	v54 =	vadd.s32 v32, v31;
	v35 =	vadd.s32 $0xFFFE795D, v8;
	v32 =	vmul.u32 $0x3260, v59  }
0x3d7: {  	v36 =	vshll.u32 v54, $0x10;
	v54 =	vshrl.u32 v54, $0x9;
	v22 =	vtrunc.f32 v22  }
0x3d8: {  	v58 =	vand.u32 $0x1FF0000, v36;
	v37 =	vmul.u32 $0xD0B3, v54;
	v54 =	vsel vm0, v35, v8  }
0x3d9: {  	v19 =	vand.u32 $0xFFE0, v32;
	v22 =	vcvt.f32.s32 v22;
	v24 =	vor.u32 v58, v24  }
0x3da: {  	v35 =	vand.u32 $0xFFFE, v0;
	v0 =	vshrl.u32 v0, $0x10;
	v24 =	vxor.u32 $0x3878, v24  }
0x3db: {  	v58 =	vld.idx.msk [tilespmem:v4+s1+$0x0], $0xffff;
	v22 =	vmul.u32 $0xFFFE795D, v22;
	v40 =	vadd.s32 v37, v24;
	v24 =	vshrl.u32 v39, $0x10  }
0x3dc: {  	v39 =	vmul.u32 $0xC0A4, v59;
	v24 =	vadd.s32 v24, v60;
	v4 =	vcvt.s32.f32 v40  }
0x3dd: {  	v8 =	vadd.s32 v12, v22;
	v22 =	vadd.s32 v41, v42;
	v24 =	vadd.s32 v26, v24  }
0x3de: {  	v56 =	vshrl.u32 v22, $0x10;
	vm0 =	vlt.s32 v8, $0x0;
	v26 =	vadd.s32 $0x186A3, v8  }
0x3df: {  	v4 =	vmul.f32 $9.999699610e-06, v4;
	v22 =	vand.u32 $0xFFFF, v22;
	v24 =	vadd.s32 v56, v24  }
0x3e0: {  	v37 =	vmul.u32 $0x7ED6, v58;
	v8 =	vsel vm0, v26, v8;
	v26 =	vshll.u32 v24, $0x10  }
0x3e1: {  	v24 =	vshrl.u32 v24, $0x9;
	v4 =	vtrunc.f32 v4;
	v26 =	vand.u32 $0x1FF0000, v26  }
0x3e2: {  	v24 =	vmul.u32 $0xD0B3, v24;
	v4 =	vcvt.f32.s32 v4;
	v22 =	vor.u32 v26, v22  }
0x3e3: {  	v56 =	vshrl.u32 v43, $0x10;
	v26 =	vmul.u32 $0x199F, v58;
	v22 =	vxor.u32 $0xE3A4, v22  }
0x3e4: {  	vm0 =	vgt.s32 v8, $0x186A2;
	v4 =	vmul.u32 $0xFFFE795D, v4;
	v22 =	vadd.s32 v24, v22  }
0x3e5: {  	v24 =	vmul.u32 $0x177D, v55;
	v44 =	vand.u32 $0xFFFF, v26;
	v26 =	vshrl.u32 v26, $0x10  }
0x3e6: {  	v51 =	vadd.s32 $0xFFFE795D, v8;
	v60 =	vadd.s32 v44, v45;
	v26 =	vadd.s32 v26, v56  }
0x3e7: {  	v49 =	vcvt.s32.f32 v22;
	v4 =	vadd.s32 v40, v4;
	v46 =	vand.u32 $0xFFFF, v24  }
0x3e8: {  	v24 =	vshrl.u32 v24, $0x10;
	vm15 =	vlt.s32 v4, $0x0;
	v47 =	vadd.s32 v46, v60  }
0x3e9: {  	v61 =	vadd.s32 $0x186A3, v4;
	v24 =	vadd.s32 v24, v26;
	v26 =	vshrl.u32 v47, $0x10  }
0x3ea: {  	v40 =	vand.u32 $0xFFFC, v39;
	v4 =	vsel vm15, v61, v4;
	v24 =	vadd.s32 v26, v24  }
0x3eb: {  	v46 =	vmul.u32 $0xC242, v58;
	v26 =	vmul.f32 $9.999699610e-06, v49;
	v53 =	vshll.u32 v24, $0x10  }
0x3ec: {  	v56 =	vand.u32 $0xFFFF, v47;
	v24 =	vshrl.u32 v24, $0x9;
	v60 =	vand.u32 $0x1FF0000, v53  }
0x3ed: {  	v26 =	vtrunc.f32 v26;
	v24 =	vmul.u32 $0xD0B3, v24;
	v56 =	vor.u32 v60, v56  }
0x3ee: {  	v47 =	vmul.u32 $0xB536, v59;
	v60 =	vcvt.f32.s32 v26;
	v26 =	vxor.u32 $0x8C9E, v56  }
0x3ef: {  	v61 =	vmul.u32 $0x5A7F, v55;
	v23 =	vand.u32 $0xFFFE, v46;
	v24 =	vadd.s32 v24, v26  }
0x3f0: {  	v30 =	vand.u32 $0xFFFE, v47;
	v62 =	vshrl.u32 v47, $0x10;
	v26 =	vcvt.s32.f32 v24  }
0x3f1: {  	v23 =	vadd.s32 v23, v30;
	v56 =	vsel vm0, v51, v8;
	v12 =	vmul.u32 $0xFFFE795D, v60  }
0x3f2: {  	vm0 =	vgt.s32 v4, $0x186A2;
	v13 =	vmul.f32 $9.999699610e-06, v26;
	v26 =	vmul.u32 $0xEE21, v58  }
0x3f3: {  	v8 =	vadd.s32 $0xFFFE795D, v4;
	v60 =	vshrl.u32 v32, $0x10;
	v12 =	vadd.s32 v22, v12  }
0x3f4: {  	vm15 =	vlt.s32 v12, $0x0;
	v14 =	vadd.s32 $0x186A3, v12;
	v28 =	vand.u32 $0xFFFF, v26  }
0x3f5: {  	v22 =	vtrunc.f32 v13;
	v26 =	vshrl.u32 v26, $0x10;
	v19 =	vadd.s32 v28, v19  }
0x3f6: {  	v26 =	vadd.s32 v26, v55;
	v22 =	vcvt.f32.s32 v22;
	v19 =	vadd.s32 v35, v19  }
0x3f7: {  	v26 =	vadd.s32 v60, v26;
	v60 =	vsel vm0, v8, v4;
	v4 =	vsel vm15, v14, v12  }
0x3f8: {  	v14 =	vmul.u32 $0xBF2F, v55;
	v28 =	vshrl.u32 v19, $0x10;
	v0 =	vadd.s32 v0, v26  }
0x3f9: {  	vm15 =	vgt.s32 v4, $0x186A2;
	v8 =	vmul.u32 $0xFFFE795D, v22;
	v19 =	vand.u32 $0xFFFF, v19  }
0x3fa: {  	v26 =	vand.u32 $0xFFFE, v37;
	v22 =	vshrl.u32 v39, $0x10;
	v0 =	vadd.s32 v28, v0  }
0x3fb: {  	v26 =	vadd.s32 v26, v40;
	v21 =	vshrl.u32 v14, $0x10;
	v40 =	vmul.u32 $0x3D7D, v55  }
0x3fc: {  	v36 =	vshll.u32 v0, $0x10;
	v0 =	vshrl.u32 v0, $0x9;
	v8 =	vadd.s32 v24, v8  }
0x3fd: {  	v24 =	vmul.u32 $0x8E79, v55;
	v12 =	vand.u32 $0x1FF0000, v36;
	v0 =	vmul.u32 $0xD0B3, v0  }
0x3fe: {  	vm0 =	vlt.s32 v8, $0x0;
	v36 =	vmul.u32 $0xBF8D, v59;
	v12 =	vor.u32 v12, v19  }
0x3ff: {  	v19 =	vadd.s32 $0x186A3, v8;
	v41 =	vand.u32 $0xFFFF, v24;
	v42 =	vshrl.u32 v24, $0x10  }
0x400: {  	v12 =	vxor.u32 $0x2F38, v12;
	v8 =	vsel vm0, v19, v8;
	v24 =	vadd.s32 v41, v26  }
0x401: {  	v26 =	vadd.s32 $0xFFFE795D, v4;
	v39 =	vand.u32 $0xFFFF, v36;
	v41 =	vshrl.u32 v40, $0x10  }
0x402: {  	v0 =	vadd.s32 v0, v12;
	v12 =	vshrl.u32 v37, $0x10;
	v43 =	vshrl.u32 v24, $0x10  }
0x403: {  	vm0 =	vgt.s32 v8, $0x186A2;
	v19 =	vcvt.s32.f32 v0;
	v12 =	vadd.s32 v12, v22  }
0x404: {  	v44 =	vadd.s32 $0xFFFE795D, v8;
	v24 =	vand.u32 $0xFFFF, v24;
	v12 =	vadd.s32 v42, v12  }
0x405: {  	v4 =	vsel vm15, v26, v4;
	v19 =	vmul.f32 $9.999699610e-06, v19;
	v12 =	vadd.s32 v43, v12  }
0x406: {  	v22 =	vsel vm0, v44, v8;
	v42 =	vmul.u32 $0xE819, v58;
	v45 =	vshll.u32 v12, $0x10  }
0x407: {  	v12 =	vshrl.u32 v12, $0x9;
	v19 =	vtrunc.f32 v19;
	v28 =	vand.u32 $0x1FF0000, v45  }
0x408: {  	v12 =	vmul.u32 $0xD0B3, v12;
	v19 =	vcvt.f32.s32 v19;
	v24 =	vor.u32 v28, v24  }
0x409: {  	v43 =	vmul.u32 $0xD90D, v59;
	v28 =	vshrl.u32 v46, $0x10;
	v24 =	vxor.u32 $0xA1EA, v24  }
0x40a: {  	v19 =	vmul.u32 $0xFFFE795D, v19;
	v12 =	vadd.s32 v12, v24;
	v24 =	vmul.u32 $0xF23A, v55  }
0x40b: {  	v44 =	vand.u32 $0xFFFF, v42;
	v28 =	vadd.s32 v28, v62;
	v51 =	vcvt.s32.f32 v12  }
0x40c: {  	v49 =	vand.u32 $0xFFFE, v24;
	v24 =	vshrl.u32 v24, $0x10;
	v0 =	vadd.s32 v0, v19  }
0x40d: {  	v23 =	vadd.s32 v49, v23;
	v24 =	vadd.s32 v24, v28;
	v19 =	vmul.f32 $9.999699610e-06, v51  }
0x40e: {  	vm0 =	vlt.s32 v0, $0x0;
	v28 =	vshrl.u32 v57, $0x10;
	v53 =	vshrl.u32 v23, $0x10  }
0x40f: {  	v49 =	vmul.u32 $0x89E7, v58;
	v51 =	vmul.u32 $0xE0C5, v59;
	v8 =	vadd.s32 v53, v24  }
0x410: {  	v23 =	vand.u32 $0xFFFE, v23;
	v19 =	vtrunc.f32 v19;
	v24 =	vshll.u32 v8, $0x10  }
0x411: {  	v8 =	vshrl.u32 v8, $0x9;
	v19 =	vcvt.f32.s32 v19;
	v24 =	vand.u32 $0x1FF0000, v24  }
0x412: {  	v59 =	vand.u32 $0xFFFF, v51;
	v8 =	vmul.u32 $0xD0B3, v8;
	v23 =	vor.u32 v24, v23  }
0x413: {  	v24 =	vadd.s32 $0x186A3, v0;
	v19 =	vmul.u32 $0xFFFE795D, v19;
	v23 =	vxor.u32 $0xDC24, v23  }
0x414: {  	v0 =	vsel vm0, v24, v0;
	v24 =	vmul.u32 $0x1F77, v58;
	v8 =	vadd.s32 v8, v23  }
0x415: {  	vm0 =	vgt.s32 v0, $0x186A2;
	v26 =	vadd.s32 $0xFFFE795D, v0;
	v12 =	vadd.s32 v12, v19  }
0x416: {  	v23 =	vcvt.s32.f32 v8;
	v13 =	vshrl.u32 v24, $0x10;
	v24 =	vand.u32 $0xFFFF, v24  }
0x417: {  	v62 =	vsel vm0, v26, v0;
	vm0 =	vlt.s32 v12, $0x0;
	v30 =	vadd.s32 v58, v13  }
0x418: {  	v1 =	vadd.s32 v24, v1;
	v24 =	vand.u32 $0xFFFF, v14;
	v23 =	vmul.f32 $9.999699610e-06, v23  }
0x419: {  	v28 =	vadd.s32 v28, v30;
	v1 =	vadd.s32 v24, v1;
	v30 =	vshrl.u32 v43, $0x10  }
0x41a: {  	v0 =	vadd.s32 v21, v28;
	v24 =	vshrl.u32 v1, $0x10;
	v1 =	vand.u32 $0xFFFF, v1  }
0x41b: {  	v28 =	vshrl.u32 v42, $0x10;
	v19 =	vtrunc.f32 v23;
	v0 =	vadd.s32 v24, v0  }
0x41c: {  	v24 =	vadd.s32 $0x186A3, v12;
	v28 =	vadd.s32 v28, v30;
	v19 =	vcvt.f32.s32 v19  }
0x41d: {  	v32 =	vshll.u32 v0, $0x10;
	v0 =	vshrl.u32 v0, $0x9;
	v12 =	vsel vm0, v24, v12  }
0x41e: {  	v24 =	vmul.u32 $0x1CB6, v58;
	v23 =	vand.u32 $0x1FF0000, v32;
	v0 =	vmul.u32 $0xD0B3, v0  }
0x41f: {  	vm0 =	vgt.s32 v12, $0x186A2;
	v35 =	vadd.s32 $0xFFFE795D, v12;
	v32 =	vmul.u32 $0x8C12, v55  }
0x420: {  	v1 =	vor.u32 v23, v1;
	v26 =	vand.u32 $0xFFFE, v24;
	v24 =	vshrl.u32 v24, $0x10  }
0x421: {  	v19 =	vmul.u32 $0xFFFE795D, v19;
	v1 =	vxor.u32 $0xF31F, v1;
	v24 =	vadd.s32 v58, v24  }
0x422: {  	v26 =	vadd.s32 v26, v39;
	v45 =	vand.u32 $0xFFFE, v32;
	v32 =	vshrl.u32 v32, $0x10  }
0x423: {  	v39 =	vor.u32 v6, v52;
	v58 =	vshrl.u32 v61, $0x10;
	v0 =	vadd.s32 v0, v1  }
0x424: {  	v1 =	vadd.s32 v8, v19;
	v8 =	vsel vm0, v35, v12;
	v12 =	vshrl.u32 v36, $0x10  }
0x425: {  	v28 =	vadd.s32 v32, v28;
	v36 =	vand.u32 $0xFFFF, v49;
	v32 =	vshrl.u32 v51, $0x10  }
0x426: {  	v19 =	vcvt.s32.f32 v0;
	vm0 =	vlt.s32 v1, $0x0;
	v37 =	vadd.s32 $0x186A3, v1  }
0x427: {  	v12 =	vadd.s32 v12, v24;
	v24 =	vand.u32 $0xFFFF, v40;
	v40 =	vor.u32 v11, v52  }
0x428: {  	v24 =	vadd.s32 v24, v26;
	v12 =	vadd.s32 v41, v12;
	v1 =	vsel vm0, v37, v1  }
0x429: {  	v37 =	vand.u32 $0xFFFF, v61;
	v41 =	vor.u32 v17, v52;
	v19 =	vmul.f32 $9.999699610e-06, v19  }
0x42a: {  	v26 =	vshrl.u32 v24, $0x10;
	v24 =	vand.u32 $0xFFFF, v24;
	vm0 =	vgt.s32 v1, $0x186A2  }
0x42b: {  	v12 =	vadd.s32 v26, v12;
	v26 =	vand.u32 $0xFFFF, v43;
	v19 =	vtrunc.f32 v19  }
0x42c: {  	v24 =	vxor.u32 $0x7256, v24;
	v23 =	vadd.s32 v44, v26;
	v19 =	vcvt.f32.s32 v19  }
0x42d: {  	v26 =	vor.u32 v2, v52;
	v46 =	vshrl.u32 v12, $0x9;
	v12 =	vshll.u32 v12, $0x10  }
0x42e: {  	v23 =	vadd.s32 v45, v23;
	v30 =	vmul.u32 $0xD0B3, v46;
	v19 =	vmul.u32 $0xFFFE795D, v19  }
0x42f: {  	v12 =	vand.u32 $0x1FF0000, v12;
	v45 =	vor.u32 v25, v52;
	v47 =	vshrl.u32 v23, $0x10  }
0x430: {  	v0 =	vadd.s32 v0, v19;
	v19 =	vadd.s32 v24, v30;
	v24 =	vadd.s32 v47, v28  }
0x431: {  	v23 =	vand.u32 $0xFFFF, v23;
	v30 =	vshrl.u32 v49, $0x10;
	v28 =	vshll.u32 v24, $0x10  }
0x432: {  	v12 =	vxor.u32 $0x10000, v12;
	v30 =	vadd.s32 v30, v55;
	v28 =	vand.u32 $0x1FF0000, v28  }
0x433: {  	v24 =	vshrl.u32 v24, $0x9;
	v23 =	vor.u32 v28, v23;
	v28 =	vadd.s32 v36, v59  }
0x434: {  	v12 =	vadd.s32 v12, v19;
	v30 =	vadd.s32 v32, v30;
	v28 =	vadd.s32 v37, v28  }
0x435: {  	v24 =	vmul.u32 $0xD0B3, v24;
	v30 =	vadd.s32 v58, v30;
	v42 =	vshrl.u32 v28, $0x10  }
0x436: {  	v44 =	vcvt.s32.f32 v12;
	v19 =	vxor.u32 $0xAEB9, v23;
	v43 =	vadd.s32 v42, v30  }
0x437: {  	v19 =	vadd.s32 v24, v19;
	v28 =	vand.u32 $0xFFFF, v28;
	v24 =	vshll.u32 v43, $0x10  }
0x438: {  	v30 =	vmul.f32 $9.999699610e-06, v44;
	v23 =	vshrl.u32 v43, $0x9;
	v24 =	vand.u32 $0x1FF0000, v24  }
0x439: {  	v47 =	vcvt.s32.f32 v19;
	v23 =	vmul.u32 $0xD0B3, v23;
	v24 =	vor.u32 v24, v28  }
0x43a: {  	[tilespmem:v48+s9+$0x0] =	vst.idx.msk $0xffff, v50;
	v46 =	vor.u32 v33, v52;
	v52 =	vor.u32 v38, v52;
	v24 =	vxor.u32 $0x3CBD, v24  }
0x43b: {  	[tilespmem:v26+s9+$0x0] =	vst.idx.msk $0xffff, v18;
	v30 =	vtrunc.f32 v30;
	v50 =	vmul.f32 $9.999699610e-06, v47;
	v23 =	vadd.s32 v23, v24  }
0x43c: {  	v18 =	vadd.s32 $0xFFFE795D, v1;
	[tilespmem:v39+s9+$0x0] =	vst.idx.msk $0xffff, v63;
	v30 =	vcvt.f32.s32 v30;
	v24 =	vcvt.s32.f32 v23  }
0x43d: {  	vm15 =	vlt.s32 v0, $0x0;
	v53 =	vadd.s32 $0x186A3, v0;
	v1 =	vsel vm0, v18, v1;
	[tilespmem:v40+s9+$0x0] =	vst.idx.msk $0xffff, v20  }
0x43e: {  	[tilespmem:v41+s9+$0x0] =	vst.idx.msk $0xffff, v54;
	v57 =	vtrunc.f32 v50;
	v30 =	vmul.u32 $0xFFFE795D, v30;
	v18 =	vmul.f32 $9.999699610e-06, v24  }
0x43f: {  	v0 =	vsel vm15, v53, v0;
	[tilespmem:v45+s9+$0x0] =	vst.idx.msk $0xffff, v56;
	v20 =	vcvt.f32.s32 v57  }
0x440: {  	vm0 =	vgt.s32 v0, $0x186A2;
	[tilespmem:v46+s9+$0x0] =	vst.idx.msk $0xffff, v60;
	v12 =	vadd.s32 v12, v30;
	v18 =	vtrunc.f32 v18  }
0x441: {  	[tilespmem:v52+s9+$0x0] =	vst.idx.msk $0xffff, v4;
	v61 =	vmul.u32 $0xFFFE795D, v20;
	v24 =	vadd.s32 $0xFFFE795D, v0;
	v18 =	vcvt.f32.s32 v18  }
0x442: {  	[tilespmem:v48+s10+$0x0] =	vst.idx.msk $0xffff, v22;
	vm15 =	vlt.s32 v12, $0x0;
	v30 =	vadd.s32 $0x186A3, v12;
	v0 =	vsel vm0, v24, v0  }
0x443: {  	[tilespmem:v26+s10+$0x0] =	vst.idx.msk $0xffff, v62;
	v4 =	vsel vm15, v30, v12;
	v12 =	vadd.s32 v19, v61;
	v18 =	vmul.u32 $0xFFFE795D, v18  }
0x444: {  	[tilespmem:v39+s10+$0x0] =	vst.idx.msk $0xffff, v8;
	vm0 =	vgt.s32 v4, $0x186A2;
	v63 =	vadd.s32 $0xFFFE795D, v4;
	v8 =	vadd.s32 $0x186A3, v12  }
0x445: {  	p0 =	sne.s32 s21, $0x1F0;
	v4 =	vsel vm0, v63, v4;
	vm0 =	vlt.s32 v12, $0x0;
	v18 =	vadd.s32 v23, v18  }
.Ltmp1:
0x446: {  	[tilespmem:v40+s10+$0x0] =	vst.idx.msk $0xffff, v1;
	v1 =	vsel vm0, v8, v12;
	vm0 =	vlt.s32 v18, $0x0;
	v8 =	vadd.s32 $0x186A3, v18;
	(pc) =	sbr.rel @p0 .LBB2_4-.Ltmp1, $4  }
0x447: {  	[tilespmem:v41+s10+$0x0] =	vst.idx.msk $0xffff, v0;
	v0 =	vsel vm0, v8, v18;
	vm0 =	vgt.s32 v1, $0x186A2;
	v8 =	vadd.s32 $0xFFFE795D, v1  }
0x448: {  	[tilespmem:v45+s10+$0x0] =	vst.idx.msk $0xffff, v4;
	v1 =	vsel vm0, v8, v1;
	vm0 =	vgt.s32 v0, $0x186A2;
	v4 =	vadd.s32 $0xFFFE795D, v0  }
0x449: {  	[tilespmem:v46+s10+$0x0] =	vst.idx.msk $0xffff, v1;
	v0 =	vsel vm0, v4, v0  }
0x44a: {  	s21 =	sadd.s32 $0x10, s21;
	[tilespmem:v52+s10+$0x0] =	vst.idx.msk $0xffff, v0  }
0x44b: {  	[tilespmem:s12], [sflag:$0x1] =	stream.indirect.gather [hbm4b:s3+s11], $0x80, s9, s11, $0xb8;
	[tilespmem:$0xCA80] =	vst v63  }
0x44c: {  	_ = 	snop  }
0x44d: {  	vm0 =	vcmask $0x300;
	[tilespmem:s13], [sflag:$0x1] =	stream.indirect.gather [hbm4b:s4+s11], $0x80, s10, s11, $0xb8;
	[tilespmem:$0xCA80] =	vst v63  }
0x44e: {  	s21 =	simm.s32 $0x2380;
	s22 =	simm.s32 $0x380;
	v60 =	vld [tilespmem:$0x1FC60];
	v16 =	vimm.s32 $0x7F0;
	v18 =	vimm.s32 $0x7F1;
	v20 =	vimm.s32 $0x7F2  }
0x44f: {  	v62 =	vld [tilespmem:$0x1FC70];
	v22 =	vimm.s32 $0x7F3;
	v31 =	vimm.s32 $0x7F5;
	v48 =	vimm.s32 $0x7F4;
	[tilespmem:s15], [sflag:$0x1] =	stream.indirect.gather [hbm4b:s3+s11], $0x80, s14, s11, $0xb8  }
0x450: {  	s23 =	simm.s32 $0x0;
	s24 =	smov.u32 s7;
	s25 =	simm.s32 $0x0;
	v51 =	vld [tilespmem:$0x1FC80];
	v52 =	vimm.s32 $0x7F6;
	v54 =	vimm.s32 $0x7F7;
	v56 =	vimm.s32 $0x7F9  }
0x451: {  	v58 =	vld [tilespmem:$0x1FC90];
	v55 =	vimm.s32 $0x7F8;
	v59 =	vimm.s32 $0x7FA;
	v63 =	vimm.s32 $0x7FC;
	[tilespmem:s17], [sflag:$0x1] =	stream.indirect.gather [hbm4b:s4+s11], $0x80, s16, s11, $0xb8  }
.LBB2_6:
0x452: {  	v0 =	vsel vm0, $0x0, v16  }
0x453: {  	v0 =	vsel vm1, $0x90, v0  }
0x454: {  	v0 =	vsel vm2, $0x120, v0  }
0x455: {  	v0 =	vsel vm3, $0x1B0, v0  }
0x456: {  	v0 =	vsel vm4, $0x240, v0  }
0x457: {  	v0 =	vsel vm5, $0x2D0, v0  }
0x458: {  	v1 =	vsel vm0, $0x1, v18;
	v0 =	vsel vm6, $0x360, v0  }
0x459: {  	v1 =	vsel vm1, $0x91, v1;
	v0 =	vsel vm7, $0x3F0, v0  }
0x45a: {  	v1 =	vsel vm2, $0x121, v1;
	v0 =	vsel vm8, $0x400, v0  }
0x45b: {  	v1 =	vsel vm3, $0x1B1, v1;
	v0 =	vsel vm9, $0x490, v0  }
0x45c: {  	v1 =	vsel vm4, $0x241, v1;
	v0 =	vsel vm10, $0x520, v0  }
0x45d: {  	v1 =	vsel vm5, $0x2D1, v1;
	v0 =	vsel vm11, $0x5B0, v0  }
0x45e: {  	v4 =	vsel vm0, $0x2, v20;
	_ =	swait.ge [sflag:s18], $0x2000;
	v1 =	vsel vm6, $0x361, v1;
	v0 =	vsel vm12, $0x640, v0  }
0x45f: {  	v4 =	vsel vm1, $0x92, v4;
	[sflag:s18] =	ssyncset.done $0x0;
	v1 =	vsel vm7, $0x3F1, v1;
	v0 =	vsel vm13, $0x6D0, v0  }
0x460: {  	v32 =	vsel vm2, $0x122, v4;
	[sflag:s18] =	ssyncadd.s32 $0xFFFFE000;
	v27 =	vsel vm8, $0x401, v1;
	v18 =	vsel vm14, $0x760, v0  }
0x461: {  	_ =	swait.ge [sflag:s18], $0x2000;
	v1 =	vsel vm3, $0x1B2, v32;
	v0 =	vsel vm9, $0x491, v27  }
0x462: {  	v2 =	vld [tilespmem:$0x1F580];
	v1 =	vsel vm4, $0x242, v1;
	v0 =	vsel vm10, $0x521, v0  }
0x463: {  	s28 =	sand.u32 $0x2000, s23;
	[sflag:s18] =	ssyncset.done $0x0;
	v1 =	vsel vm5, $0x2D2, v1;
	v0 =	vsel vm11, $0x5B1, v0  }
0x464: {  	v33 =	vsel vm0, $0x3, v22;
	s26 =	sor.u32 $0x4280, s28;
	[sflag:s18] =	ssyncadd.s32 $0xFFFFE000;
	v1 =	vsel vm6, $0x362, v1;
	v0 =	vsel vm12, $0x641, v0  }
0x465: {  	v4 =	vsel vm1, $0x93, v33;
	v1 =	vsel vm7, $0x3F2, v1;
	v0 =	vsel vm13, $0x6D1, v0;
	v8 =	vld.idx.msk [tilespmem:v18+s26+$0x0], $0xffff  }
0x466: {  	v35 =	vsel vm2, $0x123, v4;
	v34 =	vsel vm8, $0x402, v1;
	v20 =	vsel vm14, $0x761, v0  }
0x467: {  	v1 =	vsel vm3, $0x1B3, v35;
	v0 =	vsel vm9, $0x492, v34  }
0x468: {  	v1 =	vsel vm4, $0x243, v1;
	v0 =	vsel vm10, $0x522, v0  }
0x469: {  	v1 =	vsel vm5, $0x2D3, v1;
	v0 =	vsel vm11, $0x5B2, v0  }
0x46a: {  	v36 =	vsel vm0, $0x4, v48;
	v1 =	vsel vm6, $0x363, v1;
	v0 =	vsel vm12, $0x642, v0;
	[tilespmem:v2+s19+$0x0] =	vst.idx.msk $0xffff, v8  }
0x46b: {  	v4 =	vsel vm1, $0x94, v36;
	v1 =	vsel vm7, $0x3F3, v1;
	v0 =	vsel vm13, $0x6D2, v0;
	v8 =	vld.idx.msk [tilespmem:v20+s26+$0x0], $0xffff  }
0x46c: {  	v38 =	vsel vm2, $0x124, v4;
	v37 =	vsel vm8, $0x403, v1;
	v48 =	vsel vm14, $0x762, v0  }
0x46d: {  	v1 =	vsel vm3, $0x1B4, v38;
	v0 =	vsel vm9, $0x493, v37  }
0x46e: {  	v42 =	vld [tilespmem:$0x1F590];
	v1 =	vsel vm4, $0x244, v1;
	v0 =	vsel vm10, $0x523, v0  }
0x46f: {  	v1 =	vsel vm5, $0x2D4, v1;
	v0 =	vsel vm11, $0x5B3, v0  }
0x470: {  	v39 =	vsel vm0, $0x5, v31;
	v1 =	vsel vm6, $0x364, v1;
	v0 =	vsel vm12, $0x643, v0;
	[tilespmem:v60+s19+$0x0] =	vst.idx.msk $0xffff, v8  }
0x471: {  	v4 =	vsel vm1, $0x95, v39;
	v1 =	vsel vm7, $0x3F4, v1;
	v0 =	vsel vm13, $0x6D3, v0;
	v8 =	vld.idx.msk [tilespmem:v48+s26+$0x0], $0xffff  }
0x472: {  	v41 =	vsel vm2, $0x125, v4;
	v40 =	vsel vm8, $0x404, v1;
	v50 =	vsel vm14, $0x763, v0  }
0x473: {  	v1 =	vsel vm3, $0x1B5, v41;
	v0 =	vsel vm9, $0x494, v40  }
0x474: {  	v1 =	vsel vm4, $0x245, v1;
	v0 =	vsel vm10, $0x524, v0  }
0x475: {  	v1 =	vsel vm5, $0x2D5, v1;
	v0 =	vsel vm11, $0x5B4, v0  }
0x476: {  	v43 =	vsel vm0, $0x6, v52;
	v1 =	vsel vm6, $0x365, v1;
	v0 =	vsel vm12, $0x644, v0;
	[tilespmem:v42+s19+$0x0] =	vst.idx.msk $0xffff, v8  }
0x477: {  	v4 =	vsel vm1, $0x96, v43;
	v1 =	vsel vm7, $0x3F5, v1;
	v0 =	vsel vm13, $0x6D4, v0;
	v8 =	vld.idx.msk [tilespmem:v50+s26+$0x0], $0xffff  }
0x478: {  	v45 =	vsel vm2, $0x126, v4;
	v44 =	vsel vm8, $0x405, v1;
	v52 =	vsel vm14, $0x764, v0  }
0x479: {  	v1 =	vsel vm3, $0x1B6, v45;
	v0 =	vsel vm9, $0x495, v44  }
0x47a: {  	v1 =	vsel vm4, $0x246, v1;
	v0 =	vsel vm10, $0x525, v0  }
0x47b: {  	v1 =	vsel vm5, $0x2D6, v1;
	v0 =	vsel vm11, $0x5B5, v0  }
0x47c: {  	v46 =	vsel vm0, $0x7, v54;
	v1 =	vsel vm6, $0x366, v1;
	v0 =	vsel vm12, $0x645, v0;
	[tilespmem:v62+s19+$0x0] =	vst.idx.msk $0xffff, v8  }
0x47d: {  	v4 =	vsel vm1, $0x97, v46;
	v1 =	vsel vm7, $0x3F6, v1;
	v0 =	vsel vm13, $0x6D5, v0;
	v8 =	vld.idx.msk [tilespmem:v52+s26+$0x0], $0xffff  }
0x47e: {  	v49 =	vsel vm2, $0x127, v4;
	v47 =	vsel vm8, $0x406, v1;
	v54 =	vsel vm14, $0x765, v0  }
0x47f: {  	v1 =	vsel vm3, $0x1B7, v49;
	v0 =	vsel vm9, $0x496, v47  }
0x480: {  	v1 =	vsel vm4, $0x247, v1;
	v0 =	vsel vm10, $0x526, v0  }
0x481: {  	v1 =	vsel vm5, $0x2D7, v1;
	v0 =	vsel vm11, $0x5B6, v0  }
0x482: {  	v1 =	vsel vm6, $0x367, v1;
	v0 =	vsel vm12, $0x646, v0;
	[tilespmem:v51+s19+$0x0] =	vst.idx.msk $0xffff, v8;
	v51 =	vsel vm0, $0x8, v55  }
0x483: {  	v1 =	vsel vm7, $0x3F7, v1;
	v0 =	vsel vm13, $0x6D6, v0;
	v8 =	vld.idx.msk [tilespmem:v54+s26+$0x0], $0xffff;
	v4 =	vsel vm1, $0x98, v51  }
0x484: {  	v53 =	vsel vm8, $0x407, v1;
	v55 =	vsel vm14, $0x766, v0;
	v57 =	vsel vm2, $0x128, v4  }
0x485: {  	v0 =	vsel vm9, $0x497, v53;
	v1 =	vsel vm3, $0x1B8, v57  }
0x486: {  	v3 =	vld [tilespmem:$0x1FCA0];
	v0 =	vsel vm10, $0x527, v0;
	v1 =	vsel vm4, $0x248, v1  }
0x487: {  	v0 =	vsel vm11, $0x5B7, v0;
	v1 =	vsel vm5, $0x2D8, v1  }
0x488: {  	v61 =	vsel vm0, $0x9, v56;
	v0 =	vsel vm12, $0x647, v0;
	[tilespmem:v58+s19+$0x0] =	vst.idx.msk $0xffff, v8;
	v1 =	vsel vm6, $0x368, v1  }
0x489: {  	v4 =	vsel vm1, $0x99, v61;
	v0 =	vsel vm13, $0x6D7, v0;
	v8 =	vld.idx.msk [tilespmem:v55+s26+$0x0], $0xffff;
	v1 =	vsel vm7, $0x3F8, v1  }
0x48a: {  	v12 =	vsel vm2, $0x129, v4;
	v56 =	vsel vm14, $0x767, v0;
	v11 =	vsel vm8, $0x408, v1  }
0x48b: {  	v1 =	vsel vm3, $0x1B9, v12;
	v0 =	vsel vm9, $0x498, v11  }
0x48c: {  	v25 =	vld [tilespmem:$0x1FCB0];
	v1 =	vsel vm4, $0x249, v1;
	v0 =	vsel vm10, $0x528, v0  }
0x48d: {  	v1 =	vsel vm5, $0x2D9, v1;
	v0 =	vsel vm11, $0x5B8, v0  }
0x48e: {  	v13 =	vsel vm0, $0xA, v59;
	v1 =	vsel vm6, $0x369, v1;
	[tilespmem:v3+s19+$0x0] =	vst.idx.msk $0xffff, v8;
	v0 =	vsel vm12, $0x648, v0  }
0x48f: {  	v4 =	vsel vm1, $0x9A, v13;
	v1 =	vsel vm7, $0x3F9, v1;
	v8 =	vld.idx.msk [tilespmem:v56+s26+$0x0], $0xffff;
	v0 =	vsel vm13, $0x6D8, v0  }
0x490: {  	v31 =	vmovc v58;
	v24 =	vsel vm2, $0x12A, v4;
	v14 =	vsel vm8, $0x409, v1;
	v58 =	vsel vm14, $0x768, v0  }
0x491: {  	v1 =	vsel vm3, $0x1BA, v24;
	v0 =	vsel vm9, $0x499, v14  }
0x492: {  	v34 =	vld [tilespmem:$0x1F5A0];
	v1 =	vsel vm4, $0x24A, v1;
	v0 =	vsel vm10, $0x529, v0  }
0x493: {  	v26 =	vimm.s32 $0x7FB;
	v1 =	vsel vm5, $0x2DA, v1;
	v0 =	vsel vm11, $0x5B9, v0  }
0x494: {  	v27 =	vsel vm0, $0xB, v26;
	v1 =	vsel vm6, $0x36A, v1;
	v0 =	vsel vm12, $0x649, v0;
	[tilespmem:v25+s19+$0x0] =	vst.idx.msk $0xffff, v8  }
0x495: {  	v4 =	vsel vm1, $0x9B, v27;
	v1 =	vsel vm7, $0x3FA, v1;
	v0 =	vsel vm13, $0x6D9, v0;
	v8 =	vld.idx.msk [tilespmem:v58+s26+$0x0], $0xffff  }
0x496: {  	v33 =	vsel vm2, $0x12B, v4;
	v32 =	vsel vm8, $0x40A, v1;
	v59 =	vsel vm14, $0x769, v0  }
0x497: {  	v1 =	vsel vm3, $0x1BB, v33;
	v0 =	vsel vm9, $0x49A, v32  }
0x498: {  	v38 =	vld [tilespmem:$0x1F5B0];
	v1 =	vsel vm4, $0x24B, v1;
	v0 =	vsel vm10, $0x52A, v0  }
0x499: {  	v1 =	vsel vm5, $0x2DB, v1;
	v0 =	vsel vm11, $0x5BA, v0  }
0x49a: {  	v35 =	vsel vm0, $0xC, v63;
	v1 =	vsel vm6, $0x36B, v1;
	v0 =	vsel vm12, $0x64A, v0;
	[tilespmem:v34+s19+$0x0] =	vst.idx.msk $0xffff, v8  }
0x49b: {  	v4 =	vsel vm1, $0x9C, v35;
	v1 =	vsel vm7, $0x3FB, v1;
	v0 =	vsel vm13, $0x6DA, v0;
	v8 =	vld.idx.msk [tilespmem:v59+s26+$0x0], $0xffff  }
0x49c: {  	v16 =	vmovc v60;
	v37 =	vsel vm2, $0x12C, v4;
	v36 =	vsel vm8, $0x40B, v1;
	v60 =	vsel vm14, $0x76A, v0  }
0x49d: {  	v1 =	vsel vm3, $0x1BC, v37;
	v0 =	vsel vm9, $0x49B, v36  }
0x49e: {  	v43 =	vld [tilespmem:$0x1FCC0];
	v1 =	vsel vm4, $0x24C, v1;
	v0 =	vsel vm10, $0x52B, v0  }
0x49f: {  	v39 =	vimm.s32 $0x7FD;
	v1 =	vsel vm5, $0x2DC, v1;
	v0 =	vsel vm11, $0x5BB, v0  }
0x4a0: {  	v40 =	vsel vm0, $0xD, v39;
	v1 =	vsel vm6, $0x36C, v1;
	v0 =	vsel vm12, $0x64B, v0;
	[tilespmem:v38+s19+$0x0] =	vst.idx.msk $0xffff, v8  }
0x4a1: {  	v4 =	vsel vm1, $0x9D, v40;
	v1 =	vsel vm7, $0x3FC, v1;
	v0 =	vsel vm13, $0x6DB, v0;
	v8 =	vld.idx.msk [tilespmem:v60+s26+$0x0], $0xffff  }
0x4a2: {  	v42 =	vsel vm2, $0x12D, v4;
	v41 =	vsel vm8, $0x40C, v1;
	v22 =	vsel vm14, $0x76B, v0  }
0x4a3: {  	v1 =	vsel vm3, $0x1BD, v42;
	v0 =	vsel vm9, $0x49C, v41  }
0x4a4: {  	v49 =	vld [tilespmem:$0x1FCD0];
	v1 =	vsel vm4, $0x24D, v1;
	v0 =	vsel vm10, $0x52C, v0  }
0x4a5: {  	v44 =	vimm.s32 $0x7FE;
	v1 =	vsel vm5, $0x2DD, v1;
	v0 =	vsel vm11, $0x5BC, v0  }
0x4a6: {  	v45 =	vsel vm0, $0xE, v44;
	v1 =	vsel vm6, $0x36D, v1;
	v0 =	vsel vm12, $0x64C, v0;
	[tilespmem:v43+s19+$0x0] =	vst.idx.msk $0xffff, v8  }
0x4a7: {  	v12 =	vsel vm1, $0x9E, v45;
	v1 =	vsel vm7, $0x3FD, v1;
	v0 =	vsel vm13, $0x6DC, v0;
	v8 =	vld.idx.msk [tilespmem:v22+s26+$0x0], $0xffff  }
0x4a8: {  	v47 =	vsel vm2, $0x12E, v12;
	v46 =	vsel vm8, $0x40D, v1;
	v4 =	vsel vm14, $0x76C, v0  }
0x4a9: {  	v1 =	vsel vm3, $0x1BE, v47;
	v0 =	vsel vm9, $0x49D, v46  }
0x4aa: {  	v25 =	vld [tilespmem:$0x1FCE0];
	v1 =	vsel vm4, $0x24E, v1;
	v0 =	vsel vm10, $0x52D, v0  }
0x4ab: {  	v51 =	vimm.s32 $0x7FF;
	v1 =	vsel vm5, $0x2DE, v1;
	v0 =	vsel vm11, $0x5BD, v0  }
0x4ac: {  	v53 =	vsel vm0, $0xF, v51;
	v1 =	vsel vm6, $0x36E, v1;
	v0 =	vsel vm12, $0x64D, v0;
	[tilespmem:v49+s19+$0x0] =	vst.idx.msk $0xffff, v8  }
0x4ad: {  	v1 =	vsel vm7, $0x3FE, v1;
	v0 =	vsel vm13, $0x6DD, v0;
	v8 =	vsel vm1, $0x9F, v53;
	v57 =	vld.idx.msk [tilespmem:v4+s26+$0x0], $0xffff  }
0x4ae: {  	v14 =	vsel vm8, $0x40E, v1;
	v63 =	vsel vm14, $0x76D, v0;
	v24 =	vsel vm2, $0x12F, v8  }
0x4af: {  	v0 =	vsel vm9, $0x49E, v14;
	v1 =	vsel vm3, $0x1BF, v24  }
0x4b0: {  	v32 =	vld [tilespmem:$0x1F5C0];
	v0 =	vsel vm10, $0x52E, v0;
	v1 =	vsel vm4, $0x24F, v1  }
0x4b1: {  	v0 =	vsel vm11, $0x5BE, v0;
	v1 =	vsel vm5, $0x2DF, v1  }
0x4b2: {  	v0 =	vsel vm12, $0x64E, v0;
	v1 =	vsel vm6, $0x36F, v1;
	[tilespmem:v25+s19+$0x0] =	vst.idx.msk $0xffff, v57  }
0x4b3: {  	v0 =	vsel vm13, $0x6DE, v0;
	v1 =	vsel vm7, $0x3FF, v1;
	v26 =	vld.idx.msk [tilespmem:v63+s26+$0x0], $0xffff  }
0x4b4: {  	v12 =	vmov v62;
	v62 =	vsel vm14, $0x76E, v0;
	v27 =	vsel vm8, $0x40F, v1  }
0x4b5: {  	v0 =	vsel vm9, $0x49F, v27  }
0x4b6: {  	v33 =	vld [tilespmem:$0x1F5D0];
	v0 =	vsel vm10, $0x52F, v0  }
0x4b7: {  	v0 =	vsel vm11, $0x5BF, v0  }
0x4b8: {  	v0 =	vsel vm12, $0x64F, v0;
	[tilespmem:v32+s19+$0x0] =	vst.idx.msk $0xffff, v26  }
0x4b9: {  	v0 =	vsel vm13, $0x6DF, v0;
	v1 =	vld.idx.msk [tilespmem:v62+s26+$0x0], $0xffff  }
0x4ba: {  	v8 =	vsel vm14, $0x76F, v0;
	_ =	sdelay $0x1  }
0x4bb: {  	v34 =	vld [tilespmem:$0x1F5E0]  }
0x4bc: {  	v36 =	vld [tilespmem:$0x1FCF0]  }
0x4bd: {  	[tilespmem:v33+s19+$0x0] =	vst.idx.msk $0xffff, v1  }
0x4be: {  	v0 =	vld.idx.msk [tilespmem:v8+s26+$0x0], $0xffff;
	_ =	sdelay $0x2  }
0x4bf: {  	v35 =	vld [tilespmem:$0x1F5F0]  }
0x4c0: {  	v40 =	vld [tilespmem:$0x1FF30]  }
0x4c1: {  	[tilespmem:v34+s19+$0x0] =	vst.idx.msk $0xffff, v0  }
0x4c2: {  	v0 =	vld.idx.msk [tilespmem:v36+s26+$0x0], $0xffff;
	_ =	sdelay $0x2  }
0x4c3: {  	v37 =	vld [tilespmem:$0x1F600]  }
0x4c4: {  	v43 =	vld [tilespmem:$0x1FF10]  }
0x4c5: {  	[tilespmem:v35+s19+$0x0] =	vst.idx.msk $0xffff, v0  }
0x4c6: {  	v0 =	vld.idx.msk [tilespmem:v40+s26+$0x0], $0xffff;
	_ =	sdelay $0x2  }
0x4c7: {  	v38 =	vld [tilespmem:$0x1F610]  }
0x4c8: {  	v3 =	vld [tilespmem:$0x1FF20]  }
0x4c9: {  	[tilespmem:v37+s19+$0x0] =	vst.idx.msk $0xffff, v0  }
0x4ca: {  	v0 =	vld.idx.msk [tilespmem:v43+s26+$0x0], $0xffff;
	_ =	sdelay $0x2  }
0x4cb: {  	v39 =	vld [tilespmem:$0x1F620]  }
0x4cc: {  	v42 =	vld [tilespmem:$0x1FEE0]  }
0x4cd: {  	[tilespmem:v38+s19+$0x0] =	vst.idx.msk $0xffff, v0  }
0x4ce: {  	v0 =	vld.idx.msk [tilespmem:v3+s26+$0x0], $0xffff;
	_ =	sdelay $0x2  }
0x4cf: {  	v41 =	vld [tilespmem:$0x1FFA0]  }
0x4d0: {  	v46 =	vld [tilespmem:$0x1FEF0]  }
0x4d1: {  	[tilespmem:v39+s19+$0x0] =	vst.idx.msk $0xffff, v0  }
0x4d2: {  	v0 =	vld.idx.msk [tilespmem:v42+s26+$0x0], $0xffff;
	_ =	sdelay $0x2  }
0x4d3: {  	v44 =	vld [tilespmem:$0x1F630]  }
0x4d4: {  	v7 =	vld [tilespmem:$0x1FF00]  }
0x4d5: {  	[tilespmem:v41+s19+$0x0] =	vst.idx.msk $0xffff, v0  }
0x4d6: {  	v0 =	vld.idx.msk [tilespmem:v46+s26+$0x0], $0xffff;
	_ =	sdelay $0x2  }
0x4d7: {  	v45 =	vld [tilespmem:$0x1F640]  }
0x4d8: {  	v11 =	vld [tilespmem:$0x1FEC0]  }
0x4d9: {  	[tilespmem:v44+s19+$0x0] =	vst.idx.msk $0xffff, v0  }
0x4da: {  	v0 =	vld.idx.msk [tilespmem:v7+s26+$0x0], $0xffff;
	_ =	sdelay $0x2  }
0x4db: {  	v47 =	vld [tilespmem:$0x1F650]  }
0x4dc: {  	v13 =	vld [tilespmem:$0x1FED0]  }
0x4dd: {  	[tilespmem:v45+s19+$0x0] =	vst.idx.msk $0xffff, v0  }
0x4de: {  	v0 =	vld.idx.msk [tilespmem:v11+s26+$0x0], $0xffff;
	_ =	sdelay $0x2  }
0x4df: {  	v49 =	vld [tilespmem:$0x1F660]  }
0x4e0: {  	v5 =	vld [tilespmem:$0x1FF60]  }
0x4e1: {  	[tilespmem:v47+s19+$0x0] =	vst.idx.msk $0xffff, v0  }
0x4e2: {  	v0 =	vld.idx.msk [tilespmem:v13+s26+$0x0], $0xffff;
	_ =	sdelay $0x2  }
0x4e3: {  	v51 =	vld [tilespmem:$0x1F670]  }
0x4e4: {  	v47 =	vld [tilespmem:$0x1FF50]  }
0x4e5: {  	[tilespmem:v49+s19+$0x0] =	vst.idx.msk $0xffff, v0  }
0x4e6: {  	v0 =	vld.idx.msk [tilespmem:v5+s26+$0x0], $0xffff;
	_ =	sdelay $0x2  }
0x4e7: {  	v53 =	vld [tilespmem:$0x1FFF0]  }
0x4e8: {  	v38 =	vld [tilespmem:$0x1FF40]  }
0x4e9: {  	[tilespmem:v51+s19+$0x0] =	vst.idx.msk $0xffff, v0  }
0x4ea: {  	v0 =	vld.idx.msk [tilespmem:v47+s26+$0x0], $0xffff;
	_ =	sdelay $0x2  }
0x4eb: {  	v57 =	vld [tilespmem:$0x1FFE0]  }
0x4ec: {  	v41 =	vld [tilespmem:$0x1FE90]  }
0x4ed: {  	[tilespmem:v53+s19+$0x0] =	vst.idx.msk $0xffff, v0  }
0x4ee: {  	v0 =	vld.idx.msk [tilespmem:v38+s26+$0x0], $0xffff;
	_ =	sdelay $0x2  }
0x4ef: {  	v61 =	vld [tilespmem:$0x1FFD0]  }
0x4f0: {  	v1 =	vld [tilespmem:$0x1FE80]  }
0x4f1: {  	[tilespmem:v57+s19+$0x0] =	vst.idx.msk $0xffff, v0  }
0x4f2: {  	v0 =	vld.idx.msk [tilespmem:v41+s26+$0x0], $0xffff;
	_ =	sdelay $0x2  }
0x4f3: {  	v10 =	vld [tilespmem:$0x1FFC0]  }
0x4f4: {  	v49 =	vld [tilespmem:$0x1FEA0]  }
0x4f5: {  	[tilespmem:v61+s19+$0x0] =	vst.idx.msk $0xffff, v0  }
0x4f6: {  	v0 =	vld.idx.msk [tilespmem:v1+s26+$0x0], $0xffff;
	_ =	sdelay $0x2  }
0x4f7: {  	v6 =	vld [tilespmem:$0x1FFB0]  }
0x4f8: {  	v57 =	vld [tilespmem:$0x1FEB0]  }
0x4f9: {  	[tilespmem:v10+s19+$0x0] =	vst.idx.msk $0xffff, v0  }
0x4fa: {  	v0 =	vld.idx.msk [tilespmem:v49+s26+$0x0], $0xffff;
	_ =	sdelay $0x2  }
0x4fb: {  	v14 =	vld [tilespmem:$0x1F680]  }
0x4fc: {  	v44 =	vld [tilespmem:$0x1F690]  }
0x4fd: {  	[tilespmem:v6+s19+$0x0] =	vst.idx.msk $0xffff, v0  }
0x4fe: {  	v0 =	vld.idx.msk [tilespmem:v57+s26+$0x0], $0xffff;
	_ =	sdelay $0x2  }
0x4ff: {  	v24 =	vld [tilespmem:$0x1F6A0];
	_ =	sdelay $0x1  }
0x500: {  	[tilespmem:v14+s19+$0x0] =	vst.idx.msk $0xffff, v0  }
0x501: {  	v0 =	vld.idx.msk [tilespmem:v44+s26+$0x0], $0xffff;
	_ =	sdelay $0x4  }
0x502: {  	[tilespmem:v24+s19+$0x0] =	vst.idx.msk $0xffff, v0;
	v24 =	vld [tilespmem:$0x1F6B0];
	_ =	sdelay $0x4  }
0x503: {  	v25 =	vld [tilespmem:$0x1F6C0]  }
0x504: {  	v30 =	vld [tilespmem:$0x1F6D0];
	_ =	sdelay $0x1  }
0x505: {  	v0 =	vld.idx.msk [tilespmem:v24+s26+$0x0], $0xffff;
	_ =	sdelay $0x2  }
0x506: {  	v26 =	vld [tilespmem:$0x1F6E0]  }
0x507: {  	v53 =	vld [tilespmem:$0x1F6F0]  }
0x508: {  	[tilespmem:v25+s19+$0x0] =	vst.idx.msk $0xffff, v0  }
0x509: {  	v0 =	vld.idx.msk [tilespmem:v30+s26+$0x0], $0xffff;
	_ =	sdelay $0x2  }
0x50a: {  	v27 =	vld [tilespmem:$0x1F700]  }
0x50b: {  	v14 =	vld [tilespmem:$0x1F710]  }
0x50c: {  	[tilespmem:v26+s19+$0x0] =	vst.idx.msk $0xffff, v0  }
0x50d: {  	v0 =	vld.idx.msk [tilespmem:v53+s26+$0x0], $0xffff;
	_ =	sdelay $0x2  }
0x50e: {  	v32 =	vld [tilespmem:$0x1F720]  }
0x50f: {  	v39 =	vld [tilespmem:$0x1F730]  }
0x510: {  	[tilespmem:v27+s19+$0x0] =	vst.idx.msk $0xffff, v0  }
0x511: {  	v0 =	vld.idx.msk [tilespmem:v14+s26+$0x0], $0xffff;
	_ =	sdelay $0x2  }
0x512: {  	v33 =	vld [tilespmem:$0x1F740]  }
0x513: {  	v28 =	vld [tilespmem:$0x1F750]  }
0x514: {  	[tilespmem:v32+s19+$0x0] =	vst.idx.msk $0xffff, v0  }
0x515: {  	v0 =	vld.idx.msk [tilespmem:v39+s26+$0x0], $0xffff;
	_ =	sdelay $0x2  }
0x516: {  	v34 =	vld [tilespmem:$0x1F760]  }
0x517: {  	v32 =	vld [tilespmem:$0x1F770]  }
0x518: {  	[tilespmem:v33+s19+$0x0] =	vst.idx.msk $0xffff, v0  }
0x519: {  	v0 =	vld.idx.msk [tilespmem:v28+s26+$0x0], $0xffff;
	_ =	sdelay $0x2  }
0x51a: {  	v35 =	vld [tilespmem:$0x1F780]  }
0x51b: {  	v26 =	vld [tilespmem:$0x1F790]  }
0x51c: {  	[tilespmem:v34+s19+$0x0] =	vst.idx.msk $0xffff, v0  }
0x51d: {  	v0 =	vld.idx.msk [tilespmem:v32+s26+$0x0], $0xffff;
	_ =	sdelay $0x2  }
0x51e: {  	v37 =	vld [tilespmem:$0x1F7A0]  }
0x51f: {  	v27 =	vld [tilespmem:$0x1FF70]  }
0x520: {  	[tilespmem:v35+s19+$0x0] =	vst.idx.msk $0xffff, v0  }
0x521: {  	v0 =	vld.idx.msk [tilespmem:v26+s26+$0x0], $0xffff;
	_ =	sdelay $0x2  }
0x522: {  	v45 =	vld [tilespmem:$0x1F7B0]  }
0x523: {  	v10 =	vld [tilespmem:$0x1FF80]  }
0x524: {  	[tilespmem:v37+s19+$0x0] =	vst.idx.msk $0xffff, v0  }
0x525: {  	v0 =	vld.idx.msk [tilespmem:v27+s26+$0x0], $0xffff;
	_ =	sdelay $0x2  }
0x526: {  	v23 =	vld [tilespmem:$0x1F7C0];
	_ =	sdelay $0x1  }
0x527: {  	v35 =	vld [tilespmem:$0x1FF90];
	[tilespmem:v45+s19+$0x0] =	vst.idx.msk $0xffff, v0  }
0x528: {  	v0 =	vld.idx.msk [tilespmem:v10+s26+$0x0], $0xffff;
	_ =	sdelay $0x4  }
0x529: {  	[tilespmem:v23+s19+$0x0] =	vst.idx.msk $0xffff, v0;
	v23 =	vld [tilespmem:$0x1F7D0];
	_ =	sdelay $0x1  }
0x52a: {  	v45 =	vld [tilespmem:$0x1F7E0]  }
0x52b: {  	v0 =	vld.idx.msk [tilespmem:v35+s26+$0x0], $0xffff;
	_ =	sdelay $0x4  }
0x52c: {  	[tilespmem:v23+s19+$0x0] =	vst.idx.msk $0xffff, v0;
	v23 =	vld [tilespmem:$0x1F7F0];
	_ =	sdelay $0x1  }
0x52d: {  	v37 =	vld [tilespmem:$0x1F800]  }
0x52e: {  	v0 =	vld.idx.msk [tilespmem:v45+s26+$0x0], $0xffff;
	_ =	sdelay $0x4  }
0x52f: {  	[tilespmem:v23+s19+$0x0] =	vst.idx.msk $0xffff, v0;
	v23 =	vld [tilespmem:$0x1F810];
	_ =	sdelay $0x1  }
0x530: {  	v21 =	vld [tilespmem:$0x1F820]  }
0x531: {  	v0 =	vld.idx.msk [tilespmem:v37+s26+$0x0], $0xffff;
	_ =	sdelay $0x4  }
0x532: {  	[tilespmem:v23+s19+$0x0] =	vst.idx.msk $0xffff, v0;
	v23 =	vld [tilespmem:$0x1F830];
	_ =	sdelay $0x1  }
0x533: {  	v9 =	vld [tilespmem:$0x1F840]  }
0x534: {  	v0 =	vld.idx.msk [tilespmem:v21+s26+$0x0], $0xffff;
	_ =	sdelay $0x4  }
0x535: {  	[tilespmem:v23+s19+$0x0] =	vst.idx.msk $0xffff, v0;
	v23 =	vld [tilespmem:$0x1F850];
	_ =	sdelay $0x1  }
0x536: {  	v29 =	vld [tilespmem:$0x1F860]  }
0x537: {  	v0 =	vld.idx.msk [tilespmem:v9+s26+$0x0], $0xffff;
	_ =	sdelay $0x4  }
0x538: {  	[tilespmem:v23+s19+$0x0] =	vst.idx.msk $0xffff, v0;
	v23 =	vld [tilespmem:$0x1F870];
	_ =	sdelay $0x1  }
0x539: {  	v34 =	vld [tilespmem:$0x1F880]  }
0x53a: {  	v0 =	vld.idx.msk [tilespmem:v29+s26+$0x0], $0xffff;
	_ =	sdelay $0x4  }
0x53b: {  	[tilespmem:v23+s19+$0x0] =	vst.idx.msk $0xffff, v0;
	v23 =	vld [tilespmem:$0x1F890];
	_ =	sdelay $0x1  }
0x53c: {  	v15 =	vld [tilespmem:$0x1F8A0]  }
0x53d: {  	v0 =	vld.idx.msk [tilespmem:v34+s26+$0x0], $0xffff;
	_ =	sdelay $0x4  }
0x53e: {  	[tilespmem:v23+s19+$0x0] =	vst.idx.msk $0xffff, v0;
	v23 =	vld [tilespmem:$0x1F8B0];
	_ =	sdelay $0x1  }
0x53f: {  	v17 =	vld [tilespmem:$0x1F8C0]  }
0x540: {  	v0 =	vld.idx.msk [tilespmem:v15+s26+$0x0], $0xffff;
	_ =	sdelay $0x4  }
0x541: {  	[tilespmem:v23+s19+$0x0] =	vst.idx.msk $0xffff, v0;
	v23 =	vld [tilespmem:$0x1F8D0];
	_ =	sdelay $0x1  }
0x542: {  	v25 =	vld [tilespmem:$0x1F8E0]  }
0x543: {  	v0 =	vld.idx.msk [tilespmem:v17+s26+$0x0], $0xffff;
	_ =	sdelay $0x4  }
0x544: {  	[tilespmem:v23+s19+$0x0] =	vst.idx.msk $0xffff, v0;
	v23 =	vld [tilespmem:$0x1F8F0];
	_ =	sdelay $0x1  }
0x545: {  	v33 =	vld [tilespmem:$0x1F900]  }
0x546: {  	v0 =	vld.idx.msk [tilespmem:v25+s26+$0x0], $0xffff;
	_ =	sdelay $0x4  }
0x547: {  	[tilespmem:v23+s19+$0x0] =	vst.idx.msk $0xffff, v0;
	v23 =	vld [tilespmem:$0x1F910];
	_ =	sdelay $0x1  }
0x548: {  	v19 =	vld [tilespmem:$0x1F920]  }
0x549: {  	v0 =	vld.idx.msk [tilespmem:v33+s26+$0x0], $0xffff;
	_ =	sdelay $0x4  }
0x54a: {  	[tilespmem:v23+s19+$0x0] =	vst.idx.msk $0xffff, v0;
	v23 =	vld [tilespmem:$0x1F930];
	_ =	sdelay $0x1  }
0x54b: {  	v2 =	vld [tilespmem:$0x1F940]  }
0x54c: {  	v0 =	vld.idx.msk [tilespmem:v19+s26+$0x0], $0xffff;
	_ =	sdelay $0x4  }
0x54d: {  	[tilespmem:v23+s19+$0x0] =	vst.idx.msk $0xffff, v0;
	v23 =	vld [tilespmem:$0x1F950];
	_ =	sdelay $0x1  }
0x54e: {  	v6 =	vld [tilespmem:$0x1F960]  }
0x54f: {  	v0 =	vld.idx.msk [tilespmem:v2+s26+$0x0], $0xffff;
	_ =	sdelay $0x4  }
0x550: {  	[tilespmem:v23+s19+$0x0] =	vst.idx.msk $0xffff, v0;
	v23 =	vld [tilespmem:$0x1F970];
	_ =	sdelay $0x1  }
0x551: {  	v61 =	vld [tilespmem:$0x1F980]  }
0x552: {  	v0 =	vld.idx.msk [tilespmem:v6+s26+$0x0], $0xffff;
	_ =	sdelay $0x4  }
0x553: {  	[tilespmem:v23+s19+$0x0] =	vst.idx.msk $0xffff, v0;
	v23 =	vld [tilespmem:$0x1F990]  }
0x554: {  	v51 =	vld [tilespmem:$0x1F9A0];
	_ =	sdelay $0x1  }
0x555: {  	v0 =	vld.idx.msk [tilespmem:v61+s26+$0x0], $0xffff;
	_ =	sdelay $0x4  }
0x556: {  	[tilespmem:v23+s19+$0x0] =	vst.idx.msk $0xffff, v0;
	v23 =	vld [tilespmem:$0x1F9B0]  }
0x557: {  	v0 =	vld.idx.msk [tilespmem:v51+s26+$0x0], $0xffff  }
0x558: {  	v51 =	vld [tilespmem:$0x1F9C0];
	_ =	sdelay $0x6  }
0x559: {  	[tilespmem:v23+s19+$0x0] =	vst.idx.msk $0xffff, v0;
	v23 =	vld [tilespmem:$0x1F9D0]  }
0x55a: {  	v0 =	vld.idx.msk [tilespmem:v51+s26+$0x0], $0xffff  }
0x55b: {  	v51 =	vld [tilespmem:$0x1F9E0];
	_ =	sdelay $0x6  }
0x55c: {  	[tilespmem:v23+s19+$0x0] =	vst.idx.msk $0xffff, v0;
	v23 =	vld [tilespmem:$0x1F9F0]  }
0x55d: {  	v0 =	vld.idx.msk [tilespmem:v51+s26+$0x0], $0xffff  }
0x55e: {  	v51 =	vld [tilespmem:$0x1FA00];
	_ =	sdelay $0x5  }
0x55f: {  	[tilespmem:v23+s19+$0x0] =	vst.idx.msk $0xffff, v0;
	v23 =	vld [tilespmem:$0x1FA10];
	_ =	sdelay $0x1  }
0x560: {  	v0 =	vld.idx.msk [tilespmem:v51+s26+$0x0], $0xffff  }
0x561: {  	v51 =	vld [tilespmem:$0x1FA20];
	_ =	sdelay $0x4  }
0x562: {  	[tilespmem:v23+s19+$0x0] =	vst.idx.msk $0xffff, v0;
	v23 =	vld [tilespmem:$0x1FA30];
	_ =	sdelay $0x2  }
0x563: {  	v0 =	vld.idx.msk [tilespmem:v51+s26+$0x0], $0xffff;
	_ =	sdelay $0x4  }
0x564: {  	[tilespmem:v23+s19+$0x0] =	vst.idx.msk $0xffff, v0;
	v23 =	vld [tilespmem:$0x1FD00];
	_ =	sdelay $0x4  }
0x565: {  	v51 =	vld [tilespmem:$0x1FA40];
	_ =	sdelay $0x2  }
0x566: {  	v0 =	vld.idx.msk [tilespmem:v23+s26+$0x0], $0xffff;
	_ =	sdelay $0x4  }
0x567: {  	[tilespmem:v51+s19+$0x0] =	vst.idx.msk $0xffff, v0;
	v51 =	vld [tilespmem:$0x1FA50];
	_ =	sdelay $0x1  }
0x568: {  	s28 =	sor.u32 $0x8280, s28  }
0x569: {  	v0 =	vld.idx.msk [tilespmem:v18+s28+$0x0], $0xffff;
	_ =	sdelay $0x4  }
0x56a: {  	[tilespmem:v51+s19+$0x0] =	vst.idx.msk $0xffff, v0;
	v51 =	vld [tilespmem:$0x1FD10];
	_ =	sdelay $0x2  }
0x56b: {  	v0 =	vld.idx.msk [tilespmem:v20+s28+$0x0], $0xffff;
	_ =	sdelay $0x4  }
0x56c: {  	[tilespmem:v51+s19+$0x0] =	vst.idx.msk $0xffff, v0;
	v51 =	vld [tilespmem:$0x1FD20];
	_ =	sdelay $0x2  }
0x56d: {  	v0 =	vld.idx.msk [tilespmem:v48+s28+$0x0], $0xffff;
	_ =	sdelay $0x4  }
0x56e: {  	[tilespmem:v51+s19+$0x0] =	vst.idx.msk $0xffff, v0  }
0x56f: {  	v0 =	vld.idx.msk [tilespmem:v50+s28+$0x0], $0xffff  }
0x570: {  	v50 =	vld [tilespmem:$0x1FD30];
	_ =	sdelay $0x7  }
0x571: {  	[tilespmem:v50+s19+$0x0] =	vst.idx.msk $0xffff, v0;
	v50 =	vld [tilespmem:$0x1FD40];
	_ =	sdelay $0x2  }
0x572: {  	v0 =	vld.idx.msk [tilespmem:v52+s28+$0x0], $0xffff;
	_ =	sdelay $0x4  }
0x573: {  	[tilespmem:v50+s19+$0x0] =	vst.idx.msk $0xffff, v0;
	v50 =	vld [tilespmem:$0x1FD50];
	_ =	sdelay $0x2  }
0x574: {  	v0 =	vld.idx.msk [tilespmem:v54+s28+$0x0], $0xffff;
	_ =	sdelay $0x4  }
0x575: {  	[tilespmem:v50+s19+$0x0] =	vst.idx.msk $0xffff, v0;
	v50 =	vld [tilespmem:$0x1FD60];
	_ =	sdelay $0x2  }
0x576: {  	v0 =	vld.idx.msk [tilespmem:v55+s28+$0x0], $0xffff;
	_ =	sdelay $0x4  }
0x577: {  	[tilespmem:v50+s19+$0x0] =	vst.idx.msk $0xffff, v0;
	v50 =	vld [tilespmem:$0x1FD70];
	_ =	sdelay $0x2  }
0x578: {  	v0 =	vld.idx.msk [tilespmem:v56+s28+$0x0], $0xffff;
	_ =	sdelay $0x4  }
0x579: {  	[tilespmem:v50+s19+$0x0] =	vst.idx.msk $0xffff, v0;
	v50 =	vld [tilespmem:$0x1FD80];
	_ =	sdelay $0x2  }
0x57a: {  	v0 =	vld.idx.msk [tilespmem:v58+s28+$0x0], $0xffff;
	_ =	sdelay $0x4  }
0x57b: {  	[tilespmem:v50+s19+$0x0] =	vst.idx.msk $0xffff, v0;
	v50 =	vld [tilespmem:$0x1FD90];
	_ =	sdelay $0x2  }
0x57c: {  	v0 =	vld.idx.msk [tilespmem:v59+s28+$0x0], $0xffff;
	_ =	sdelay $0x4  }
0x57d: {  	[tilespmem:v50+s19+$0x0] =	vst.idx.msk $0xffff, v0;
	v50 =	vld [tilespmem:$0x1FDA0];
	_ =	sdelay $0x2  }
0x57e: {  	v0 =	vld.idx.msk [tilespmem:v60+s28+$0x0], $0xffff;
	_ =	sdelay $0x4  }
0x57f: {  	[tilespmem:v50+s19+$0x0] =	vst.idx.msk $0xffff, v0;
	v50 =	vld [tilespmem:$0x1FDB0];
	_ =	sdelay $0x2  }
0x580: {  	v0 =	vld.idx.msk [tilespmem:v22+s28+$0x0], $0xffff;
	_ =	sdelay $0x4  }
0x581: {  	[tilespmem:v50+s19+$0x0] =	vst.idx.msk $0xffff, v0;
	v50 =	vld [tilespmem:$0x1FDC0];
	_ =	sdelay $0x2  }
0x582: {  	v0 =	vld.idx.msk [tilespmem:v4+s28+$0x0], $0xffff;
	_ =	sdelay $0x4  }
0x583: {  	[tilespmem:v50+s19+$0x0] =	vst.idx.msk $0xffff, v0;
	v50 =	vld [tilespmem:$0x1FDD0];
	_ =	sdelay $0x2  }
0x584: {  	v0 =	vld.idx.msk [tilespmem:v63+s28+$0x0], $0xffff;
	_ =	sdelay $0x4  }
0x585: {  	[tilespmem:v50+s19+$0x0] =	vst.idx.msk $0xffff, v0  }
0x586: {  	v0 =	vld.idx.msk [tilespmem:v62+s28+$0x0], $0xffff  }
0x587: {  	v62 =	vmov v12;
	v12 =	vld [tilespmem:$0x1FDE0];
	_ =	sdelay $0x5  }
0x588: {  	v50 =	vld [tilespmem:$0x1FDF0];
	_ =	sdelay $0x1  }
0x589: {  	[tilespmem:v12+s19+$0x0] =	vst.idx.msk $0xffff, v0  }
0x58a: {  	v0 =	vld.idx.msk [tilespmem:v8+s28+$0x0], $0xffff;
	_ =	sdelay $0x2  }
0x58b: {  	v8 =	vld [tilespmem:$0x1FE00];
	_ =	sdelay $0x1  }
0x58c: {  	[tilespmem:v50+s19+$0x0] =	vst.idx.msk $0xffff, v0  }
0x58d: {  	v0 =	vld.idx.msk [tilespmem:v36+s28+$0x0], $0xffff;
	_ =	sdelay $0x2  }
0x58e: {  	v12 =	vld [tilespmem:$0x1FE10];
	_ =	sdelay $0x1  }
0x58f: {  	[tilespmem:v8+s19+$0x0] =	vst.idx.msk $0xffff, v0  }
0x590: {  	v0 =	vld.idx.msk [tilespmem:v40+s28+$0x0], $0xffff;
	_ =	sdelay $0x2  }
0x591: {  	v36 =	vld [tilespmem:$0x1FE20];
	_ =	sdelay $0x1  }
0x592: {  	[tilespmem:v12+s19+$0x0] =	vst.idx.msk $0xffff, v0  }
0x593: {  	v0 =	vld.idx.msk [tilespmem:v43+s28+$0x0], $0xffff;
	_ =	sdelay $0x2  }
0x594: {  	v40 =	vld [tilespmem:$0x1FE30];
	_ =	sdelay $0x1  }
0x595: {  	[tilespmem:v36+s19+$0x0] =	vst.idx.msk $0xffff, v0  }
0x596: {  	v0 =	vld.idx.msk [tilespmem:v3+s28+$0x0], $0xffff;
	_ =	sdelay $0x2  }
0x597: {  	v43 =	vld [tilespmem:$0x1FE40];
	_ =	sdelay $0x1  }
0x598: {  	[tilespmem:v40+s19+$0x0] =	vst.idx.msk $0xffff, v0  }
0x599: {  	v0 =	vld.idx.msk [tilespmem:v42+s28+$0x0], $0xffff;
	_ =	sdelay $0x2  }
0x59a: {  	v50 =	vld [tilespmem:$0x1FE50];
	_ =	sdelay $0x1  }
0x59b: {  	[tilespmem:v43+s19+$0x0] =	vst.idx.msk $0xffff, v0  }
0x59c: {  	v0 =	vld.idx.msk [tilespmem:v46+s28+$0x0], $0xffff;
	_ =	sdelay $0x2  }
0x59d: {  	v8 =	vld [tilespmem:$0x1FE60];
	_ =	sdelay $0x1  }
0x59e: {  	[tilespmem:v50+s19+$0x0] =	vst.idx.msk $0xffff, v0  }
0x59f: {  	v0 =	vld.idx.msk [tilespmem:v7+s28+$0x0], $0xffff;
	_ =	sdelay $0x4  }
0x5a0: {  	[tilespmem:v8+s19+$0x0] =	vst.idx.msk $0xffff, v0  }
0x5a1: {  	v0 =	vld.idx.msk [tilespmem:v11+s28+$0x0], $0xffff  }
0x5a2: {  	v11 =	vld [tilespmem:$0x1FE70];
	_ =	sdelay $0x5  }
0x5a3: {  	v12 =	vld [tilespmem:$0x1FA70];
	_ =	sdelay $0x1  }
0x5a4: {  	[tilespmem:v11+s19+$0x0] =	vst.idx.msk $0xffff, v0  }
0x5a5: {  	v0 =	vld.idx.msk [tilespmem:v13+s28+$0x0], $0xffff;
	_ =	sdelay $0x2  }
0x5a6: {  	v13 =	vld [tilespmem:$0x1FA80];
	_ =	sdelay $0x1  }
0x5a7: {  	[tilespmem:v12+s19+$0x0] =	vst.idx.msk $0xffff, v0  }
0x5a8: {  	v0 =	vld.idx.msk [tilespmem:v5+s28+$0x0], $0xffff;
	_ =	sdelay $0x2  }
0x5a9: {  	v36 =	vld [tilespmem:$0x1FA90];
	_ =	sdelay $0x1  }
0x5aa: {  	[tilespmem:v13+s19+$0x0] =	vst.idx.msk $0xffff, v0  }
0x5ab: {  	v0 =	vld.idx.msk [tilespmem:v47+s28+$0x0], $0xffff;
	_ =	sdelay $0x4  }
0x5ac: {  	[tilespmem:v36+s19+$0x0] =	vst.idx.msk $0xffff, v0  }
0x5ad: {  	v0 =	vld.idx.msk [tilespmem:v38+s28+$0x0], $0xffff  }
0x5ae: {  	v38 =	vld [tilespmem:$0x1FAA0];
	_ =	sdelay $0x5  }
0x5af: {  	v40 =	vld [tilespmem:$0x1FAB0];
	_ =	sdelay $0x1  }
0x5b0: {  	[tilespmem:v38+s19+$0x0] =	vst.idx.msk $0xffff, v0  }
0x5b1: {  	v0 =	vld.idx.msk [tilespmem:v41+s28+$0x0], $0xffff;
	_ =	sdelay $0x2  }
0x5b2: {  	v41 =	vld [tilespmem:$0x1FAC0];
	_ =	sdelay $0x1  }
0x5b3: {  	[tilespmem:v40+s19+$0x0] =	vst.idx.msk $0xffff, v0  }
0x5b4: {  	v0 =	vld.idx.msk [tilespmem:v1+s28+$0x0], $0xffff;
	_ =	sdelay $0x2  }
0x5b5: {  	v42 =	vld [tilespmem:$0x1FAD0];
	_ =	sdelay $0x1  }
0x5b6: {  	[tilespmem:v41+s19+$0x0] =	vst.idx.msk $0xffff, v0  }
0x5b7: {  	v0 =	vld.idx.msk [tilespmem:v49+s28+$0x0], $0xffff;
	_ =	sdelay $0x2  }
0x5b8: {  	v43 =	vld [tilespmem:$0x1FAE0];
	_ =	sdelay $0x1  }
0x5b9: {  	[tilespmem:v42+s19+$0x0] =	vst.idx.msk $0xffff, v0  }
0x5ba: {  	v0 =	vld.idx.msk [tilespmem:v57+s28+$0x0], $0xffff;
	_ =	sdelay $0x4  }
0x5bb: {  	[tilespmem:v43+s19+$0x0] =	vst.idx.msk $0xffff, v0  }
0x5bc: {  	v0 =	vld.idx.msk [tilespmem:v44+s28+$0x0], $0xffff  }
0x5bd: {  	v44 =	vld [tilespmem:$0x1FAF0];
	_ =	sdelay $0x5  }
0x5be: {  	v46 =	vld [tilespmem:$0x1FB00];
	_ =	sdelay $0x1  }
0x5bf: {  	[tilespmem:v44+s19+$0x0] =	vst.idx.msk $0xffff, v0  }
0x5c0: {  	v0 =	vld.idx.msk [tilespmem:v24+s28+$0x0], $0xffff;
	_ =	sdelay $0x2  }
0x5c1: {  	v47 =	vld [tilespmem:$0x1FB10];
	_ =	sdelay $0x1  }
0x5c2: {  	[tilespmem:v46+s19+$0x0] =	vst.idx.msk $0xffff, v0  }
0x5c3: {  	v0 =	vld.idx.msk [tilespmem:v30+s28+$0x0], $0xffff;
	_ =	sdelay $0x2  }
0x5c4: {  	v49 =	vld [tilespmem:$0x1FB20];
	_ =	sdelay $0x1  }
0x5c5: {  	[tilespmem:v47+s19+$0x0] =	vst.idx.msk $0xffff, v0  }
0x5c6: {  	v0 =	vld.idx.msk [tilespmem:v53+s28+$0x0], $0xffff;
	_ =	sdelay $0x2  }
0x5c7: {  	v50 =	vld [tilespmem:$0x1FB30];
	_ =	sdelay $0x1  }
0x5c8: {  	[tilespmem:v49+s19+$0x0] =	vst.idx.msk $0xffff, v0  }
0x5c9: {  	v0 =	vld.idx.msk [tilespmem:v14+s28+$0x0], $0xffff;
	_ =	sdelay $0x2  }
0x5ca: {  	v53 =	vld [tilespmem:$0x1FB40];
	_ =	sdelay $0x1  }
0x5cb: {  	[tilespmem:v50+s19+$0x0] =	vst.idx.msk $0xffff, v0  }
0x5cc: {  	v0 =	vld.idx.msk [tilespmem:v39+s28+$0x0], $0xffff;
	_ =	sdelay $0x2  }
0x5cd: {  	v57 =	vld [tilespmem:$0x1FB50];
	_ =	sdelay $0x1  }
0x5ce: {  	[tilespmem:v53+s19+$0x0] =	vst.idx.msk $0xffff, v0  }
0x5cf: {  	v0 =	vld.idx.msk [tilespmem:v28+s28+$0x0], $0xffff;
	_ =	sdelay $0x2  }
0x5d0: {  	v4 =	vld [tilespmem:$0x1FB60];
	_ =	sdelay $0x1  }
0x5d1: {  	[tilespmem:v57+s19+$0x0] =	vst.idx.msk $0xffff, v0  }
0x5d2: {  	v0 =	vld.idx.msk [tilespmem:v32+s28+$0x0], $0xffff;
	_ =	sdelay $0x2  }
0x5d3: {  	v5 =	vld [tilespmem:$0x1FB70];
	_ =	sdelay $0x1  }
0x5d4: {  	[tilespmem:v4+s19+$0x0] =	vst.idx.msk $0xffff, v0  }
0x5d5: {  	v0 =	vld.idx.msk [tilespmem:v26+s28+$0x0], $0xffff;
	_ =	sdelay $0x2  }
0x5d6: {  	v7 =	vld [tilespmem:$0x1FB80];
	_ =	sdelay $0x1  }
0x5d7: {  	[tilespmem:v5+s19+$0x0] =	vst.idx.msk $0xffff, v0  }
0x5d8: {  	v0 =	vld.idx.msk [tilespmem:v27+s28+$0x0], $0xffff;
	_ =	sdelay $0x2  }
0x5d9: {  	v8 =	vld [tilespmem:$0x1FB90];
	_ =	sdelay $0x1  }
0x5da: {  	[tilespmem:v7+s19+$0x0] =	vst.idx.msk $0xffff, v0  }
0x5db: {  	v0 =	vld.idx.msk [tilespmem:v10+s28+$0x0], $0xffff;
	_ =	sdelay $0x2  }
0x5dc: {  	v10 =	vld [tilespmem:$0x1FBA0];
	_ =	sdelay $0x1  }
0x5dd: {  	[tilespmem:v8+s19+$0x0] =	vst.idx.msk $0xffff, v0  }
0x5de: {  	v0 =	vld.idx.msk [tilespmem:v35+s28+$0x0], $0xffff;
	_ =	sdelay $0x2  }
0x5df: {  	v11 =	vld [tilespmem:$0x1FBB0];
	_ =	sdelay $0x1  }
0x5e0: {  	[tilespmem:v10+s19+$0x0] =	vst.idx.msk $0xffff, v0  }
0x5e1: {  	v0 =	vld.idx.msk [tilespmem:v45+s28+$0x0], $0xffff;
	_ =	sdelay $0x2  }
0x5e2: {  	v13 =	vld [tilespmem:$0x1FBC0];
	_ =	sdelay $0x1  }
0x5e3: {  	[tilespmem:v11+s19+$0x0] =	vst.idx.msk $0xffff, v0  }
0x5e4: {  	v0 =	vld.idx.msk [tilespmem:v37+s28+$0x0], $0xffff;
	_ =	sdelay $0x2  }
0x5e5: {  	v60 =	vmov v16;
	v16 =	vimm.s32 $0x7F0;
	v27 =	vld [tilespmem:$0x1FBD0]  }
0x5e6: {  	v12 =	vsel vm0, $0x680, v16  }
0x5e7: {  	v14 =	vsel vm1, $0x690, v12;
	[tilespmem:v13+s19+$0x0] =	vst.idx.msk $0xffff, v0  }
0x5e8: {  	v0 =	vsel vm2, $0x6A0, v14;
	v24 =	vld.idx.msk [tilespmem:v21+s28+$0x0], $0xffff  }
0x5e9: {  	v0 =	vsel vm3, $0x6B0, v0  }
0x5ea: {  	v0 =	vsel vm4, $0x6C0, v0  }
0x5eb: {  	v18 =	vimm.s32 $0x7F1;
	v37 =	vld [tilespmem:$0x1FBE0];
	v0 =	vsel vm5, $0x6D0, v0  }
0x5ec: {  	v26 =	vsel vm0, $0x681, v18;
	v0 =	vsel vm6, $0x6E0, v0  }
0x5ed: {  	v32 =	vsel vm1, $0x691, v26;
	v0 =	vsel vm7, $0x6F0, v0;
	[tilespmem:v27+s19+$0x0] =	vst.idx.msk $0xffff, v24  }
0x5ee: {  	v1 =	vsel vm2, $0x6A1, v32;
	v0 =	vsel vm8, $0x780, v0;
	v35 =	vld.idx.msk [tilespmem:v9+s28+$0x0], $0xffff  }
0x5ef: {  	v1 =	vsel vm3, $0x6B1, v1;
	v0 =	vsel vm9, $0x790, v0  }
0x5f0: {  	v1 =	vsel vm4, $0x6C1, v1;
	v0 =	vsel vm10, $0x7A0, v0  }
0x5f1: {  	v20 =	vimm.s32 $0x7F2;
	v1 =	vsel vm5, $0x6D1, v1;
	v0 =	vsel vm11, $0x7B0, v0  }
0x5f2: {  	v36 =	vsel vm0, $0x682, v20;
	v1 =	vsel vm6, $0x6E1, v1;
	v0 =	vsel vm12, $0x7C0, v0  }
0x5f3: {  	v38 =	vsel vm1, $0x692, v36;
	v1 =	vsel vm7, $0x6F1, v1;
	v0 =	vsel vm13, $0x7D0, v0;
	[tilespmem:v37+s19+$0x0] =	vst.idx.msk $0xffff, v35  }
0x5f4: {  	v4 =	vsel vm2, $0x6A2, v38;
	v1 =	vsel vm8, $0x781, v1;
	v0 =	vsel vm14, $0x7E0, v0;
	v39 =	vld.idx.msk [tilespmem:v29+s28+$0x0], $0xffff  }
0x5f5: {  	v4 =	vsel vm3, $0x6B2, v4;
	v1 =	vsel vm9, $0x791, v1  }
0x5f6: {  	v4 =	vsel vm4, $0x6C2, v4;
	v1 =	vsel vm10, $0x7A1, v1  }
0x5f7: {  	v22 =	vimm.s32 $0x7F3;
	v4 =	vsel vm5, $0x6D2, v4;
	v1 =	vsel vm11, $0x7B1, v1  }
0x5f8: {  	v40 =	vsel vm0, $0x683, v22;
	v4 =	vsel vm6, $0x6E2, v4;
	v1 =	vsel vm12, $0x7C1, v1  }
0x5f9: {  	v43 =	vsel vm1, $0x693, v40;
	v42 =	vsel vm7, $0x6F2, v4;
	v41 =	vsel vm13, $0x7D1, v1;
	[tilespmem:v0+s19+$0x0] =	vst.idx.msk $0xffff, v39  }
0x5fa: {  	v4 =	vsel vm2, $0x6A3, v43;
	v1 =	vsel vm8, $0x782, v42;
	v0 =	vsel vm14, $0x7E1, v41;
	v8 =	vld.idx.msk [tilespmem:v34+s28+$0x0], $0xffff  }
0x5fb: {  	v4 =	vsel vm3, $0x6B3, v4;
	v1 =	vsel vm9, $0x792, v1  }
0x5fc: {  	v4 =	vsel vm4, $0x6C3, v4;
	v1 =	vsel vm10, $0x7A2, v1  }
0x5fd: {  	v48 =	vimm.s32 $0x7F4;
	v4 =	vsel vm5, $0x6D3, v4;
	v1 =	vsel vm11, $0x7B2, v1  }
0x5fe: {  	v44 =	vsel vm0, $0x684, v48;
	v4 =	vsel vm6, $0x6E3, v4;
	v1 =	vsel vm12, $0x7C2, v1  }
0x5ff: {  	v47 =	vsel vm1, $0x694, v44;
	v46 =	vsel vm7, $0x6F3, v4;
	v45 =	vsel vm13, $0x7D2, v1;
	[tilespmem:v0+s19+$0x0] =	vst.idx.msk $0xffff, v8  }
0x600: {  	v4 =	vsel vm2, $0x6A4, v47;
	v1 =	vsel vm8, $0x783, v46;
	v0 =	vsel vm14, $0x7E2, v45;
	v8 =	vld.idx.msk [tilespmem:v15+s28+$0x0], $0xffff  }
0x601: {  	v4 =	vsel vm3, $0x6B4, v4;
	v1 =	vsel vm9, $0x793, v1  }
0x602: {  	v4 =	vsel vm4, $0x6C4, v4;
	v1 =	vsel vm10, $0x7A3, v1  }
0x603: {  	v58 =	vmovc v31;
	v31 =	vimm.s32 $0x7F5;
	v4 =	vsel vm5, $0x6D4, v4;
	v1 =	vsel vm11, $0x7B3, v1  }
0x604: {  	v49 =	vsel vm0, $0x685, v31;
	v4 =	vsel vm6, $0x6E4, v4;
	v1 =	vsel vm12, $0x7C3, v1  }
0x605: {  	v57 =	vsel vm1, $0x695, v49;
	v53 =	vsel vm7, $0x6F4, v4;
	v50 =	vsel vm13, $0x7D3, v1;
	[tilespmem:v0+s19+$0x0] =	vst.idx.msk $0xffff, v8  }
0x606: {  	v4 =	vsel vm2, $0x6A5, v57;
	v1 =	vsel vm8, $0x784, v53;
	v0 =	vsel vm14, $0x7E3, v50;
	v8 =	vld.idx.msk [tilespmem:v17+s28+$0x0], $0xffff  }
0x607: {  	v4 =	vsel vm3, $0x6B5, v4;
	v1 =	vsel vm9, $0x794, v1  }
0x608: {  	v4 =	vsel vm4, $0x6C5, v4;
	v1 =	vsel vm10, $0x7A4, v1  }
0x609: {  	v52 =	vimm.s32 $0x7F6;
	v4 =	vsel vm5, $0x6D5, v4;
	v1 =	vsel vm11, $0x7B4, v1  }
0x60a: {  	v4 =	vsel vm6, $0x6E5, v4;
	v11 =	vsel vm0, $0x686, v52;
	v1 =	vsel vm12, $0x7C4, v1  }
0x60b: {  	v13 =	vsel vm13, $0x7D4, v1;
	v14 =	vsel vm7, $0x6F5, v4;
	v24 =	vsel vm1, $0x696, v11;
	[tilespmem:v0+s19+$0x0] =	vst.idx.msk $0xffff, v8  }
0x60c: {  	v1 =	vsel vm8, $0x785, v14;
	v4 =	vsel vm2, $0x6A6, v24;
	v0 =	vsel vm14, $0x7E4, v13;
	v8 =	vld.idx.msk [tilespmem:v25+s28+$0x0], $0xffff  }
0x60d: {  	v1 =	vsel vm9, $0x795, v1;
	v4 =	vsel vm3, $0x6B6, v4  }
0x60e: {  	v1 =	vsel vm10, $0x7A5, v1;
	v4 =	vsel vm4, $0x6C6, v4  }
0x60f: {  	v54 =	vimm.s32 $0x7F7;
	v1 =	vsel vm11, $0x7B5, v1;
	v4 =	vsel vm5, $0x6D6, v4  }
0x610: {  	v1 =	vsel vm12, $0x7C5, v1;
	v4 =	vsel vm6, $0x6E6, v4;
	v25 =	vsel vm0, $0x687, v54  }
0x611: {  	v26 =	vsel vm13, $0x7D5, v1;
	v27 =	vsel vm7, $0x6F6, v4;
	v32 =	vsel vm1, $0x697, v25;
	[tilespmem:v0+s19+$0x0] =	vst.idx.msk $0xffff, v8  }
0x612: {  	v1 =	vsel vm8, $0x786, v27;
	v4 =	vsel vm2, $0x6A7, v32;
	v0 =	vsel vm14, $0x7E5, v26;
	v8 =	vld.idx.msk [tilespmem:v33+s28+$0x0], $0xffff  }
0x613: {  	v1 =	vsel vm9, $0x796, v1;
	v4 =	vsel vm3, $0x6B7, v4  }
0x614: {  	v1 =	vsel vm10, $0x7A6, v1;
	v4 =	vsel vm4, $0x6C7, v4  }
0x615: {  	v55 =	vimm.s32 $0x7F8;
	v1 =	vsel vm11, $0x7B6, v1;
	v4 =	vsel vm5, $0x6D7, v4  }
0x616: {  	v1 =	vsel vm12, $0x7C6, v1;
	v34 =	vsel vm0, $0x688, v55;
	v4 =	vsel vm6, $0x6E7, v4  }
0x617: {  	v35 =	vsel vm13, $0x7D6, v1;
	v37 =	vsel vm1, $0x698, v34;
	v36 =	vsel vm7, $0x6F7, v4;
	[tilespmem:v0+s19+$0x0] =	vst.idx.msk $0xffff, v8  }
0x618: {  	v4 =	vsel vm2, $0x6A8, v37;
	v1 =	vsel vm8, $0x787, v36;
	v0 =	vsel vm14, $0x7E6, v35;
	v8 =	vld.idx.msk [tilespmem:v19+s28+$0x0], $0xffff  }
0x619: {  	v4 =	vsel vm3, $0x6B8, v4;
	v1 =	vsel vm9, $0x797, v1  }
0x61a: {  	v4 =	vsel vm4, $0x6C8, v4;
	v1 =	vsel vm10, $0x7A7, v1  }
0x61b: {  	v56 =	vimm.s32 $0x7F9;
	v4 =	vsel vm5, $0x6D8, v4;
	v1 =	vsel vm11, $0x7B7, v1  }
0x61c: {  	v38 =	vsel vm0, $0x689, v56;
	v4 =	vsel vm6, $0x6E8, v4;
	v1 =	vsel vm12, $0x7C7, v1  }
0x61d: {  	v41 =	vsel vm1, $0x699, v38;
	v40 =	vsel vm7, $0x6F8, v4;
	v39 =	vsel vm13, $0x7D7, v1;
	[tilespmem:v0+s19+$0x0] =	vst.idx.msk $0xffff, v8  }
0x61e: {  	v4 =	vsel vm2, $0x6A9, v41;
	v1 =	vsel vm8, $0x788, v40;
	v0 =	vsel vm14, $0x7E7, v39;
	v8 =	vld.idx.msk [tilespmem:v2+s28+$0x0], $0xffff  }
0x61f: {  	v4 =	vsel vm3, $0x6B9, v4;
	v1 =	vsel vm9, $0x798, v1  }
0x620: {  	v4 =	vsel vm4, $0x6C9, v4;
	v1 =	vsel vm10, $0x7A8, v1  }
0x621: {  	v59 =	vimm.s32 $0x7FA;
	v4 =	vsel vm5, $0x6D9, v4;
	v1 =	vsel vm11, $0x7B8, v1  }
0x622: {  	v42 =	vsel vm0, $0x68A, v59;
	v4 =	vsel vm6, $0x6E9, v4;
	v1 =	vsel vm12, $0x7C8, v1  }
0x623: {  	v45 =	vsel vm1, $0x69A, v42;
	v44 =	vsel vm7, $0x6F9, v4;
	v43 =	vsel vm13, $0x7D8, v1;
	[tilespmem:v0+s19+$0x0] =	vst.idx.msk $0xffff, v8  }
0x624: {  	v4 =	vsel vm2, $0x6AA, v45;
	v1 =	vsel vm8, $0x789, v44;
	v0 =	vsel vm14, $0x7E8, v43;
	v8 =	vld.idx.msk [tilespmem:v6+s28+$0x0], $0xffff  }
0x625: {  	v4 =	vsel vm3, $0x6BA, v4;
	v1 =	vsel vm9, $0x799, v1  }
0x626: {  	v4 =	vsel vm4, $0x6CA, v4;
	v1 =	vsel vm10, $0x7A9, v1  }
0x627: {  	v46 =	vimm.s32 $0x7FB;
	v4 =	vsel vm5, $0x6DA, v4;
	v1 =	vsel vm11, $0x7B9, v1  }
0x628: {  	v47 =	vsel vm0, $0x68B, v46;
	v24 =	vld [tilespmem:$0x1F9A0];
	v4 =	vsel vm6, $0x6EA, v4;
	v1 =	vsel vm12, $0x7C9, v1  }
0x629: {  	v53 =	vsel vm1, $0x69B, v47;
	v50 =	vsel vm7, $0x6FA, v4;
	v49 =	vsel vm13, $0x7D9, v1;
	[tilespmem:v0+s19+$0x0] =	vst.idx.msk $0xffff, v8  }
0x62a: {  	v4 =	vsel vm2, $0x6AB, v53;
	v1 =	vsel vm8, $0x78A, v50;
	v0 =	vsel vm14, $0x7E9, v49;
	v8 =	vld.idx.msk [tilespmem:v61+s28+$0x0], $0xffff  }
0x62b: {  	v4 =	vsel vm3, $0x6BB, v4;
	v1 =	vsel vm9, $0x79A, v1  }
0x62c: {  	v4 =	vsel vm4, $0x6CB, v4;
	v1 =	vsel vm10, $0x7AA, v1  }
0x62d: {  	v63 =	vimm.s32 $0x7FC;
	v4 =	vsel vm5, $0x6DB, v4;
	v1 =	vsel vm11, $0x7BA, v1  }
0x62e: {  	v57 =	vsel vm0, $0x68C, v63;
	v34 =	vld [tilespmem:$0x1F9C0];
	v4 =	vsel vm6, $0x6EB, v4;
	v1 =	vsel vm12, $0x7CA, v1  }
0x62f: {  	v14 =	vsel vm1, $0x69C, v57;
	v13 =	vsel vm7, $0x6FB, v4;
	v61 =	vsel vm13, $0x7DA, v1;
	[tilespmem:v0+s19+$0x0] =	vst.idx.msk $0xffff, v8  }
0x630: {  	v4 =	vsel vm2, $0x6AC, v14;
	v1 =	vsel vm8, $0x78B, v13;
	v0 =	vsel vm14, $0x7EA, v61;
	v8 =	vld.idx.msk [tilespmem:v24+s28+$0x0], $0xffff  }
0x631: {  	v4 =	vsel vm3, $0x6BC, v4;
	v1 =	vsel vm9, $0x79B, v1  }
0x632: {  	v4 =	vsel vm4, $0x6CC, v4;
	v1 =	vsel vm10, $0x7AB, v1  }
0x633: {  	v25 =	vimm.s32 $0x7FD;
	v4 =	vsel vm5, $0x6DC, v4;
	v1 =	vsel vm11, $0x7BB, v1  }
0x634: {  	v26 =	vsel vm0, $0x68D, v25;
	v40 =	vld [tilespmem:$0x1F9E0];
	v4 =	vsel vm6, $0x6EC, v4;
	v1 =	vsel vm12, $0x7CB, v1  }
0x635: {  	v33 =	vsel vm1, $0x69D, v26;
	v32 =	vsel vm7, $0x6FC, v4;
	v27 =	vsel vm13, $0x7DB, v1;
	[tilespmem:v0+s19+$0x0] =	vst.idx.msk $0xffff, v8  }
0x636: {  	v4 =	vsel vm2, $0x6AD, v33;
	v1 =	vsel vm8, $0x78C, v32;
	v0 =	vsel vm14, $0x7EB, v27;
	v8 =	vld.idx.msk [tilespmem:v34+s28+$0x0], $0xffff  }
0x637: {  	v4 =	vsel vm3, $0x6BD, v4;
	v1 =	vsel vm9, $0x79C, v1  }
0x638: {  	v4 =	vsel vm4, $0x6CD, v4;
	v1 =	vsel vm10, $0x7AC, v1  }
0x639: {  	v35 =	vimm.s32 $0x7FE;
	v4 =	vsel vm5, $0x6DD, v4;
	v1 =	vsel vm11, $0x7BC, v1  }
0x63a: {  	v46 =	vld [tilespmem:$0x1FA00];
	v36 =	vsel vm0, $0x68E, v35;
	v4 =	vsel vm6, $0x6ED, v4;
	v1 =	vsel vm12, $0x7CC, v1  }
0x63b: {  	v39 =	vsel vm1, $0x69E, v36;
	v38 =	vsel vm7, $0x6FD, v4;
	v37 =	vsel vm13, $0x7DC, v1;
	[tilespmem:v0+s19+$0x0] =	vst.idx.msk $0xffff, v8  }
0x63c: {  	v4 =	vsel vm2, $0x6AE, v39;
	v1 =	vsel vm8, $0x78D, v38;
	v0 =	vsel vm14, $0x7EC, v37;
	v8 =	vld.idx.msk [tilespmem:v40+s28+$0x0], $0xffff  }
0x63d: {  	v4 =	vsel vm3, $0x6BE, v4;
	v1 =	vsel vm9, $0x79D, v1  }
0x63e: {  	v4 =	vsel vm4, $0x6CE, v4;
	v1 =	vsel vm10, $0x7AD, v1  }
0x63f: {  	v41 =	vimm.s32 $0x7FF;
	v4 =	vsel vm5, $0x6DE, v4;
	v1 =	vsel vm11, $0x7BD, v1  }
0x640: {  	v42 =	vsel vm0, $0x68F, v41;
	v50 =	vld [tilespmem:$0x1FA20];
	v4 =	vsel vm6, $0x6EE, v4;
	v1 =	vsel vm12, $0x7CD, v1  }
0x641: {  	v45 =	vsel vm1, $0x69F, v42;
	v44 =	vsel vm7, $0x6FE, v4;
	v43 =	vsel vm13, $0x7DD, v1;
	[tilespmem:v0+s19+$0x0] =	vst.idx.msk $0xffff, v8  }
0x642: {  	v4 =	vsel vm2, $0x6AF, v45;
	v1 =	vsel vm8, $0x78E, v44;
	v0 =	vsel vm14, $0x7ED, v43;
	v8 =	vld.idx.msk [tilespmem:v46+s28+$0x0], $0xffff  }
0x643: {  	v4 =	vsel vm3, $0x6BF, v4;
	v1 =	vsel vm9, $0x79E, v1  }
0x644: {  	v4 =	vsel vm4, $0x6CF, v4;
	v1 =	vsel vm10, $0x7AE, v1  }
0x645: {  	v4 =	vsel vm5, $0x6DF, v4;
	v1 =	vsel vm11, $0x7BE, v1  }
0x646: {  	v4 =	vsel vm6, $0x6EF, v4;
	v1 =	vsel vm12, $0x7CE, v1  }
0x647: {  	v49 =	vsel vm7, $0x6FF, v4;
	v47 =	vsel vm13, $0x7DE, v1;
	[tilespmem:v0+s19+$0x0] =	vst.idx.msk $0xffff, v8  }
0x648: {  	v1 =	vsel vm8, $0x78F, v49;
	v0 =	vsel vm14, $0x7EE, v47;
	v53 =	vld.idx.msk [tilespmem:v50+s28+$0x0], $0xffff  }
0x649: {  	v1 =	vsel vm9, $0x79F, v1  }
0x64a: {  	v1 =	vsel vm10, $0x7AF, v1  }
0x64b: {  	v1 =	vsel vm11, $0x7BF, v1  }
0x64c: {  	v1 =	vsel vm12, $0x7CF, v1  }
0x64d: {  	v57 =	vsel vm13, $0x7DF, v1;
	[tilespmem:v0+s19+$0x0] =	vst.idx.msk $0xffff, v53  }
0x64e: {  	v0 =	vsel vm14, $0x7EF, v57;
	v61 =	vld.idx.msk [tilespmem:v23+s28+$0x0], $0xffff;
	_ =	sdelay $0x3  }
0x64f: {  	p0 =	sgt.u32 s25, $0x3D  }
0x650: {  	s29 =	simm.s32 @!p0 $0x40;
	[tilespmem:v0+s19+$0x0] =	vst.idx.msk $0xffff, v61  }
0x651: {  	[tilespmem:s26], [sflag:$0x1] =	stream.indirect.gather @!p0 [hbm4b:s3+s29], $0x80, s22, s29, $0xb8;
	[tilespmem:$0xCA80] =	vst v63  }
0x652: {  	s25 =	sadd.s32 $0x1, s25  }
0x653: {  	[tilespmem:s28], [sflag:$0x1] =	stream.indirect.gather @!p0 [hbm4b:s4+s29], $0x80, s21, s29, $0xb8;
	[tilespmem:$0xCA80] =	vst v63  }
0x654: {  	p0 =	sne.s32 s25, $0x40  }
.Ltmp2:
0x655: {  	_ = 	snop;
	(pc) =	sbr.rel @p0 .LBB2_6-.Ltmp2, $4  }
0x656: {  	[hbm4b:s24+s1] =	stream.linear.scatter [tilespmem:s19], [sflag:$0x2], $0x800, $0x38;
	[tilespmem:$0xCA80] =	vst v63  }
0x657: {  	v51 =	vld [tilespmem:$0x1FC80];
	_ =	swait.ge [sflag:s8], $0x800  }
0x658: {  	s23 =	sadd.s32 $0x2000, s23;
	s22 =	sadd.s32 $0x80, s22;
	[sflag:s8] =	ssyncset.done $0x0  }
0x659: {  	s21 =	sadd.s32 $0x80, s21;
	s24 =	sadd.s32 $0x100, s24;
	[sflag:s8] =	ssyncadd.s32 $0xFFFFF800  }
0x65a: {  	s20 =	sadd.s32 $0x1, s20  }
0x65b: {  	p0 =	sne.s32 s20, s6  }
.Ltmp3:
0x65c: {  	_ = 	snop;
	(pc) =	sbr.rel @p0 .LBB2_1-.Ltmp3, $1  }
0x65d: {  	_ =	sdelay $0x3  }
0x65e: {  	_ =	sfence.sel $0x180000  }
0x65f: {  	[bflag:$0x0] =	sbarrier.arrive $0xFFFF  }
0x660: {  	p0 =	sne.s32 s2, $0x0;
	_ =	strace $0x9000004D  }
0x661: {  	s0 =	sadd.s32 @!p0 $0x100000, s0;
	[bflag:$0x2] =	sbarrier.arrive $0xFFFF  }
0x662: {  	[sflag:s0] =	ssyncadd.tile.s32 @!p0 $0x1;
	_ =	shalt  }
.Lfunc_end2:
_tile_overlayer_lowered:
.L_overlay_start_2:
0x663: {  	(tag) =	ssettag $0x2  }
0x664: {  	s0 =	rddreg [dreg:$0x0];
	s2 =	stileid.u32  }
0x665: {  	s1 =	rddreg [dreg:$0x1];
	p0 =	sne.s32 s2, $0x0  }
0x666: {  	s3 =	rddreg [dreg:$0x2];
	[bflag:$0x3] =	sbarrier.arrive $0xFFFF;
	s2 =	simm.s32 @!p0 $0x1C02  }
0x667: {  	[timem:s3], [sflag:s2] =	dma.local @!p0 [hbm:s0], s1  }
0x668: {  	s0 =	simm.s32 @!p0 $0x2  }
0x669: {  	_ =	swait.ge @!p0 [sflag:s0], s1  }
0x66a: {  	s1 =	ssub.s32 @!p0 $0x0, s1;
	[sflag:s0] =	ssyncset.done @!p0 $0x0  }
0x66b: {  	[sflag:s0] =	ssyncadd.s32 @!p0 s1  }
0x66c: {  	[bflag:$0x3] =	sbarrier.arrive $0xFFFF  }
0x66d: {  	_ =	shalt  }

// kernel: sparse-core-data-format-call.1.cloned.1.call-start
scs
called_computation.1_lowered:
.L_overlay_start_0:
0x0: {  	s1 =	sld [smem:$0x3FD9]  }
0x1: {  	s2 =	sld [smem:$0x3FFE];
	_ =	sdelay $0x1  }
0x2: {  	s3 =	srdreg.scid  }
0x3: {  	s0 =	sand.u32 $0x1, s3  }
0x4: {  	s17 =	sshll.u32 s0, $0xA;
	s1 =	sadd.s32 s2, s1  }
0x5: {  	s1 =	sadd.s32 s1, s17  }
0x6: {  	[smem:$0x3FC6] =	sst s1  }
0x7: {  	_ = 	snop  }
0x8: {  	(tm) =	ssettm $0x1  }
0x9: {  	s18 =	sld [smem:$0x3FFB];
	_ =	sdelay $0x3  }
0xa: {  	_ =	strace s18  }
0xb: {  	s1 =	sld [smem:$0x3FFC];
	_ =	sdelay $0x3  }
0xc: {  	_ =	strace s1  }
0xd: {  	s1 =	sld [smem:$0x3FFD];
	_ =	sdelay $0x3  }
0xe: {  	_ =	strace s1  }
0xf: {  	_ =	strace $0x8FFFFFFF  }
0x10: {  	s19 =	sld [smem:$0x3FDB];
	_ =	sdelay $0x1  }
0x11: {  	s20 =	simm.s32 $_scs_section_size  }
0x12: {  	s4 =	simm.s32 $_size__tile_overlayer_lowered;
	s5 =	simm.s32 $_tile_overlayer_lowered  }
0x13: {  	s23 =	simm.s32 $0x1BFF;
	s22 =	sshll.u32 s5, $0x1;
	s1 =	sadd.s32 s20, s19  }
0x14: {  	s6 =	simm.s32 $0x0;
	s21 =	sshll.u32 s4, $0x1;
	s4 =	sadd.s32 s22, s1  }
0x15: {  	[timem:s6], [sflag:s23] =	dma.local [hbm:s4], s21  }
0x16: {  	_ =	swait.ge [sflag:s23], s21  }
0x17: {  	s2 =	ssub.s32 $0x0, s21;
	[sflag:s23] =	ssyncset.done $0x0  }
0x18: {  	[sflag:s23] =	ssyncadd.s32 s2;
	_ =	sdelay $0x1  }
0x19: {  	s24 =	simm.s32 $0x1B8B  }
0x1a: {  	_ =	swait.ge [sflag:s24], $0x1  }
0x1b: {  	[sflag:s24] =	ssyncset.done $0x0  }
0x1c: {  	s26 =	simm.s32 $0x1B8E;
	s25 =	sld [smem:$0x3FFE];
	[sflag:s24] =	ssyncadd.s32 $0xFFFFFFFF  }
0x1d: {  	s27 =	simm.s32 $execute0_lowered;
	[smem:$0x3FD2] =	sst s26  }
0x1e: {  	s4 =	sshll.u32 s27, $0x1;
	_ =	strace $0x80000046;
	[dreg:$0x1] =	wrdreg $0xFFFFFFFF  }
0x1f: {  	s28 =	simm.s32 $_size_execute0_lowered;
	s1 =	sadd.s32 s1, s4;
	[dreg:$0x0] =	wrdreg $0x0  }
0x20: {  	s4 =	sshll.u32 s28, $0x1;
	[dreg:$0x2] =	wrdreg s1  }
0x21: {  	[dreg:$0x3] =	wrdreg s4  }
0x22: {  	[dreg:$0x4] =	wrdreg $0xC0  }
0x23: {  	_ =	task [dreg:s6], $0x5FFFF  }
0x24: {  	[dreg:$0x1] =	wrdreg $0xFFFFFFFF  }
0x25: {  	[dreg:$0x0] =	wrdreg $0x60  }
0x26: {  	[dreg:$0x2] =	wrdreg s25  }
0x27: {  	[dreg:$0x3] =	wrdreg $0xA  }
0x28: {  	_ =	task.clear_ibuf [dreg:s6], $0x4FFFF;
	_ =	strace $0x90000046  }
0x29: {  	s29 =	simm.s32 $0xA;
	_ =	strace $0x80000048  }
0x2a: {  	_ =	swait.ge [sflag:s29], $0x1  }
0x2b: {  	[sflag:s29] =	ssyncadd.s32 $0xFFFFFFFF  }
0x2c: {  	_ =	strace $0x90000048  }
0x2d: {  	_ =	sfence  }
0x2e: {  	s30 =	sld [smem:$0x0];
	_ =	sdelay $0x2  }
0x2f: {  	s31 =	sshll.u32 s3, $0xD;
	s3 =	sshrl.u32 s3, $0x2  }
0x30: {  	s2 =	sand.u32 $0x4000, s31;
	s1 =	sadd.s32 s3, s30  }
0x31: {  	s0 =	sor.u32 s2, s0;
	s1 =	sshll.u32 s1, $0x11  }
0x32: {  	s0 =	sor.u32 s1, s0  }
0x33: {  	s0 =	sadd.s32 $0x8F2B, s0  }
0x34: {  	[sflag:s0] =	ssyncadd.remote.s32 $0x1  }
0x35: {  	_ =	sfence.sel $0xFFFF  }
0x36: {  	[dreg:$0x0] =	wrdreg $0xFFFFFFFF;
	(pc) =	sbr.abs _section_cstart, $3  }
0x37: {  	[dreg:$0x1] =	wrdreg $0xFFFFFFFF  }
0x38: {  	_ =	task.clear_ibuf [dreg:s6], $0x2FFFF;
	_ =	strace $0x9FFFFFFF  }
0x39: {  	(tm) =	ssettm $0x7FFFFFFF  }
tec
execute0_lowered:
.L_overlay_start_1:
0x0: {  	(tag) =	ssettag $0x1  }
0x1: {  	s0 =	srdreg.scid  }
0x2: {  	s4 =	rddreg [dreg:$0x0];
	s1 =	stileid.u32  }
0x3: {  	s5 =	simm.s32 $0x1;
	s7 =	simm.s32 $0x2;
	s14 =	simm.s32 $0x0  }
0x4: {  	p0 =	por $0x0, $0x0;
	s13 =	simm.s32 $0x0;
	s0 =	sshll.u32 s0, $0x4  }
0x5: {  	s8 =	simm.s32 $0x0;
	s9 =	simm.s32 $0x0;
	s2 =	sand.u32 $0x10, s0  }
.Ltmp0:
0x6: {  	s11 =	simm.s32 $0x0;
	s3 =	sor.u32 s1, s2;
	(pc) =	sbr.rel .LBB1_1-.Ltmp0, $4  }
0x7: {  	s12 =	simm.s32 $0x0;
	s0 =	rddreg [dreg:$0x1];
	s3 =	sshll.u32 s3, $0x7  }
0x8: {  	_ =	strace $0x80000047;
	s2 =	sadd.s32 $0xC00, s4;
	s6 =	ssub.s32 $0x18680, s3  }
0x9: {  	s4 =	sadd.s32 $0x187C00, s4;
	[sflag:s5] =	ssyncpa.u1 $0x0;
	s6 =	sshrl.u32 s6, $0xC  }
0xa: {  	[sflag:s7] =	ssyncpa.u1 $0x0;
	s10 =	smov.u32 s3;
	s7 =	sadd.s32 $0x2, s6  }
.LBB1_5:
0xb: {  	p1 =	slt.u32 s12, $0x2  }
0xc: {  	p2 =	sgt.s32 @!p1 s14, $0x18628  }
0xd: {  	s15 =	smov.u32 s14;
	s16 =	sshra.s32 @!p1 s14, $0x1F;
	p2 =	por !p2, p1  }
0xe: {  	s14 =	sand.u32 @!p1 s16, s14;
	s15 =	simm.s32 @p2 $0x18628  }
0xf: {  	s14 =	ssub.s32 @!p1 s15, s14;
	s15 =	ssub.s32 @!p1 $0x0, s13  }
0x10: {  	s17 =	smov.u32 s11;
	s16 =	sadd.s32 @!p1 $0xFFFE79D8, s14;
	s13 =	smin.u32 @!p1 s13, s15  }
0x11: {  	s14 =	ssub.s32 @!p1 $0x186A8, s14;
	p2 =	sgt.s32 @!p1 s16, $0x7F;
	p3 =	sgt.s32 @!p1 s13, $0x7F  }
0x12: {  	s13 =	ssub.s32 @!p1 $0x80, s13;
	p2 =	por !p2, p1;
	p3 =	por !p3, p1  }
0x13: {  	s15 =	sadd.s32 $0x1000, s10;
	s14 =	simm.s32 @!p2 $0x0;
	s13 =	simm.s32 @!p3 $0x0  }
0x14: {  	p2 =	sgt.s32 s15, $0x186A2;
	s13 =	smul.u32 @!p1 s13, s14;
	s14 =	sadd.s32 $0x80, s11  }
0x15: {  	s17 =	smov.u32 @p2 s14  }
0x16: {  	s15 =	smov.u32 @p2 s3;
	p2 =	sgt.s32 s17, $0x7F  }
0x17: {  	s17 =	simm.s32 @p2 $0x0;
	p2 =	sne.s32 s12, s7  }
.Ltmp1:
0x18: {  	p0 =	por !p0, !p0;
	s16 =	simm.s32 @!p1 $0x2;
	(pc) =	sbr.rel @!p2 .LBB1_6-.Ltmp1, $4  }
0x19: {  	s14 =	smov.u32 s8;
	s8 =	smov.u32 s10;
	s13 =	sand.u32 @!p1 $0x3FFFFFFF, s13  }
0x1a: {  	s10 =	smov.u32 s15;
	_ =	swait.ge @!p1 [sflag:s16], s13;
	s18 =	ssub.s32 @!p1 $0x0, s13  }
0x1b: {  	s13 =	smov.u32 s9;
	s12 =	sadd.s32 $0x1, s12;
	[sflag:s16] =	ssyncset.done @!p1 $0x0  }
0x1c: {  	s9 =	smov.u32 s11;
	s11 =	smov.u32 s17;
	[sflag:s16] =	ssyncadd.s32 @!p1 s18  }
.LBB1_1:
0x1d: {  	p1 =	sgt.u32 s12, s6  }
0x1e: {  	s15 =	sshrl.u32 @!p1 s11, $0x3  }
0x1f: {  	s16 =	sshll.u32 @!p1 s10, $0x3;
	s15 =	smul.u32 @!p1 $0xC3800, s15  }
0x20: {  	s17 =	sshll.u32 @!p1 s11, $0x7;
	s16 =	sand.u32 @!p1 $0xFFFFFC00, s16  }
0x21: {  	s15 =	sadd.s32 @!p1 s15, s16;
	s16 =	sand.u32 @!p1 $0x380, s17  }
0x22: {  	s17 =	sand.u32 @!p1 $0x7F, s10;
	s15 =	sor.u32 @!p1 s16, s15  }
0x23: {  	s16 =	sor.u32 @!p1 s17, s15  }
0x24: {  	s17 =	smulhi.u32 @!p1 $0xA79C7B17, s16;
	_ =	sdelay $0x1  }
0x25: {  	s15 =	smulhi.u32 @!p1 $0xA79C7B17, s15;
	s17 =	sshrl.u32 @!p1 s17, $0x10  }
0x26: {  	s17 =	smul.u32 @!p1 $0x18700, s17  }
0x27: {  	s18 =	sxor.u32 @!p1 $0xFFFFFFFF, s12;
	s15 =	sshrl.u32 @!p1 s15, $0x10  }
0x28: {  	s18 =	sshll.u32 @!p1 s18, $0xE;
	s15 =	sand.u32 @!p1 $0x7F, s15;
	s16 =	ssub.s32 @!p1 s16, s17  }
0x29: {  	s15 =	smul.u32 @!p1 $0x30E0, s15;
	s17 =	sshrl.u32 @!p1 s16, $0x3;
	s16 =	sand.u32 @!p1 $0x7, s16  }
0x2a: {  	s18 =	sand.u32 @!p1 $0x4000, s18;
	s17 =	sadd.s32 @!p1 s2, s17;
	s16 =	sshll.u32 @!p1 s16, $0x12  }
0x2b: {  	s15 =	sadd.s32 @!p1 s15, s17;
	s16 =	sor.u32 @!p1 $0x400, s16;
	s17 =	simm.s32 @!p1 $0xC3800  }
0x2c: {  	[tilespmem:s18], [sflag:$0x1] =	stream.strided.gather @!p1 [hbm4b:s15+s16], $0x4000, s17, s16, $0x38;
	[tilespmem:$0x10100] =	vst v63  }
0x2d: {  	p1 =	seq.s32 s12, $0x0  }
0x2e: {  	p2 =	sge.u32 @!p1 s12, s7  }
0x2f: {  	p1 =	por p1, p2  }
.Ltmp2:
0x30: {  	_ = 	snop;
	(pc) =	sbr.rel @p1 .LBB1_5-.Ltmp2, $1  }
0x31: {  	_ =	sdelay $0x3  }
0x32: {  	s15 =	simm.s32 $0x1  }
0x33: {  	_ =	swait.ge [sflag:s5], $0x4000;
	s15 =	simm.s32 @!p0 $0x0  }
0x34: {  	[sflag:s5] =	ssyncset.done $0x0;
	s16 =	sshll.u32 s15, $0xE  }
0x35: {  	[sflag:s5] =	ssyncadd.s32 $0xFFFFC000;
	s16 =	sor.u32 $0x40, s16  }
0x36: {  	s15 =	smul.u32 $0x10200, s15;
	v0 =	vld [tilespmem:s16+$0x30]  }
0x37: {  	v1 =	vld [tilespmem:s16+$0xFFFFFFD0]  }
0x38: {  	s15 =	sshrl.u32 s15, $0x2;
	v5 =	vld [tilespmem:s16+$0xFFFFFFE0]  }
0x39: {  	v6 =	vld [tilespmem:s16+$0xFFFFFFF0];
	s18 =	sor.u32 $0x8000, s15  }
0x3a: {  	s31 =	sand.u32 $0x1, s12;
	v4 =	vld [tilespmem:s16+$0x0];
	s17 =	sadd.s32 $0x0, s18  }
0x3b: {  	v3 =	vld [tilespmem:s16+$0x10];
	s15 =	smul.u32 $0x10200, s31;
	[tilespmem:s17+$0x3870 ss:$0x81] =	vst.msk $0xffff, v0  }
0x3c: {  	v2 =	vld [tilespmem:s16+$0x20];
	[tilespmem:s17+$0x810 ss:$0x81] =	vst.msk $0xffff, v1  }
0x3d: {  	s15 =	sshrl.u32 s15, $0x2;
	v0 =	vld [tilespmem:s16+$0xFFFFFFC0];
	[tilespmem:s17+$0x1020 ss:$0x81] =	vst.msk $0xffff, v5;
	s16 =	sadd.s32 $0x80, s16  }
0x3e: {  	s19 =	simm.s32 $0x4;
	s20 =	simm.s32 $0x8;
	s15 =	sor.u32 $0x8000, s15;
	[tilespmem:s17+$0x1830 ss:$0x81] =	vst.msk $0xffff, v6;
	v1 =	vld [tilespmem:s16+$0x30]  }
.LBB1_3:
0x3f: {  	p1 =	sne.s32 s20, $0x1FC;
	v5 =	vld [tilespmem:s16+$0xFFFFFFD0];
	[tilespmem:s17+$0x2040 ss:$0x81] =	vst.msk $0xffff, v4  }
0x40: {  	v6 =	vld [tilespmem:s16+$0xFFFFFFE0];
	[tilespmem:s17+$0x2850 ss:$0x81] =	vst.msk $0xffff, v3  }
0x41: {  	s21 =	sshra.s32 s19, $0x2;
	s19 =	smov.u32 s20;
	v7 =	vld [tilespmem:s16+$0xFFFFFFF0];
	[tilespmem:s17+$0x3060 ss:$0x81] =	vst.msk $0xffff, v2  }
.Ltmp3:
0x42: {  	v4 =	vld [tilespmem:s16+$0x0];
	[tilespmem:s17+$0x0 ss:$0x81] =	vst.msk $0xffff, v0;
	s17 =	sadd.s32 s21, s18;
	(pc) =	sbr.rel @p1 .LBB1_3-.Ltmp3, $4  }
0x43: {  	v3 =	vld [tilespmem:s16+$0x10];
	[tilespmem:s17+$0x3870 ss:$0x81] =	vst.msk $0xffff, v1  }
0x44: {  	[tilespmem:s17+$0x810 ss:$0x81] =	vst.msk $0xffff, v5;
	v2 =	vld [tilespmem:s16+$0x20]  }
0x45: {  	v0 =	vld [tilespmem:s16+$0xFFFFFFC0];
	[tilespmem:s17+$0x1020 ss:$0x81] =	vst.msk $0xffff, v6;
	s16 =	sadd.s32 $0x80, s16  }
0x46: {  	s20 =	sadd.s32 $0x4, s20;
	v1 =	vld [tilespmem:s16+$0x30];
	[tilespmem:s17+$0x1830 ss:$0x81] =	vst.msk $0xffff, v7  }
0x47: {  	s20 =	sshll.u32 s8, $0x7;
	s21 =	sshll.u32 s9, $0x3;
	s19 =	sshra.s32 s19, $0x2  }
0x48: {  	v5 =	vld [tilespmem:s16+$0xFFFFFFD0];
	[tilespmem:s17+$0x2040 ss:$0x81] =	vst.msk $0xffff, v4;
	p1 =	sgt.s32 s8, $0x18628;
	s22 =	sand.u32 $0xFFFFFC00, s20;
	s21 =	sand.u32 $0xFFFFFC00, s21  }
0x49: {  	v58 =	vld [tilespmem:s16+$0xFFFFFFE0];
	s24 =	sshra.s32 s8, $0x1F;
	s20 =	sand.u32 $0x380, s20;
	[tilespmem:s17+$0x2850 ss:$0x81] =	vst.msk $0xffff, v3;
	s21 =	sadd.s32 s21, s22  }
0x4a: {  	v59 =	vld [tilespmem:s16+$0xFFFFFFF0];
	s26 =	ssub.s32 $0x0, s9;
	s18 =	sadd.s32 s19, s18;
	[tilespmem:s17+$0x3060 ss:$0x81] =	vst.msk $0xffff, v2;
	s23 =	sor.u32 s20, s21  }
0x4b: {  	v60 =	vld [tilespmem:s16+$0x0];
	s28 =	smin.u32 s9, s26;
	s20 =	smov.u32 s8;
	[tilespmem:s17+$0x0 ss:$0x81] =	vst.msk $0xffff, v0;
	s19 =	sshrl.u32 s23, $0x7  }
0x4c: {  	v61 =	vld [tilespmem:s16+$0x10];
	s21 =	sand.u32 s24, s8;
	s20 =	simm.s32 @!p1 $0x18628;
	[tilespmem:s18+$0x3870 ss:$0x81] =	vst.msk $0xffff, v1;
	s25 =	smulhi.u32 $0xA7C23D, s19  }
0x4d: {  	v62 =	vld [tilespmem:s16+$0x20];
	s29 =	sshrl.u32 s9, $0x3;
	p2 =	sgt.s32 s28, $0x7F;
	s20 =	ssub.s32 s20, s21;
	[tilespmem:s18+$0x810 ss:$0x81] =	vst.msk $0xffff, v5  }
0x4e: {  	v63 =	vld [tilespmem:s16+$0xFFFFFFC0];
	[tilespmem:s18+$0x1020 ss:$0x81] =	vst.msk $0xffff, v58;
	s21 =	sadd.s32 $0xFFFE79D8, s20;
	s20 =	ssub.s32 $0x186A8, s20;
	s17 =	sshrl.u32 s25, $0x8  }
0x4f: {  	[tilespmem:s18+$0x1830 ss:$0x81] =	vst.msk $0xffff, v59;
	p1 =	sgt.s32 s21, $0x7F;
	s27 =	smul.u32 $0x186A8, s17;
	s17 =	ssub.s32 $0x80, s28  }
.Ltmp4:
0x50: {  	[tilespmem:s18+$0x2040 ss:$0x81] =	vst.msk $0xffff, v60;
	s20 =	simm.s32 @p1 $0x0;
	s17 =	simm.s32 @p2 $0x0;
	(pc) =	sbr.rel .LBB1_5-.Ltmp4, $4  }
0x51: {  	s30 =	sand.u32 $0xF, s29;
	[tilespmem:s18+$0x2850 ss:$0x81] =	vst.msk $0xffff, v61;
	s16 =	ssub.s32 s19, s27;
	s17 =	smul.u32 s17, s20  }
0x52: {  	[tilespmem:s18+$0x3060 ss:$0x81] =	vst.msk $0xffff, v62;
	s19 =	sadd.s32 s4, s30;
	s16 =	sshll.u32 s16, $0x4  }
0x53: {  	s31 =	sand.u32 $0x7, s9;
	[tilespmem:s18+$0x0 ss:$0x81] =	vst.msk $0xffff, v63;
	s17 =	sand.u32 $0x3FFFFFFF, s17;
	s16 =	sadd.s32 s16, s19  }
0x54: {  	[hbm4b:s16+s31] =	stream.linear.scatter [tilespmem:s15], [sflag:$0x2], s17, $0x20;
	[tilespmem:$0x10100] =	vst v63  }
.LBB1_6:
0x55: {  	_ =	sfence.sel $0x180000  }
0x56: {  	s2 =	simm.s32 $0x1;
	[bflag:$0x0] =	sbarrier.arrive $0xFFFF  }
0x57: {  	s31 =	simm.s32 $0x2;
	[sflag:s2] =	ssyncpa.u1 $0x1  }
0x58: {  	[sflag:s31] =	ssyncpa.u1 $0x1  }
0x59: {  	p0 =	sne.s32 s1, $0x0;
	_ =	strace $0x90000047  }
0x5a: {  	s0 =	sadd.s32 @!p0 $0x100000, s0;
	[bflag:$0x2] =	sbarrier.arrive $0xFFFF  }
0x5b: {  	[sflag:s0] =	ssyncadd.tile.s32 @!p0 $0x1;
	_ =	shalt  }
.Lfunc_end1:
_tile_overlayer_lowered:
.L_overlay_start_2:
0x5c: {  	(tag) =	ssettag $0x2  }
0x5d: {  	s0 =	rddreg [dreg:$0x0];
	s2 =	stileid.u32  }
0x5e: {  	s1 =	rddreg [dreg:$0x1];
	p0 =	sne.s32 s2, $0x0  }
0x5f: {  	s3 =	rddreg [dreg:$0x2];
	[bflag:$0x3] =	sbarrier.arrive $0xFFFF;
	s2 =	simm.s32 @!p0 $0x1C01  }
0x60: {  	[timem:s3], [sflag:s2] =	dma.local @!p0 [hbm:s0], s1  }
0x61: {  	s0 =	simm.s32 @!p0 $0x1  }
0x62: {  	_ =	swait.ge @!p0 [sflag:s0], s1  }
0x63: {  	s1 =	ssub.s32 @!p0 $0x0, s1;
	[sflag:s0] =	ssyncset.done @!p0 $0x0  }
0x64: {  	[sflag:s0] =	ssyncadd.s32 @!p0 s1  }
0x65: {  	[bflag:$0x3] =	sbarrier.arrive $0xFFFF  }
0x66: {  	_ =	shalt  }

// kernel: sparse-core-data-format-call.cloned.1.call-start
scs
called_computation_lowered:
.L_overlay_start_0:
0x0: {  	s2 =	sld [smem:$0x3FD9]  }
0x1: {  	s3 =	sld [smem:$0x3FFE];
	_ =	sdelay $0x1  }
0x2: {  	s1 =	srdreg.scid  }
0x3: {  	s0 =	sand.u32 $0x1, s1  }
0x4: {  	s18 =	sshll.u32 s0, $0xA;
	s2 =	sadd.s32 s3, s2  }
0x5: {  	s2 =	sadd.s32 s2, s18  }
0x6: {  	[smem:$0x3FC6] =	sst s2  }
0x7: {  	_ = 	snop  }
0x8: {  	(tm) =	ssettm $0x1  }
0x9: {  	s19 =	sld [smem:$0x3FFB];
	_ =	sdelay $0x3  }
0xa: {  	_ =	strace s19  }
0xb: {  	s2 =	sld [smem:$0x3FFC];
	_ =	sdelay $0x3  }
0xc: {  	_ =	strace s2  }
0xd: {  	s2 =	sld [smem:$0x3FFD];
	_ =	sdelay $0x3  }
0xe: {  	_ =	strace s2  }
0xf: {  	_ =	strace $0x8FFFFFFF  }
0x10: {  	s20 =	sld [smem:$0x3FDB];
	_ =	sdelay $0x1  }
0x11: {  	s21 =	simm.s32 $_scs_section_size  }
0x12: {  	s4 =	simm.s32 $_size__tile_overlayer_lowered;
	s5 =	simm.s32 $_tile_overlayer_lowered  }
0x13: {  	s6 =	simm.s32 $0x1BFF;
	s22 =	sshll.u32 s5, $0x1;
	s3 =	sadd.s32 s21, s20  }
0x14: {  	s23 =	simm.s32 $0x0;
	s4 =	sshll.u32 s4, $0x1;
	s5 =	sadd.s32 s22, s3  }
0x15: {  	[timem:s23], [sflag:s6] =	dma.local [hbm:s5], s4  }
0x16: {  	_ =	swait.ge [sflag:s6], s4  }
0x17: {  	s4 =	ssub.s32 $0x0, s4;
	[sflag:s6] =	ssyncset.done $0x0  }
0x18: {  	[sflag:s6] =	ssyncadd.s32 s4;
	_ =	sdelay $0x1  }
0x19: {  	s24 =	simm.s32 $0x1B8B  }
0x1a: {  	_ =	swait.ge [sflag:s24], $0x1  }
0x1b: {  	[sflag:s24] =	ssyncset.done $0x0  }
0x1c: {  	[sflag:s24] =	ssyncadd.s32 $0xFFFFFFFF  }
0x1d: {  	s4 =	sld [smem:$0x0]  }
0x1e: {  	s5 =	sand.u32 $0xFFFFFFFE, s1  }
0x1f: {  	p0 =	sne.s32 s1, s5  }
0x20: {  	s5 =	sshll.u32 @p0 s5, $0xE  }
0x21: {  	s5 =	sadd.s32 @p0 $0x11B8D, s5;
	s6 =	sshll.u32 @p0 s4, $0x11  }
0x22: {  	s5 =	sor.u32 @p0 s6, s5  }
0x23: {  	[sflag:s5] =	ssyncadd.remote.s32 @p0 $0x1;
	_ =	sdelay $0x1  }
0x24: {  	s5 =	simm.s32 @p0 $0x1B8D  }
0x25: {  	_ =	swait.eq @p0 [sflag:s5], $0x1  }
0x26: {  	[sflag:s5] =	ssyncadd.s32 @p0 $0xFFFFFFFF  }
0x27: {  	s6 =	sshll.u32 @!p0 s1, $0xE  }
0x28: {  	s6 =	sor.u32 @!p0 $0x4000, s6;
	s5 =	simm.s32 @!p0 $0x1B8D  }
0x29: {  	s4 =	sshll.u32 @!p0 s4, $0x11;
	s6 =	sadd.s32 @!p0 $0x11B8D, s6;
	_ =	swait.eq @!p0 [sflag:s5], $0x1  }
0x2a: {  	s4 =	sor.u32 @!p0 s4, s6;
	[sflag:s5] =	ssyncadd.s32 @!p0 $0xFFFFFFFF  }
0x2b: {  	s26 =	simm.s32 $0x1B8E;
	s25 =	sld [smem:$0x3FFE];
	[sflag:s4] =	ssyncadd.remote.s32 @!p0 $0x1  }
0x2c: {  	s27 =	simm.s32 $execute0_lowered;
	[smem:$0x3FD2] =	sst s26  }
0x2d: {  	s5 =	sshll.u32 s27, $0x1;
	_ =	strace $0x80000049;
	[dreg:$0x1] =	wrdreg $0xFFFFFFFF  }
0x2e: {  	s28 =	simm.s32 $_size_execute0_lowered;
	s3 =	sadd.s32 s3, s5;
	[dreg:$0x0] =	wrdreg $0x0  }
0x2f: {  	s5 =	sshll.u32 s28, $0x1;
	[dreg:$0x2] =	wrdreg s3  }
0x30: {  	[dreg:$0x3] =	wrdreg s5  }
0x31: {  	[dreg:$0x4] =	wrdreg $0xC0  }
0x32: {  	_ =	task [dreg:s23], $0x5FFFF  }
0x33: {  	[dreg:$0x1] =	wrdreg $0xFFFFFFFF  }
0x34: {  	[dreg:$0x0] =	wrdreg $0x60  }
0x35: {  	[dreg:$0x2] =	wrdreg s25  }
0x36: {  	[dreg:$0x3] =	wrdreg $0x9  }
0x37: {  	_ =	task.clear_ibuf [dreg:s23], $0x4FFFF;
	_ =	strace $0x90000049  }
0x38: {  	s29 =	simm.s32 $0x9;
	_ =	strace $0x8000004B  }
0x39: {  	_ =	swait.ge [sflag:s29], $0x1  }
0x3a: {  	[sflag:s29] =	ssyncadd.s32 $0xFFFFFFFF  }
0x3b: {  	_ =	strace $0x9000004B  }
0x3c: {  	_ =	sfence  }
0x3d: {  	s30 =	sld [smem:$0x0];
	_ =	sdelay $0x2  }
0x3e: {  	s31 =	sshll.u32 s1, $0xD;
	s1 =	sshrl.u32 s1, $0x2  }
0x3f: {  	s4 =	sand.u32 $0x4000, s31;
	s1 =	sadd.s32 s1, s30  }
0x40: {  	s0 =	sor.u32 s4, s0;
	s1 =	sshll.u32 s1, $0x11  }
0x41: {  	s0 =	sor.u32 s1, s0  }
0x42: {  	s0 =	sadd.s32 $0x8F2B, s0  }
0x43: {  	[sflag:s0] =	ssyncadd.remote.s32 $0x1  }
0x44: {  	_ =	sfence.sel $0xFFFF  }
0x45: {  	[dreg:$0x0] =	wrdreg $0xFFFFFFFF;
	(pc) =	sbr.abs _section_cstart, $3  }
0x46: {  	[dreg:$0x1] =	wrdreg $0xFFFFFFFF  }
0x47: {  	_ =	task.clear_ibuf [dreg:s23], $0x2FFFF;
	_ =	strace $0x9FFFFFFF  }
0x48: {  	(tm) =	ssettm $0x7FFFFFFF  }
0x49: {  	_ =	shalt  }
tec
execute0_lowered:
.L_overlay_start_1:
0x0: {  	(tag) =	ssettag $0x1  }
0x1: {  	s0 =	srdreg.scid  }
0x2: {  	s4 =	rddreg [dreg:$0x0];
	s1 =	stileid.u32  }
0x3: {  	s5 =	simm.s32 $0x1;
	s7 =	simm.s32 $0x2;
	s14 =	simm.s32 $0x0  }
0x4: {  	p0 =	por $0x0, $0x0;
	s13 =	simm.s32 $0x0;
	s0 =	sshll.u32 s0, $0x4  }
0x5: {  	s8 =	simm.s32 $0x0;
	s9 =	simm.s32 $0x0;
	s2 =	sand.u32 $0x10, s0  }
.Ltmp0:
0x6: {  	s11 =	simm.s32 $0x0;
	s3 =	sor.u32 s1, s2;
	(pc) =	sbr.rel .LBB1_1-.Ltmp0, $4  }
0x7: {  	s0 =	rddreg [dreg:$0x1];
	_ =	strace $0x8000004A;
	s3 =	sshll.u32 s3, $0x7  }
0x8: {  	s12 =	simm.s32 $0x0;
	s2 =	sadd.s32 $0x30E800, s4;
	s6 =	ssub.s32 $0x18680, s3  }
0x9: {  	s4 =	sadd.s32 $0x495800, s4;
	[sflag:s5] =	ssyncpa.u1 $0x0;
	s6 =	sshrl.u32 s6, $0xC  }
0xa: {  	[sflag:s7] =	ssyncpa.u1 $0x0;
	s10 =	smov.u32 s3;
	s7 =	sadd.s32 $0x2, s6  }
.LBB1_5:
0xb: {  	p1 =	slt.u32 s12, $0x2  }
0xc: {  	p2 =	sgt.s32 @!p1 s14, $0x18628  }
0xd: {  	s15 =	smov.u32 s14;
	s16 =	sshra.s32 @!p1 s14, $0x1F;
	p2 =	por !p2, p1  }
0xe: {  	s14 =	sand.u32 @!p1 s16, s14;
	s15 =	simm.s32 @p2 $0x18628  }
0xf: {  	s14 =	ssub.s32 @!p1 s15, s14;
	s15 =	ssub.s32 @!p1 $0x0, s13  }
0x10: {  	s17 =	smov.u32 s11;
	s16 =	sadd.s32 @!p1 $0xFFFE79D8, s14;
	s13 =	smin.u32 @!p1 s13, s15  }
0x11: {  	s14 =	ssub.s32 @!p1 $0x186A8, s14;
	p2 =	sgt.s32 @!p1 s16, $0x7F;
	p3 =	sgt.s32 @!p1 s13, $0x7F  }
0x12: {  	s13 =	ssub.s32 @!p1 $0x80, s13;
	p2 =	por !p2, p1;
	p3 =	por !p3, p1  }
0x13: {  	s15 =	sadd.s32 $0x1000, s10;
	s14 =	simm.s32 @!p2 $0x0;
	s13 =	simm.s32 @!p3 $0x0  }
0x14: {  	p2 =	sgt.s32 s15, $0x186A2;
	s13 =	smul.u32 @!p1 s13, s14;
	s14 =	sadd.s32 $0x80, s11  }
0x15: {  	s17 =	smov.u32 @p2 s14  }
0x16: {  	s15 =	smov.u32 @p2 s3;
	p2 =	sgt.s32 s17, $0x7F  }
0x17: {  	s17 =	simm.s32 @p2 $0x0;
	p2 =	sne.s32 s12, s7  }
.Ltmp1:
0x18: {  	p0 =	por !p0, !p0;
	s16 =	simm.s32 @!p1 $0x2;
	(pc) =	sbr.rel @!p2 .LBB1_6-.Ltmp1, $4  }
0x19: {  	s14 =	smov.u32 s8;
	s8 =	smov.u32 s10;
	s13 =	sand.u32 @!p1 $0x3FFFFFFF, s13  }
0x1a: {  	s10 =	smov.u32 s15;
	_ =	swait.ge @!p1 [sflag:s16], s13;
	s18 =	ssub.s32 @!p1 $0x0, s13  }
0x1b: {  	s13 =	smov.u32 s9;
	s12 =	sadd.s32 $0x1, s12;
	[sflag:s16] =	ssyncset.done @!p1 $0x0  }
0x1c: {  	s9 =	smov.u32 s11;
	s11 =	smov.u32 s17;
	[sflag:s16] =	ssyncadd.s32 @!p1 s18  }
.LBB1_1:
0x1d: {  	p1 =	sgt.u32 s12, s6  }
0x1e: {  	s15 =	sshrl.u32 @!p1 s11, $0x3  }
0x1f: {  	s16 =	sshll.u32 @!p1 s10, $0x3;
	s15 =	smul.u32 @!p1 $0xC3800, s15  }
0x20: {  	s17 =	sshll.u32 @!p1 s11, $0x7;
	s16 =	sand.u32 @!p1 $0xFFFFFC00, s16  }
0x21: {  	s15 =	sadd.s32 @!p1 s15, s16;
	s16 =	sand.u32 @!p1 $0x380, s17  }
0x22: {  	s17 =	sand.u32 @!p1 $0x7F, s10;
	s15 =	sor.u32 @!p1 s16, s15  }
0x23: {  	s16 =	sor.u32 @!p1 s17, s15  }
0x24: {  	s17 =	smulhi.u32 @!p1 $0xA79C7B17, s16;
	_ =	sdelay $0x1  }
0x25: {  	s15 =	smulhi.u32 @!p1 $0xA79C7B17, s15;
	s17 =	sshrl.u32 @!p1 s17, $0x10  }
0x26: {  	s17 =	smul.u32 @!p1 $0x18700, s17  }
0x27: {  	s18 =	sxor.u32 @!p1 $0xFFFFFFFF, s12;
	s15 =	sshrl.u32 @!p1 s15, $0x10  }
0x28: {  	s18 =	sshll.u32 @!p1 s18, $0xE;
	s15 =	sand.u32 @!p1 $0x7F, s15;
	s16 =	ssub.s32 @!p1 s16, s17  }
0x29: {  	s15 =	smul.u32 @!p1 $0x30E0, s15;
	s17 =	sshrl.u32 @!p1 s16, $0x3;
	s16 =	sand.u32 @!p1 $0x7, s16  }
0x2a: {  	s18 =	sand.u32 @!p1 $0x4000, s18;
	s17 =	sadd.s32 @!p1 s2, s17;
	s16 =	sshll.u32 @!p1 s16, $0x12  }
0x2b: {  	s15 =	sadd.s32 @!p1 s15, s17;
	s16 =	sor.u32 @!p1 $0x400, s16;
	s17 =	simm.s32 @!p1 $0xC3800  }
0x2c: {  	[tilespmem:s18], [sflag:$0x1] =	stream.strided.gather @!p1 [hbm4b:s15+s16], $0x4000, s17, s16, $0x38;
	[tilespmem:$0x10100] =	vst v63  }
0x2d: {  	p1 =	seq.s32 s12, $0x0  }
0x2e: {  	p2 =	sge.u32 @!p1 s12, s7  }
0x2f: {  	p1 =	por p1, p2  }
.Ltmp2:
0x30: {  	_ = 	snop;
	(pc) =	sbr.rel @p1 .LBB1_5-.Ltmp2, $1  }
0x31: {  	_ =	sdelay $0x3  }
0x32: {  	s15 =	simm.s32 $0x1  }
0x33: {  	_ =	swait.ge [sflag:s5], $0x4000;
	s15 =	simm.s32 @!p0 $0x0  }
0x34: {  	[sflag:s5] =	ssyncset.done $0x0;
	s16 =	sshll.u32 s15, $0xE  }
0x35: {  	[sflag:s5] =	ssyncadd.s32 $0xFFFFC000;
	s16 =	sor.u32 $0x40, s16  }
0x36: {  	s15 =	smul.u32 $0x10200, s15;
	v0 =	vld [tilespmem:s16+$0x30]  }
0x37: {  	v1 =	vld [tilespmem:s16+$0xFFFFFFD0]  }
0x38: {  	s15 =	sshrl.u32 s15, $0x2;
	v5 =	vld [tilespmem:s16+$0xFFFFFFE0]  }
0x39: {  	v6 =	vld [tilespmem:s16+$0xFFFFFFF0];
	s18 =	sor.u32 $0x8000, s15  }
0x3a: {  	s31 =	sand.u32 $0x1, s12;
	v4 =	vld [tilespmem:s16+$0x0];
	s17 =	sadd.s32 $0x0, s18  }
0x3b: {  	v3 =	vld [tilespmem:s16+$0x10];
	s15 =	smul.u32 $0x10200, s31;
	[tilespmem:s17+$0x3870 ss:$0x81] =	vst.msk $0xffff, v0  }
0x3c: {  	v2 =	vld [tilespmem:s16+$0x20];
	[tilespmem:s17+$0x810 ss:$0x81] =	vst.msk $0xffff, v1  }
0x3d: {  	s15 =	sshrl.u32 s15, $0x2;
	v0 =	vld [tilespmem:s16+$0xFFFFFFC0];
	[tilespmem:s17+$0x1020 ss:$0x81] =	vst.msk $0xffff, v5;
	s16 =	sadd.s32 $0x80, s16  }
0x3e: {  	s19 =	simm.s32 $0x4;
	s20 =	simm.s32 $0x8;
	s15 =	sor.u32 $0x8000, s15;
	[tilespmem:s17+$0x1830 ss:$0x81] =	vst.msk $0xffff, v6;
	v1 =	vld [tilespmem:s16+$0x30]  }
.LBB1_3:
0x3f: {  	p1 =	sne.s32 s20, $0x1FC;
	v5 =	vld [tilespmem:s16+$0xFFFFFFD0];
	[tilespmem:s17+$0x2040 ss:$0x81] =	vst.msk $0xffff, v4  }
0x40: {  	v6 =	vld [tilespmem:s16+$0xFFFFFFE0];
	[tilespmem:s17+$0x2850 ss:$0x81] =	vst.msk $0xffff, v3  }
0x41: {  	s21 =	sshra.s32 s19, $0x2;
	s19 =	smov.u32 s20;
	v7 =	vld [tilespmem:s16+$0xFFFFFFF0];
	[tilespmem:s17+$0x3060 ss:$0x81] =	vst.msk $0xffff, v2  }
.Ltmp3:
0x42: {  	v4 =	vld [tilespmem:s16+$0x0];
	[tilespmem:s17+$0x0 ss:$0x81] =	vst.msk $0xffff, v0;
	s17 =	sadd.s32 s21, s18;
	(pc) =	sbr.rel @p1 .LBB1_3-.Ltmp3, $4  }
0x43: {  	v3 =	vld [tilespmem:s16+$0x10];
	[tilespmem:s17+$0x3870 ss:$0x81] =	vst.msk $0xffff, v1  }
0x44: {  	[tilespmem:s17+$0x810 ss:$0x81] =	vst.msk $0xffff, v5;
	v2 =	vld [tilespmem:s16+$0x20]  }
0x45: {  	v0 =	vld [tilespmem:s16+$0xFFFFFFC0];
	[tilespmem:s17+$0x1020 ss:$0x81] =	vst.msk $0xffff, v6;
	s16 =	sadd.s32 $0x80, s16  }
0x46: {  	s20 =	sadd.s32 $0x4, s20;
	v1 =	vld [tilespmem:s16+$0x30];
	[tilespmem:s17+$0x1830 ss:$0x81] =	vst.msk $0xffff, v7  }
0x47: {  	s20 =	sshll.u32 s8, $0x7;
	s21 =	sshll.u32 s9, $0x3;
	s19 =	sshra.s32 s19, $0x2  }
0x48: {  	v5 =	vld [tilespmem:s16+$0xFFFFFFD0];
	[tilespmem:s17+$0x2040 ss:$0x81] =	vst.msk $0xffff, v4;
	p1 =	sgt.s32 s8, $0x18628;
	s22 =	sand.u32 $0xFFFFFC00, s20;
	s21 =	sand.u32 $0xFFFFFC00, s21  }
0x49: {  	v58 =	vld [tilespmem:s16+$0xFFFFFFE0];
	s24 =	sshra.s32 s8, $0x1F;
	s20 =	sand.u32 $0x380, s20;
	[tilespmem:s17+$0x2850 ss:$0x81] =	vst.msk $0xffff, v3;
	s21 =	sadd.s32 s21, s22  }
0x4a: {  	v59 =	vld [tilespmem:s16+$0xFFFFFFF0];
	s26 =	ssub.s32 $0x0, s9;
	s18 =	sadd.s32 s19, s18;
	[tilespmem:s17+$0x3060 ss:$0x81] =	vst.msk $0xffff, v2;
	s23 =	sor.u32 s20, s21  }
0x4b: {  	v60 =	vld [tilespmem:s16+$0x0];
	s28 =	smin.u32 s9, s26;
	s20 =	smov.u32 s8;
	[tilespmem:s17+$0x0 ss:$0x81] =	vst.msk $0xffff, v0;
	s19 =	sshrl.u32 s23, $0x7  }
0x4c: {  	v61 =	vld [tilespmem:s16+$0x10];
	s21 =	sand.u32 s24, s8;
	s20 =	simm.s32 @!p1 $0x18628;
	[tilespmem:s18+$0x3870 ss:$0x81] =	vst.msk $0xffff, v1;
	s25 =	smulhi.u32 $0xA7C23D, s19  }
0x4d: {  	v62 =	vld [tilespmem:s16+$0x20];
	s29 =	sshrl.u32 s9, $0x3;
	p2 =	sgt.s32 s28, $0x7F;
	s20 =	ssub.s32 s20, s21;
	[tilespmem:s18+$0x810 ss:$0x81] =	vst.msk $0xffff, v5  }
0x4e: {  	v63 =	vld [tilespmem:s16+$0xFFFFFFC0];
	[tilespmem:s18+$0x1020 ss:$0x81] =	vst.msk $0xffff, v58;
	s21 =	sadd.s32 $0xFFFE79D8, s20;
	s20 =	ssub.s32 $0x186A8, s20;
	s17 =	sshrl.u32 s25, $0x8  }
0x4f: {  	[tilespmem:s18+$0x1830 ss:$0x81] =	vst.msk $0xffff, v59;
	p1 =	sgt.s32 s21, $0x7F;
	s27 =	smul.u32 $0x186A8, s17;
	s17 =	ssub.s32 $0x80, s28  }
.Ltmp4:
0x50: {  	[tilespmem:s18+$0x2040 ss:$0x81] =	vst.msk $0xffff, v60;
	s20 =	simm.s32 @p1 $0x0;
	s17 =	simm.s32 @p2 $0x0;
	(pc) =	sbr.rel .LBB1_5-.Ltmp4, $4  }
0x51: {  	s30 =	sand.u32 $0xF, s29;
	[tilespmem:s18+$0x2850 ss:$0x81] =	vst.msk $0xffff, v61;
	s16 =	ssub.s32 s19, s27;
	s17 =	smul.u32 s17, s20  }
0x52: {  	[tilespmem:s18+$0x3060 ss:$0x81] =	vst.msk $0xffff, v62;
	s19 =	sadd.s32 s4, s30;
	s16 =	sshll.u32 s16, $0x4  }
0x53: {  	s31 =	sand.u32 $0x7, s9;
	[tilespmem:s18+$0x0 ss:$0x81] =	vst.msk $0xffff, v63;
	s17 =	sand.u32 $0x3FFFFFFF, s17;
	s16 =	sadd.s32 s16, s19  }
0x54: {  	[hbm4b:s16+s31] =	stream.linear.scatter [tilespmem:s15], [sflag:$0x2], s17, $0x20;
	[tilespmem:$0x10100] =	vst v63  }
.LBB1_6:
0x55: {  	_ =	sfence.sel $0x180000  }
0x56: {  	s2 =	simm.s32 $0x1;
	[bflag:$0x0] =	sbarrier.arrive $0xFFFF  }
0x57: {  	s31 =	simm.s32 $0x2;
	[sflag:s2] =	ssyncpa.u1 $0x1  }
0x58: {  	[sflag:s31] =	ssyncpa.u1 $0x1  }
0x59: {  	p0 =	sne.s32 s1, $0x0;
	_ =	strace $0x9000004A  }
0x5a: {  	s0 =	sadd.s32 @!p0 $0x100000, s0;
	[bflag:$0x2] =	sbarrier.arrive $0xFFFF  }
0x5b: {  	[sflag:s0] =	ssyncadd.tile.s32 @!p0 $0x1;
	_ =	shalt  }
.Lfunc_end1:
_tile_overlayer_lowered:
.L_overlay_start_2:
0x5c: {  	(tag) =	ssettag $0x2  }
0x5d: {  	s0 =	rddreg [dreg:$0x0];
	s2 =	stileid.u32  }
0x5e: {  	s1 =	rddreg [dreg:$0x1];
	p0 =	sne.s32 s2, $0x0  }
0x5f: {  	s3 =	rddreg [dreg:$0x2];
	[bflag:$0x3] =	sbarrier.arrive $0xFFFF;
	s2 =	simm.s32 @!p0 $0x1C01  }
0x60: {  	[timem:s3], [sflag:s2] =	dma.local @!p0 [hbm:s0], s1  }
0x61: {  	s0 =	simm.s32 @!p0 $0x1  }
0x62: {  	_ =	swait.ge @!p0 [sflag:s0], s1  }
0x63: {  	s1 =	ssub.s32 @!p0 $0x0, s1;
	[sflag:s0] =	ssyncset.done @!p0 $0x0  }
0x64: {  	[sflag:s0] =	ssyncadd.s32 @!p0 s1  }
0x65: {  	[bflag:$0x3] =	sbarrier.arrive $0xFFFF  }
0x66: {  	_ =	shalt  }

</sc_bundles>
